<compile_context>
chip_gen: v7x
topology: tpu7x:2x2x1
jax: 0.10.2.dev20260603
libtpu: 0.0.44.dev20260713+nightly
codegen_flags: <defaults>
</compile_context>

<pallas_src>
import functools

import jax
import jax.numpy as jnp
from jax import lax
from jax.experimental import pallas as pl
from jax.experimental.pallas import tpu as pltpu
from jax.experimental.pallas import tpu_sc as plsc

D = 64
DP = 128
B = 4096 * 200
NC = 2
NS = 16
NW = NC * NS
B_PER_W = B // NW
C = 128
K = 4
KC = K * C
G = B_PER_W // KC
L = 16

_mesh = plsc.VectorSubcoreMesh(core_axis_name="c", subcore_axis_name="s")


@functools.partial(
    pl.kernel,
    mesh=_mesh,
    out_type=jax.ShapeDtypeStruct((2 * B, D), jnp.float32),
    scratch_types=[
        pltpu.VMEM((2, KC), jnp.int32),
        pltpu.VMEM((2, KC, D), jnp.float32),
        pltpu.VMEM((K, C), jnp.int32),
        pltpu.VMEM((2, K, C), jnp.int32),
        pltpu.SemaphoreType.DMA,
        pltpu.SemaphoreType.DMA,
        pltpu.SemaphoreType.DMA,
        pltpu.SemaphoreType.DMA,
        pltpu.SemaphoreType.DMA,
        pltpu.SemaphoreType.DMA,
    ],
    compiler_params=pltpu.CompilerParams(use_tc_tiling_on_sc=False),
)
def _gather_kernel(tok_hbm, table_hbm, out_hbm, idx_v, rows_v, opat_v, oidx_v,
                   sem_i0, sem_i1, sem_g0, sem_g1, sem_s0, sem_s1):
    wid = lax.axis_index("s") * NC + lax.axis_index("c")
    base = wid * B_PER_W
    sem_i = (sem_i0, sem_i1)
    sem_g = (sem_g0, sem_g1)
    sem_s = (sem_s0, sem_s1)

    lanes = lax.iota(jnp.int32, L)
    for j in range(K):
        for t in range(C // L):
            opat_v[j, pl.ds(t * L, L)] = 2 * (j * C + t * L) + 2 * lanes

    def fill_oidx(b, off):
        off2 = 2 * off
        for j in range(K):
            for t in range(C // L):
                oidx_v[b, j, pl.ds(t * L, L)] = (
                    opat_v[j, pl.ds(t * L, L)] + off2)

    def fire_gathers(b):
        for j in range(K):
            pltpu.async_copy(
                table_hbm.at[idx_v.at[b, pl.ds(j * C, C)]],
                rows_v.at[b, pl.ds(j * C, C)],
                sem_g[b],
            )

    def wait_idx(b, off):
        pltpu.make_async_copy(tok_hbm.at[pl.ds(off, KC)],
                              idx_v.at[b], sem_i[b]).wait()

    def drain_gathers(b, off):
        pltpu.make_async_copy(rows_v.at[b],
                              out_hbm.at[pl.ds(2 * off, KC)], sem_g[b]).wait()

    def start_store(b):
        for j in range(K):
            pltpu.async_copy(rows_v.at[b, pl.ds(j * C, C)],
                             out_hbm.at[oidx_v.at[b, j]], sem_s[b])

    def wait_store(b, off):
        pltpu.make_async_copy(rows_v.at[b],
                              out_hbm.at[pl.ds(2 * off, KC)], sem_s[b]).wait()

    def prefetch_idx(b, off):
        pltpu.async_copy(tok_hbm.at[pl.ds(off, KC)], idx_v.at[b], sem_i[b])

    prefetch_idx(0, base)
    prefetch_idx(1, base + KC)
    fill_oidx(0, base)
    fill_oidx(1, base + KC)
    wait_idx(0, base)
    fire_gathers(0)
    wait_idx(1, base + KC)
    fire_gathers(1)
    drain_gathers(0, base)
    prefetch_idx(0, base + 2 * KC)
    start_store(0)

    def grp(s, carry):
        g0 = 2 * s
        off0 = base + g0 * KC
        off1 = off0 + KC
        wait_idx(0, off0)
        wait_store(0, off0)
        fill_oidx(0, off0)
        fire_gathers(0)
        drain_gathers(1, off0 - KC)
        prefetch_idx(1, off1)
        start_store(1)
        wait_idx(1, off1)
        wait_store(1, off1)
        fill_oidx(1, off1)
        fire_gathers(1)
        drain_gathers(0, off0)
        prefetch_idx(0, lax.rem(off1 + KC, B))
        start_store(0)
        return carry

    lax.fori_loop(1, G // 2, grp, 0)

    drain_gathers(1, base + (G - 1) * KC)
    start_store(1)
    wait_store(0, base)
    wait_store(1, base)
    wait_idx(0, base)


def kernel(tokens, table):
    table_p = jnp.pad(table, ((0, 0), (0, DP - D)))
    table_v = table_p.reshape(2 * table.shape[0], D)
    tok = tokens.reshape(-1).astype(jnp.int32) * 2
    out_p = _gather_kernel(tok, table_v)
    return out_p.reshape(tokens.shape[0], tokens.shape[1], DP)[:, :, :D]

# --- scband reference (transcript-rebuilt; emitter-appended) ---
"""Pipeline reference for scband-embedding-36429912604951 (READ-ONLY COPY).

The authoritative reference and input builder live on the scoring server;
editing this copy changes nothing except your own understanding.
"""

import jax, jax.numpy as jnp
import numpy as np

VOCAB = 1000000
EMBED_DIM = 64
PADDING_IDX = 0


def setup_inputs(seed: int = 0) -> dict:
    key = jax.random.key(seed)
    k_tok, k_w = jax.random.split(key)
    tokens = jax.random.randint(k_tok, (4096, 200), 0, VOCAB, dtype=jnp.int64)
    # reset_parameters: normal(mean=0, std=embedding_dim ** -0.5) over the FULL table
    # (note: the custom reset_parameters overwrites the padding row too, so it is NOT zero)
    std = EMBED_DIM ** (-0.5)
    table = jax.random.normal(k_w, (VOCAB, EMBED_DIM), dtype=jnp.float32) * std
    return {"tokens": tokens, "table": table}


def reference(tokens, table):
    # nn.Embedding forward is a pure row gather; padding_idx only affects grads.
    x = jnp.take(table, tokens, axis=0)
    return x

if __name__ == "__main__":
    import jax
    _d = setup_inputs()
    print(jax.jit(kernel)(*tuple(_d.values())))

</pallas_src>

<mosaic_0001>
#map = affine_map<(d0, d1) -> (0)>
#map1 = affine_map<(d0, d1) -> (0, 0)>
module attributes {stable_mosaic.version = 14 : i64} {
  func.func @_gather_kernel(%arg0: i32, %arg1: i32, %arg2: memref<819200xi32, #tpu.memory_space<hbm>>, %arg3: memref<2000000x64xf32, #tpu.memory_space<hbm>>, %arg4: memref<1638400x64xf32, #tpu.memory_space<hbm>>, %arg5: memref<2x512xi32, #tpu.memory_space<vmem>>, %arg6: memref<2x512x64xf32, #tpu.memory_space<vmem>>, %arg7: memref<4x128xi32, #tpu.memory_space<vmem>>, %arg8: memref<2x4x128xi32, #tpu.memory_space<vmem>>, %arg9: memref<!tpu.dma_semaphore, #tpu.memory_space<semaphore_mem>>, %arg10: memref<!tpu.dma_semaphore, #tpu.memory_space<semaphore_mem>>, %arg11: memref<!tpu.dma_semaphore, #tpu.memory_space<semaphore_mem>>, %arg12: memref<!tpu.dma_semaphore, #tpu.memory_space<semaphore_mem>>, %arg13: memref<!tpu.dma_semaphore, #tpu.memory_space<semaphore_mem>>, %arg14: memref<!tpu.dma_semaphore, #tpu.memory_space<semaphore_mem>>) attributes {dimension_semantics = [#tpu.dimension_semantics<core_parallel>, #tpu.dimension_semantics<subcore_parallel>], iteration_bounds = array<i64: 2, 16>, scalar_prefetch = 0 : i64, scratch_operands = 10 : i64, tpu.core_type = #tpu.core_type<sc_vector_subcore>, window_params = [{transform_indices = #map}, {transform_indices = #map1}, {transform_indices = #map1}]} {
    %mul3A = arith.constant 2 : i32
    %mul3A_0 = arith.muli %arg1, %mul3A : i32
    %add3A = arith.addi %mul3A_0, %arg0 : i32
    %mul3A_1 = arith.constant 25600 : i32
    %mul3A_2 = arith.muli %add3A, %mul3A_1 : i32
    %iota3A = tpu.iota {dimensions = array<i32: 0>} : vector<16xi32>
    %mul3A_3 = arith.constant 2 : i32
    %mul3A_4 = vector.broadcast %mul3A_3 : i32 to vector<16xi32>
    %mul3A_5 = arith.muli %mul3A_4, %iota3A : vector<16xi32>
    %add3A_6 = arith.constant 0 : i32
    %add3A_7 = vector.broadcast %add3A_6 : i32 to vector<16xi32>
    %add3A_8 = arith.addi %add3A_7, %mul3A_5 : vector<16xi32>
    %swap3A = arith.constant 0 : i32
    %swap3A_9 = arith.index_cast %swap3A : i32 to index
    %swap3A_10 = arith.constant 0 : index
    %swap3A_11 = tpu.vector_load %arg7[%swap3A_9, %swap3A_10] {strides = array<i32>} : memref<4x128xi32, #tpu.memory_space<vmem>>, vector<1x16xi32>,
    %swap3A_12 = vector.shape_cast %swap3A_11 : vector<1x16xi32> to vector<16xi32>
    %swap3A_13 = vector.shape_cast %add3A_8 : vector<16xi32> to vector<1x16xi32>
    tpu.vector_store %arg7[%swap3A_9, %swap3A_10], %swap3A_13 {strides = array<i32>} : memref<4x128xi32, #tpu.memory_space<vmem>>, vector<1x16xi32>,
    %mul3A_14 = arith.constant 2 : i32
    %mul3A_15 = vector.broadcast %mul3A_14 : i32 to vector<16xi32>
    %mul3A_16 = arith.muli %mul3A_15, %iota3A : vector<16xi32>
    %add3A_17 = arith.constant 32 : i32
    %add3A_18 = vector.broadcast %add3A_17 : i32 to vector<16xi32>
    %add3A_19 = arith.addi %add3A_18, %mul3A_16 : vector<16xi32>
    %swap3A_20 = arith.constant 0 : i32
    %swap3A_21 = arith.index_cast %swap3A_20 : i32 to index
    %swap3A_22 = arith.constant 16 : index
    %swap3A_23 = tpu.vector_load %arg7[%swap3A_21, %swap3A_22] {strides = array<i32>} : memref<4x128xi32, #tpu.memory_space<vmem>>, vector<1x16xi32>,
    %swap3A_24 = vector.shape_cast %swap3A_23 : vector<1x16xi32> to vector<16xi32>
    %swap3A_25 = vector.shape_cast %add3A_19 : vector<16xi32> to vector<1x16xi32>
    tpu.vector_store %arg7[%swap3A_21, %swap3A_22], %swap3A_25 {strides = array<i32>} : memref<4x128xi32, #tpu.memory_space<vmem>>, vector<1x16xi32>,
    %mul3A_26 = arith.constant 2 : i32
    %mul3A_27 = vector.broadcast %mul3A_26 : i32 to vector<16xi32>
    %mul3A_28 = arith.muli %mul3A_27, %iota3A : vector<16xi32>
    %add3A_29 = arith.constant 64 : i32
    %add3A_30 = vector.broadcast %add3A_29 : i32 to vector<16xi32>
    %add3A_31 = arith.addi %add3A_30, %mul3A_28 : vector<16xi32>
    %swap3A_32 = arith.constant 0 : i32
    %swap3A_33 = arith.index_cast %swap3A_32 : i32 to index
    %swap3A_34 = arith.constant 32 : index
    %swap3A_35 = tpu.vector_load %arg7[%swap3A_33, %swap3A_34] {strides = array<i32>} : memref<4x128xi32, #tpu.memory_space<vmem>>, vector<1x16xi32>,
    %swap3A_36 = vector.shape_cast %swap3A_35 : vector<1x16xi32> to vector<16xi32>
    %swap3A_37 = vector.shape_cast %add3A_31 : vector<16xi32> to vector<1x16xi32>
    tpu.vector_store %arg7[%swap3A_33, %swap3A_34], %swap3A_37 {strides = array<i32>} : memref<4x128xi32, #tpu.memory_space<vmem>>, vector<1x16xi32>,
    %mul3A_38 = arith.constant 2 : i32
    %mul3A_39 = vector.broadcast %mul3A_38 : i32 to vector<16xi32>
    %mul3A_40 = arith.muli %mul3A_39, %iota3A : vector<16xi32>
    %add3A_41 = arith.constant 96 : i32
    %add3A_42 = vector.broadcast %add3A_41 : i32 to vector<16xi32>
    %add3A_43 = arith.addi %add3A_42, %mul3A_40 : vector<16xi32>
    %swap3A_44 = arith.constant 0 : i32
    %swap3A_45 = arith.index_cast %swap3A_44 : i32 to index
    %swap3A_46 = arith.constant 48 : index
    %swap3A_47 = tpu.vector_load %arg7[%swap3A_45, %swap3A_46] {strides = array<i32>} : memref<4x128xi32, #tpu.memory_space<vmem>>, vector<1x16xi32>,
    %swap3A_48 = vector.shape_cast %swap3A_47 : vector<1x16xi32> to vector<16xi32>
    %swap3A_49 = vector.shape_cast %add3A_43 : vector<16xi32> to vector<1x16xi32>
    tpu.vector_store %arg7[%swap3A_45, %swap3A_46], %swap3A_49 {strides = array<i32>} : memref<4x128xi32, #tpu.memory_space<vmem>>, vector<1x16xi32>,
    %mul3A_50 = arith.constant 2 : i32
    %mul3A_51 = vector.broadcast %mul3A_50 : i32 to vector<16xi32>
    %mul3A_52 = arith.muli %mul3A_51, %iota3A : vector<16xi32>
    %add3A_53 = arith.constant 128 : i32
    %add3A_54 = vector.broadcast %add3A_53 : i32 to vector<16xi32>
    %add3A_55 = arith.addi %add3A_54, %mul3A_52 : vector<16xi32>
    %swap3A_56 = arith.constant 0 : i32
    %swap3A_57 = arith.index_cast %swap3A_56 : i32 to index
    %swap3A_58 = arith.constant 64 : index
    %swap3A_59 = tpu.vector_load %arg7[%swap3A_57, %swap3A_58] {strides = array<i32>} : memref<4x128xi32, #tpu.memory_space<vmem>>, vector<1x16xi32>,
    %swap3A_60 = vector.shape_cast %swap3A_59 : vector<1x16xi32> to vector<16xi32>
    %swap3A_61 = vector.shape_cast %add3A_55 : vector<16xi32> to vector<1x16xi32>
    tpu.vector_store %arg7[%swap3A_57, %swap3A_58], %swap3A_61 {strides = array<i32>} : memref<4x128xi32, #tpu.memory_space<vmem>>, vector<1x16xi32>,
    %mul3A_62 = arith.constant 2 : i32
    %mul3A_63 = vector.broadcast %mul3A_62 : i32 to vector<16xi32>
    %mul3A_64 = arith.muli %mul3A_63, %iota3A : vector<16xi32>
    %add3A_65 = arith.constant 160 : i32
    %add3A_66 = vector.broadcast %add3A_65 : i32 to vector<16xi32>
    %add3A_67 = arith.addi %add3A_66, %mul3A_64 : vector<16xi32>
    %swap3A_68 = arith.constant 0 : i32
    %swap3A_69 = arith.index_cast %swap3A_68 : i32 to index
    %swap3A_70 = arith.constant 80 : index
    %swap3A_71 = tpu.vector_load %arg7[%swap3A_69, %swap3A_70] {strides = array<i32>} : memref<4x128xi32, #tpu.memory_space<vmem>>, vector<1x16xi32>,
    %swap3A_72 = vector.shape_cast %swap3A_71 : vector<1x16xi32> to vector<16xi32>
    %swap3A_73 = vector.shape_cast %add3A_67 : vector<16xi32> to vector<1x16xi32>
    tpu.vector_store %arg7[%swap3A_69, %swap3A_70], %swap3A_73 {strides = array<i32>} : memref<4x128xi32, #tpu.memory_space<vmem>>, vector<1x16xi32>,
    %mul3A_74 = arith.constant 2 : i32
    %mul3A_75 = vector.broadcast %mul3A_74 : i32 to vector<16xi32>
    %mul3A_76 = arith.muli %mul3A_75, %iota3A : vector<16xi32>
    %add3A_77 = arith.constant 192 : i32
    %add3A_78 = vector.broadcast %add3A_77 : i32 to vector<16xi32>
    %add3A_79 = arith.addi %add3A_78, %mul3A_76 : vector<16xi32>
    %swap3A_80 = arith.constant 0 : i32
    %swap3A_81 = arith.index_cast %swap3A_80 : i32 to index
    %swap3A_82 = arith.constant 96 : index
    %swap3A_83 = tpu.vector_load %arg7[%swap3A_81, %swap3A_82] {strides = array<i32>} : memref<4x128xi32, #tpu.memory_space<vmem>>, vector<1x16xi32>,
    %swap3A_84 = vector.shape_cast %swap3A_83 : vector<1x16xi32> to vector<16xi32>
    %swap3A_85 = vector.shape_cast %add3A_79 : vector<16xi32> to vector<1x16xi32>
    tpu.vector_store %arg7[%swap3A_81, %swap3A_82], %swap3A_85 {strides = array<i32>} : memref<4x128xi32, #tpu.memory_space<vmem>>, vector<1x16xi32>,
    %mul3A_86 = arith.constant 2 : i32
    %mul3A_87 = vector.broadcast %mul3A_86 : i32 to vector<16xi32>
    %mul3A_88 = arith.muli %mul3A_87, %iota3A : vector<16xi32>
    %add3A_89 = arith.constant 224 : i32
    %add3A_90 = vector.broadcast %add3A_89 : i32 to vector<16xi32>
    %add3A_91 = arith.addi %add3A_90, %mul3A_88 : vector<16xi32>
    %swap3A_92 = arith.constant 0 : i32
    %swap3A_93 = arith.index_cast %swap3A_92 : i32 to index
    %swap3A_94 = arith.constant 112 : index
    %swap3A_95 = tpu.vector_load %arg7[%swap3A_93, %swap3A_94] {strides = array<i32>} : memref<4x128xi32, #tpu.memory_space<vmem>>, vector<1x16xi32>,
    %swap3A_96 = vector.shape_cast %swap3A_95 : vector<1x16xi32> to vector<16xi32>
    %swap3A_97 = vector.shape_cast %add3A_91 : vector<16xi32> to vector<1x16xi32>
    tpu.vector_store %arg7[%swap3A_93, %swap3A_94], %swap3A_97 {strides = array<i32>} : memref<4x128xi32, #tpu.memory_space<vmem>>, vector<1x16xi32>,
    %mul3A_98 = arith.constant 2 : i32
    %mul3A_99 = vector.broadcast %mul3A_98 : i32 to vector<16xi32>
    %mul3A_100 = arith.muli %mul3A_99, %iota3A : vector<16xi32>
    %add3A_101 = arith.constant 256 : i32
    %add3A_102 = vector.broadcast %add3A_101 : i32 to vector<16xi32>
    %add3A_103 = arith.addi %add3A_102, %mul3A_100 : vector<16xi32>
    %swap3A_104 = arith.constant 1 : i32
    %swap3A_105 = arith.index_cast %swap3A_104 : i32 to index
    %swap3A_106 = arith.constant 0 : index
    %swap3A_107 = tpu.vector_load %arg7[%swap3A_105, %swap3A_106] {strides = array<i32>} : memref<4x128xi32, #tpu.memory_space<vmem>>, vector<1x16xi32>,
    %swap3A_108 = vector.shape_cast %swap3A_107 : vector<1x16xi32> to vector<16xi32>
    %swap3A_109 = vector.shape_cast %add3A_103 : vector<16xi32> to vector<1x16xi32>
    tpu.vector_store %arg7[%swap3A_105, %swap3A_106], %swap3A_109 {strides = array<i32>} : memref<4x128xi32, #tpu.memory_space<vmem>>, vector<1x16xi32>,
    %mul3A_110 = arith.constant 2 : i32
    %mul3A_111 = vector.broadcast %mul3A_110 : i32 to vector<16xi32>
    %mul3A_112 = arith.muli %mul3A_111, %iota3A : vector<16xi32>
    %add3A_113 = arith.constant 288 : i32
    %add3A_114 = vector.broadcast %add3A_113 : i32 to vector<16xi32>
    %add3A_115 = arith.addi %add3A_114, %mul3A_112 : vector<16xi32>
    %swap3A_116 = arith.constant 1 : i32
    %swap3A_117 = arith.index_cast %swap3A_116 : i32 to index
    %swap3A_118 = arith.constant 16 : index
    %swap3A_119 = tpu.vector_load %arg7[%swap3A_117, %swap3A_118] {strides = array<i32>} : memref<4x128xi32, #tpu.memory_space<vmem>>, vector<1x16xi32>,
    %swap3A_120 = vector.shape_cast %swap3A_119 : vector<1x16xi32> to vector<16xi32>
    %swap3A_121 = vector.shape_cast %add3A_115 : vector<16xi32> to vector<1x16xi32>
    tpu.vector_store %arg7[%swap3A_117, %swap3A_118], %swap3A_121 {strides = array<i32>} : memref<4x128xi32, #tpu.memory_space<vmem>>, vector<1x16xi32>,
    %mul3A_122 = arith.constant 2 : i32
    %mul3A_123 = vector.broadcast %mul3A_122 : i32 to vector<16xi32>
    %mul3A_124 = arith.muli %mul3A_123, %iota3A : vector<16xi32>
    %add3A_125 = arith.constant 320 : i32
    %add3A_126 = vector.broadcast %add3A_125 : i32 to vector<16xi32>
    %add3A_127 = arith.addi %add3A_126, %mul3A_124 : vector<16xi32>
    %swap3A_128 = arith.constant 1 : i32
    %swap3A_129 = arith.index_cast %swap3A_128 : i32 to index
    %swap3A_130 = arith.constant 32 : index
    %swap3A_131 = tpu.vector_load %arg7[%swap3A_129, %swap3A_130] {strides = array<i32>} : memref<4x128xi32, #tpu.memory_space<vmem>>, vector<1x16xi32>,
    %swap3A_132 = vector.shape_cast %swap3A_131 : vector<1x16xi32> to vector<16xi32>
    %swap3A_133 = vector.shape_cast %add3A_127 : vector<16xi32> to vector<1x16xi32>
    tpu.vector_store %arg7[%swap3A_129, %swap3A_130], %swap3A_133 {strides = array<i32>} : memref<4x128xi32, #tpu.memory_space<vmem>>, vector<1x16xi32>,
    %mul3A_134 = arith.constant 2 : i32
    %mul3A_135 = vector.broadcast %mul3A_134 : i32 to vector<16xi32>
    %mul3A_136 = arith.muli %mul3A_135, %iota3A : vector<16xi32>
    %add3A_137 = arith.constant 352 : i32
    %add3A_138 = vector.broadcast %add3A_137 : i32 to vector<16xi32>
    %add3A_139 = arith.addi %add3A_138, %mul3A_136 : vector<16xi32>
    %swap3A_140 = arith.constant 1 : i32
    %swap3A_141 = arith.index_cast %swap3A_140 : i32 to index
    %swap3A_142 = arith.constant 48 : index
    %swap3A_143 = tpu.vector_load %arg7[%swap3A_141, %swap3A_142] {strides = array<i32>} : memref<4x128xi32, #tpu.memory_space<vmem>>, vector<1x16xi32>,
    %swap3A_144 = vector.shape_cast %swap3A_143 : vector<1x16xi32> to vector<16xi32>
    %swap3A_145 = vector.shape_cast %add3A_139 : vector<16xi32> to vector<1x16xi32>
    tpu.vector_store %arg7[%swap3A_141, %swap3A_142], %swap3A_145 {strides = array<i32>} : memref<4x128xi32, #tpu.memory_space<vmem>>, vector<1x16xi32>,
    %mul3A_146 = arith.constant 2 : i32
    %mul3A_147 = vector.broadcast %mul3A_146 : i32 to vector<16xi32>
    %mul3A_148 = arith.muli %mul3A_147, %iota3A : vector<16xi32>
    %add3A_149 = arith.constant 384 : i32
    %add3A_150 = vector.broadcast %add3A_149 : i32 to vector<16xi32>
    %add3A_151 = arith.addi %add3A_150, %mul3A_148 : vector<16xi32>
    %swap3A_152 = arith.constant 1 : i32
    %swap3A_153 = arith.index_cast %swap3A_152 : i32 to index
    %swap3A_154 = arith.constant 64 : index
    %swap3A_155 = tpu.vector_load %arg7[%swap3A_153, %swap3A_154] {strides = array<i32>} : memref<4x128xi32, #tpu.memory_space<vmem>>, vector<1x16xi32>,
    %swap3A_156 = vector.shape_cast %swap3A_155 : vector<1x16xi32> to vector<16xi32>
    %swap3A_157 = vector.shape_cast %add3A_151 : vector<16xi32> to vector<1x16xi32>
    tpu.vector_store %arg7[%swap3A_153, %swap3A_154], %swap3A_157 {strides = array<i32>} : memref<4x128xi32, #tpu.memory_space<vmem>>, vector<1x16xi32>,
    %mul3A_158 = arith.constant 2 : i32
    %mul3A_159 = vector.broadcast %mul3A_158 : i32 to vector<16xi32>
    %mul3A_160 = arith.muli %mul3A_159, %iota3A : vector<16xi32>
    %add3A_161 = arith.constant 416 : i32
    %add3A_162 = vector.broadcast %add3A_161 : i32 to vector<16xi32>
    %add3A_163 = arith.addi %add3A_162, %mul3A_160 : vector<16xi32>
    %swap3A_164 = arith.constant 1 : i32
    %swap3A_165 = arith.index_cast %swap3A_164 : i32 to index
    %swap3A_166 = arith.constant 80 : index
    %swap3A_167 = tpu.vector_load %arg7[%swap3A_165, %swap3A_166] {strides = array<i32>} : memref<4x128xi32, #tpu.memory_space<vmem>>, vector<1x16xi32>,
    %swap3A_168 = vector.shape_cast %swap3A_167 : vector<1x16xi32> to vector<16xi32>
    %swap3A_169 = vector.shape_cast %add3A_163 : vector<16xi32> to vector<1x16xi32>
    tpu.vector_store %arg7[%swap3A_165, %swap3A_166], %swap3A_169 {strides = array<i32>} : memref<4x128xi32, #tpu.memory_space<vmem>>, vector<1x16xi32>,
    %mul3A_170 = arith.constant 2 : i32
    %mul3A_171 = vector.broadcast %mul3A_170 : i32 to vector<16xi32>
    %mul3A_172 = arith.muli %mul3A_171, %iota3A : vector<16xi32>
    %add3A_173 = arith.constant 448 : i32
    %add3A_174 = vector.broadcast %add3A_173 : i32 to vector<16xi32>
    %add3A_175 = arith.addi %add3A_174, %mul3A_172 : vector<16xi32>
    %swap3A_176 = arith.constant 1 : i32
    %swap3A_177 = arith.index_cast %swap3A_176 : i32 to index
    %swap3A_178 = arith.constant 96 : index
    %swap3A_179 = tpu.vector_load %arg7[%swap3A_177, %swap3A_178] {strides = array<i32>} : memref<4x128xi32, #tpu.memory_space<vmem>>, vector<1x16xi32>,
    %swap3A_180 = vector.shape_cast %swap3A_179 : vector<1x16xi32> to vector<16xi32>
    %swap3A_181 = vector.shape_cast %add3A_175 : vector<16xi32> to vector<1x16xi32>
    tpu.vector_store %arg7[%swap3A_177, %swap3A_178], %swap3A_181 {strides = array<i32>} : memref<4x128xi32, #tpu.memory_space<vmem>>, vector<1x16xi32>,
    %mul3A_182 = arith.constant 2 : i32
    %mul3A_183 = vector.broadcast %mul3A_182 : i32 to vector<16xi32>
    %mul3A_184 = arith.muli %mul3A_183, %iota3A : vector<16xi32>
    %add3A_185 = arith.constant 480 : i32
    %add3A_186 = vector.broadcast %add3A_185 : i32 to vector<16xi32>
    %add3A_187 = arith.addi %add3A_186, %mul3A_184 : vector<16xi32>
    %swap3A_188 = arith.constant 1 : i32
    %swap3A_189 = arith.index_cast %swap3A_188 : i32 to index
    %swap3A_190 = arith.constant 112 : index
    %swap3A_191 = tpu.vector_load %arg7[%swap3A_189, %swap3A_190] {strides = array<i32>} : memref<4x128xi32, #tpu.memory_space<vmem>>, vector<1x16xi32>,
    %swap3A_192 = vector.shape_cast %swap3A_191 : vector<1x16xi32> to vector<16xi32>
    %swap3A_193 = vector.shape_cast %add3A_187 : vector<16xi32> to vector<1x16xi32>
    tpu.vector_store %arg7[%swap3A_189, %swap3A_190], %swap3A_193 {strides = array<i32>} : memref<4x128xi32, #tpu.memory_space<vmem>>, vector<1x16xi32>,
    %mul3A_194 = arith.constant 2 : i32
    %mul3A_195 = vector.broadcast %mul3A_194 : i32 to vector<16xi32>
    %mul3A_196 = arith.muli %mul3A_195, %iota3A : vector<16xi32>
    %add3A_197 = arith.constant 512 : i32
    %add3A_198 = vector.broadcast %add3A_197 : i32 to vector<16xi32>
    %add3A_199 = arith.addi %add3A_198, %mul3A_196 : vector<16xi32>
    %swap3A_200 = arith.constant 2 : i32
    %swap3A_201 = arith.index_cast %swap3A_200 : i32 to index
    %swap3A_202 = arith.constant 0 : index
    %swap3A_203 = tpu.vector_load %arg7[%swap3A_201, %swap3A_202] {strides = array<i32>} : memref<4x128xi32, #tpu.memory_space<vmem>>, vector<1x16xi32>,
    %swap3A_204 = vector.shape_cast %swap3A_203 : vector<1x16xi32> to vector<16xi32>
    %swap3A_205 = vector.shape_cast %add3A_199 : vector<16xi32> to vector<1x16xi32>
    tpu.vector_store %arg7[%swap3A_201, %swap3A_202], %swap3A_205 {strides = array<i32>} : memref<4x128xi32, #tpu.memory_space<vmem>>, vector<1x16xi32>,
    %mul3A_206 = arith.constant 2 : i32
    %mul3A_207 = vector.broadcast %mul3A_206 : i32 to vector<16xi32>
    %mul3A_208 = arith.muli %mul3A_207, %iota3A : vector<16xi32>
    %add3A_209 = arith.constant 544 : i32
    %add3A_210 = vector.broadcast %add3A_209 : i32 to vector<16xi32>
    %add3A_211 = arith.addi %add3A_210, %mul3A_208 : vector<16xi32>
    %swap3A_212 = arith.constant 2 : i32
    %swap3A_213 = arith.index_cast %swap3A_212 : i32 to index
    %swap3A_214 = arith.constant 16 : index
    %swap3A_215 = tpu.vector_load %arg7[%swap3A_213, %swap3A_214] {strides = array<i32>} : memref<4x128xi32, #tpu.memory_space<vmem>>, vector<1x16xi32>,
    %swap3A_216 = vector.shape_cast %swap3A_215 : vector<1x16xi32> to vector<16xi32>
    %swap3A_217 = vector.shape_cast %add3A_211 : vector<16xi32> to vector<1x16xi32>
    tpu.vector_store %arg7[%swap3A_213, %swap3A_214], %swap3A_217 {strides = array<i32>} : memref<4x128xi32, #tpu.memory_space<vmem>>, vector<1x16xi32>,
    %mul3A_218 = arith.constant 2 : i32
    %mul3A_219 = vector.broadcast %mul3A_218 : i32 to vector<16xi32>
    %mul3A_220 = arith.muli %mul3A_219, %iota3A : vector<16xi32>
    %add3A_221 = arith.constant 576 : i32
    %add3A_222 = vector.broadcast %add3A_221 : i32 to vector<16xi32>
    %add3A_223 = arith.addi %add3A_222, %mul3A_220 : vector<16xi32>
    %swap3A_224 = arith.constant 2 : i32
    %swap3A_225 = arith.index_cast %swap3A_224 : i32 to index
    %swap3A_226 = arith.constant 32 : index
    %swap3A_227 = tpu.vector_load %arg7[%swap3A_225, %swap3A_226] {strides = array<i32>} : memref<4x128xi32, #tpu.memory_space<vmem>>, vector<1x16xi32>,
    %swap3A_228 = vector.shape_cast %swap3A_227 : vector<1x16xi32> to vector<16xi32>
    %swap3A_229 = vector.shape_cast %add3A_223 : vector<16xi32> to vector<1x16xi32>
    tpu.vector_store %arg7[%swap3A_225, %swap3A_226], %swap3A_229 {strides = array<i32>} : memref<4x128xi32, #tpu.memory_space<vmem>>, vector<1x16xi32>,
    %mul3A_230 = arith.constant 2 : i32
    %mul3A_231 = vector.broadcast %mul3A_230 : i32 to vector<16xi32>
    %mul3A_232 = arith.muli %mul3A_231, %iota3A : vector<16xi32>
    %add3A_233 = arith.constant 608 : i32
    %add3A_234 = vector.broadcast %add3A_233 : i32 to vector<16xi32>
    %add3A_235 = arith.addi %add3A_234, %mul3A_232 : vector<16xi32>
    %swap3A_236 = arith.constant 2 : i32
    %swap3A_237 = arith.index_cast %swap3A_236 : i32 to index
    %swap3A_238 = arith.constant 48 : index
    %swap3A_239 = tpu.vector_load %arg7[%swap3A_237, %swap3A_238] {strides = array<i32>} : memref<4x128xi32, #tpu.memory_space<vmem>>, vector<1x16xi32>,
    %swap3A_240 = vector.shape_cast %swap3A_239 : vector<1x16xi32> to vector<16xi32>
    %swap3A_241 = vector.shape_cast %add3A_235 : vector<16xi32> to vector<1x16xi32>
    tpu.vector_store %arg7[%swap3A_237, %swap3A_238], %swap3A_241 {strides = array<i32>} : memref<4x128xi32, #tpu.memory_space<vmem>>, vector<1x16xi32>,
    %mul3A_242 = arith.constant 2 : i32
    %mul3A_243 = vector.broadcast %mul3A_242 : i32 to vector<16xi32>
    %mul3A_244 = arith.muli %mul3A_243, %iota3A : vector<16xi32>
    %add3A_245 = arith.constant 640 : i32
    %add3A_246 = vector.broadcast %add3A_245 : i32 to vector<16xi32>
    %add3A_247 = arith.addi %add3A_246, %mul3A_244 : vector<16xi32>
    %swap3A_248 = arith.constant 2 : i32
    %swap3A_249 = arith.index_cast %swap3A_248 : i32 to index
    %swap3A_250 = arith.constant 64 : index
    %swap3A_251 = tpu.vector_load %arg7[%swap3A_249, %swap3A_250] {strides = array<i32>} : memref<4x128xi32, #tpu.memory_space<vmem>>, vector<1x16xi32>,
    %swap3A_252 = vector.shape_cast %swap3A_251 : vector<1x16xi32> to vector<16xi32>
    %swap3A_253 = vector.shape_cast %add3A_247 : vector<16xi32> to vector<1x16xi32>
    tpu.vector_store %arg7[%swap3A_249, %swap3A_250], %swap3A_253 {strides = array<i32>} : memref<4x128xi32, #tpu.memory_space<vmem>>, vector<1x16xi32>,
    %mul3A_254 = arith.constant 2 : i32
    %mul3A_255 = vector.broadcast %mul3A_254 : i32 to vector<16xi32>
    %mul3A_256 = arith.muli %mul3A_255, %iota3A : vector<16xi32>
    %add3A_257 = arith.constant 672 : i32
    %add3A_258 = vector.broadcast %add3A_257 : i32 to vector<16xi32>
    %add3A_259 = arith.addi %add3A_258, %mul3A_256 : vector<16xi32>
    %swap3A_260 = arith.constant 2 : i32
    %swap3A_261 = arith.index_cast %swap3A_260 : i32 to index
    %swap3A_262 = arith.constant 80 : index
    %swap3A_263 = tpu.vector_load %arg7[%swap3A_261, %swap3A_262] {strides = array<i32>} : memref<4x128xi32, #tpu.memory_space<vmem>>, vector<1x16xi32>,
    %swap3A_264 = vector.shape_cast %swap3A_263 : vector<1x16xi32> to vector<16xi32>
    %swap3A_265 = vector.shape_cast %add3A_259 : vector<16xi32> to vector<1x16xi32>
    tpu.vector_store %arg7[%swap3A_261, %swap3A_262], %swap3A_265 {strides = array<i32>} : memref<4x128xi32, #tpu.memory_space<vmem>>, vector<1x16xi32>,
    %mul3A_266 = arith.constant 2 : i32
    %mul3A_267 = vector.broadcast %mul3A_266 : i32 to vector<16xi32>
    %mul3A_268 = arith.muli %mul3A_267, %iota3A : vector<16xi32>
    %add3A_269 = arith.constant 704 : i32
    %add3A_270 = vector.broadcast %add3A_269 : i32 to vector<16xi32>
    %add3A_271 = arith.addi %add3A_270, %mul3A_268 : vector<16xi32>
    %swap3A_272 = arith.constant 2 : i32
    %swap3A_273 = arith.index_cast %swap3A_272 : i32 to index
    %swap3A_274 = arith.constant 96 : index
    %swap3A_275 = tpu.vector_load %arg7[%swap3A_273, %swap3A_274] {strides = array<i32>} : memref<4x128xi32, #tpu.memory_space<vmem>>, vector<1x16xi32>,
    %swap3A_276 = vector.shape_cast %swap3A_275 : vector<1x16xi32> to vector<16xi32>
    %swap3A_277 = vector.shape_cast %add3A_271 : vector<16xi32> to vector<1x16xi32>
    tpu.vector_store %arg7[%swap3A_273, %swap3A_274], %swap3A_277 {strides = array<i32>} : memref<4x128xi32, #tpu.memory_space<vmem>>, vector<1x16xi32>,
    %mul3A_278 = arith.constant 2 : i32
    %mul3A_279 = vector.broadcast %mul3A_278 : i32 to vector<16xi32>
    %mul3A_280 = arith.muli %mul3A_279, %iota3A : vector<16xi32>
    %add3A_281 = arith.constant 736 : i32
    %add3A_282 = vector.broadcast %add3A_281 : i32 to vector<16xi32>
    %add3A_283 = arith.addi %add3A_282, %mul3A_280 : vector<16xi32>
    %swap3A_284 = arith.constant 2 : i32
    %swap3A_285 = arith.index_cast %swap3A_284 : i32 to index
    %swap3A_286 = arith.constant 112 : index
    %swap3A_287 = tpu.vector_load %arg7[%swap3A_285, %swap3A_286] {strides = array<i32>} : memref<4x128xi32, #tpu.memory_space<vmem>>, vector<1x16xi32>,
    %swap3A_288 = vector.shape_cast %swap3A_287 : vector<1x16xi32> to vector<16xi32>
    %swap3A_289 = vector.shape_cast %add3A_283 : vector<16xi32> to vector<1x16xi32>
    tpu.vector_store %arg7[%swap3A_285, %swap3A_286], %swap3A_289 {strides = array<i32>} : memref<4x128xi32, #tpu.memory_space<vmem>>, vector<1x16xi32>,
    %mul3A_290 = arith.constant 2 : i32
    %mul3A_291 = vector.broadcast %mul3A_290 : i32 to vector<16xi32>
    %mul3A_292 = arith.muli %mul3A_291, %iota3A : vector<16xi32>
    %add3A_293 = arith.constant 768 : i32
    %add3A_294 = vector.broadcast %add3A_293 : i32 to vector<16xi32>
    %add3A_295 = arith.addi %add3A_294, %mul3A_292 : vector<16xi32>
    %swap3A_296 = arith.constant 3 : i32
    %swap3A_297 = arith.index_cast %swap3A_296 : i32 to index
    %swap3A_298 = arith.constant 0 : index
    %swap3A_299 = tpu.vector_load %arg7[%swap3A_297, %swap3A_298] {strides = array<i32>} : memref<4x128xi32, #tpu.memory_space<vmem>>, vector<1x16xi32>,
    %swap3A_300 = vector.shape_cast %swap3A_299 : vector<1x16xi32> to vector<16xi32>
    %swap3A_301 = vector.shape_cast %add3A_295 : vector<16xi32> to vector<1x16xi32>
    tpu.vector_store %arg7[%swap3A_297, %swap3A_298], %swap3A_301 {strides = array<i32>} : memref<4x128xi32, #tpu.memory_space<vmem>>, vector<1x16xi32>,
    %mul3A_302 = arith.constant 2 : i32
    %mul3A_303 = vector.broadcast %mul3A_302 : i32 to vector<16xi32>
    %mul3A_304 = arith.muli %mul3A_303, %iota3A : vector<16xi32>
    %add3A_305 = arith.constant 800 : i32
    %add3A_306 = vector.broadcast %add3A_305 : i32 to vector<16xi32>
    %add3A_307 = arith.addi %add3A_306, %mul3A_304 : vector<16xi32>
    %swap3A_308 = arith.constant 3 : i32
    %swap3A_309 = arith.index_cast %swap3A_308 : i32 to index
    %swap3A_310 = arith.constant 16 : index
    %swap3A_311 = tpu.vector_load %arg7[%swap3A_309, %swap3A_310] {strides = array<i32>} : memref<4x128xi32, #tpu.memory_space<vmem>>, vector<1x16xi32>,
    %swap3A_312 = vector.shape_cast %swap3A_311 : vector<1x16xi32> to vector<16xi32>
    %swap3A_313 = vector.shape_cast %add3A_307 : vector<16xi32> to vector<1x16xi32>
    tpu.vector_store %arg7[%swap3A_309, %swap3A_310], %swap3A_313 {strides = array<i32>} : memref<4x128xi32, #tpu.memory_space<vmem>>, vector<1x16xi32>,
    %mul3A_314 = arith.constant 2 : i32
    %mul3A_315 = vector.broadcast %mul3A_314 : i32 to vector<16xi32>
    %mul3A_316 = arith.muli %mul3A_315, %iota3A : vector<16xi32>
    %add3A_317 = arith.constant 832 : i32
    %add3A_318 = vector.broadcast %add3A_317 : i32 to vector<16xi32>
    %add3A_319 = arith.addi %add3A_318, %mul3A_316 : vector<16xi32>
    %swap3A_320 = arith.constant 3 : i32
    %swap3A_321 = arith.index_cast %swap3A_320 : i32 to index
    %swap3A_322 = arith.constant 32 : index
    %swap3A_323 = tpu.vector_load %arg7[%swap3A_321, %swap3A_322] {strides = array<i32>} : memref<4x128xi32, #tpu.memory_space<vmem>>, vector<1x16xi32>,
    %swap3A_324 = vector.shape_cast %swap3A_323 : vector<1x16xi32> to vector<16xi32>
    %swap3A_325 = vector.shape_cast %add3A_319 : vector<16xi32> to vector<1x16xi32>
    tpu.vector_store %arg7[%swap3A_321, %swap3A_322], %swap3A_325 {strides = array<i32>} : memref<4x128xi32, #tpu.memory_space<vmem>>, vector<1x16xi32>,
    %mul3A_326 = arith.constant 2 : i32
    %mul3A_327 = vector.broadcast %mul3A_326 : i32 to vector<16xi32>
    %mul3A_328 = arith.muli %mul3A_327, %iota3A : vector<16xi32>
    %add3A_329 = arith.constant 864 : i32
    %add3A_330 = vector.broadcast %add3A_329 : i32 to vector<16xi32>
    %add3A_331 = arith.addi %add3A_330, %mul3A_328 : vector<16xi32>
    %swap3A_332 = arith.constant 3 : i32
    %swap3A_333 = arith.index_cast %swap3A_332 : i32 to index
    %swap3A_334 = arith.constant 48 : index
    %swap3A_335 = tpu.vector_load %arg7[%swap3A_333, %swap3A_334] {strides = array<i32>} : memref<4x128xi32, #tpu.memory_space<vmem>>, vector<1x16xi32>,
    %swap3A_336 = vector.shape_cast %swap3A_335 : vector<1x16xi32> to vector<16xi32>
    %swap3A_337 = vector.shape_cast %add3A_331 : vector<16xi32> to vector<1x16xi32>
    tpu.vector_store %arg7[%swap3A_333, %swap3A_334], %swap3A_337 {strides = array<i32>} : memref<4x128xi32, #tpu.memory_space<vmem>>, vector<1x16xi32>,
    %mul3A_338 = arith.constant 2 : i32
    %mul3A_339 = vector.broadcast %mul3A_338 : i32 to vector<16xi32>
    %mul3A_340 = arith.muli %mul3A_339, %iota3A : vector<16xi32>
    %add3A_341 = arith.constant 896 : i32
    %add3A_342 = vector.broadcast %add3A_341 : i32 to vector<16xi32>
    %add3A_343 = arith.addi %add3A_342, %mul3A_340 : vector<16xi32>
    %swap3A_344 = arith.constant 3 : i32
    %swap3A_345 = arith.index_cast %swap3A_344 : i32 to index
    %swap3A_346 = arith.constant 64 : index
    %swap3A_347 = tpu.vector_load %arg7[%swap3A_345, %swap3A_346] {strides = array<i32>} : memref<4x128xi32, #tpu.memory_space<vmem>>, vector<1x16xi32>,
    %swap3A_348 = vector.shape_cast %swap3A_347 : vector<1x16xi32> to vector<16xi32>
    %swap3A_349 = vector.shape_cast %add3A_343 : vector<16xi32> to vector<1x16xi32>
    tpu.vector_store %arg7[%swap3A_345, %swap3A_346], %swap3A_349 {strides = array<i32>} : memref<4x128xi32, #tpu.memory_space<vmem>>, vector<1x16xi32>,
    %mul3A_350 = arith.constant 2 : i32
    %mul3A_351 = vector.broadcast %mul3A_350 : i32 to vector<16xi32>
    %mul3A_352 = arith.muli %mul3A_351, %iota3A : vector<16xi32>
    %add3A_353 = arith.constant 928 : i32
    %add3A_354 = vector.broadcast %add3A_353 : i32 to vector<16xi32>
    %add3A_355 = arith.addi %add3A_354, %mul3A_352 : vector<16xi32>
    %swap3A_356 = arith.constant 3 : i32
    %swap3A_357 = arith.index_cast %swap3A_356 : i32 to index
    %swap3A_358 = arith.constant 80 : index
    %swap3A_359 = tpu.vector_load %arg7[%swap3A_357, %swap3A_358] {strides = array<i32>} : memref<4x128xi32, #tpu.memory_space<vmem>>, vector<1x16xi32>,
    %swap3A_360 = vector.shape_cast %swap3A_359 : vector<1x16xi32> to vector<16xi32>
    %swap3A_361 = vector.shape_cast %add3A_355 : vector<16xi32> to vector<1x16xi32>
    tpu.vector_store %arg7[%swap3A_357, %swap3A_358], %swap3A_361 {strides = array<i32>} : memref<4x128xi32, #tpu.memory_space<vmem>>, vector<1x16xi32>,
    %mul3A_362 = arith.constant 2 : i32
    %mul3A_363 = vector.broadcast %mul3A_362 : i32 to vector<16xi32>
    %mul3A_364 = arith.muli %mul3A_363, %iota3A : vector<16xi32>
    %add3A_365 = arith.constant 960 : i32
    %add3A_366 = vector.broadcast %add3A_365 : i32 to vector<16xi32>
    %add3A_367 = arith.addi %add3A_366, %mul3A_364 : vector<16xi32>
    %swap3A_368 = arith.constant 3 : i32
    %swap3A_369 = arith.index_cast %swap3A_368 : i32 to index
    %swap3A_370 = arith.constant 96 : index
    %swap3A_371 = tpu.vector_load %arg7[%swap3A_369, %swap3A_370] {strides = array<i32>} : memref<4x128xi32, #tpu.memory_space<vmem>>, vector<1x16xi32>,
    %swap3A_372 = vector.shape_cast %swap3A_371 : vector<1x16xi32> to vector<16xi32>
    %swap3A_373 = vector.shape_cast %add3A_367 : vector<16xi32> to vector<1x16xi32>
    tpu.vector_store %arg7[%swap3A_369, %swap3A_370], %swap3A_373 {strides = array<i32>} : memref<4x128xi32, #tpu.memory_space<vmem>>, vector<1x16xi32>,
    %mul3A_374 = arith.constant 2 : i32
    %mul3A_375 = vector.broadcast %mul3A_374 : i32 to vector<16xi32>
    %mul3A_376 = arith.muli %mul3A_375, %iota3A : vector<16xi32>
    %add3A_377 = arith.constant 992 : i32
    %add3A_378 = vector.broadcast %add3A_377 : i32 to vector<16xi32>
    %add3A_379 = arith.addi %add3A_378, %mul3A_376 : vector<16xi32>
    %swap3A_380 = arith.constant 3 : i32
    %swap3A_381 = arith.index_cast %swap3A_380 : i32 to index
    %swap3A_382 = arith.constant 112 : index
    %swap3A_383 = tpu.vector_load %arg7[%swap3A_381, %swap3A_382] {strides = array<i32>} : memref<4x128xi32, #tpu.memory_space<vmem>>, vector<1x16xi32>,
    %swap3A_384 = vector.shape_cast %swap3A_383 : vector<1x16xi32> to vector<16xi32>
    %swap3A_385 = vector.shape_cast %add3A_379 : vector<16xi32> to vector<1x16xi32>
    tpu.vector_store %arg7[%swap3A_381, %swap3A_382], %swap3A_385 {strides = array<i32>} : memref<4x128xi32, #tpu.memory_space<vmem>>, vector<1x16xi32>,
    %dma_start3A = arith.constant 0 : i32
    %dma_start3A_386 = arith.constant 0 : i32
    %dma_start3A_387 = tpu.memref_slice %arg5[%dma_start3A, %dma_start3A_386] : memref<2x512xi32, #tpu.memory_space<vmem>> -> memref<1x512xi32, #tpu.memory_space<vmem>>
    %dma_start3A_388 = tpu.memref_squeeze %dma_start3A_387 : memref<1x512xi32, #tpu.memory_space<vmem>> -> memref<512xi32, #tpu.memory_space<vmem>>
    %dma_start3A_389 = tpu.memref_slice %arg2[%mul3A_2] : memref<819200xi32, #tpu.memory_space<hbm>> -> memref<512xi32, #tpu.memory_space<hbm>>
    %dma_start3A_390 = arith.constant 0 : i32
    %dma_start3A_391 = tpu.memref_slice %arg5[%dma_start3A, %dma_start3A_390] : memref<2x512xi32, #tpu.memory_space<vmem>> -> memref<1x512xi32, #tpu.memory_space<vmem>>
    %dma_start3A_392 = tpu.memref_squeeze %dma_start3A_391 : memref<1x512xi32, #tpu.memory_space<vmem>> -> memref<512xi32, #tpu.memory_space<vmem>>
    %dma_start3A_393 = tpu.memref_slice %arg2[%mul3A_2] : memref<819200xi32, #tpu.memory_space<hbm>> -> memref<512xi32, #tpu.memory_space<hbm>>
    tpu.enqueue_dma source(%dma_start3A_393 : memref<512xi32, #tpu.memory_space<hbm>>) target(%dma_start3A_392 : memref<512xi32, #tpu.memory_space<vmem>>) target_semaphore(%arg9 : memref<!tpu.dma_semaphore, #tpu.memory_space<semaphore_mem>>)
    %add3A_394 = arith.constant 512 : i32
    %add3A_395 = arith.addi %mul3A_2, %add3A_394 : i32
    %dma_start3A_396 = arith.constant 1 : i32
    %dma_start3A_397 = arith.constant 0 : i32
    %dma_start3A_398 = tpu.memref_slice %arg5[%dma_start3A_396, %dma_start3A_397] : memref<2x512xi32, #tpu.memory_space<vmem>> -> memref<1x512xi32, #tpu.memory_space<vmem>>
    %dma_start3A_399 = tpu.memref_squeeze %dma_start3A_398 : memref<1x512xi32, #tpu.memory_space<vmem>> -> memref<512xi32, #tpu.memory_space<vmem>>
    %dma_start3A_400 = tpu.memref_slice %arg2[%add3A_395] : memref<819200xi32, #tpu.memory_space<hbm>> -> memref<512xi32, #tpu.memory_space<hbm>>
    %dma_start3A_401 = arith.constant 0 : i32
    %dma_start3A_402 = tpu.memref_slice %arg5[%dma_start3A_396, %dma_start3A_401] : memref<2x512xi32, #tpu.memory_space<vmem>> -> memref<1x512xi32, #tpu.memory_space<vmem>>
    %dma_start3A_403 = tpu.memref_squeeze %dma_start3A_402 : memref<1x512xi32, #tpu.memory_space<vmem>> -> memref<512xi32, #tpu.memory_space<vmem>>
    %dma_start3A_404 = tpu.memref_slice %arg2[%add3A_395] : memref<819200xi32, #tpu.memory_space<hbm>> -> memref<512xi32, #tpu.memory_space<hbm>>
    tpu.enqueue_dma source(%dma_start3A_404 : memref<512xi32, #tpu.memory_space<hbm>>) target(%dma_start3A_403 : memref<512xi32, #tpu.memory_space<vmem>>) target_semaphore(%arg10 : memref<!tpu.dma_semaphore, #tpu.memory_space<semaphore_mem>>)
    %mul3A_405 = arith.constant 2 : i32
    %mul3A_406 = arith.muli %mul3A_405, %mul3A_2 : i32
    %get3A = arith.constant 0 : i32
    %get3A_407 = arith.index_cast %get3A : i32 to index
    %get3A_408 = arith.constant 0 : index
    %get3A_409 = tpu.vector_load %arg7[%get3A_407, %get3A_408] {strides = array<i32>} : memref<4x128xi32, #tpu.memory_space<vmem>>, vector<1x16xi32>,
    %get3A_410 = vector.shape_cast %get3A_409 : vector<1x16xi32> to vector<16xi32>
    %add3A_411 = vector.broadcast %mul3A_406 : i32 to vector<16xi32>
    %add3A_412 = arith.addi %get3A_410, %add3A_411 : vector<16xi32>
    %swap3A_413 = arith.constant 0 : i32
    %swap3A_414 = arith.constant 0 : i32
    %swap3A_415 = arith.index_cast %swap3A_413 : i32 to index
    %swap3A_416 = arith.index_cast %swap3A_414 : i32 to index
    %swap3A_417 = arith.constant 0 : index
    %swap3A_418 = tpu.vector_load %arg8[%swap3A_415, %swap3A_416, %swap3A_417] {strides = array<i32>} : memref<2x4x128xi32, #tpu.memory_space<vmem>>, vector<1x1x16xi32>,
    %swap3A_419 = vector.shape_cast %swap3A_418 : vector<1x1x16xi32> to vector<16xi32>
    %swap3A_420 = vector.shape_cast %add3A_412 : vector<16xi32> to vector<1x1x16xi32>
    tpu.vector_store %arg8[%swap3A_415, %swap3A_416, %swap3A_417], %swap3A_420 {strides = array<i32>} : memref<2x4x128xi32, #tpu.memory_space<vmem>>, vector<1x1x16xi32>,
    %get3A_421 = arith.constant 0 : i32
    %get3A_422 = arith.index_cast %get3A_421 : i32 to index
    %get3A_423 = arith.constant 16 : index
    %get3A_424 = tpu.vector_load %arg7[%get3A_422, %get3A_423] {strides = array<i32>} : memref<4x128xi32, #tpu.memory_space<vmem>>, vector<1x16xi32>,
    %get3A_425 = vector.shape_cast %get3A_424 : vector<1x16xi32> to vector<16xi32>
    %add3A_426 = vector.broadcast %mul3A_406 : i32 to vector<16xi32>
    %add3A_427 = arith.addi %get3A_425, %add3A_426 : vector<16xi32>
    %swap3A_428 = arith.constant 0 : i32
    %swap3A_429 = arith.constant 0 : i32
    %swap3A_430 = arith.index_cast %swap3A_428 : i32 to index
    %swap3A_431 = arith.index_cast %swap3A_429 : i32 to index
    %swap3A_432 = arith.constant 16 : index
    %swap3A_433 = tpu.vector_load %arg8[%swap3A_430, %swap3A_431, %swap3A_432] {strides = array<i32>} : memref<2x4x128xi32, #tpu.memory_space<vmem>>, vector<1x1x16xi32>,
    %swap3A_434 = vector.shape_cast %swap3A_433 : vector<1x1x16xi32> to vector<16xi32>
    %swap3A_435 = vector.shape_cast %add3A_427 : vector<16xi32> to vector<1x1x16xi32>
    tpu.vector_store %arg8[%swap3A_430, %swap3A_431, %swap3A_432], %swap3A_435 {strides = array<i32>} : memref<2x4x128xi32, #tpu.memory_space<vmem>>, vector<1x1x16xi32>,
    %get3A_436 = arith.constant 0 : i32
    %get3A_437 = arith.index_cast %get3A_436 : i32 to index
    %get3A_438 = arith.constant 32 : index
    %get3A_439 = tpu.vector_load %arg7[%get3A_437, %get3A_438] {strides = array<i32>} : memref<4x128xi32, #tpu.memory_space<vmem>>, vector<1x16xi32>,
    %get3A_440 = vector.shape_cast %get3A_439 : vector<1x16xi32> to vector<16xi32>
    %add3A_441 = vector.broadcast %mul3A_406 : i32 to vector<16xi32>
    %add3A_442 = arith.addi %get3A_440, %add3A_441 : vector<16xi32>
    %swap3A_443 = arith.constant 0 : i32
    %swap3A_444 = arith.constant 0 : i32
    %swap3A_445 = arith.index_cast %swap3A_443 : i32 to index
    %swap3A_446 = arith.index_cast %swap3A_444 : i32 to index
    %swap3A_447 = arith.constant 32 : index
    %swap3A_448 = tpu.vector_load %arg8[%swap3A_445, %swap3A_446, %swap3A_447] {strides = array<i32>} : memref<2x4x128xi32, #tpu.memory_space<vmem>>, vector<1x1x16xi32>,
    %swap3A_449 = vector.shape_cast %swap3A_448 : vector<1x1x16xi32> to vector<16xi32>
    %swap3A_450 = vector.shape_cast %add3A_442 : vector<16xi32> to vector<1x1x16xi32>
    tpu.vector_store %arg8[%swap3A_445, %swap3A_446, %swap3A_447], %swap3A_450 {strides = array<i32>} : memref<2x4x128xi32, #tpu.memory_space<vmem>>, vector<1x1x16xi32>,
    %get3A_451 = arith.constant 0 : i32
    %get3A_452 = arith.index_cast %get3A_451 : i32 to index
    %get3A_453 = arith.constant 48 : index
    %get3A_454 = tpu.vector_load %arg7[%get3A_452, %get3A_453] {strides = array<i32>} : memref<4x128xi32, #tpu.memory_space<vmem>>, vector<1x16xi32>,
    %get3A_455 = vector.shape_cast %get3A_454 : vector<1x16xi32> to vector<16xi32>
    %add3A_456 = vector.broadcast %mul3A_406 : i32 to vector<16xi32>
    %add3A_457 = arith.addi %get3A_455, %add3A_456 : vector<16xi32>
    %swap3A_458 = arith.constant 0 : i32
    %swap3A_459 = arith.constant 0 : i32
    %swap3A_460 = arith.index_cast %swap3A_458 : i32 to index
    %swap3A_461 = arith.index_cast %swap3A_459 : i32 to index
    %swap3A_462 = arith.constant 48 : index
    %swap3A_463 = tpu.vector_load %arg8[%swap3A_460, %swap3A_461, %swap3A_462] {strides = array<i32>} : memref<2x4x128xi32, #tpu.memory_space<vmem>>, vector<1x1x16xi32>,
    %swap3A_464 = vector.shape_cast %swap3A_463 : vector<1x1x16xi32> to vector<16xi32>
    %swap3A_465 = vector.shape_cast %add3A_457 : vector<16xi32> to vector<1x1x16xi32>
    tpu.vector_store %arg8[%swap3A_460, %swap3A_461, %swap3A_462], %swap3A_465 {strides = array<i32>} : memref<2x4x128xi32, #tpu.memory_space<vmem>>, vector<1x1x16xi32>,
    %get3A_466 = arith.constant 0 : i32
    %get3A_467 = arith.index_cast %get3A_466 : i32 to index
    %get3A_468 = arith.constant 64 : index
    %get3A_469 = tpu.vector_load %arg7[%get3A_467, %get3A_468] {strides = array<i32>} : memref<4x128xi32, #tpu.memory_space<vmem>>, vector<1x16xi32>,
    %get3A_470 = vector.shape_cast %get3A_469 : vector<1x16xi32> to vector<16xi32>
    %add3A_471 = vector.broadcast %mul3A_406 : i32 to vector<16xi32>
    %add3A_472 = arith.addi %get3A_470, %add3A_471 : vector<16xi32>
    %swap3A_473 = arith.constant 0 : i32
    %swap3A_474 = arith.constant 0 : i32
    %swap3A_475 = arith.index_cast %swap3A_473 : i32 to index
    %swap3A_476 = arith.index_cast %swap3A_474 : i32 to index
    %swap3A_477 = arith.constant 64 : index
    %swap3A_478 = tpu.vector_load %arg8[%swap3A_475, %swap3A_476, %swap3A_477] {strides = array<i32>} : memref<2x4x128xi32, #tpu.memory_space<vmem>>, vector<1x1x16xi32>,
    %swap3A_479 = vector.shape_cast %swap3A_478 : vector<1x1x16xi32> to vector<16xi32>
    %swap3A_480 = vector.shape_cast %add3A_472 : vector<16xi32> to vector<1x1x16xi32>
    tpu.vector_store %arg8[%swap3A_475, %swap3A_476, %swap3A_477], %swap3A_480 {strides = array<i32>} : memref<2x4x128xi32, #tpu.memory_space<vmem>>, vector<1x1x16xi32>,
    %get3A_481 = arith.constant 0 : i32
    %get3A_482 = arith.index_cast %get3A_481 : i32 to index
    %get3A_483 = arith.constant 80 : index
    %get3A_484 = tpu.vector_load %arg7[%get3A_482, %get3A_483] {strides = array<i32>} : memref<4x128xi32, #tpu.memory_space<vmem>>, vector<1x16xi32>,
    %get3A_485 = vector.shape_cast %get3A_484 : vector<1x16xi32> to vector<16xi32>
    %add3A_486 = vector.broadcast %mul3A_406 : i32 to vector<16xi32>
    %add3A_487 = arith.addi %get3A_485, %add3A_486 : vector<16xi32>
    %swap3A_488 = arith.constant 0 : i32
    %swap3A_489 = arith.constant 0 : i32
    %swap3A_490 = arith.index_cast %swap3A_488 : i32 to index
    %swap3A_491 = arith.index_cast %swap3A_489 : i32 to index
    %swap3A_492 = arith.constant 80 : index
    %swap3A_493 = tpu.vector_load %arg8[%swap3A_490, %swap3A_491, %swap3A_492] {strides = array<i32>} : memref<2x4x128xi32, #tpu.memory_space<vmem>>, vector<1x1x16xi32>,
    %swap3A_494 = vector.shape_cast %swap3A_493 : vector<1x1x16xi32> to vector<16xi32>
    %swap3A_495 = vector.shape_cast %add3A_487 : vector<16xi32> to vector<1x1x16xi32>
    tpu.vector_store %arg8[%swap3A_490, %swap3A_491, %swap3A_492], %swap3A_495 {strides = array<i32>} : memref<2x4x128xi32, #tpu.memory_space<vmem>>, vector<1x1x16xi32>,
    %get3A_496 = arith.constant 0 : i32
    %get3A_497 = arith.index_cast %get3A_496 : i32 to index
    %get3A_498 = arith.constant 96 : index
    %get3A_499 = tpu.vector_load %arg7[%get3A_497, %get3A_498] {strides = array<i32>} : memref<4x128xi32, #tpu.memory_space<vmem>>, vector<1x16xi32>,
    %get3A_500 = vector.shape_cast %get3A_499 : vector<1x16xi32> to vector<16xi32>
    %add3A_501 = vector.broadcast %mul3A_406 : i32 to vector<16xi32>
    %add3A_502 = arith.addi %get3A_500, %add3A_501 : vector<16xi32>
    %swap3A_503 = arith.constant 0 : i32
    %swap3A_504 = arith.constant 0 : i32
    %swap3A_505 = arith.index_cast %swap3A_503 : i32 to index
    %swap3A_506 = arith.index_cast %swap3A_504 : i32 to index
    %swap3A_507 = arith.constant 96 : index
    %swap3A_508 = tpu.vector_load %arg8[%swap3A_505, %swap3A_506, %swap3A_507] {strides = array<i32>} : memref<2x4x128xi32, #tpu.memory_space<vmem>>, vector<1x1x16xi32>,
    %swap3A_509 = vector.shape_cast %swap3A_508 : vector<1x1x16xi32> to vector<16xi32>
    %swap3A_510 = vector.shape_cast %add3A_502 : vector<16xi32> to vector<1x1x16xi32>
    tpu.vector_store %arg8[%swap3A_505, %swap3A_506, %swap3A_507], %swap3A_510 {strides = array<i32>} : memref<2x4x128xi32, #tpu.memory_space<vmem>>, vector<1x1x16xi32>,
    %get3A_511 = arith.constant 0 : i32
    %get3A_512 = arith.index_cast %get3A_511 : i32 to index
    %get3A_513 = arith.constant 112 : index
    %get3A_514 = tpu.vector_load %arg7[%get3A_512, %get3A_513] {strides = array<i32>} : memref<4x128xi32, #tpu.memory_space<vmem>>, vector<1x16xi32>,
    %get3A_515 = vector.shape_cast %get3A_514 : vector<1x16xi32> to vector<16xi32>
    %add3A_516 = vector.broadcast %mul3A_406 : i32 to vector<16xi32>
    %add3A_517 = arith.addi %get3A_515, %add3A_516 : vector<16xi32>
    %swap3A_518 = arith.constant 0 : i32
    %swap3A_519 = arith.constant 0 : i32
    %swap3A_520 = arith.index_cast %swap3A_518 : i32 to index
    %swap3A_521 = arith.index_cast %swap3A_519 : i32 to index
    %swap3A_522 = arith.constant 112 : index
    %swap3A_523 = tpu.vector_load %arg8[%swap3A_520, %swap3A_521, %swap3A_522] {strides = array<i32>} : memref<2x4x128xi32, #tpu.memory_space<vmem>>, vector<1x1x16xi32>,
    %swap3A_524 = vector.shape_cast %swap3A_523 : vector<1x1x16xi32> to vector<16xi32>
    %swap3A_525 = vector.shape_cast %add3A_517 : vector<16xi32> to vector<1x1x16xi32>
    tpu.vector_store %arg8[%swap3A_520, %swap3A_521, %swap3A_522], %swap3A_525 {strides = array<i32>} : memref<2x4x128xi32, #tpu.memory_space<vmem>>, vector<1x1x16xi32>,
    %get3A_526 = arith.constant 1 : i32
    %get3A_527 = arith.index_cast %get3A_526 : i32 to index
    %get3A_528 = arith.constant 0 : index
    %get3A_529 = tpu.vector_load %arg7[%get3A_527, %get3A_528] {strides = array<i32>} : memref<4x128xi32, #tpu.memory_space<vmem>>, vector<1x16xi32>,
    %get3A_530 = vector.shape_cast %get3A_529 : vector<1x16xi32> to vector<16xi32>
    %add3A_531 = vector.broadcast %mul3A_406 : i32 to vector<16xi32>
    %add3A_532 = arith.addi %get3A_530, %add3A_531 : vector<16xi32>
    %swap3A_533 = arith.constant 0 : i32
    %swap3A_534 = arith.constant 1 : i32
    %swap3A_535 = arith.index_cast %swap3A_533 : i32 to index
    %swap3A_536 = arith.index_cast %swap3A_534 : i32 to index
    %swap3A_537 = arith.constant 0 : index
    %swap3A_538 = tpu.vector_load %arg8[%swap3A_535, %swap3A_536, %swap3A_537] {strides = array<i32>} : memref<2x4x128xi32, #tpu.memory_space<vmem>>, vector<1x1x16xi32>,
    %swap3A_539 = vector.shape_cast %swap3A_538 : vector<1x1x16xi32> to vector<16xi32>
    %swap3A_540 = vector.shape_cast %add3A_532 : vector<16xi32> to vector<1x1x16xi32>
    tpu.vector_store %arg8[%swap3A_535, %swap3A_536, %swap3A_537], %swap3A_540 {strides = array<i32>} : memref<2x4x128xi32, #tpu.memory_space<vmem>>, vector<1x1x16xi32>,
    %get3A_541 = arith.constant 1 : i32
    %get3A_542 = arith.index_cast %get3A_541 : i32 to index
    %get3A_543 = arith.constant 16 : index
    %get3A_544 = tpu.vector_load %arg7[%get3A_542, %get3A_543] {strides = array<i32>} : memref<4x128xi32, #tpu.memory_space<vmem>>, vector<1x16xi32>,
    %get3A_545 = vector.shape_cast %get3A_544 : vector<1x16xi32> to vector<16xi32>
    %add3A_546 = vector.broadcast %mul3A_406 : i32 to vector<16xi32>
    %add3A_547 = arith.addi %get3A_545, %add3A_546 : vector<16xi32>
    %swap3A_548 = arith.constant 0 : i32
    %swap3A_549 = arith.constant 1 : i32
    %swap3A_550 = arith.index_cast %swap3A_548 : i32 to index
    %swap3A_551 = arith.index_cast %swap3A_549 : i32 to index
    %swap3A_552 = arith.constant 16 : index
    %swap3A_553 = tpu.vector_load %arg8[%swap3A_550, %swap3A_551, %swap3A_552] {strides = array<i32>} : memref<2x4x128xi32, #tpu.memory_space<vmem>>, vector<1x1x16xi32>,
    %swap3A_554 = vector.shape_cast %swap3A_553 : vector<1x1x16xi32> to vector<16xi32>
    %swap3A_555 = vector.shape_cast %add3A_547 : vector<16xi32> to vector<1x1x16xi32>
    tpu.vector_store %arg8[%swap3A_550, %swap3A_551, %swap3A_552], %swap3A_555 {strides = array<i32>} : memref<2x4x128xi32, #tpu.memory_space<vmem>>, vector<1x1x16xi32>,
    %get3A_556 = arith.constant 1 : i32
    %get3A_557 = arith.index_cast %get3A_556 : i32 to index
    %get3A_558 = arith.constant 32 : index
    %get3A_559 = tpu.vector_load %arg7[%get3A_557, %get3A_558] {strides = array<i32>} : memref<4x128xi32, #tpu.memory_space<vmem>>, vector<1x16xi32>,
    %get3A_560 = vector.shape_cast %get3A_559 : vector<1x16xi32> to vector<16xi32>
    %add3A_561 = vector.broadcast %mul3A_406 : i32 to vector<16xi32>
    %add3A_562 = arith.addi %get3A_560, %add3A_561 : vector<16xi32>
    %swap3A_563 = arith.constant 0 : i32
    %swap3A_564 = arith.constant 1 : i32
    %swap3A_565 = arith.index_cast %swap3A_563 : i32 to index
    %swap3A_566 = arith.index_cast %swap3A_564 : i32 to index
    %swap3A_567 = arith.constant 32 : index
    %swap3A_568 = tpu.vector_load %arg8[%swap3A_565, %swap3A_566, %swap3A_567] {strides = array<i32>} : memref<2x4x128xi32, #tpu.memory_space<vmem>>, vector<1x1x16xi32>,
    %swap3A_569 = vector.shape_cast %swap3A_568 : vector<1x1x16xi32> to vector<16xi32>
    %swap3A_570 = vector.shape_cast %add3A_562 : vector<16xi32> to vector<1x1x16xi32>
    tpu.vector_store %arg8[%swap3A_565, %swap3A_566, %swap3A_567], %swap3A_570 {strides = array<i32>} : memref<2x4x128xi32, #tpu.memory_space<vmem>>, vector<1x1x16xi32>,
    %get3A_571 = arith.constant 1 : i32
    %get3A_572 = arith.index_cast %get3A_571 : i32 to index
    %get3A_573 = arith.constant 48 : index
    %get3A_574 = tpu.vector_load %arg7[%get3A_572, %get3A_573] {strides = array<i32>} : memref<4x128xi32, #tpu.memory_space<vmem>>, vector<1x16xi32>,
    %get3A_575 = vector.shape_cast %get3A_574 : vector<1x16xi32> to vector<16xi32>
    %add3A_576 = vector.broadcast %mul3A_406 : i32 to vector<16xi32>
    %add3A_577 = arith.addi %get3A_575, %add3A_576 : vector<16xi32>
    %swap3A_578 = arith.constant 0 : i32
    %swap3A_579 = arith.constant 1 : i32
    %swap3A_580 = arith.index_cast %swap3A_578 : i32 to index
    %swap3A_581 = arith.index_cast %swap3A_579 : i32 to index
    %swap3A_582 = arith.constant 48 : index
    %swap3A_583 = tpu.vector_load %arg8[%swap3A_580, %swap3A_581, %swap3A_582] {strides = array<i32>} : memref<2x4x128xi32, #tpu.memory_space<vmem>>, vector<1x1x16xi32>,
    %swap3A_584 = vector.shape_cast %swap3A_583 : vector<1x1x16xi32> to vector<16xi32>
    %swap3A_585 = vector.shape_cast %add3A_577 : vector<16xi32> to vector<1x1x16xi32>
    tpu.vector_store %arg8[%swap3A_580, %swap3A_581, %swap3A_582], %swap3A_585 {strides = array<i32>} : memref<2x4x128xi32, #tpu.memory_space<vmem>>, vector<1x1x16xi32>,
    %get3A_586 = arith.constant 1 : i32
    %get3A_587 = arith.index_cast %get3A_586 : i32 to index
    %get3A_588 = arith.constant 64 : index
    %get3A_589 = tpu.vector_load %arg7[%get3A_587, %get3A_588] {strides = array<i32>} : memref<4x128xi32, #tpu.memory_space<vmem>>, vector<1x16xi32>,
    %get3A_590 = vector.shape_cast %get3A_589 : vector<1x16xi32> to vector<16xi32>
    %add3A_591 = vector.broadcast %mul3A_406 : i32 to vector<16xi32>
    %add3A_592 = arith.addi %get3A_590, %add3A_591 : vector<16xi32>
    %swap3A_593 = arith.constant 0 : i32
    %swap3A_594 = arith.constant 1 : i32
    %swap3A_595 = arith.index_cast %swap3A_593 : i32 to index
    %swap3A_596 = arith.index_cast %swap3A_594 : i32 to index
    %swap3A_597 = arith.constant 64 : index
    %swap3A_598 = tpu.vector_load %arg8[%swap3A_595, %swap3A_596, %swap3A_597] {strides = array<i32>} : memref<2x4x128xi32, #tpu.memory_space<vmem>>, vector<1x1x16xi32>,
    %swap3A_599 = vector.shape_cast %swap3A_598 : vector<1x1x16xi32> to vector<16xi32>
    %swap3A_600 = vector.shape_cast %add3A_592 : vector<16xi32> to vector<1x1x16xi32>
    tpu.vector_store %arg8[%swap3A_595, %swap3A_596, %swap3A_597], %swap3A_600 {strides = array<i32>} : memref<2x4x128xi32, #tpu.memory_space<vmem>>, vector<1x1x16xi32>,
    %get3A_601 = arith.constant 1 : i32
    %get3A_602 = arith.index_cast %get3A_601 : i32 to index
    %get3A_603 = arith.constant 80 : index
    %get3A_604 = tpu.vector_load %arg7[%get3A_602, %get3A_603] {strides = array<i32>} : memref<4x128xi32, #tpu.memory_space<vmem>>, vector<1x16xi32>,
    %get3A_605 = vector.shape_cast %get3A_604 : vector<1x16xi32> to vector<16xi32>
    %add3A_606 = vector.broadcast %mul3A_406 : i32 to vector<16xi32>
    %add3A_607 = arith.addi %get3A_605, %add3A_606 : vector<16xi32>
    %swap3A_608 = arith.constant 0 : i32
    %swap3A_609 = arith.constant 1 : i32
    %swap3A_610 = arith.index_cast %swap3A_608 : i32 to index
    %swap3A_611 = arith.index_cast %swap3A_609 : i32 to index
    %swap3A_612 = arith.constant 80 : index
    %swap3A_613 = tpu.vector_load %arg8[%swap3A_610, %swap3A_611, %swap3A_612] {strides = array<i32>} : memref<2x4x128xi32, #tpu.memory_space<vmem>>, vector<1x1x16xi32>,
    %swap3A_614 = vector.shape_cast %swap3A_613 : vector<1x1x16xi32> to vector<16xi32>
    %swap3A_615 = vector.shape_cast %add3A_607 : vector<16xi32> to vector<1x1x16xi32>
    tpu.vector_store %arg8[%swap3A_610, %swap3A_611, %swap3A_612], %swap3A_615 {strides = array<i32>} : memref<2x4x128xi32, #tpu.memory_space<vmem>>, vector<1x1x16xi32>,
    %get3A_616 = arith.constant 1 : i32
    %get3A_617 = arith.index_cast %get3A_616 : i32 to index
    %get3A_618 = arith.constant 96 : index
    %get3A_619 = tpu.vector_load %arg7[%get3A_617, %get3A_618] {strides = array<i32>} : memref<4x128xi32, #tpu.memory_space<vmem>>, vector<1x16xi32>,
    %get3A_620 = vector.shape_cast %get3A_619 : vector<1x16xi32> to vector<16xi32>
    %add3A_621 = vector.broadcast %mul3A_406 : i32 to vector<16xi32>
    %add3A_622 = arith.addi %get3A_620, %add3A_621 : vector<16xi32>
    %swap3A_623 = arith.constant 0 : i32
    %swap3A_624 = arith.constant 1 : i32
    %swap3A_625 = arith.index_cast %swap3A_623 : i32 to index
    %swap3A_626 = arith.index_cast %swap3A_624 : i32 to index
    %swap3A_627 = arith.constant 96 : index
    %swap3A_628 = tpu.vector_load %arg8[%swap3A_625, %swap3A_626, %swap3A_627] {strides = array<i32>} : memref<2x4x128xi32, #tpu.memory_space<vmem>>, vector<1x1x16xi32>,
    %swap3A_629 = vector.shape_cast %swap3A_628 : vector<1x1x16xi32> to vector<16xi32>
    %swap3A_630 = vector.shape_cast %add3A_622 : vector<16xi32> to vector<1x1x16xi32>
    tpu.vector_store %arg8[%swap3A_625, %swap3A_626, %swap3A_627], %swap3A_630 {strides = array<i32>} : memref<2x4x128xi32, #tpu.memory_space<vmem>>, vector<1x1x16xi32>,
    %get3A_631 = arith.constant 1 : i32
    %get3A_632 = arith.index_cast %get3A_631 : i32 to index
    %get3A_633 = arith.constant 112 : index
    %get3A_634 = tpu.vector_load %arg7[%get3A_632, %get3A_633] {strides = array<i32>} : memref<4x128xi32, #tpu.memory_space<vmem>>, vector<1x16xi32>,
    %get3A_635 = vector.shape_cast %get3A_634 : vector<1x16xi32> to vector<16xi32>
    %add3A_636 = vector.broadcast %mul3A_406 : i32 to vector<16xi32>
    %add3A_637 = arith.addi %get3A_635, %add3A_636 : vector<16xi32>
    %swap3A_638 = arith.constant 0 : i32
    %swap3A_639 = arith.constant 1 : i32
    %swap3A_640 = arith.index_cast %swap3A_638 : i32 to index
    %swap3A_641 = arith.index_cast %swap3A_639 : i32 to index
    %swap3A_642 = arith.constant 112 : index
    %swap3A_643 = tpu.vector_load %arg8[%swap3A_640, %swap3A_641, %swap3A_642] {strides = array<i32>} : memref<2x4x128xi32, #tpu.memory_space<vmem>>, vector<1x1x16xi32>,
    %swap3A_644 = vector.shape_cast %swap3A_643 : vector<1x1x16xi32> to vector<16xi32>
    %swap3A_645 = vector.shape_cast %add3A_637 : vector<16xi32> to vector<1x1x16xi32>
    tpu.vector_store %arg8[%swap3A_640, %swap3A_641, %swap3A_642], %swap3A_645 {strides = array<i32>} : memref<2x4x128xi32, #tpu.memory_space<vmem>>, vector<1x1x16xi32>,
    %get3A_646 = arith.constant 2 : i32
    %get3A_647 = arith.index_cast %get3A_646 : i32 to index
    %get3A_648 = arith.constant 0 : index
    %get3A_649 = tpu.vector_load %arg7[%get3A_647, %get3A_648] {strides = array<i32>} : memref<4x128xi32, #tpu.memory_space<vmem>>, vector<1x16xi32>,
    %get3A_650 = vector.shape_cast %get3A_649 : vector<1x16xi32> to vector<16xi32>
    %add3A_651 = vector.broadcast %mul3A_406 : i32 to vector<16xi32>
    %add3A_652 = arith.addi %get3A_650, %add3A_651 : vector<16xi32>
    %swap3A_653 = arith.constant 0 : i32
    %swap3A_654 = arith.constant 2 : i32
    %swap3A_655 = arith.index_cast %swap3A_653 : i32 to index
    %swap3A_656 = arith.index_cast %swap3A_654 : i32 to index
    %swap3A_657 = arith.constant 0 : index
    %swap3A_658 = tpu.vector_load %arg8[%swap3A_655, %swap3A_656, %swap3A_657] {strides = array<i32>} : memref<2x4x128xi32, #tpu.memory_space<vmem>>, vector<1x1x16xi32>,
    %swap3A_659 = vector.shape_cast %swap3A_658 : vector<1x1x16xi32> to vector<16xi32>
    %swap3A_660 = vector.shape_cast %add3A_652 : vector<16xi32> to vector<1x1x16xi32>
    tpu.vector_store %arg8[%swap3A_655, %swap3A_656, %swap3A_657], %swap3A_660 {strides = array<i32>} : memref<2x4x128xi32, #tpu.memory_space<vmem>>, vector<1x1x16xi32>,
    %get3A_661 = arith.constant 2 : i32
    %get3A_662 = arith.index_cast %get3A_661 : i32 to index
    %get3A_663 = arith.constant 16 : index
    %get3A_664 = tpu.vector_load %arg7[%get3A_662, %get3A_663] {strides = array<i32>} : memref<4x128xi32, #tpu.memory_space<vmem>>, vector<1x16xi32>,
    %get3A_665 = vector.shape_cast %get3A_664 : vector<1x16xi32> to vector<16xi32>
    %add3A_666 = vector.broadcast %mul3A_406 : i32 to vector<16xi32>
    %add3A_667 = arith.addi %get3A_665, %add3A_666 : vector<16xi32>
    %swap3A_668 = arith.constant 0 : i32
    %swap3A_669 = arith.constant 2 : i32
    %swap3A_670 = arith.index_cast %swap3A_668 : i32 to index
    %swap3A_671 = arith.index_cast %swap3A_669 : i32 to index
    %swap3A_672 = arith.constant 16 : index
    %swap3A_673 = tpu.vector_load %arg8[%swap3A_670, %swap3A_671, %swap3A_672] {strides = array<i32>} : memref<2x4x128xi32, #tpu.memory_space<vmem>>, vector<1x1x16xi32>,
    %swap3A_674 = vector.shape_cast %swap3A_673 : vector<1x1x16xi32> to vector<16xi32>
    %swap3A_675 = vector.shape_cast %add3A_667 : vector<16xi32> to vector<1x1x16xi32>
    tpu.vector_store %arg8[%swap3A_670, %swap3A_671, %swap3A_672], %swap3A_675 {strides = array<i32>} : memref<2x4x128xi32, #tpu.memory_space<vmem>>, vector<1x1x16xi32>,
    %get3A_676 = arith.constant 2 : i32
    %get3A_677 = arith.index_cast %get3A_676 : i32 to index
    %get3A_678 = arith.constant 32 : index
    %get3A_679 = tpu.vector_load %arg7[%get3A_677, %get3A_678] {strides = array<i32>} : memref<4x128xi32, #tpu.memory_space<vmem>>, vector<1x16xi32>,
    %get3A_680 = vector.shape_cast %get3A_679 : vector<1x16xi32> to vector<16xi32>
    %add3A_681 = vector.broadcast %mul3A_406 : i32 to vector<16xi32>
    %add3A_682 = arith.addi %get3A_680, %add3A_681 : vector<16xi32>
    %swap3A_683 = arith.constant 0 : i32
    %swap3A_684 = arith.constant 2 : i32
    %swap3A_685 = arith.index_cast %swap3A_683 : i32 to index
    %swap3A_686 = arith.index_cast %swap3A_684 : i32 to index
    %swap3A_687 = arith.constant 32 : index
    %swap3A_688 = tpu.vector_load %arg8[%swap3A_685, %swap3A_686, %swap3A_687] {strides = array<i32>} : memref<2x4x128xi32, #tpu.memory_space<vmem>>, vector<1x1x16xi32>,
    %swap3A_689 = vector.shape_cast %swap3A_688 : vector<1x1x16xi32> to vector<16xi32>
    %swap3A_690 = vector.shape_cast %add3A_682 : vector<16xi32> to vector<1x1x16xi32>
    tpu.vector_store %arg8[%swap3A_685, %swap3A_686, %swap3A_687], %swap3A_690 {strides = array<i32>} : memref<2x4x128xi32, #tpu.memory_space<vmem>>, vector<1x1x16xi32>,
    %get3A_691 = arith.constant 2 : i32
    %get3A_692 = arith.index_cast %get3A_691 : i32 to index
    %get3A_693 = arith.constant 48 : index
    %get3A_694 = tpu.vector_load %arg7[%get3A_692, %get3A_693] {strides = array<i32>} : memref<4x128xi32, #tpu.memory_space<vmem>>, vector<1x16xi32>,
    %get3A_695 = vector.shape_cast %get3A_694 : vector<1x16xi32> to vector<16xi32>
    %add3A_696 = vector.broadcast %mul3A_406 : i32 to vector<16xi32>
    %add3A_697 = arith.addi %get3A_695, %add3A_696 : vector<16xi32>
    %swap3A_698 = arith.constant 0 : i32
    %swap3A_699 = arith.constant 2 : i32
    %swap3A_700 = arith.index_cast %swap3A_698 : i32 to index
    %swap3A_701 = arith.index_cast %swap3A_699 : i32 to index
    %swap3A_702 = arith.constant 48 : index
    %swap3A_703 = tpu.vector_load %arg8[%swap3A_700, %swap3A_701, %swap3A_702] {strides = array<i32>} : memref<2x4x128xi32, #tpu.memory_space<vmem>>, vector<1x1x16xi32>,
    %swap3A_704 = vector.shape_cast %swap3A_703 : vector<1x1x16xi32> to vector<16xi32>
    %swap3A_705 = vector.shape_cast %add3A_697 : vector<16xi32> to vector<1x1x16xi32>
    tpu.vector_store %arg8[%swap3A_700, %swap3A_701, %swap3A_702], %swap3A_705 {strides = array<i32>} : memref<2x4x128xi32, #tpu.memory_space<vmem>>, vector<1x1x16xi32>,
    %get3A_706 = arith.constant 2 : i32
    %get3A_707 = arith.index_cast %get3A_706 : i32 to index
    %get3A_708 = arith.constant 64 : index
    %get3A_709 = tpu.vector_load %arg7[%get3A_707, %get3A_708] {strides = array<i32>} : memref<4x128xi32, #tpu.memory_space<vmem>>, vector<1x16xi32>,
    %get3A_710 = vector.shape_cast %get3A_709 : vector<1x16xi32> to vector<16xi32>
    %add3A_711 = vector.broadcast %mul3A_406 : i32 to vector<16xi32>
    %add3A_712 = arith.addi %get3A_710, %add3A_711 : vector<16xi32>
    %swap3A_713 = arith.constant 0 : i32
    %swap3A_714 = arith.constant 2 : i32
    %swap3A_715 = arith.index_cast %swap3A_713 : i32 to index
    %swap3A_716 = arith.index_cast %swap3A_714 : i32 to index
    %swap3A_717 = arith.constant 64 : index
    %swap3A_718 = tpu.vector_load %arg8[%swap3A_715, %swap3A_716, %swap3A_717] {strides = array<i32>} : memref<2x4x128xi32, #tpu.memory_space<vmem>>, vector<1x1x16xi32>,
    %swap3A_719 = vector.shape_cast %swap3A_718 : vector<1x1x16xi32> to vector<16xi32>
    %swap3A_720 = vector.shape_cast %add3A_712 : vector<16xi32> to vector<1x1x16xi32>
    tpu.vector_store %arg8[%swap3A_715, %swap3A_716, %swap3A_717], %swap3A_720 {strides = array<i32>} : memref<2x4x128xi32, #tpu.memory_space<vmem>>, vector<1x1x16xi32>,
    %get3A_721 = arith.constant 2 : i32
    %get3A_722 = arith.index_cast %get3A_721 : i32 to index
    %get3A_723 = arith.constant 80 : index
    %get3A_724 = tpu.vector_load %arg7[%get3A_722, %get3A_723] {strides = array<i32>} : memref<4x128xi32, #tpu.memory_space<vmem>>, vector<1x16xi32>,
    %get3A_725 = vector.shape_cast %get3A_724 : vector<1x16xi32> to vector<16xi32>
    %add3A_726 = vector.broadcast %mul3A_406 : i32 to vector<16xi32>
    %add3A_727 = arith.addi %get3A_725, %add3A_726 : vector<16xi32>
    %swap3A_728 = arith.constant 0 : i32
    %swap3A_729 = arith.constant 2 : i32
    %swap3A_730 = arith.index_cast %swap3A_728 : i32 to index
    %swap3A_731 = arith.index_cast %swap3A_729 : i32 to index
    %swap3A_732 = arith.constant 80 : index
    %swap3A_733 = tpu.vector_load %arg8[%swap3A_730, %swap3A_731, %swap3A_732] {strides = array<i32>} : memref<2x4x128xi32, #tpu.memory_space<vmem>>, vector<1x1x16xi32>,
    %swap3A_734 = vector.shape_cast %swap3A_733 : vector<1x1x16xi32> to vector<16xi32>
    %swap3A_735 = vector.shape_cast %add3A_727 : vector<16xi32> to vector<1x1x16xi32>
    tpu.vector_store %arg8[%swap3A_730, %swap3A_731, %swap3A_732], %swap3A_735 {strides = array<i32>} : memref<2x4x128xi32, #tpu.memory_space<vmem>>, vector<1x1x16xi32>,
    %get3A_736 = arith.constant 2 : i32
    %get3A_737 = arith.index_cast %get3A_736 : i32 to index
    %get3A_738 = arith.constant 96 : index
    %get3A_739 = tpu.vector_load %arg7[%get3A_737, %get3A_738] {strides = array<i32>} : memref<4x128xi32, #tpu.memory_space<vmem>>, vector<1x16xi32>,
    %get3A_740 = vector.shape_cast %get3A_739 : vector<1x16xi32> to vector<16xi32>
    %add3A_741 = vector.broadcast %mul3A_406 : i32 to vector<16xi32>
    %add3A_742 = arith.addi %get3A_740, %add3A_741 : vector<16xi32>
    %swap3A_743 = arith.constant 0 : i32
    %swap3A_744 = arith.constant 2 : i32
    %swap3A_745 = arith.index_cast %swap3A_743 : i32 to index
    %swap3A_746 = arith.index_cast %swap3A_744 : i32 to index
    %swap3A_747 = arith.constant 96 : index
    %swap3A_748 = tpu.vector_load %arg8[%swap3A_745, %swap3A_746, %swap3A_747] {strides = array<i32>} : memref<2x4x128xi32, #tpu.memory_space<vmem>>, vector<1x1x16xi32>,
    %swap3A_749 = vector.shape_cast %swap3A_748 : vector<1x1x16xi32> to vector<16xi32>
    %swap3A_750 = vector.shape_cast %add3A_742 : vector<16xi32> to vector<1x1x16xi32>
    tpu.vector_store %arg8[%swap3A_745, %swap3A_746, %swap3A_747], %swap3A_750 {strides = array<i32>} : memref<2x4x128xi32, #tpu.memory_space<vmem>>, vector<1x1x16xi32>,
    %get3A_751 = arith.constant 2 : i32
    %get3A_752 = arith.index_cast %get3A_751 : i32 to index
    %get3A_753 = arith.constant 112 : index
    %get3A_754 = tpu.vector_load %arg7[%get3A_752, %get3A_753] {strides = array<i32>} : memref<4x128xi32, #tpu.memory_space<vmem>>, vector<1x16xi32>,
    %get3A_755 = vector.shape_cast %get3A_754 : vector<1x16xi32> to vector<16xi32>
    %add3A_756 = vector.broadcast %mul3A_406 : i32 to vector<16xi32>
    %add3A_757 = arith.addi %get3A_755, %add3A_756 : vector<16xi32>
    %swap3A_758 = arith.constant 0 : i32
    %swap3A_759 = arith.constant 2 : i32
    %swap3A_760 = arith.index_cast %swap3A_758 : i32 to index
    %swap3A_761 = arith.index_cast %swap3A_759 : i32 to index
    %swap3A_762 = arith.constant 112 : index
    %swap3A_763 = tpu.vector_load %arg8[%swap3A_760, %swap3A_761, %swap3A_762] {strides = array<i32>} : memref<2x4x128xi32, #tpu.memory_space<vmem>>, vector<1x1x16xi32>,
    %swap3A_764 = vector.shape_cast %swap3A_763 : vector<1x1x16xi32> to vector<16xi32>
    %swap3A_765 = vector.shape_cast %add3A_757 : vector<16xi32> to vector<1x1x16xi32>
    tpu.vector_store %arg8[%swap3A_760, %swap3A_761, %swap3A_762], %swap3A_765 {strides = array<i32>} : memref<2x4x128xi32, #tpu.memory_space<vmem>>, vector<1x1x16xi32>,
    %get3A_766 = arith.constant 3 : i32
    %get3A_767 = arith.index_cast %get3A_766 : i32 to index
    %get3A_768 = arith.constant 0 : index
    %get3A_769 = tpu.vector_load %arg7[%get3A_767, %get3A_768] {strides = array<i32>} : memref<4x128xi32, #tpu.memory_space<vmem>>, vector<1x16xi32>,
    %get3A_770 = vector.shape_cast %get3A_769 : vector<1x16xi32> to vector<16xi32>
    %add3A_771 = vector.broadcast %mul3A_406 : i32 to vector<16xi32>
    %add3A_772 = arith.addi %get3A_770, %add3A_771 : vector<16xi32>
    %swap3A_773 = arith.constant 0 : i32
    %swap3A_774 = arith.constant 3 : i32
    %swap3A_775 = arith.index_cast %swap3A_773 : i32 to index
    %swap3A_776 = arith.index_cast %swap3A_774 : i32 to index
    %swap3A_777 = arith.constant 0 : index
    %swap3A_778 = tpu.vector_load %arg8[%swap3A_775, %swap3A_776, %swap3A_777] {strides = array<i32>} : memref<2x4x128xi32, #tpu.memory_space<vmem>>, vector<1x1x16xi32>,
    %swap3A_779 = vector.shape_cast %swap3A_778 : vector<1x1x16xi32> to vector<16xi32>
    %swap3A_780 = vector.shape_cast %add3A_772 : vector<16xi32> to vector<1x1x16xi32>
    tpu.vector_store %arg8[%swap3A_775, %swap3A_776, %swap3A_777], %swap3A_780 {strides = array<i32>} : memref<2x4x128xi32, #tpu.memory_space<vmem>>, vector<1x1x16xi32>,
    %get3A_781 = arith.constant 3 : i32
    %get3A_782 = arith.index_cast %get3A_781 : i32 to index
    %get3A_783 = arith.constant 16 : index
    %get3A_784 = tpu.vector_load %arg7[%get3A_782, %get3A_783] {strides = array<i32>} : memref<4x128xi32, #tpu.memory_space<vmem>>, vector<1x16xi32>,
    %get3A_785 = vector.shape_cast %get3A_784 : vector<1x16xi32> to vector<16xi32>
    %add3A_786 = vector.broadcast %mul3A_406 : i32 to vector<16xi32>
    %add3A_787 = arith.addi %get3A_785, %add3A_786 : vector<16xi32>
    %swap3A_788 = arith.constant 0 : i32
    %swap3A_789 = arith.constant 3 : i32
    %swap3A_790 = arith.index_cast %swap3A_788 : i32 to index
    %swap3A_791 = arith.index_cast %swap3A_789 : i32 to index
    %swap3A_792 = arith.constant 16 : index
    %swap3A_793 = tpu.vector_load %arg8[%swap3A_790, %swap3A_791, %swap3A_792] {strides = array<i32>} : memref<2x4x128xi32, #tpu.memory_space<vmem>>, vector<1x1x16xi32>,
    %swap3A_794 = vector.shape_cast %swap3A_793 : vector<1x1x16xi32> to vector<16xi32>
    %swap3A_795 = vector.shape_cast %add3A_787 : vector<16xi32> to vector<1x1x16xi32>
    tpu.vector_store %arg8[%swap3A_790, %swap3A_791, %swap3A_792], %swap3A_795 {strides = array<i32>} : memref<2x4x128xi32, #tpu.memory_space<vmem>>, vector<1x1x16xi32>,
    %get3A_796 = arith.constant 3 : i32
    %get3A_797 = arith.index_cast %get3A_796 : i32 to index
    %get3A_798 = arith.constant 32 : index
    %get3A_799 = tpu.vector_load %arg7[%get3A_797, %get3A_798] {strides = array<i32>} : memref<4x128xi32, #tpu.memory_space<vmem>>, vector<1x16xi32>,
    %get3A_800 = vector.shape_cast %get3A_799 : vector<1x16xi32> to vector<16xi32>
    %add3A_801 = vector.broadcast %mul3A_406 : i32 to vector<16xi32>
    %add3A_802 = arith.addi %get3A_800, %add3A_801 : vector<16xi32>
    %swap3A_803 = arith.constant 0 : i32
    %swap3A_804 = arith.constant 3 : i32
    %swap3A_805 = arith.index_cast %swap3A_803 : i32 to index
    %swap3A_806 = arith.index_cast %swap3A_804 : i32 to index
    %swap3A_807 = arith.constant 32 : index
    %swap3A_808 = tpu.vector_load %arg8[%swap3A_805, %swap3A_806, %swap3A_807] {strides = array<i32>} : memref<2x4x128xi32, #tpu.memory_space<vmem>>, vector<1x1x16xi32>,
    %swap3A_809 = vector.shape_cast %swap3A_808 : vector<1x1x16xi32> to vector<16xi32>
    %swap3A_810 = vector.shape_cast %add3A_802 : vector<16xi32> to vector<1x1x16xi32>
    tpu.vector_store %arg8[%swap3A_805, %swap3A_806, %swap3A_807], %swap3A_810 {strides = array<i32>} : memref<2x4x128xi32, #tpu.memory_space<vmem>>, vector<1x1x16xi32>,
    %get3A_811 = arith.constant 3 : i32
    %get3A_812 = arith.index_cast %get3A_811 : i32 to index
    %get3A_813 = arith.constant 48 : index
    %get3A_814 = tpu.vector_load %arg7[%get3A_812, %get3A_813] {strides = array<i32>} : memref<4x128xi32, #tpu.memory_space<vmem>>, vector<1x16xi32>,
    %get3A_815 = vector.shape_cast %get3A_814 : vector<1x16xi32> to vector<16xi32>
    %add3A_816 = vector.broadcast %mul3A_406 : i32 to vector<16xi32>
    %add3A_817 = arith.addi %get3A_815, %add3A_816 : vector<16xi32>
    %swap3A_818 = arith.constant 0 : i32
    %swap3A_819 = arith.constant 3 : i32
    %swap3A_820 = arith.index_cast %swap3A_818 : i32 to index
    %swap3A_821 = arith.index_cast %swap3A_819 : i32 to index
    %swap3A_822 = arith.constant 48 : index
    %swap3A_823 = tpu.vector_load %arg8[%swap3A_820, %swap3A_821, %swap3A_822] {strides = array<i32>} : memref<2x4x128xi32, #tpu.memory_space<vmem>>, vector<1x1x16xi32>,
    %swap3A_824 = vector.shape_cast %swap3A_823 : vector<1x1x16xi32> to vector<16xi32>
    %swap3A_825 = vector.shape_cast %add3A_817 : vector<16xi32> to vector<1x1x16xi32>
    tpu.vector_store %arg8[%swap3A_820, %swap3A_821, %swap3A_822], %swap3A_825 {strides = array<i32>} : memref<2x4x128xi32, #tpu.memory_space<vmem>>, vector<1x1x16xi32>,
    %get3A_826 = arith.constant 3 : i32
    %get3A_827 = arith.index_cast %get3A_826 : i32 to index
    %get3A_828 = arith.constant 64 : index
    %get3A_829 = tpu.vector_load %arg7[%get3A_827, %get3A_828] {strides = array<i32>} : memref<4x128xi32, #tpu.memory_space<vmem>>, vector<1x16xi32>,
    %get3A_830 = vector.shape_cast %get3A_829 : vector<1x16xi32> to vector<16xi32>
    %add3A_831 = vector.broadcast %mul3A_406 : i32 to vector<16xi32>
    %add3A_832 = arith.addi %get3A_830, %add3A_831 : vector<16xi32>
    %swap3A_833 = arith.constant 0 : i32
    %swap3A_834 = arith.constant 3 : i32
    %swap3A_835 = arith.index_cast %swap3A_833 : i32 to index
    %swap3A_836 = arith.index_cast %swap3A_834 : i32 to index
    %swap3A_837 = arith.constant 64 : index
    %swap3A_838 = tpu.vector_load %arg8[%swap3A_835, %swap3A_836, %swap3A_837] {strides = array<i32>} : memref<2x4x128xi32, #tpu.memory_space<vmem>>, vector<1x1x16xi32>,
    %swap3A_839 = vector.shape_cast %swap3A_838 : vector<1x1x16xi32> to vector<16xi32>
    %swap3A_840 = vector.shape_cast %add3A_832 : vector<16xi32> to vector<1x1x16xi32>
    tpu.vector_store %arg8[%swap3A_835, %swap3A_836, %swap3A_837], %swap3A_840 {strides = array<i32>} : memref<2x4x128xi32, #tpu.memory_space<vmem>>, vector<1x1x16xi32>,
    %get3A_841 = arith.constant 3 : i32
    %get3A_842 = arith.index_cast %get3A_841 : i32 to index
    %get3A_843 = arith.constant 80 : index
    %get3A_844 = tpu.vector_load %arg7[%get3A_842, %get3A_843] {strides = array<i32>} : memref<4x128xi32, #tpu.memory_space<vmem>>, vector<1x16xi32>,
    %get3A_845 = vector.shape_cast %get3A_844 : vector<1x16xi32> to vector<16xi32>
    %add3A_846 = vector.broadcast %mul3A_406 : i32 to vector<16xi32>
    %add3A_847 = arith.addi %get3A_845, %add3A_846 : vector<16xi32>
    %swap3A_848 = arith.constant 0 : i32
    %swap3A_849 = arith.constant 3 : i32
    %swap3A_850 = arith.index_cast %swap3A_848 : i32 to index
    %swap3A_851 = arith.index_cast %swap3A_849 : i32 to index
    %swap3A_852 = arith.constant 80 : index
    %swap3A_853 = tpu.vector_load %arg8[%swap3A_850, %swap3A_851, %swap3A_852] {strides = array<i32>} : memref<2x4x128xi32, #tpu.memory_space<vmem>>, vector<1x1x16xi32>,
    %swap3A_854 = vector.shape_cast %swap3A_853 : vector<1x1x16xi32> to vector<16xi32>
    %swap3A_855 = vector.shape_cast %add3A_847 : vector<16xi32> to vector<1x1x16xi32>
    tpu.vector_store %arg8[%swap3A_850, %swap3A_851, %swap3A_852], %swap3A_855 {strides = array<i32>} : memref<2x4x128xi32, #tpu.memory_space<vmem>>, vector<1x1x16xi32>,
    %get3A_856 = arith.constant 3 : i32
    %get3A_857 = arith.index_cast %get3A_856 : i32 to index
    %get3A_858 = arith.constant 96 : index
    %get3A_859 = tpu.vector_load %arg7[%get3A_857, %get3A_858] {strides = array<i32>} : memref<4x128xi32, #tpu.memory_space<vmem>>, vector<1x16xi32>,
    %get3A_860 = vector.shape_cast %get3A_859 : vector<1x16xi32> to vector<16xi32>
    %add3A_861 = vector.broadcast %mul3A_406 : i32 to vector<16xi32>
    %add3A_862 = arith.addi %get3A_860, %add3A_861 : vector<16xi32>
    %swap3A_863 = arith.constant 0 : i32
    %swap3A_864 = arith.constant 3 : i32
    %swap3A_865 = arith.index_cast %swap3A_863 : i32 to index
    %swap3A_866 = arith.index_cast %swap3A_864 : i32 to index
    %swap3A_867 = arith.constant 96 : index
    %swap3A_868 = tpu.vector_load %arg8[%swap3A_865, %swap3A_866, %swap3A_867] {strides = array<i32>} : memref<2x4x128xi32, #tpu.memory_space<vmem>>, vector<1x1x16xi32>,
    %swap3A_869 = vector.shape_cast %swap3A_868 : vector<1x1x16xi32> to vector<16xi32>
    %swap3A_870 = vector.shape_cast %add3A_862 : vector<16xi32> to vector<1x1x16xi32>
    tpu.vector_store %arg8[%swap3A_865, %swap3A_866, %swap3A_867], %swap3A_870 {strides = array<i32>} : memref<2x4x128xi32, #tpu.memory_space<vmem>>, vector<1x1x16xi32>,
    %get3A_871 = arith.constant 3 : i32
    %get3A_872 = arith.index_cast %get3A_871 : i32 to index
    %get3A_873 = arith.constant 112 : index
    %get3A_874 = tpu.vector_load %arg7[%get3A_872, %get3A_873] {strides = array<i32>} : memref<4x128xi32, #tpu.memory_space<vmem>>, vector<1x16xi32>,
    %get3A_875 = vector.shape_cast %get3A_874 : vector<1x16xi32> to vector<16xi32>
    %add3A_876 = vector.broadcast %mul3A_406 : i32 to vector<16xi32>
    %add3A_877 = arith.addi %get3A_875, %add3A_876 : vector<16xi32>
    %swap3A_878 = arith.constant 0 : i32
    %swap3A_879 = arith.constant 3 : i32
    %swap3A_880 = arith.index_cast %swap3A_878 : i32 to index
    %swap3A_881 = arith.index_cast %swap3A_879 : i32 to index
    %swap3A_882 = arith.constant 112 : index
    %swap3A_883 = tpu.vector_load %arg8[%swap3A_880, %swap3A_881, %swap3A_882] {strides = array<i32>} : memref<2x4x128xi32, #tpu.memory_space<vmem>>, vector<1x1x16xi32>,
    %swap3A_884 = vector.shape_cast %swap3A_883 : vector<1x1x16xi32> to vector<16xi32>
    %swap3A_885 = vector.shape_cast %add3A_877 : vector<16xi32> to vector<1x1x16xi32>
    tpu.vector_store %arg8[%swap3A_880, %swap3A_881, %swap3A_882], %swap3A_885 {strides = array<i32>} : memref<2x4x128xi32, #tpu.memory_space<vmem>>, vector<1x1x16xi32>,
    %add3A_886 = arith.constant 512 : i32
    %add3A_887 = arith.addi %mul3A_2, %add3A_886 : i32
    %mul3A_888 = arith.constant 2 : i32
    %mul3A_889 = arith.muli %mul3A_888, %add3A_887 : i32
    %get3A_890 = arith.constant 0 : i32
    %get3A_891 = arith.index_cast %get3A_890 : i32 to index
    %get3A_892 = arith.constant 0 : index
    %get3A_893 = tpu.vector_load %arg7[%get3A_891, %get3A_892] {strides = array<i32>} : memref<4x128xi32, #tpu.memory_space<vmem>>, vector<1x16xi32>,
    %get3A_894 = vector.shape_cast %get3A_893 : vector<1x16xi32> to vector<16xi32>
    %add3A_895 = vector.broadcast %mul3A_889 : i32 to vector<16xi32>
    %add3A_896 = arith.addi %get3A_894, %add3A_895 : vector<16xi32>
    %swap3A_897 = arith.constant 1 : i32
    %swap3A_898 = arith.constant 0 : i32
    %swap3A_899 = arith.index_cast %swap3A_897 : i32 to index
    %swap3A_900 = arith.index_cast %swap3A_898 : i32 to index
    %swap3A_901 = arith.constant 0 : index
    %swap3A_902 = tpu.vector_load %arg8[%swap3A_899, %swap3A_900, %swap3A_901] {strides = array<i32>} : memref<2x4x128xi32, #tpu.memory_space<vmem>>, vector<1x1x16xi32>,
    %swap3A_903 = vector.shape_cast %swap3A_902 : vector<1x1x16xi32> to vector<16xi32>
    %swap3A_904 = vector.shape_cast %add3A_896 : vector<16xi32> to vector<1x1x16xi32>
    tpu.vector_store %arg8[%swap3A_899, %swap3A_900, %swap3A_901], %swap3A_904 {strides = array<i32>} : memref<2x4x128xi32, #tpu.memory_space<vmem>>, vector<1x1x16xi32>,
    %get3A_905 = arith.constant 0 : i32
    %get3A_906 = arith.index_cast %get3A_905 : i32 to index
    %get3A_907 = arith.constant 16 : index
    %get3A_908 = tpu.vector_load %arg7[%get3A_906, %get3A_907] {strides = array<i32>} : memref<4x128xi32, #tpu.memory_space<vmem>>, vector<1x16xi32>,
    %get3A_909 = vector.shape_cast %get3A_908 : vector<1x16xi32> to vector<16xi32>
    %add3A_910 = vector.broadcast %mul3A_889 : i32 to vector<16xi32>
    %add3A_911 = arith.addi %get3A_909, %add3A_910 : vector<16xi32>
    %swap3A_912 = arith.constant 1 : i32
    %swap3A_913 = arith.constant 0 : i32
    %swap3A_914 = arith.index_cast %swap3A_912 : i32 to index
    %swap3A_915 = arith.index_cast %swap3A_913 : i32 to index
    %swap3A_916 = arith.constant 16 : index
    %swap3A_917 = tpu.vector_load %arg8[%swap3A_914, %swap3A_915, %swap3A_916] {strides = array<i32>} : memref<2x4x128xi32, #tpu.memory_space<vmem>>, vector<1x1x16xi32>,
    %swap3A_918 = vector.shape_cast %swap3A_917 : vector<1x1x16xi32> to vector<16xi32>
    %swap3A_919 = vector.shape_cast %add3A_911 : vector<16xi32> to vector<1x1x16xi32>
    tpu.vector_store %arg8[%swap3A_914, %swap3A_915, %swap3A_916], %swap3A_919 {strides = array<i32>} : memref<2x4x128xi32, #tpu.memory_space<vmem>>, vector<1x1x16xi32>,
    %get3A_920 = arith.constant 0 : i32
    %get3A_921 = arith.index_cast %get3A_920 : i32 to index
    %get3A_922 = arith.constant 32 : index
    %get3A_923 = tpu.vector_load %arg7[%get3A_921, %get3A_922] {strides = array<i32>} : memref<4x128xi32, #tpu.memory_space<vmem>>, vector<1x16xi32>,
    %get3A_924 = vector.shape_cast %get3A_923 : vector<1x16xi32> to vector<16xi32>
    %add3A_925 = vector.broadcast %mul3A_889 : i32 to vector<16xi32>
    %add3A_926 = arith.addi %get3A_924, %add3A_925 : vector<16xi32>
    %swap3A_927 = arith.constant 1 : i32
    %swap3A_928 = arith.constant 0 : i32
    %swap3A_929 = arith.index_cast %swap3A_927 : i32 to index
    %swap3A_930 = arith.index_cast %swap3A_928 : i32 to index
    %swap3A_931 = arith.constant 32 : index
    %swap3A_932 = tpu.vector_load %arg8[%swap3A_929, %swap3A_930, %swap3A_931] {strides = array<i32>} : memref<2x4x128xi32, #tpu.memory_space<vmem>>, vector<1x1x16xi32>,
    %swap3A_933 = vector.shape_cast %swap3A_932 : vector<1x1x16xi32> to vector<16xi32>
    %swap3A_934 = vector.shape_cast %add3A_926 : vector<16xi32> to vector<1x1x16xi32>
    tpu.vector_store %arg8[%swap3A_929, %swap3A_930, %swap3A_931], %swap3A_934 {strides = array<i32>} : memref<2x4x128xi32, #tpu.memory_space<vmem>>, vector<1x1x16xi32>,
    %get3A_935 = arith.constant 0 : i32
    %get3A_936 = arith.index_cast %get3A_935 : i32 to index
    %get3A_937 = arith.constant 48 : index
    %get3A_938 = tpu.vector_load %arg7[%get3A_936, %get3A_937] {strides = array<i32>} : memref<4x128xi32, #tpu.memory_space<vmem>>, vector<1x16xi32>,
    %get3A_939 = vector.shape_cast %get3A_938 : vector<1x16xi32> to vector<16xi32>
    %add3A_940 = vector.broadcast %mul3A_889 : i32 to vector<16xi32>
    %add3A_941 = arith.addi %get3A_939, %add3A_940 : vector<16xi32>
    %swap3A_942 = arith.constant 1 : i32
    %swap3A_943 = arith.constant 0 : i32
    %swap3A_944 = arith.index_cast %swap3A_942 : i32 to index
    %swap3A_945 = arith.index_cast %swap3A_943 : i32 to index
    %swap3A_946 = arith.constant 48 : index
    %swap3A_947 = tpu.vector_load %arg8[%swap3A_944, %swap3A_945, %swap3A_946] {strides = array<i32>} : memref<2x4x128xi32, #tpu.memory_space<vmem>>, vector<1x1x16xi32>,
    %swap3A_948 = vector.shape_cast %swap3A_947 : vector<1x1x16xi32> to vector<16xi32>
    %swap3A_949 = vector.shape_cast %add3A_941 : vector<16xi32> to vector<1x1x16xi32>
    tpu.vector_store %arg8[%swap3A_944, %swap3A_945, %swap3A_946], %swap3A_949 {strides = array<i32>} : memref<2x4x128xi32, #tpu.memory_space<vmem>>, vector<1x1x16xi32>,
    %get3A_950 = arith.constant 0 : i32
    %get3A_951 = arith.index_cast %get3A_950 : i32 to index
    %get3A_952 = arith.constant 64 : index
    %get3A_953 = tpu.vector_load %arg7[%get3A_951, %get3A_952] {strides = array<i32>} : memref<4x128xi32, #tpu.memory_space<vmem>>, vector<1x16xi32>,
    %get3A_954 = vector.shape_cast %get3A_953 : vector<1x16xi32> to vector<16xi32>
    %add3A_955 = vector.broadcast %mul3A_889 : i32 to vector<16xi32>
    %add3A_956 = arith.addi %get3A_954, %add3A_955 : vector<16xi32>
    %swap3A_957 = arith.constant 1 : i32
    %swap3A_958 = arith.constant 0 : i32
    %swap3A_959 = arith.index_cast %swap3A_957 : i32 to index
    %swap3A_960 = arith.index_cast %swap3A_958 : i32 to index
    %swap3A_961 = arith.constant 64 : index
    %swap3A_962 = tpu.vector_load %arg8[%swap3A_959, %swap3A_960, %swap3A_961] {strides = array<i32>} : memref<2x4x128xi32, #tpu.memory_space<vmem>>, vector<1x1x16xi32>,
    %swap3A_963 = vector.shape_cast %swap3A_962 : vector<1x1x16xi32> to vector<16xi32>
    %swap3A_964 = vector.shape_cast %add3A_956 : vector<16xi32> to vector<1x1x16xi32>
    tpu.vector_store %arg8[%swap3A_959, %swap3A_960, %swap3A_961], %swap3A_964 {strides = array<i32>} : memref<2x4x128xi32, #tpu.memory_space<vmem>>, vector<1x1x16xi32>,
    %get3A_965 = arith.constant 0 : i32
    %get3A_966 = arith.index_cast %get3A_965 : i32 to index
    %get3A_967 = arith.constant 80 : index
    %get3A_968 = tpu.vector_load %arg7[%get3A_966, %get3A_967] {strides = array<i32>} : memref<4x128xi32, #tpu.memory_space<vmem>>, vector<1x16xi32>,
    %get3A_969 = vector.shape_cast %get3A_968 : vector<1x16xi32> to vector<16xi32>
    %add3A_970 = vector.broadcast %mul3A_889 : i32 to vector<16xi32>
    %add3A_971 = arith.addi %get3A_969, %add3A_970 : vector<16xi32>
    %swap3A_972 = arith.constant 1 : i32
    %swap3A_973 = arith.constant 0 : i32
    %swap3A_974 = arith.index_cast %swap3A_972 : i32 to index
    %swap3A_975 = arith.index_cast %swap3A_973 : i32 to index
    %swap3A_976 = arith.constant 80 : index
    %swap3A_977 = tpu.vector_load %arg8[%swap3A_974, %swap3A_975, %swap3A_976] {strides = array<i32>} : memref<2x4x128xi32, #tpu.memory_space<vmem>>, vector<1x1x16xi32>,
    %swap3A_978 = vector.shape_cast %swap3A_977 : vector<1x1x16xi32> to vector<16xi32>
    %swap3A_979 = vector.shape_cast %add3A_971 : vector<16xi32> to vector<1x1x16xi32>
    tpu.vector_store %arg8[%swap3A_974, %swap3A_975, %swap3A_976], %swap3A_979 {strides = array<i32>} : memref<2x4x128xi32, #tpu.memory_space<vmem>>, vector<1x1x16xi32>,
    %get3A_980 = arith.constant 0 : i32
    %get3A_981 = arith.index_cast %get3A_980 : i32 to index
    %get3A_982 = arith.constant 96 : index
    %get3A_983 = tpu.vector_load %arg7[%get3A_981, %get3A_982] {strides = array<i32>} : memref<4x128xi32, #tpu.memory_space<vmem>>, vector<1x16xi32>,
    %get3A_984 = vector.shape_cast %get3A_983 : vector<1x16xi32> to vector<16xi32>
    %add3A_985 = vector.broadcast %mul3A_889 : i32 to vector<16xi32>
    %add3A_986 = arith.addi %get3A_984, %add3A_985 : vector<16xi32>
    %swap3A_987 = arith.constant 1 : i32
    %swap3A_988 = arith.constant 0 : i32
    %swap3A_989 = arith.index_cast %swap3A_987 : i32 to index
    %swap3A_990 = arith.index_cast %swap3A_988 : i32 to index
    %swap3A_991 = arith.constant 96 : index
    %swap3A_992 = tpu.vector_load %arg8[%swap3A_989, %swap3A_990, %swap3A_991] {strides = array<i32>} : memref<2x4x128xi32, #tpu.memory_space<vmem>>, vector<1x1x16xi32>,
    %swap3A_993 = vector.shape_cast %swap3A_992 : vector<1x1x16xi32> to vector<16xi32>
    %swap3A_994 = vector.shape_cast %add3A_986 : vector<16xi32> to vector<1x1x16xi32>
    tpu.vector_store %arg8[%swap3A_989, %swap3A_990, %swap3A_991], %swap3A_994 {strides = array<i32>} : memref<2x4x128xi32, #tpu.memory_space<vmem>>, vector<1x1x16xi32>,
    %get3A_995 = arith.constant 0 : i32
    %get3A_996 = arith.index_cast %get3A_995 : i32 to index
    %get3A_997 = arith.constant 112 : index
    %get3A_998 = tpu.vector_load %arg7[%get3A_996, %get3A_997] {strides = array<i32>} : memref<4x128xi32, #tpu.memory_space<vmem>>, vector<1x16xi32>,
    %get3A_999 = vector.shape_cast %get3A_998 : vector<1x16xi32> to vector<16xi32>
    %add3A_1000 = vector.broadcast %mul3A_889 : i32 to vector<16xi32>
    %add3A_1001 = arith.addi %get3A_999, %add3A_1000 : vector<16xi32>
    %swap3A_1002 = arith.constant 1 : i32
    %swap3A_1003 = arith.constant 0 : i32
    %swap3A_1004 = arith.index_cast %swap3A_1002 : i32 to index
    %swap3A_1005 = arith.index_cast %swap3A_1003 : i32 to index
    %swap3A_1006 = arith.constant 112 : index
    %swap3A_1007 = tpu.vector_load %arg8[%swap3A_1004, %swap3A_1005, %swap3A_1006] {strides = array<i32>} : memref<2x4x128xi32, #tpu.memory_space<vmem>>, vector<1x1x16xi32>,
    %swap3A_1008 = vector.shape_cast %swap3A_1007 : vector<1x1x16xi32> to vector<16xi32>
    %swap3A_1009 = vector.shape_cast %add3A_1001 : vector<16xi32> to vector<1x1x16xi32>
    tpu.vector_store %arg8[%swap3A_1004, %swap3A_1005, %swap3A_1006], %swap3A_1009 {strides = array<i32>} : memref<2x4x128xi32, #tpu.memory_space<vmem>>, vector<1x1x16xi32>,
    %get3A_1010 = arith.constant 1 : i32
    %get3A_1011 = arith.index_cast %get3A_1010 : i32 to index
    %get3A_1012 = arith.constant 0 : index
    %get3A_1013 = tpu.vector_load %arg7[%get3A_1011, %get3A_1012] {strides = array<i32>} : memref<4x128xi32, #tpu.memory_space<vmem>>, vector<1x16xi32>,
    %get3A_1014 = vector.shape_cast %get3A_1013 : vector<1x16xi32> to vector<16xi32>
    %add3A_1015 = vector.broadcast %mul3A_889 : i32 to vector<16xi32>
    %add3A_1016 = arith.addi %get3A_1014, %add3A_1015 : vector<16xi32>
    %swap3A_1017 = arith.constant 1 : i32
    %swap3A_1018 = arith.constant 1 : i32
    %swap3A_1019 = arith.index_cast %swap3A_1017 : i32 to index
    %swap3A_1020 = arith.index_cast %swap3A_1018 : i32 to index
    %swap3A_1021 = arith.constant 0 : index
    %swap3A_1022 = tpu.vector_load %arg8[%swap3A_1019, %swap3A_1020, %swap3A_1021] {strides = array<i32>} : memref<2x4x128xi32, #tpu.memory_space<vmem>>, vector<1x1x16xi32>,
    %swap3A_1023 = vector.shape_cast %swap3A_1022 : vector<1x1x16xi32> to vector<16xi32>
    %swap3A_1024 = vector.shape_cast %add3A_1016 : vector<16xi32> to vector<1x1x16xi32>
    tpu.vector_store %arg8[%swap3A_1019, %swap3A_1020, %swap3A_1021], %swap3A_1024 {strides = array<i32>} : memref<2x4x128xi32, #tpu.memory_space<vmem>>, vector<1x1x16xi32>,
    %get3A_1025 = arith.constant 1 : i32
    %get3A_1026 = arith.index_cast %get3A_1025 : i32 to index
    %get3A_1027 = arith.constant 16 : index
    %get3A_1028 = tpu.vector_load %arg7[%get3A_1026, %get3A_1027] {strides = array<i32>} : memref<4x128xi32, #tpu.memory_space<vmem>>, vector<1x16xi32>,
    %get3A_1029 = vector.shape_cast %get3A_1028 : vector<1x16xi32> to vector<16xi32>
    %add3A_1030 = vector.broadcast %mul3A_889 : i32 to vector<16xi32>
    %add3A_1031 = arith.addi %get3A_1029, %add3A_1030 : vector<16xi32>
    %swap3A_1032 = arith.constant 1 : i32
    %swap3A_1033 = arith.constant 1 : i32
    %swap3A_1034 = arith.index_cast %swap3A_1032 : i32 to index
    %swap3A_1035 = arith.index_cast %swap3A_1033 : i32 to index
    %swap3A_1036 = arith.constant 16 : index
    %swap3A_1037 = tpu.vector_load %arg8[%swap3A_1034, %swap3A_1035, %swap3A_1036] {strides = array<i32>} : memref<2x4x128xi32, #tpu.memory_space<vmem>>, vector<1x1x16xi32>,
    %swap3A_1038 = vector.shape_cast %swap3A_1037 : vector<1x1x16xi32> to vector<16xi32>
    %swap3A_1039 = vector.shape_cast %add3A_1031 : vector<16xi32> to vector<1x1x16xi32>
    tpu.vector_store %arg8[%swap3A_1034, %swap3A_1035, %swap3A_1036], %swap3A_1039 {strides = array<i32>} : memref<2x4x128xi32, #tpu.memory_space<vmem>>, vector<1x1x16xi32>,
    %get3A_1040 = arith.constant 1 : i32
    %get3A_1041 = arith.index_cast %get3A_1040 : i32 to index
    %get3A_1042 = arith.constant 32 : index
    %get3A_1043 = tpu.vector_load %arg7[%get3A_1041, %get3A_1042] {strides = array<i32>} : memref<4x128xi32, #tpu.memory_space<vmem>>, vector<1x16xi32>,
    %get3A_1044 = vector.shape_cast %get3A_1043 : vector<1x16xi32> to vector<16xi32>
    %add3A_1045 = vector.broadcast %mul3A_889 : i32 to vector<16xi32>
    %add3A_1046 = arith.addi %get3A_1044, %add3A_1045 : vector<16xi32>
    %swap3A_1047 = arith.constant 1 : i32
    %swap3A_1048 = arith.constant 1 : i32
    %swap3A_1049 = arith.index_cast %swap3A_1047 : i32 to index
    %swap3A_1050 = arith.index_cast %swap3A_1048 : i32 to index
    %swap3A_1051 = arith.constant 32 : index
    %swap3A_1052 = tpu.vector_load %arg8[%swap3A_1049, %swap3A_1050, %swap3A_1051] {strides = array<i32>} : memref<2x4x128xi32, #tpu.memory_space<vmem>>, vector<1x1x16xi32>,
    %swap3A_1053 = vector.shape_cast %swap3A_1052 : vector<1x1x16xi32> to vector<16xi32>
    %swap3A_1054 = vector.shape_cast %add3A_1046 : vector<16xi32> to vector<1x1x16xi32>
    tpu.vector_store %arg8[%swap3A_1049, %swap3A_1050, %swap3A_1051], %swap3A_1054 {strides = array<i32>} : memref<2x4x128xi32, #tpu.memory_space<vmem>>, vector<1x1x16xi32>,
    %get3A_1055 = arith.constant 1 : i32
    %get3A_1056 = arith.index_cast %get3A_1055 : i32 to index
    %get3A_1057 = arith.constant 48 : index
    %get3A_1058 = tpu.vector_load %arg7[%get3A_1056, %get3A_1057] {strides = array<i32>} : memref<4x128xi32, #tpu.memory_space<vmem>>, vector<1x16xi32>,
    %get3A_1059 = vector.shape_cast %get3A_1058 : vector<1x16xi32> to vector<16xi32>
    %add3A_1060 = vector.broadcast %mul3A_889 : i32 to vector<16xi32>
    %add3A_1061 = arith.addi %get3A_1059, %add3A_1060 : vector<16xi32>
    %swap3A_1062 = arith.constant 1 : i32
    %swap3A_1063 = arith.constant 1 : i32
    %swap3A_1064 = arith.index_cast %swap3A_1062 : i32 to index
    %swap3A_1065 = arith.index_cast %swap3A_1063 : i32 to index
    %swap3A_1066 = arith.constant 48 : index
    %swap3A_1067 = tpu.vector_load %arg8[%swap3A_1064, %swap3A_1065, %swap3A_1066] {strides = array<i32>} : memref<2x4x128xi32, #tpu.memory_space<vmem>>, vector<1x1x16xi32>,
    %swap3A_1068 = vector.shape_cast %swap3A_1067 : vector<1x1x16xi32> to vector<16xi32>
    %swap3A_1069 = vector.shape_cast %add3A_1061 : vector<16xi32> to vector<1x1x16xi32>
    tpu.vector_store %arg8[%swap3A_1064, %swap3A_1065, %swap3A_1066], %swap3A_1069 {strides = array<i32>} : memref<2x4x128xi32, #tpu.memory_space<vmem>>, vector<1x1x16xi32>,
    %get3A_1070 = arith.constant 1 : i32
    %get3A_1071 = arith.index_cast %get3A_1070 : i32 to index
    %get3A_1072 = arith.constant 64 : index
    %get3A_1073 = tpu.vector_load %arg7[%get3A_1071, %get3A_1072] {strides = array<i32>} : memref<4x128xi32, #tpu.memory_space<vmem>>, vector<1x16xi32>,
    %get3A_1074 = vector.shape_cast %get3A_1073 : vector<1x16xi32> to vector<16xi32>
    %add3A_1075 = vector.broadcast %mul3A_889 : i32 to vector<16xi32>
    %add3A_1076 = arith.addi %get3A_1074, %add3A_1075 : vector<16xi32>
    %swap3A_1077 = arith.constant 1 : i32
    %swap3A_1078 = arith.constant 1 : i32
    %swap3A_1079 = arith.index_cast %swap3A_1077 : i32 to index
    %swap3A_1080 = arith.index_cast %swap3A_1078 : i32 to index
    %swap3A_1081 = arith.constant 64 : index
    %swap3A_1082 = tpu.vector_load %arg8[%swap3A_1079, %swap3A_1080, %swap3A_1081] {strides = array<i32>} : memref<2x4x128xi32, #tpu.memory_space<vmem>>, vector<1x1x16xi32>,
    %swap3A_1083 = vector.shape_cast %swap3A_1082 : vector<1x1x16xi32> to vector<16xi32>
    %swap3A_1084 = vector.shape_cast %add3A_1076 : vector<16xi32> to vector<1x1x16xi32>
    tpu.vector_store %arg8[%swap3A_1079, %swap3A_1080, %swap3A_1081], %swap3A_1084 {strides = array<i32>} : memref<2x4x128xi32, #tpu.memory_space<vmem>>, vector<1x1x16xi32>,
    %get3A_1085 = arith.constant 1 : i32
    %get3A_1086 = arith.index_cast %get3A_1085 : i32 to index
    %get3A_1087 = arith.constant 80 : index
    %get3A_1088 = tpu.vector_load %arg7[%get3A_1086, %get3A_1087] {strides = array<i32>} : memref<4x128xi32, #tpu.memory_space<vmem>>, vector<1x16xi32>,
    %get3A_1089 = vector.shape_cast %get3A_1088 : vector<1x16xi32> to vector<16xi32>
    %add3A_1090 = vector.broadcast %mul3A_889 : i32 to vector<16xi32>
    %add3A_1091 = arith.addi %get3A_1089, %add3A_1090 : vector<16xi32>
    %swap3A_1092 = arith.constant 1 : i32
    %swap3A_1093 = arith.constant 1 : i32
    %swap3A_1094 = arith.index_cast %swap3A_1092 : i32 to index
    %swap3A_1095 = arith.index_cast %swap3A_1093 : i32 to index
    %swap3A_1096 = arith.constant 80 : index
    %swap3A_1097 = tpu.vector_load %arg8[%swap3A_1094, %swap3A_1095, %swap3A_1096] {strides = array<i32>} : memref<2x4x128xi32, #tpu.memory_space<vmem>>, vector<1x1x16xi32>,
    %swap3A_1098 = vector.shape_cast %swap3A_1097 : vector<1x1x16xi32> to vector<16xi32>
    %swap3A_1099 = vector.shape_cast %add3A_1091 : vector<16xi32> to vector<1x1x16xi32>
    tpu.vector_store %arg8[%swap3A_1094, %swap3A_1095, %swap3A_1096], %swap3A_1099 {strides = array<i32>} : memref<2x4x128xi32, #tpu.memory_space<vmem>>, vector<1x1x16xi32>,
    %get3A_1100 = arith.constant 1 : i32
    %get3A_1101 = arith.index_cast %get3A_1100 : i32 to index
    %get3A_1102 = arith.constant 96 : index
    %get3A_1103 = tpu.vector_load %arg7[%get3A_1101, %get3A_1102] {strides = array<i32>} : memref<4x128xi32, #tpu.memory_space<vmem>>, vector<1x16xi32>,
    %get3A_1104 = vector.shape_cast %get3A_1103 : vector<1x16xi32> to vector<16xi32>
    %add3A_1105 = vector.broadcast %mul3A_889 : i32 to vector<16xi32>
    %add3A_1106 = arith.addi %get3A_1104, %add3A_1105 : vector<16xi32>
    %swap3A_1107 = arith.constant 1 : i32
    %swap3A_1108 = arith.constant 1 : i32
    %swap3A_1109 = arith.index_cast %swap3A_1107 : i32 to index
    %swap3A_1110 = arith.index_cast %swap3A_1108 : i32 to index
    %swap3A_1111 = arith.constant 96 : index
    %swap3A_1112 = tpu.vector_load %arg8[%swap3A_1109, %swap3A_1110, %swap3A_1111] {strides = array<i32>} : memref<2x4x128xi32, #tpu.memory_space<vmem>>, vector<1x1x16xi32>,
    %swap3A_1113 = vector.shape_cast %swap3A_1112 : vector<1x1x16xi32> to vector<16xi32>
    %swap3A_1114 = vector.shape_cast %add3A_1106 : vector<16xi32> to vector<1x1x16xi32>
    tpu.vector_store %arg8[%swap3A_1109, %swap3A_1110, %swap3A_1111], %swap3A_1114 {strides = array<i32>} : memref<2x4x128xi32, #tpu.memory_space<vmem>>, vector<1x1x16xi32>,
    %get3A_1115 = arith.constant 1 : i32
    %get3A_1116 = arith.index_cast %get3A_1115 : i32 to index
    %get3A_1117 = arith.constant 112 : index
    %get3A_1118 = tpu.vector_load %arg7[%get3A_1116, %get3A_1117] {strides = array<i32>} : memref<4x128xi32, #tpu.memory_space<vmem>>, vector<1x16xi32>,
    %get3A_1119 = vector.shape_cast %get3A_1118 : vector<1x16xi32> to vector<16xi32>
    %add3A_1120 = vector.broadcast %mul3A_889 : i32 to vector<16xi32>
    %add3A_1121 = arith.addi %get3A_1119, %add3A_1120 : vector<16xi32>
    %swap3A_1122 = arith.constant 1 : i32
    %swap3A_1123 = arith.constant 1 : i32
    %swap3A_1124 = arith.index_cast %swap3A_1122 : i32 to index
    %swap3A_1125 = arith.index_cast %swap3A_1123 : i32 to index
    %swap3A_1126 = arith.constant 112 : index
    %swap3A_1127 = tpu.vector_load %arg8[%swap3A_1124, %swap3A_1125, %swap3A_1126] {strides = array<i32>} : memref<2x4x128xi32, #tpu.memory_space<vmem>>, vector<1x1x16xi32>,
    %swap3A_1128 = vector.shape_cast %swap3A_1127 : vector<1x1x16xi32> to vector<16xi32>
    %swap3A_1129 = vector.shape_cast %add3A_1121 : vector<16xi32> to vector<1x1x16xi32>
    tpu.vector_store %arg8[%swap3A_1124, %swap3A_1125, %swap3A_1126], %swap3A_1129 {strides = array<i32>} : memref<2x4x128xi32, #tpu.memory_space<vmem>>, vector<1x1x16xi32>,
    %get3A_1130 = arith.constant 2 : i32
    %get3A_1131 = arith.index_cast %get3A_1130 : i32 to index
    %get3A_1132 = arith.constant 0 : index
    %get3A_1133 = tpu.vector_load %arg7[%get3A_1131, %get3A_1132] {strides = array<i32>} : memref<4x128xi32, #tpu.memory_space<vmem>>, vector<1x16xi32>,
    %get3A_1134 = vector.shape_cast %get3A_1133 : vector<1x16xi32> to vector<16xi32>
    %add3A_1135 = vector.broadcast %mul3A_889 : i32 to vector<16xi32>
    %add3A_1136 = arith.addi %get3A_1134, %add3A_1135 : vector<16xi32>
    %swap3A_1137 = arith.constant 1 : i32
    %swap3A_1138 = arith.constant 2 : i32
    %swap3A_1139 = arith.index_cast %swap3A_1137 : i32 to index
    %swap3A_1140 = arith.index_cast %swap3A_1138 : i32 to index
    %swap3A_1141 = arith.constant 0 : index
    %swap3A_1142 = tpu.vector_load %arg8[%swap3A_1139, %swap3A_1140, %swap3A_1141] {strides = array<i32>} : memref<2x4x128xi32, #tpu.memory_space<vmem>>, vector<1x1x16xi32>,
    %swap3A_1143 = vector.shape_cast %swap3A_1142 : vector<1x1x16xi32> to vector<16xi32>
    %swap3A_1144 = vector.shape_cast %add3A_1136 : vector<16xi32> to vector<1x1x16xi32>
    tpu.vector_store %arg8[%swap3A_1139, %swap3A_1140, %swap3A_1141], %swap3A_1144 {strides = array<i32>} : memref<2x4x128xi32, #tpu.memory_space<vmem>>, vector<1x1x16xi32>,
    %get3A_1145 = arith.constant 2 : i32
    %get3A_1146 = arith.index_cast %get3A_1145 : i32 to index
    %get3A_1147 = arith.constant 16 : index
    %get3A_1148 = tpu.vector_load %arg7[%get3A_1146, %get3A_1147] {strides = array<i32>} : memref<4x128xi32, #tpu.memory_space<vmem>>, vector<1x16xi32>,
    %get3A_1149 = vector.shape_cast %get3A_1148 : vector<1x16xi32> to vector<16xi32>
    %add3A_1150 = vector.broadcast %mul3A_889 : i32 to vector<16xi32>
    %add3A_1151 = arith.addi %get3A_1149, %add3A_1150 : vector<16xi32>
    %swap3A_1152 = arith.constant 1 : i32
    %swap3A_1153 = arith.constant 2 : i32
    %swap3A_1154 = arith.index_cast %swap3A_1152 : i32 to index
    %swap3A_1155 = arith.index_cast %swap3A_1153 : i32 to index
    %swap3A_1156 = arith.constant 16 : index
    %swap3A_1157 = tpu.vector_load %arg8[%swap3A_1154, %swap3A_1155, %swap3A_1156] {strides = array<i32>} : memref<2x4x128xi32, #tpu.memory_space<vmem>>, vector<1x1x16xi32>,
    %swap3A_1158 = vector.shape_cast %swap3A_1157 : vector<1x1x16xi32> to vector<16xi32>
    %swap3A_1159 = vector.shape_cast %add3A_1151 : vector<16xi32> to vector<1x1x16xi32>
    tpu.vector_store %arg8[%swap3A_1154, %swap3A_1155, %swap3A_1156], %swap3A_1159 {strides = array<i32>} : memref<2x4x128xi32, #tpu.memory_space<vmem>>, vector<1x1x16xi32>,
    %get3A_1160 = arith.constant 2 : i32
    %get3A_1161 = arith.index_cast %get3A_1160 : i32 to index
    %get3A_1162 = arith.constant 32 : index
    %get3A_1163 = tpu.vector_load %arg7[%get3A_1161, %get3A_1162] {strides = array<i32>} : memref<4x128xi32, #tpu.memory_space<vmem>>, vector<1x16xi32>,
    %get3A_1164 = vector.shape_cast %get3A_1163 : vector<1x16xi32> to vector<16xi32>
    %add3A_1165 = vector.broadcast %mul3A_889 : i32 to vector<16xi32>
    %add3A_1166 = arith.addi %get3A_1164, %add3A_1165 : vector<16xi32>
    %swap3A_1167 = arith.constant 1 : i32
    %swap3A_1168 = arith.constant 2 : i32
    %swap3A_1169 = arith.index_cast %swap3A_1167 : i32 to index
    %swap3A_1170 = arith.index_cast %swap3A_1168 : i32 to index
    %swap3A_1171 = arith.constant 32 : index
    %swap3A_1172 = tpu.vector_load %arg8[%swap3A_1169, %swap3A_1170, %swap3A_1171] {strides = array<i32>} : memref<2x4x128xi32, #tpu.memory_space<vmem>>, vector<1x1x16xi32>,
    %swap3A_1173 = vector.shape_cast %swap3A_1172 : vector<1x1x16xi32> to vector<16xi32>
    %swap3A_1174 = vector.shape_cast %add3A_1166 : vector<16xi32> to vector<1x1x16xi32>
    tpu.vector_store %arg8[%swap3A_1169, %swap3A_1170, %swap3A_1171], %swap3A_1174 {strides = array<i32>} : memref<2x4x128xi32, #tpu.memory_space<vmem>>, vector<1x1x16xi32>,
    %get3A_1175 = arith.constant 2 : i32
    %get3A_1176 = arith.index_cast %get3A_1175 : i32 to index
    %get3A_1177 = arith.constant 48 : index
    %get3A_1178 = tpu.vector_load %arg7[%get3A_1176, %get3A_1177] {strides = array<i32>} : memref<4x128xi32, #tpu.memory_space<vmem>>, vector<1x16xi32>,
    %get3A_1179 = vector.shape_cast %get3A_1178 : vector<1x16xi32> to vector<16xi32>
    %add3A_1180 = vector.broadcast %mul3A_889 : i32 to vector<16xi32>
    %add3A_1181 = arith.addi %get3A_1179, %add3A_1180 : vector<16xi32>
    %swap3A_1182 = arith.constant 1 : i32
    %swap3A_1183 = arith.constant 2 : i32
    %swap3A_1184 = arith.index_cast %swap3A_1182 : i32 to index
    %swap3A_1185 = arith.index_cast %swap3A_1183 : i32 to index
    %swap3A_1186 = arith.constant 48 : index
    %swap3A_1187 = tpu.vector_load %arg8[%swap3A_1184, %swap3A_1185, %swap3A_1186] {strides = array<i32>} : memref<2x4x128xi32, #tpu.memory_space<vmem>>, vector<1x1x16xi32>,
    %swap3A_1188 = vector.shape_cast %swap3A_1187 : vector<1x1x16xi32> to vector<16xi32>
    %swap3A_1189 = vector.shape_cast %add3A_1181 : vector<16xi32> to vector<1x1x16xi32>
    tpu.vector_store %arg8[%swap3A_1184, %swap3A_1185, %swap3A_1186], %swap3A_1189 {strides = array<i32>} : memref<2x4x128xi32, #tpu.memory_space<vmem>>, vector<1x1x16xi32>,
    %get3A_1190 = arith.constant 2 : i32
    %get3A_1191 = arith.index_cast %get3A_1190 : i32 to index
    %get3A_1192 = arith.constant 64 : index
    %get3A_1193 = tpu.vector_load %arg7[%get3A_1191, %get3A_1192] {strides = array<i32>} : memref<4x128xi32, #tpu.memory_space<vmem>>, vector<1x16xi32>,
    %get3A_1194 = vector.shape_cast %get3A_1193 : vector<1x16xi32> to vector<16xi32>
    %add3A_1195 = vector.broadcast %mul3A_889 : i32 to vector<16xi32>
    %add3A_1196 = arith.addi %get3A_1194, %add3A_1195 : vector<16xi32>
    %swap3A_1197 = arith.constant 1 : i32
    %swap3A_1198 = arith.constant 2 : i32
    %swap3A_1199 = arith.index_cast %swap3A_1197 : i32 to index
    %swap3A_1200 = arith.index_cast %swap3A_1198 : i32 to index
    %swap3A_1201 = arith.constant 64 : index
    %swap3A_1202 = tpu.vector_load %arg8[%swap3A_1199, %swap3A_1200, %swap3A_1201] {strides = array<i32>} : memref<2x4x128xi32, #tpu.memory_space<vmem>>, vector<1x1x16xi32>,
    %swap3A_1203 = vector.shape_cast %swap3A_1202 : vector<1x1x16xi32> to vector<16xi32>
    %swap3A_1204 = vector.shape_cast %add3A_1196 : vector<16xi32> to vector<1x1x16xi32>
    tpu.vector_store %arg8[%swap3A_1199, %swap3A_1200, %swap3A_1201], %swap3A_1204 {strides = array<i32>} : memref<2x4x128xi32, #tpu.memory_space<vmem>>, vector<1x1x16xi32>,
    %get3A_1205 = arith.constant 2 : i32
    %get3A_1206 = arith.index_cast %get3A_1205 : i32 to index
    %get3A_1207 = arith.constant 80 : index
    %get3A_1208 = tpu.vector_load %arg7[%get3A_1206, %get3A_1207] {strides = array<i32>} : memref<4x128xi32, #tpu.memory_space<vmem>>, vector<1x16xi32>,
    %get3A_1209 = vector.shape_cast %get3A_1208 : vector<1x16xi32> to vector<16xi32>
    %add3A_1210 = vector.broadcast %mul3A_889 : i32 to vector<16xi32>
    %add3A_1211 = arith.addi %get3A_1209, %add3A_1210 : vector<16xi32>
    %swap3A_1212 = arith.constant 1 : i32
    %swap3A_1213 = arith.constant 2 : i32
    %swap3A_1214 = arith.index_cast %swap3A_1212 : i32 to index
    %swap3A_1215 = arith.index_cast %swap3A_1213 : i32 to index
    %swap3A_1216 = arith.constant 80 : index
    %swap3A_1217 = tpu.vector_load %arg8[%swap3A_1214, %swap3A_1215, %swap3A_1216] {strides = array<i32>} : memref<2x4x128xi32, #tpu.memory_space<vmem>>, vector<1x1x16xi32>,
    %swap3A_1218 = vector.shape_cast %swap3A_1217 : vector<1x1x16xi32> to vector<16xi32>
    %swap3A_1219 = vector.shape_cast %add3A_1211 : vector<16xi32> to vector<1x1x16xi32>
    tpu.vector_store %arg8[%swap3A_1214, %swap3A_1215, %swap3A_1216], %swap3A_1219 {strides = array<i32>} : memref<2x4x128xi32, #tpu.memory_space<vmem>>, vector<1x1x16xi32>,
    %get3A_1220 = arith.constant 2 : i32
    %get3A_1221 = arith.index_cast %get3A_1220 : i32 to index
    %get3A_1222 = arith.constant 96 : index
    %get3A_1223 = tpu.vector_load %arg7[%get3A_1221, %get3A_1222] {strides = array<i32>} : memref<4x128xi32, #tpu.memory_space<vmem>>, vector<1x16xi32>,
    %get3A_1224 = vector.shape_cast %get3A_1223 : vector<1x16xi32> to vector<16xi32>
    %add3A_1225 = vector.broadcast %mul3A_889 : i32 to vector<16xi32>
    %add3A_1226 = arith.addi %get3A_1224, %add3A_1225 : vector<16xi32>
    %swap3A_1227 = arith.constant 1 : i32
    %swap3A_1228 = arith.constant 2 : i32
    %swap3A_1229 = arith.index_cast %swap3A_1227 : i32 to index
    %swap3A_1230 = arith.index_cast %swap3A_1228 : i32 to index
    %swap3A_1231 = arith.constant 96 : index
    %swap3A_1232 = tpu.vector_load %arg8[%swap3A_1229, %swap3A_1230, %swap3A_1231] {strides = array<i32>} : memref<2x4x128xi32, #tpu.memory_space<vmem>>, vector<1x1x16xi32>,
    %swap3A_1233 = vector.shape_cast %swap3A_1232 : vector<1x1x16xi32> to vector<16xi32>
    %swap3A_1234 = vector.shape_cast %add3A_1226 : vector<16xi32> to vector<1x1x16xi32>
    tpu.vector_store %arg8[%swap3A_1229, %swap3A_1230, %swap3A_1231], %swap3A_1234 {strides = array<i32>} : memref<2x4x128xi32, #tpu.memory_space<vmem>>, vector<1x1x16xi32>,
    %get3A_1235 = arith.constant 2 : i32
    %get3A_1236 = arith.index_cast %get3A_1235 : i32 to index
    %get3A_1237 = arith.constant 112 : index
    %get3A_1238 = tpu.vector_load %arg7[%get3A_1236, %get3A_1237] {strides = array<i32>} : memref<4x128xi32, #tpu.memory_space<vmem>>, vector<1x16xi32>,
    %get3A_1239 = vector.shape_cast %get3A_1238 : vector<1x16xi32> to vector<16xi32>
    %add3A_1240 = vector.broadcast %mul3A_889 : i32 to vector<16xi32>
    %add3A_1241 = arith.addi %get3A_1239, %add3A_1240 : vector<16xi32>
    %swap3A_1242 = arith.constant 1 : i32
    %swap3A_1243 = arith.constant 2 : i32
    %swap3A_1244 = arith.index_cast %swap3A_1242 : i32 to index
    %swap3A_1245 = arith.index_cast %swap3A_1243 : i32 to index
    %swap3A_1246 = arith.constant 112 : index
    %swap3A_1247 = tpu.vector_load %arg8[%swap3A_1244, %swap3A_1245, %swap3A_1246] {strides = array<i32>} : memref<2x4x128xi32, #tpu.memory_space<vmem>>, vector<1x1x16xi32>,
    %swap3A_1248 = vector.shape_cast %swap3A_1247 : vector<1x1x16xi32> to vector<16xi32>
    %swap3A_1249 = vector.shape_cast %add3A_1241 : vector<16xi32> to vector<1x1x16xi32>
    tpu.vector_store %arg8[%swap3A_1244, %swap3A_1245, %swap3A_1246], %swap3A_1249 {strides = array<i32>} : memref<2x4x128xi32, #tpu.memory_space<vmem>>, vector<1x1x16xi32>,
    %get3A_1250 = arith.constant 3 : i32
    %get3A_1251 = arith.index_cast %get3A_1250 : i32 to index
    %get3A_1252 = arith.constant 0 : index
    %get3A_1253 = tpu.vector_load %arg7[%get3A_1251, %get3A_1252] {strides = array<i32>} : memref<4x128xi32, #tpu.memory_space<vmem>>, vector<1x16xi32>,
    %get3A_1254 = vector.shape_cast %get3A_1253 : vector<1x16xi32> to vector<16xi32>
    %add3A_1255 = vector.broadcast %mul3A_889 : i32 to vector<16xi32>
    %add3A_1256 = arith.addi %get3A_1254, %add3A_1255 : vector<16xi32>
    %swap3A_1257 = arith.constant 1 : i32
    %swap3A_1258 = arith.constant 3 : i32
    %swap3A_1259 = arith.index_cast %swap3A_1257 : i32 to index
    %swap3A_1260 = arith.index_cast %swap3A_1258 : i32 to index
    %swap3A_1261 = arith.constant 0 : index
    %swap3A_1262 = tpu.vector_load %arg8[%swap3A_1259, %swap3A_1260, %swap3A_1261] {strides = array<i32>} : memref<2x4x128xi32, #tpu.memory_space<vmem>>, vector<1x1x16xi32>,
    %swap3A_1263 = vector.shape_cast %swap3A_1262 : vector<1x1x16xi32> to vector<16xi32>
    %swap3A_1264 = vector.shape_cast %add3A_1256 : vector<16xi32> to vector<1x1x16xi32>
    tpu.vector_store %arg8[%swap3A_1259, %swap3A_1260, %swap3A_1261], %swap3A_1264 {strides = array<i32>} : memref<2x4x128xi32, #tpu.memory_space<vmem>>, vector<1x1x16xi32>,
    %get3A_1265 = arith.constant 3 : i32
    %get3A_1266 = arith.index_cast %get3A_1265 : i32 to index
    %get3A_1267 = arith.constant 16 : index
    %get3A_1268 = tpu.vector_load %arg7[%get3A_1266, %get3A_1267] {strides = array<i32>} : memref<4x128xi32, #tpu.memory_space<vmem>>, vector<1x16xi32>,
    %get3A_1269 = vector.shape_cast %get3A_1268 : vector<1x16xi32> to vector<16xi32>
    %add3A_1270 = vector.broadcast %mul3A_889 : i32 to vector<16xi32>
    %add3A_1271 = arith.addi %get3A_1269, %add3A_1270 : vector<16xi32>
    %swap3A_1272 = arith.constant 1 : i32
    %swap3A_1273 = arith.constant 3 : i32
    %swap3A_1274 = arith.index_cast %swap3A_1272 : i32 to index
    %swap3A_1275 = arith.index_cast %swap3A_1273 : i32 to index
    %swap3A_1276 = arith.constant 16 : index
    %swap3A_1277 = tpu.vector_load %arg8[%swap3A_1274, %swap3A_1275, %swap3A_1276] {strides = array<i32>} : memref<2x4x128xi32, #tpu.memory_space<vmem>>, vector<1x1x16xi32>,
    %swap3A_1278 = vector.shape_cast %swap3A_1277 : vector<1x1x16xi32> to vector<16xi32>
    %swap3A_1279 = vector.shape_cast %add3A_1271 : vector<16xi32> to vector<1x1x16xi32>
    tpu.vector_store %arg8[%swap3A_1274, %swap3A_1275, %swap3A_1276], %swap3A_1279 {strides = array<i32>} : memref<2x4x128xi32, #tpu.memory_space<vmem>>, vector<1x1x16xi32>,
    %get3A_1280 = arith.constant 3 : i32
    %get3A_1281 = arith.index_cast %get3A_1280 : i32 to index
    %get3A_1282 = arith.constant 32 : index
    %get3A_1283 = tpu.vector_load %arg7[%get3A_1281, %get3A_1282] {strides = array<i32>} : memref<4x128xi32, #tpu.memory_space<vmem>>, vector<1x16xi32>,
    %get3A_1284 = vector.shape_cast %get3A_1283 : vector<1x16xi32> to vector<16xi32>
    %add3A_1285 = vector.broadcast %mul3A_889 : i32 to vector<16xi32>
    %add3A_1286 = arith.addi %get3A_1284, %add3A_1285 : vector<16xi32>
    %swap3A_1287 = arith.constant 1 : i32
    %swap3A_1288 = arith.constant 3 : i32
    %swap3A_1289 = arith.index_cast %swap3A_1287 : i32 to index
    %swap3A_1290 = arith.index_cast %swap3A_1288 : i32 to index
    %swap3A_1291 = arith.constant 32 : index
    %swap3A_1292 = tpu.vector_load %arg8[%swap3A_1289, %swap3A_1290, %swap3A_1291] {strides = array<i32>} : memref<2x4x128xi32, #tpu.memory_space<vmem>>, vector<1x1x16xi32>,
    %swap3A_1293 = vector.shape_cast %swap3A_1292 : vector<1x1x16xi32> to vector<16xi32>
    %swap3A_1294 = vector.shape_cast %add3A_1286 : vector<16xi32> to vector<1x1x16xi32>
    tpu.vector_store %arg8[%swap3A_1289, %swap3A_1290, %swap3A_1291], %swap3A_1294 {strides = array<i32>} : memref<2x4x128xi32, #tpu.memory_space<vmem>>, vector<1x1x16xi32>,
    %get3A_1295 = arith.constant 3 : i32
    %get3A_1296 = arith.index_cast %get3A_1295 : i32 to index
    %get3A_1297 = arith.constant 48 : index
    %get3A_1298 = tpu.vector_load %arg7[%get3A_1296, %get3A_1297] {strides = array<i32>} : memref<4x128xi32, #tpu.memory_space<vmem>>, vector<1x16xi32>,
    %get3A_1299 = vector.shape_cast %get3A_1298 : vector<1x16xi32> to vector<16xi32>
    %add3A_1300 = vector.broadcast %mul3A_889 : i32 to vector<16xi32>
    %add3A_1301 = arith.addi %get3A_1299, %add3A_1300 : vector<16xi32>
    %swap3A_1302 = arith.constant 1 : i32
    %swap3A_1303 = arith.constant 3 : i32
    %swap3A_1304 = arith.index_cast %swap3A_1302 : i32 to index
    %swap3A_1305 = arith.index_cast %swap3A_1303 : i32 to index
    %swap3A_1306 = arith.constant 48 : index
    %swap3A_1307 = tpu.vector_load %arg8[%swap3A_1304, %swap3A_1305, %swap3A_1306] {strides = array<i32>} : memref<2x4x128xi32, #tpu.memory_space<vmem>>, vector<1x1x16xi32>,
    %swap3A_1308 = vector.shape_cast %swap3A_1307 : vector<1x1x16xi32> to vector<16xi32>
    %swap3A_1309 = vector.shape_cast %add3A_1301 : vector<16xi32> to vector<1x1x16xi32>
    tpu.vector_store %arg8[%swap3A_1304, %swap3A_1305, %swap3A_1306], %swap3A_1309 {strides = array<i32>} : memref<2x4x128xi32, #tpu.memory_space<vmem>>, vector<1x1x16xi32>,
    %get3A_1310 = arith.constant 3 : i32
    %get3A_1311 = arith.index_cast %get3A_1310 : i32 to index
    %get3A_1312 = arith.constant 64 : index
    %get3A_1313 = tpu.vector_load %arg7[%get3A_1311, %get3A_1312] {strides = array<i32>} : memref<4x128xi32, #tpu.memory_space<vmem>>, vector<1x16xi32>,
    %get3A_1314 = vector.shape_cast %get3A_1313 : vector<1x16xi32> to vector<16xi32>
    %add3A_1315 = vector.broadcast %mul3A_889 : i32 to vector<16xi32>
    %add3A_1316 = arith.addi %get3A_1314, %add3A_1315 : vector<16xi32>
    %swap3A_1317 = arith.constant 1 : i32
    %swap3A_1318 = arith.constant 3 : i32
    %swap3A_1319 = arith.index_cast %swap3A_1317 : i32 to index
    %swap3A_1320 = arith.index_cast %swap3A_1318 : i32 to index
    %swap3A_1321 = arith.constant 64 : index
    %swap3A_1322 = tpu.vector_load %arg8[%swap3A_1319, %swap3A_1320, %swap3A_1321] {strides = array<i32>} : memref<2x4x128xi32, #tpu.memory_space<vmem>>, vector<1x1x16xi32>,
    %swap3A_1323 = vector.shape_cast %swap3A_1322 : vector<1x1x16xi32> to vector<16xi32>
    %swap3A_1324 = vector.shape_cast %add3A_1316 : vector<16xi32> to vector<1x1x16xi32>
    tpu.vector_store %arg8[%swap3A_1319, %swap3A_1320, %swap3A_1321], %swap3A_1324 {strides = array<i32>} : memref<2x4x128xi32, #tpu.memory_space<vmem>>, vector<1x1x16xi32>,
    %get3A_1325 = arith.constant 3 : i32
    %get3A_1326 = arith.index_cast %get3A_1325 : i32 to index
    %get3A_1327 = arith.constant 80 : index
    %get3A_1328 = tpu.vector_load %arg7[%get3A_1326, %get3A_1327] {strides = array<i32>} : memref<4x128xi32, #tpu.memory_space<vmem>>, vector<1x16xi32>,
    %get3A_1329 = vector.shape_cast %get3A_1328 : vector<1x16xi32> to vector<16xi32>
    %add3A_1330 = vector.broadcast %mul3A_889 : i32 to vector<16xi32>
    %add3A_1331 = arith.addi %get3A_1329, %add3A_1330 : vector<16xi32>
    %swap3A_1332 = arith.constant 1 : i32
    %swap3A_1333 = arith.constant 3 : i32
    %swap3A_1334 = arith.index_cast %swap3A_1332 : i32 to index
    %swap3A_1335 = arith.index_cast %swap3A_1333 : i32 to index
    %swap3A_1336 = arith.constant 80 : index
    %swap3A_1337 = tpu.vector_load %arg8[%swap3A_1334, %swap3A_1335, %swap3A_1336] {strides = array<i32>} : memref<2x4x128xi32, #tpu.memory_space<vmem>>, vector<1x1x16xi32>,
    %swap3A_1338 = vector.shape_cast %swap3A_1337 : vector<1x1x16xi32> to vector<16xi32>
    %swap3A_1339 = vector.shape_cast %add3A_1331 : vector<16xi32> to vector<1x1x16xi32>
    tpu.vector_store %arg8[%swap3A_1334, %swap3A_1335, %swap3A_1336], %swap3A_1339 {strides = array<i32>} : memref<2x4x128xi32, #tpu.memory_space<vmem>>, vector<1x1x16xi32>,
    %get3A_1340 = arith.constant 3 : i32
    %get3A_1341 = arith.index_cast %get3A_1340 : i32 to index
    %get3A_1342 = arith.constant 96 : index
    %get3A_1343 = tpu.vector_load %arg7[%get3A_1341, %get3A_1342] {strides = array<i32>} : memref<4x128xi32, #tpu.memory_space<vmem>>, vector<1x16xi32>,
    %get3A_1344 = vector.shape_cast %get3A_1343 : vector<1x16xi32> to vector<16xi32>
    %add3A_1345 = vector.broadcast %mul3A_889 : i32 to vector<16xi32>
    %add3A_1346 = arith.addi %get3A_1344, %add3A_1345 : vector<16xi32>
    %swap3A_1347 = arith.constant 1 : i32
    %swap3A_1348 = arith.constant 3 : i32
    %swap3A_1349 = arith.index_cast %swap3A_1347 : i32 to index
    %swap3A_1350 = arith.index_cast %swap3A_1348 : i32 to index
    %swap3A_1351 = arith.constant 96 : index
    %swap3A_1352 = tpu.vector_load %arg8[%swap3A_1349, %swap3A_1350, %swap3A_1351] {strides = array<i32>} : memref<2x4x128xi32, #tpu.memory_space<vmem>>, vector<1x1x16xi32>,
    %swap3A_1353 = vector.shape_cast %swap3A_1352 : vector<1x1x16xi32> to vector<16xi32>
    %swap3A_1354 = vector.shape_cast %add3A_1346 : vector<16xi32> to vector<1x1x16xi32>
    tpu.vector_store %arg8[%swap3A_1349, %swap3A_1350, %swap3A_1351], %swap3A_1354 {strides = array<i32>} : memref<2x4x128xi32, #tpu.memory_space<vmem>>, vector<1x1x16xi32>,
    %get3A_1355 = arith.constant 3 : i32
    %get3A_1356 = arith.index_cast %get3A_1355 : i32 to index
    %get3A_1357 = arith.constant 112 : index
    %get3A_1358 = tpu.vector_load %arg7[%get3A_1356, %get3A_1357] {strides = array<i32>} : memref<4x128xi32, #tpu.memory_space<vmem>>, vector<1x16xi32>,
    %get3A_1359 = vector.shape_cast %get3A_1358 : vector<1x16xi32> to vector<16xi32>
    %add3A_1360 = vector.broadcast %mul3A_889 : i32 to vector<16xi32>
    %add3A_1361 = arith.addi %get3A_1359, %add3A_1360 : vector<16xi32>
    %swap3A_1362 = arith.constant 1 : i32
    %swap3A_1363 = arith.constant 3 : i32
    %swap3A_1364 = arith.index_cast %swap3A_1362 : i32 to index
    %swap3A_1365 = arith.index_cast %swap3A_1363 : i32 to index
    %swap3A_1366 = arith.constant 112 : index
    %swap3A_1367 = tpu.vector_load %arg8[%swap3A_1364, %swap3A_1365, %swap3A_1366] {strides = array<i32>} : memref<2x4x128xi32, #tpu.memory_space<vmem>>, vector<1x1x16xi32>,
    %swap3A_1368 = vector.shape_cast %swap3A_1367 : vector<1x1x16xi32> to vector<16xi32>
    %swap3A_1369 = vector.shape_cast %add3A_1361 : vector<16xi32> to vector<1x1x16xi32>
    tpu.vector_store %arg8[%swap3A_1364, %swap3A_1365, %swap3A_1366], %swap3A_1369 {strides = array<i32>} : memref<2x4x128xi32, #tpu.memory_space<vmem>>, vector<1x1x16xi32>,
    %dma_wait3A = arith.constant 0 : i32
    %dma_wait3A_1370 = arith.constant 0 : i32
    %dma_wait3A_1371 = tpu.memref_slice %arg5[%dma_wait3A, %dma_wait3A_1370] : memref<2x512xi32, #tpu.memory_space<vmem>> -> memref<1x512xi32, #tpu.memory_space<vmem>>
    %dma_wait3A_1372 = tpu.memref_squeeze %dma_wait3A_1371 : memref<1x512xi32, #tpu.memory_space<vmem>> -> memref<512xi32, #tpu.memory_space<vmem>>
    %dma_wait3A_1373 = tpu.memref_slice %arg2[%mul3A_2] : memref<819200xi32, #tpu.memory_space<hbm>> -> memref<512xi32, #tpu.memory_space<hbm>>
    %dma_wait3A_1374 = arith.constant 0 : i32
    %dma_wait3A_1375 = tpu.memref_slice %arg5[%dma_wait3A, %dma_wait3A_1374] : memref<2x512xi32, #tpu.memory_space<vmem>> -> memref<1x512xi32, #tpu.memory_space<vmem>>
    %dma_wait3A_1376 = tpu.memref_squeeze %dma_wait3A_1375 : memref<1x512xi32, #tpu.memory_space<vmem>> -> memref<512xi32, #tpu.memory_space<vmem>>
    %dma_wait3A_1377 = tpu.memref_slice %arg2[%mul3A_2] : memref<819200xi32, #tpu.memory_space<hbm>> -> memref<512xi32, #tpu.memory_space<hbm>>
    tpu.wait_dma2 semaphore(%arg9 : memref<!tpu.dma_semaphore, #tpu.memory_space<semaphore_mem>>) src(%dma_wait3A_1377 : memref<512xi32, #tpu.memory_space<hbm>>) dst(%dma_wait3A_1376 : memref<512xi32, #tpu.memory_space<vmem>>)
    %dma_start3A_1378 = arith.constant 0 : i32
    %dma_start3A_1379 = arith.constant 0 : i32
    %dma_start3A_1380 = arith.constant 0 : i32
    %dma_start3A_1381 = arith.constant 0 : i32
    %dma_start3A_1382 = tpu.memref_slice %arg6[%dma_start3A_1379, %dma_start3A_1380, %dma_start3A_1381] : memref<2x512x64xf32, #tpu.memory_space<vmem>> -> memref<1x128x64xf32, #tpu.memory_space<vmem>>
    %dma_start3A_1383 = tpu.memref_squeeze %dma_start3A_1382 : memref<1x128x64xf32, #tpu.memory_space<vmem>> -> memref<128x64xf32, #tpu.memory_space<vmem>>
    %dma_start3A_1384 = arith.constant 0 : i32
    %dma_start3A_1385 = tpu.memref_slice %arg5[%dma_start3A_1378, %dma_start3A_1384] : memref<2x512xi32, #tpu.memory_space<vmem>> -> memref<1x128xi32, #tpu.memory_space<vmem>>
    %dma_start3A_1386 = tpu.memref_squeeze %dma_start3A_1385 : memref<1x128xi32, #tpu.memory_space<vmem>> -> memref<128xi32, #tpu.memory_space<vmem>>
    %dma_start3A_1387 = arith.constant 0 : i32
    %dma_start3A_1388 = arith.constant 0 : i32
    %dma_start3A_1389 = tpu.memref_slice %arg3[%dma_start3A_1387, %dma_start3A_1388] : memref<2000000x64xf32, #tpu.memory_space<hbm>> -> memref<2000000x64xf32, #tpu.memory_space<hbm>>
    tpu.enqueue_indirect_dma source(%dma_start3A_1389 : memref<2000000x64xf32, #tpu.memory_space<hbm>>) target(%dma_start3A_1383 : memref<128x64xf32, #tpu.memory_space<vmem>>) offsets(%dma_start3A_1386 : memref<128xi32, #tpu.memory_space<vmem>>) semaphore(%arg11 : memref<!tpu.dma_semaphore, #tpu.memory_space<semaphore_mem>>)
    %dma_start3A_1390 = arith.constant 0 : i32
    %dma_start3A_1391 = arith.constant 0 : i32
    %dma_start3A_1392 = arith.constant 128 : i32
    %dma_start3A_1393 = arith.constant 0 : i32
    %dma_start3A_1394 = tpu.memref_slice %arg6[%dma_start3A_1391, %dma_start3A_1392, %dma_start3A_1393] : memref<2x512x64xf32, #tpu.memory_space<vmem>> -> memref<1x128x64xf32, #tpu.memory_space<vmem>>
    %dma_start3A_1395 = tpu.memref_squeeze %dma_start3A_1394 : memref<1x128x64xf32, #tpu.memory_space<vmem>> -> memref<128x64xf32, #tpu.memory_space<vmem>>
    %dma_start3A_1396 = arith.constant 128 : i32
    %dma_start3A_1397 = tpu.memref_slice %arg5[%dma_start3A_1390, %dma_start3A_1396] : memref<2x512xi32, #tpu.memory_space<vmem>> -> memref<1x128xi32, #tpu.memory_space<vmem>>
    %dma_start3A_1398 = tpu.memref_squeeze %dma_start3A_1397 : memref<1x128xi32, #tpu.memory_space<vmem>> -> memref<128xi32, #tpu.memory_space<vmem>>
    %dma_start3A_1399 = arith.constant 0 : i32
    %dma_start3A_1400 = arith.constant 0 : i32
    %dma_start3A_1401 = tpu.memref_slice %arg3[%dma_start3A_1399, %dma_start3A_1400] : memref<2000000x64xf32, #tpu.memory_space<hbm>> -> memref<2000000x64xf32, #tpu.memory_space<hbm>>
    tpu.enqueue_indirect_dma source(%dma_start3A_1401 : memref<2000000x64xf32, #tpu.memory_space<hbm>>) target(%dma_start3A_1395 : memref<128x64xf32, #tpu.memory_space<vmem>>) offsets(%dma_start3A_1398 : memref<128xi32, #tpu.memory_space<vmem>>) semaphore(%arg11 : memref<!tpu.dma_semaphore, #tpu.memory_space<semaphore_mem>>)
    %dma_start3A_1402 = arith.constant 0 : i32
    %dma_start3A_1403 = arith.constant 0 : i32
    %dma_start3A_1404 = arith.constant 256 : i32
    %dma_start3A_1405 = arith.constant 0 : i32
    %dma_start3A_1406 = tpu.memref_slice %arg6[%dma_start3A_1403, %dma_start3A_1404, %dma_start3A_1405] : memref<2x512x64xf32, #tpu.memory_space<vmem>> -> memref<1x128x64xf32, #tpu.memory_space<vmem>>
    %dma_start3A_1407 = tpu.memref_squeeze %dma_start3A_1406 : memref<1x128x64xf32, #tpu.memory_space<vmem>> -> memref<128x64xf32, #tpu.memory_space<vmem>>
    %dma_start3A_1408 = arith.constant 256 : i32
    %dma_start3A_1409 = tpu.memref_slice %arg5[%dma_start3A_1402, %dma_start3A_1408] : memref<2x512xi32, #tpu.memory_space<vmem>> -> memref<1x128xi32, #tpu.memory_space<vmem>>
    %dma_start3A_1410 = tpu.memref_squeeze %dma_start3A_1409 : memref<1x128xi32, #tpu.memory_space<vmem>> -> memref<128xi32, #tpu.memory_space<vmem>>
    %dma_start3A_1411 = arith.constant 0 : i32
    %dma_start3A_1412 = arith.constant 0 : i32
    %dma_start3A_1413 = tpu.memref_slice %arg3[%dma_start3A_1411, %dma_start3A_1412] : memref<2000000x64xf32, #tpu.memory_space<hbm>> -> memref<2000000x64xf32, #tpu.memory_space<hbm>>
    tpu.enqueue_indirect_dma source(%dma_start3A_1413 : memref<2000000x64xf32, #tpu.memory_space<hbm>>) target(%dma_start3A_1407 : memref<128x64xf32, #tpu.memory_space<vmem>>) offsets(%dma_start3A_1410 : memref<128xi32, #tpu.memory_space<vmem>>) semaphore(%arg11 : memref<!tpu.dma_semaphore, #tpu.memory_space<semaphore_mem>>)
    %dma_start3A_1414 = arith.constant 0 : i32
    %dma_start3A_1415 = arith.constant 0 : i32
    %dma_start3A_1416 = arith.constant 384 : i32
    %dma_start3A_1417 = arith.constant 0 : i32
    %dma_start3A_1418 = tpu.memref_slice %arg6[%dma_start3A_1415, %dma_start3A_1416, %dma_start3A_1417] : memref<2x512x64xf32, #tpu.memory_space<vmem>> -> memref<1x128x64xf32, #tpu.memory_space<vmem>>
    %dma_start3A_1419 = tpu.memref_squeeze %dma_start3A_1418 : memref<1x128x64xf32, #tpu.memory_space<vmem>> -> memref<128x64xf32, #tpu.memory_space<vmem>>
    %dma_start3A_1420 = arith.constant 384 : i32
    %dma_start3A_1421 = tpu.memref_slice %arg5[%dma_start3A_1414, %dma_start3A_1420] : memref<2x512xi32, #tpu.memory_space<vmem>> -> memref<1x128xi32, #tpu.memory_space<vmem>>
    %dma_start3A_1422 = tpu.memref_squeeze %dma_start3A_1421 : memref<1x128xi32, #tpu.memory_space<vmem>> -> memref<128xi32, #tpu.memory_space<vmem>>
    %dma_start3A_1423 = arith.constant 0 : i32
    %dma_start3A_1424 = arith.constant 0 : i32
    %dma_start3A_1425 = tpu.memref_slice %arg3[%dma_start3A_1423, %dma_start3A_1424] : memref<2000000x64xf32, #tpu.memory_space<hbm>> -> memref<2000000x64xf32, #tpu.memory_space<hbm>>
    tpu.enqueue_indirect_dma source(%dma_start3A_1425 : memref<2000000x64xf32, #tpu.memory_space<hbm>>) target(%dma_start3A_1419 : memref<128x64xf32, #tpu.memory_space<vmem>>) offsets(%dma_start3A_1422 : memref<128xi32, #tpu.memory_space<vmem>>) semaphore(%arg11 : memref<!tpu.dma_semaphore, #tpu.memory_space<semaphore_mem>>)
    %add3A_1426 = arith.constant 512 : i32
    %add3A_1427 = arith.addi %mul3A_2, %add3A_1426 : i32
    %dma_wait3A_1428 = arith.constant 1 : i32
    %dma_wait3A_1429 = arith.constant 0 : i32
    %dma_wait3A_1430 = tpu.memref_slice %arg5[%dma_wait3A_1428, %dma_wait3A_1429] : memref<2x512xi32, #tpu.memory_space<vmem>> -> memref<1x512xi32, #tpu.memory_space<vmem>>
    %dma_wait3A_1431 = tpu.memref_squeeze %dma_wait3A_1430 : memref<1x512xi32, #tpu.memory_space<vmem>> -> memref<512xi32, #tpu.memory_space<vmem>>
    %dma_wait3A_1432 = tpu.memref_slice %arg2[%add3A_1427] : memref<819200xi32, #tpu.memory_space<hbm>> -> memref<512xi32, #tpu.memory_space<hbm>>
    %dma_wait3A_1433 = arith.constant 0 : i32
    %dma_wait3A_1434 = tpu.memref_slice %arg5[%dma_wait3A_1428, %dma_wait3A_1433] : memref<2x512xi32, #tpu.memory_space<vmem>> -> memref<1x512xi32, #tpu.memory_space<vmem>>
    %dma_wait3A_1435 = tpu.memref_squeeze %dma_wait3A_1434 : memref<1x512xi32, #tpu.memory_space<vmem>> -> memref<512xi32, #tpu.memory_space<vmem>>
    %dma_wait3A_1436 = tpu.memref_slice %arg2[%add3A_1427] : memref<819200xi32, #tpu.memory_space<hbm>> -> memref<512xi32, #tpu.memory_space<hbm>>
    tpu.wait_dma2 semaphore(%arg10 : memref<!tpu.dma_semaphore, #tpu.memory_space<semaphore_mem>>) src(%dma_wait3A_1436 : memref<512xi32, #tpu.memory_space<hbm>>) dst(%dma_wait3A_1435 : memref<512xi32, #tpu.memory_space<vmem>>)
    %dma_start3A_1437 = arith.constant 1 : i32
    %dma_start3A_1438 = arith.constant 1 : i32
    %dma_start3A_1439 = arith.constant 0 : i32
    %dma_start3A_1440 = arith.constant 0 : i32
    %dma_start3A_1441 = tpu.memref_slice %arg6[%dma_start3A_1438, %dma_start3A_1439, %dma_start3A_1440] : memref<2x512x64xf32, #tpu.memory_space<vmem>> -> memref<1x128x64xf32, #tpu.memory_space<vmem>>
    %dma_start3A_1442 = tpu.memref_squeeze %dma_start3A_1441 : memref<1x128x64xf32, #tpu.memory_space<vmem>> -> memref<128x64xf32, #tpu.memory_space<vmem>>
    %dma_start3A_1443 = arith.constant 0 : i32
    %dma_start3A_1444 = tpu.memref_slice %arg5[%dma_start3A_1437, %dma_start3A_1443] : memref<2x512xi32, #tpu.memory_space<vmem>> -> memref<1x128xi32, #tpu.memory_space<vmem>>
    %dma_start3A_1445 = tpu.memref_squeeze %dma_start3A_1444 : memref<1x128xi32, #tpu.memory_space<vmem>> -> memref<128xi32, #tpu.memory_space<vmem>>
    %dma_start3A_1446 = arith.constant 0 : i32
    %dma_start3A_1447 = arith.constant 0 : i32
    %dma_start3A_1448 = tpu.memref_slice %arg3[%dma_start3A_1446, %dma_start3A_1447] : memref<2000000x64xf32, #tpu.memory_space<hbm>> -> memref<2000000x64xf32, #tpu.memory_space<hbm>>
    tpu.enqueue_indirect_dma source(%dma_start3A_1448 : memref<2000000x64xf32, #tpu.memory_space<hbm>>) target(%dma_start3A_1442 : memref<128x64xf32, #tpu.memory_space<vmem>>) offsets(%dma_start3A_1445 : memref<128xi32, #tpu.memory_space<vmem>>) semaphore(%arg12 : memref<!tpu.dma_semaphore, #tpu.memory_space<semaphore_mem>>)
    %dma_start3A_1449 = arith.constant 1 : i32
    %dma_start3A_1450 = arith.constant 1 : i32
    %dma_start3A_1451 = arith.constant 128 : i32
    %dma_start3A_1452 = arith.constant 0 : i32
    %dma_start3A_1453 = tpu.memref_slice %arg6[%dma_start3A_1450, %dma_start3A_1451, %dma_start3A_1452] : memref<2x512x64xf32, #tpu.memory_space<vmem>> -> memref<1x128x64xf32, #tpu.memory_space<vmem>>
    %dma_start3A_1454 = tpu.memref_squeeze %dma_start3A_1453 : memref<1x128x64xf32, #tpu.memory_space<vmem>> -> memref<128x64xf32, #tpu.memory_space<vmem>>
    %dma_start3A_1455 = arith.constant 128 : i32
    %dma_start3A_1456 = tpu.memref_slice %arg5[%dma_start3A_1449, %dma_start3A_1455] : memref<2x512xi32, #tpu.memory_space<vmem>> -> memref<1x128xi32, #tpu.memory_space<vmem>>
    %dma_start3A_1457 = tpu.memref_squeeze %dma_start3A_1456 : memref<1x128xi32, #tpu.memory_space<vmem>> -> memref<128xi32, #tpu.memory_space<vmem>>
    %dma_start3A_1458 = arith.constant 0 : i32
    %dma_start3A_1459 = arith.constant 0 : i32
    %dma_start3A_1460 = tpu.memref_slice %arg3[%dma_start3A_1458, %dma_start3A_1459] : memref<2000000x64xf32, #tpu.memory_space<hbm>> -> memref<2000000x64xf32, #tpu.memory_space<hbm>>
    tpu.enqueue_indirect_dma source(%dma_start3A_1460 : memref<2000000x64xf32, #tpu.memory_space<hbm>>) target(%dma_start3A_1454 : memref<128x64xf32, #tpu.memory_space<vmem>>) offsets(%dma_start3A_1457 : memref<128xi32, #tpu.memory_space<vmem>>) semaphore(%arg12 : memref<!tpu.dma_semaphore, #tpu.memory_space<semaphore_mem>>)
    %dma_start3A_1461 = arith.constant 1 : i32
    %dma_start3A_1462 = arith.constant 1 : i32
    %dma_start3A_1463 = arith.constant 256 : i32
    %dma_start3A_1464 = arith.constant 0 : i32
    %dma_start3A_1465 = tpu.memref_slice %arg6[%dma_start3A_1462, %dma_start3A_1463, %dma_start3A_1464] : memref<2x512x64xf32, #tpu.memory_space<vmem>> -> memref<1x128x64xf32, #tpu.memory_space<vmem>>
    %dma_start3A_1466 = tpu.memref_squeeze %dma_start3A_1465 : memref<1x128x64xf32, #tpu.memory_space<vmem>> -> memref<128x64xf32, #tpu.memory_space<vmem>>
    %dma_start3A_1467 = arith.constant 256 : i32
    %dma_start3A_1468 = tpu.memref_slice %arg5[%dma_start3A_1461, %dma_start3A_1467] : memref<2x512xi32, #tpu.memory_space<vmem>> -> memref<1x128xi32, #tpu.memory_space<vmem>>
    %dma_start3A_1469 = tpu.memref_squeeze %dma_start3A_1468 : memref<1x128xi32, #tpu.memory_space<vmem>> -> memref<128xi32, #tpu.memory_space<vmem>>
    %dma_start3A_1470 = arith.constant 0 : i32
    %dma_start3A_1471 = arith.constant 0 : i32
    %dma_start3A_1472 = tpu.memref_slice %arg3[%dma_start3A_1470, %dma_start3A_1471] : memref<2000000x64xf32, #tpu.memory_space<hbm>> -> memref<2000000x64xf32, #tpu.memory_space<hbm>>
    tpu.enqueue_indirect_dma source(%dma_start3A_1472 : memref<2000000x64xf32, #tpu.memory_space<hbm>>) target(%dma_start3A_1466 : memref<128x64xf32, #tpu.memory_space<vmem>>) offsets(%dma_start3A_1469 : memref<128xi32, #tpu.memory_space<vmem>>) semaphore(%arg12 : memref<!tpu.dma_semaphore, #tpu.memory_space<semaphore_mem>>)
    %dma_start3A_1473 = arith.constant 1 : i32
    %dma_start3A_1474 = arith.constant 1 : i32
    %dma_start3A_1475 = arith.constant 384 : i32
    %dma_start3A_1476 = arith.constant 0 : i32
    %dma_start3A_1477 = tpu.memref_slice %arg6[%dma_start3A_1474, %dma_start3A_1475, %dma_start3A_1476] : memref<2x512x64xf32, #tpu.memory_space<vmem>> -> memref<1x128x64xf32, #tpu.memory_space<vmem>>
    %dma_start3A_1478 = tpu.memref_squeeze %dma_start3A_1477 : memref<1x128x64xf32, #tpu.memory_space<vmem>> -> memref<128x64xf32, #tpu.memory_space<vmem>>
    %dma_start3A_1479 = arith.constant 384 : i32
    %dma_start3A_1480 = tpu.memref_slice %arg5[%dma_start3A_1473, %dma_start3A_1479] : memref<2x512xi32, #tpu.memory_space<vmem>> -> memref<1x128xi32, #tpu.memory_space<vmem>>
    %dma_start3A_1481 = tpu.memref_squeeze %dma_start3A_1480 : memref<1x128xi32, #tpu.memory_space<vmem>> -> memref<128xi32, #tpu.memory_space<vmem>>
    %dma_start3A_1482 = arith.constant 0 : i32
    %dma_start3A_1483 = arith.constant 0 : i32
    %dma_start3A_1484 = tpu.memref_slice %arg3[%dma_start3A_1482, %dma_start3A_1483] : memref<2000000x64xf32, #tpu.memory_space<hbm>> -> memref<2000000x64xf32, #tpu.memory_space<hbm>>
    tpu.enqueue_indirect_dma source(%dma_start3A_1484 : memref<2000000x64xf32, #tpu.memory_space<hbm>>) target(%dma_start3A_1478 : memref<128x64xf32, #tpu.memory_space<vmem>>) offsets(%dma_start3A_1481 : memref<128xi32, #tpu.memory_space<vmem>>) semaphore(%arg12 : memref<!tpu.dma_semaphore, #tpu.memory_space<semaphore_mem>>)
    %mul3A_1485 = arith.constant 2 : i32
    %mul3A_1486 = arith.muli %mul3A_1485, %mul3A_2 : i32
    %dma_wait3A_1487 = arith.constant 0 : i32
    %dma_wait3A_1488 = arith.constant 0 : i32
    %dma_wait3A_1489 = arith.constant 0 : i32
    %dma_wait3A_1490 = tpu.memref_slice %arg6[%dma_wait3A_1487, %dma_wait3A_1488, %dma_wait3A_1489] : memref<2x512x64xf32, #tpu.memory_space<vmem>> -> memref<1x512x64xf32, #tpu.memory_space<vmem>>
    %dma_wait3A_1491 = tpu.memref_squeeze %dma_wait3A_1490 : memref<1x512x64xf32, #tpu.memory_space<vmem>> -> memref<512x64xf32, #tpu.memory_space<vmem>>
    %dma_wait3A_1492 = arith.constant 0 : i32
    %dma_wait3A_1493 = tpu.memref_slice %arg4[%mul3A_1486, %dma_wait3A_1492] : memref<1638400x64xf32, #tpu.memory_space<hbm>> -> memref<512x64xf32, #tpu.memory_space<hbm>>
    %dma_wait3A_1494 = arith.constant 0 : i32
    %dma_wait3A_1495 = tpu.memref_slice %arg4[%mul3A_1486, %dma_wait3A_1494] : memref<1638400x64xf32, #tpu.memory_space<hbm>> -> memref<512x64xf32, #tpu.memory_space<hbm>>
    %dma_wait3A_1496 = arith.constant 0 : i32
    %dma_wait3A_1497 = arith.constant 0 : i32
    %dma_wait3A_1498 = tpu.memref_slice %arg6[%dma_wait3A_1487, %dma_wait3A_1496, %dma_wait3A_1497] : memref<2x512x64xf32, #tpu.memory_space<vmem>> -> memref<1x512x64xf32, #tpu.memory_space<vmem>>
    %dma_wait3A_1499 = tpu.memref_squeeze %dma_wait3A_1498 : memref<1x512x64xf32, #tpu.memory_space<vmem>> -> memref<512x64xf32, #tpu.memory_space<vmem>>
    tpu.wait_dma2 semaphore(%arg11 : memref<!tpu.dma_semaphore, #tpu.memory_space<semaphore_mem>>) src(%dma_wait3A_1499 : memref<512x64xf32, #tpu.memory_space<vmem>>) dst(%dma_wait3A_1495 : memref<512x64xf32, #tpu.memory_space<hbm>>)
    %add3A_1500 = arith.constant 1024 : i32
    %add3A_1501 = arith.addi %mul3A_2, %add3A_1500 : i32
    %dma_start3A_1502 = arith.constant 0 : i32
    %dma_start3A_1503 = arith.constant 0 : i32
    %dma_start3A_1504 = tpu.memref_slice %arg5[%dma_start3A_1502, %dma_start3A_1503] : memref<2x512xi32, #tpu.memory_space<vmem>> -> memref<1x512xi32, #tpu.memory_space<vmem>>
    %dma_start3A_1505 = tpu.memref_squeeze %dma_start3A_1504 : memref<1x512xi32, #tpu.memory_space<vmem>> -> memref<512xi32, #tpu.memory_space<vmem>>
    %dma_start3A_1506 = tpu.memref_slice %arg2[%add3A_1501] : memref<819200xi32, #tpu.memory_space<hbm>> -> memref<512xi32, #tpu.memory_space<hbm>>
    %dma_start3A_1507 = arith.constant 0 : i32
    %dma_start3A_1508 = tpu.memref_slice %arg5[%dma_start3A_1502, %dma_start3A_1507] : memref<2x512xi32, #tpu.memory_space<vmem>> -> memref<1x512xi32, #tpu.memory_space<vmem>>
    %dma_start3A_1509 = tpu.memref_squeeze %dma_start3A_1508 : memref<1x512xi32, #tpu.memory_space<vmem>> -> memref<512xi32, #tpu.memory_space<vmem>>
    %dma_start3A_1510 = tpu.memref_slice %arg2[%add3A_1501] : memref<819200xi32, #tpu.memory_space<hbm>> -> memref<512xi32, #tpu.memory_space<hbm>>
    tpu.enqueue_dma source(%dma_start3A_1510 : memref<512xi32, #tpu.memory_space<hbm>>) target(%dma_start3A_1509 : memref<512xi32, #tpu.memory_space<vmem>>) target_semaphore(%arg9 : memref<!tpu.dma_semaphore, #tpu.memory_space<semaphore_mem>>)
    %dma_start3A_1511 = arith.constant 0 : i32
    %dma_start3A_1512 = arith.constant 0 : i32
    %dma_start3A_1513 = arith.constant 0 : i32
    %dma_start3A_1514 = arith.constant 0 : i32
    %dma_start3A_1515 = arith.constant 0 : i32
    %dma_start3A_1516 = tpu.memref_slice %arg6[%dma_start3A_1511, %dma_start3A_1514, %dma_start3A_1515] : memref<2x512x64xf32, #tpu.memory_space<vmem>> -> memref<1x128x64xf32, #tpu.memory_space<vmem>>
    %dma_start3A_1517 = tpu.memref_squeeze %dma_start3A_1516 : memref<1x128x64xf32, #tpu.memory_space<vmem>> -> memref<128x64xf32, #tpu.memory_space<vmem>>
    %dma_start3A_1518 = arith.constant 0 : i32
    %dma_start3A_1519 = tpu.memref_slice %arg8[%dma_start3A_1512, %dma_start3A_1513, %dma_start3A_1518] : memref<2x4x128xi32, #tpu.memory_space<vmem>> -> memref<1x1x128xi32, #tpu.memory_space<vmem>>
    %dma_start3A_1520 = tpu.memref_squeeze %dma_start3A_1519 : memref<1x1x128xi32, #tpu.memory_space<vmem>> -> memref<128xi32, #tpu.memory_space<vmem>>
    %dma_start3A_1521 = arith.constant 0 : i32
    %dma_start3A_1522 = arith.constant 0 : i32
    %dma_start3A_1523 = tpu.memref_slice %arg4[%dma_start3A_1521, %dma_start3A_1522] : memref<1638400x64xf32, #tpu.memory_space<hbm>> -> memref<1638400x64xf32, #tpu.memory_space<hbm>>
    tpu.enqueue_indirect_dma source(%dma_start3A_1517 : memref<128x64xf32, #tpu.memory_space<vmem>>) target(%dma_start3A_1523 : memref<1638400x64xf32, #tpu.memory_space<hbm>>) offsets(%dma_start3A_1520 : memref<128xi32, #tpu.memory_space<vmem>>) semaphore(%arg13 : memref<!tpu.dma_semaphore, #tpu.memory_space<semaphore_mem>>)
    %dma_start3A_1524 = arith.constant 0 : i32
    %dma_start3A_1525 = arith.constant 0 : i32
    %dma_start3A_1526 = arith.constant 1 : i32
    %dma_start3A_1527 = arith.constant 128 : i32
    %dma_start3A_1528 = arith.constant 0 : i32
    %dma_start3A_1529 = tpu.memref_slice %arg6[%dma_start3A_1524, %dma_start3A_1527, %dma_start3A_1528] : memref<2x512x64xf32, #tpu.memory_space<vmem>> -> memref<1x128x64xf32, #tpu.memory_space<vmem>>
    %dma_start3A_1530 = tpu.memref_squeeze %dma_start3A_1529 : memref<1x128x64xf32, #tpu.memory_space<vmem>> -> memref<128x64xf32, #tpu.memory_space<vmem>>
    %dma_start3A_1531 = arith.constant 0 : i32
    %dma_start3A_1532 = tpu.memref_slice %arg8[%dma_start3A_1525, %dma_start3A_1526, %dma_start3A_1531] : memref<2x4x128xi32, #tpu.memory_space<vmem>> -> memref<1x1x128xi32, #tpu.memory_space<vmem>>
    %dma_start3A_1533 = tpu.memref_squeeze %dma_start3A_1532 : memref<1x1x128xi32, #tpu.memory_space<vmem>> -> memref<128xi32, #tpu.memory_space<vmem>>
    %dma_start3A_1534 = arith.constant 0 : i32
    %dma_start3A_1535 = arith.constant 0 : i32
    %dma_start3A_1536 = tpu.memref_slice %arg4[%dma_start3A_1534, %dma_start3A_1535] : memref<1638400x64xf32, #tpu.memory_space<hbm>> -> memref<1638400x64xf32, #tpu.memory_space<hbm>>
    tpu.enqueue_indirect_dma source(%dma_start3A_1530 : memref<128x64xf32, #tpu.memory_space<vmem>>) target(%dma_start3A_1536 : memref<1638400x64xf32, #tpu.memory_space<hbm>>) offsets(%dma_start3A_1533 : memref<128xi32, #tpu.memory_space<vmem>>) semaphore(%arg13 : memref<!tpu.dma_semaphore, #tpu.memory_space<semaphore_mem>>)
    %dma_start3A_1537 = arith.constant 0 : i32
    %dma_start3A_1538 = arith.constant 0 : i32
    %dma_start3A_1539 = arith.constant 2 : i32
    %dma_start3A_1540 = arith.constant 256 : i32
    %dma_start3A_1541 = arith.constant 0 : i32
    %dma_start3A_1542 = tpu.memref_slice %arg6[%dma_start3A_1537, %dma_start3A_1540, %dma_start3A_1541] : memref<2x512x64xf32, #tpu.memory_space<vmem>> -> memref<1x128x64xf32, #tpu.memory_space<vmem>>
    %dma_start3A_1543 = tpu.memref_squeeze %dma_start3A_1542 : memref<1x128x64xf32, #tpu.memory_space<vmem>> -> memref<128x64xf32, #tpu.memory_space<vmem>>
    %dma_start3A_1544 = arith.constant 0 : i32
    %dma_start3A_1545 = tpu.memref_slice %arg8[%dma_start3A_1538, %dma_start3A_1539, %dma_start3A_1544] : memref<2x4x128xi32, #tpu.memory_space<vmem>> -> memref<1x1x128xi32, #tpu.memory_space<vmem>>
    %dma_start3A_1546 = tpu.memref_squeeze %dma_start3A_1545 : memref<1x1x128xi32, #tpu.memory_space<vmem>> -> memref<128xi32, #tpu.memory_space<vmem>>
    %dma_start3A_1547 = arith.constant 0 : i32
    %dma_start3A_1548 = arith.constant 0 : i32
    %dma_start3A_1549 = tpu.memref_slice %arg4[%dma_start3A_1547, %dma_start3A_1548] : memref<1638400x64xf32, #tpu.memory_space<hbm>> -> memref<1638400x64xf32, #tpu.memory_space<hbm>>
    tpu.enqueue_indirect_dma source(%dma_start3A_1543 : memref<128x64xf32, #tpu.memory_space<vmem>>) target(%dma_start3A_1549 : memref<1638400x64xf32, #tpu.memory_space<hbm>>) offsets(%dma_start3A_1546 : memref<128xi32, #tpu.memory_space<vmem>>) semaphore(%arg13 : memref<!tpu.dma_semaphore, #tpu.memory_space<semaphore_mem>>)
    %dma_start3A_1550 = arith.constant 0 : i32
    %dma_start3A_1551 = arith.constant 0 : i32
    %dma_start3A_1552 = arith.constant 3 : i32
    %dma_start3A_1553 = arith.constant 384 : i32
    %dma_start3A_1554 = arith.constant 0 : i32
    %dma_start3A_1555 = tpu.memref_slice %arg6[%dma_start3A_1550, %dma_start3A_1553, %dma_start3A_1554] : memref<2x512x64xf32, #tpu.memory_space<vmem>> -> memref<1x128x64xf32, #tpu.memory_space<vmem>>
    %dma_start3A_1556 = tpu.memref_squeeze %dma_start3A_1555 : memref<1x128x64xf32, #tpu.memory_space<vmem>> -> memref<128x64xf32, #tpu.memory_space<vmem>>
    %dma_start3A_1557 = arith.constant 0 : i32
    %dma_start3A_1558 = tpu.memref_slice %arg8[%dma_start3A_1551, %dma_start3A_1552, %dma_start3A_1557] : memref<2x4x128xi32, #tpu.memory_space<vmem>> -> memref<1x1x128xi32, #tpu.memory_space<vmem>>
    %dma_start3A_1559 = tpu.memref_squeeze %dma_start3A_1558 : memref<1x1x128xi32, #tpu.memory_space<vmem>> -> memref<128xi32, #tpu.memory_space<vmem>>
    %dma_start3A_1560 = arith.constant 0 : i32
    %dma_start3A_1561 = arith.constant 0 : i32
    %dma_start3A_1562 = tpu.memref_slice %arg4[%dma_start3A_1560, %dma_start3A_1561] : memref<1638400x64xf32, #tpu.memory_space<hbm>> -> memref<1638400x64xf32, #tpu.memory_space<hbm>>
    tpu.enqueue_indirect_dma source(%dma_start3A_1556 : memref<128x64xf32, #tpu.memory_space<vmem>>) target(%dma_start3A_1562 : memref<1638400x64xf32, #tpu.memory_space<hbm>>) offsets(%dma_start3A_1559 : memref<128xi32, #tpu.memory_space<vmem>>) semaphore(%arg13 : memref<!tpu.dma_semaphore, #tpu.memory_space<semaphore_mem>>)
    %scan3A = arith.constant 0 : i32
    %scan3A_1563 = arith.constant 1 : i32
    %scan3A_1564 = arith.constant 24 : i32
    %scan3A_1565 = arith.addi %scan3A_1563, %scan3A_1564 : i32
    %scan3A_1566 = arith.constant 1 : i32
    scf.for %scan3A_1676 = %scan3A_1563 to %scan3A_1565 step %scan3A_1566  : i32 {
      %mul3A_1677 = arith.constant 2 : i32
      %mul3A_1678 = arith.muli %mul3A_1677, %scan3A_1676 : i32
      %mul3A_1679 = arith.constant 512 : i32
      %mul3A_1680 = arith.muli %mul3A_1678, %mul3A_1679 : i32
      %add3A_1681 = arith.addi %mul3A_2, %mul3A_1680 : i32
      %add3A_1682 = arith.constant 512 : i32
      %add3A_1683 = arith.addi %add3A_1681, %add3A_1682 : i32
      %dma_wait3A_1684 = arith.constant 0 : i32
      %dma_wait3A_1685 = arith.constant 0 : i32
      %dma_wait3A_1686 = tpu.memref_slice %arg5[%dma_wait3A_1684, %dma_wait3A_1685] : memref<2x512xi32, #tpu.memory_space<vmem>> -> memref<1x512xi32, #tpu.memory_space<vmem>>
      %dma_wait3A_1687 = tpu.memref_squeeze %dma_wait3A_1686 : memref<1x512xi32, #tpu.memory_space<vmem>> -> memref<512xi32, #tpu.memory_space<vmem>>
      %dma_wait3A_1688 = tpu.memref_slice %arg2[%add3A_1681] : memref<819200xi32, #tpu.memory_space<hbm>> -> memref<512xi32, #tpu.memory_space<hbm>>
      %dma_wait3A_1689 = arith.constant 0 : i32
      %dma_wait3A_1690 = tpu.memref_slice %arg5[%dma_wait3A_1684, %dma_wait3A_1689] : memref<2x512xi32, #tpu.memory_space<vmem>> -> memref<1x512xi32, #tpu.memory_space<vmem>>
      %dma_wait3A_1691 = tpu.memref_squeeze %dma_wait3A_1690 : memref<1x512xi32, #tpu.memory_space<vmem>> -> memref<512xi32, #tpu.memory_space<vmem>>
      %dma_wait3A_1692 = tpu.memref_slice %arg2[%add3A_1681] : memref<819200xi32, #tpu.memory_space<hbm>> -> memref<512xi32, #tpu.memory_space<hbm>>
      tpu.wait_dma2 semaphore(%arg9 : memref<!tpu.dma_semaphore, #tpu.memory_space<semaphore_mem>>) src(%dma_wait3A_1692 : memref<512xi32, #tpu.memory_space<hbm>>) dst(%dma_wait3A_1691 : memref<512xi32, #tpu.memory_space<vmem>>)
      %mul3A_1693 = arith.constant 2 : i32
      %mul3A_1694 = arith.muli %mul3A_1693, %add3A_1681 : i32
      %dma_wait3A_1695 = arith.constant 0 : i32
      %dma_wait3A_1696 = arith.constant 0 : i32
      %dma_wait3A_1697 = arith.constant 0 : i32
      %dma_wait3A_1698 = tpu.memref_slice %arg6[%dma_wait3A_1695, %dma_wait3A_1696, %dma_wait3A_1697] : memref<2x512x64xf32, #tpu.memory_space<vmem>> -> memref<1x512x64xf32, #tpu.memory_space<vmem>>
      %dma_wait3A_1699 = tpu.memref_squeeze %dma_wait3A_1698 : memref<1x512x64xf32, #tpu.memory_space<vmem>> -> memref<512x64xf32, #tpu.memory_space<vmem>>
      %dma_wait3A_1700 = arith.constant 0 : i32
      %dma_wait3A_1701 = tpu.memref_slice %arg4[%mul3A_1694, %dma_wait3A_1700] : memref<1638400x64xf32, #tpu.memory_space<hbm>> -> memref<512x64xf32, #tpu.memory_space<hbm>>
      %dma_wait3A_1702 = arith.constant 0 : i32
      %dma_wait3A_1703 = tpu.memref_slice %arg4[%mul3A_1694, %dma_wait3A_1702] : memref<1638400x64xf32, #tpu.memory_space<hbm>> -> memref<512x64xf32, #tpu.memory_space<hbm>>
      %dma_wait3A_1704 = arith.constant 0 : i32
      %dma_wait3A_1705 = arith.constant 0 : i32
      %dma_wait3A_1706 = tpu.memref_slice %arg6[%dma_wait3A_1695, %dma_wait3A_1704, %dma_wait3A_1705] : memref<2x512x64xf32, #tpu.memory_space<vmem>> -> memref<1x512x64xf32, #tpu.memory_space<vmem>>
      %dma_wait3A_1707 = tpu.memref_squeeze %dma_wait3A_1706 : memref<1x512x64xf32, #tpu.memory_space<vmem>> -> memref<512x64xf32, #tpu.memory_space<vmem>>
      tpu.wait_dma2 semaphore(%arg13 : memref<!tpu.dma_semaphore, #tpu.memory_space<semaphore_mem>>) src(%dma_wait3A_1707 : memref<512x64xf32, #tpu.memory_space<vmem>>) dst(%dma_wait3A_1703 : memref<512x64xf32, #tpu.memory_space<hbm>>)
      %mul3A_1708 = arith.constant 2 : i32
      %mul3A_1709 = arith.muli %mul3A_1708, %add3A_1681 : i32
      %get3A_1710 = arith.constant 0 : i32
      %get3A_1711 = arith.index_cast %get3A_1710 : i32 to index
      %get3A_1712 = arith.constant 0 : index
      %get3A_1713 = tpu.vector_load %arg7[%get3A_1711, %get3A_1712] {strides = array<i32>} : memref<4x128xi32, #tpu.memory_space<vmem>>, vector<1x16xi32>,
      %get3A_1714 = vector.shape_cast %get3A_1713 : vector<1x16xi32> to vector<16xi32>
      %add3A_1715 = vector.broadcast %mul3A_1709 : i32 to vector<16xi32>
      %add3A_1716 = arith.addi %get3A_1714, %add3A_1715 : vector<16xi32>
      %swap3A_1717 = arith.constant 0 : i32
      %swap3A_1718 = arith.constant 0 : i32
      %swap3A_1719 = arith.index_cast %swap3A_1717 : i32 to index
      %swap3A_1720 = arith.index_cast %swap3A_1718 : i32 to index
      %swap3A_1721 = arith.constant 0 : index
      %swap3A_1722 = tpu.vector_load %arg8[%swap3A_1719, %swap3A_1720, %swap3A_1721] {strides = array<i32>} : memref<2x4x128xi32, #tpu.memory_space<vmem>>, vector<1x1x16xi32>,
      %swap3A_1723 = vector.shape_cast %swap3A_1722 : vector<1x1x16xi32> to vector<16xi32>
      %swap3A_1724 = vector.shape_cast %add3A_1716 : vector<16xi32> to vector<1x1x16xi32>
      tpu.vector_store %arg8[%swap3A_1719, %swap3A_1720, %swap3A_1721], %swap3A_1724 {strides = array<i32>} : memref<2x4x128xi32, #tpu.memory_space<vmem>>, vector<1x1x16xi32>,
      %get3A_1725 = arith.constant 0 : i32
      %get3A_1726 = arith.index_cast %get3A_1725 : i32 to index
      %get3A_1727 = arith.constant 16 : index
      %get3A_1728 = tpu.vector_load %arg7[%get3A_1726, %get3A_1727] {strides = array<i32>} : memref<4x128xi32, #tpu.memory_space<vmem>>, vector<1x16xi32>,
      %get3A_1729 = vector.shape_cast %get3A_1728 : vector<1x16xi32> to vector<16xi32>
      %add3A_1730 = vector.broadcast %mul3A_1709 : i32 to vector<16xi32>
      %add3A_1731 = arith.addi %get3A_1729, %add3A_1730 : vector<16xi32>
      %swap3A_1732 = arith.constant 0 : i32
      %swap3A_1733 = arith.constant 0 : i32
      %swap3A_1734 = arith.index_cast %swap3A_1732 : i32 to index
      %swap3A_1735 = arith.index_cast %swap3A_1733 : i32 to index
      %swap3A_1736 = arith.constant 16 : index
      %swap3A_1737 = tpu.vector_load %arg8[%swap3A_1734, %swap3A_1735, %swap3A_1736] {strides = array<i32>} : memref<2x4x128xi32, #tpu.memory_space<vmem>>, vector<1x1x16xi32>,
      %swap3A_1738 = vector.shape_cast %swap3A_1737 : vector<1x1x16xi32> to vector<16xi32>
      %swap3A_1739 = vector.shape_cast %add3A_1731 : vector<16xi32> to vector<1x1x16xi32>
      tpu.vector_store %arg8[%swap3A_1734, %swap3A_1735, %swap3A_1736], %swap3A_1739 {strides = array<i32>} : memref<2x4x128xi32, #tpu.memory_space<vmem>>, vector<1x1x16xi32>,
      %get3A_1740 = arith.constant 0 : i32
      %get3A_1741 = arith.index_cast %get3A_1740 : i32 to index
      %get3A_1742 = arith.constant 32 : index
      %get3A_1743 = tpu.vector_load %arg7[%get3A_1741, %get3A_1742] {strides = array<i32>} : memref<4x128xi32, #tpu.memory_space<vmem>>, vector<1x16xi32>,
      %get3A_1744 = vector.shape_cast %get3A_1743 : vector<1x16xi32> to vector<16xi32>
      %add3A_1745 = vector.broadcast %mul3A_1709 : i32 to vector<16xi32>
      %add3A_1746 = arith.addi %get3A_1744, %add3A_1745 : vector<16xi32>
      %swap3A_1747 = arith.constant 0 : i32
      %swap3A_1748 = arith.constant 0 : i32
      %swap3A_1749 = arith.index_cast %swap3A_1747 : i32 to index
      %swap3A_1750 = arith.index_cast %swap3A_1748 : i32 to index
      %swap3A_1751 = arith.constant 32 : index
      %swap3A_1752 = tpu.vector_load %arg8[%swap3A_1749, %swap3A_1750, %swap3A_1751] {strides = array<i32>} : memref<2x4x128xi32, #tpu.memory_space<vmem>>, vector<1x1x16xi32>,
      %swap3A_1753 = vector.shape_cast %swap3A_1752 : vector<1x1x16xi32> to vector<16xi32>
      %swap3A_1754 = vector.shape_cast %add3A_1746 : vector<16xi32> to vector<1x1x16xi32>
      tpu.vector_store %arg8[%swap3A_1749, %swap3A_1750, %swap3A_1751], %swap3A_1754 {strides = array<i32>} : memref<2x4x128xi32, #tpu.memory_space<vmem>>, vector<1x1x16xi32>,
      %get3A_1755 = arith.constant 0 : i32
      %get3A_1756 = arith.index_cast %get3A_1755 : i32 to index
      %get3A_1757 = arith.constant 48 : index
      %get3A_1758 = tpu.vector_load %arg7[%get3A_1756, %get3A_1757] {strides = array<i32>} : memref<4x128xi32, #tpu.memory_space<vmem>>, vector<1x16xi32>,
      %get3A_1759 = vector.shape_cast %get3A_1758 : vector<1x16xi32> to vector<16xi32>
      %add3A_1760 = vector.broadcast %mul3A_1709 : i32 to vector<16xi32>
      %add3A_1761 = arith.addi %get3A_1759, %add3A_1760 : vector<16xi32>
      %swap3A_1762 = arith.constant 0 : i32
      %swap3A_1763 = arith.constant 0 : i32
      %swap3A_1764 = arith.index_cast %swap3A_1762 : i32 to index
      %swap3A_1765 = arith.index_cast %swap3A_1763 : i32 to index
      %swap3A_1766 = arith.constant 48 : index
      %swap3A_1767 = tpu.vector_load %arg8[%swap3A_1764, %swap3A_1765, %swap3A_1766] {strides = array<i32>} : memref<2x4x128xi32, #tpu.memory_space<vmem>>, vector<1x1x16xi32>,
      %swap3A_1768 = vector.shape_cast %swap3A_1767 : vector<1x1x16xi32> to vector<16xi32>
      %swap3A_1769 = vector.shape_cast %add3A_1761 : vector<16xi32> to vector<1x1x16xi32>
      tpu.vector_store %arg8[%swap3A_1764, %swap3A_1765, %swap3A_1766], %swap3A_1769 {strides = array<i32>} : memref<2x4x128xi32, #tpu.memory_space<vmem>>, vector<1x1x16xi32>,
      %get3A_1770 = arith.constant 0 : i32
      %get3A_1771 = arith.index_cast %get3A_1770 : i32 to index
      %get3A_1772 = arith.constant 64 : index
      %get3A_1773 = tpu.vector_load %arg7[%get3A_1771, %get3A_1772] {strides = array<i32>} : memref<4x128xi32, #tpu.memory_space<vmem>>, vector<1x16xi32>,
      %get3A_1774 = vector.shape_cast %get3A_1773 : vector<1x16xi32> to vector<16xi32>
      %add3A_1775 = vector.broadcast %mul3A_1709 : i32 to vector<16xi32>
      %add3A_1776 = arith.addi %get3A_1774, %add3A_1775 : vector<16xi32>
      %swap3A_1777 = arith.constant 0 : i32
      %swap3A_1778 = arith.constant 0 : i32
      %swap3A_1779 = arith.index_cast %swap3A_1777 : i32 to index
      %swap3A_1780 = arith.index_cast %swap3A_1778 : i32 to index
      %swap3A_1781 = arith.constant 64 : index
      %swap3A_1782 = tpu.vector_load %arg8[%swap3A_1779, %swap3A_1780, %swap3A_1781] {strides = array<i32>} : memref<2x4x128xi32, #tpu.memory_space<vmem>>, vector<1x1x16xi32>,
      %swap3A_1783 = vector.shape_cast %swap3A_1782 : vector<1x1x16xi32> to vector<16xi32>
      %swap3A_1784 = vector.shape_cast %add3A_1776 : vector<16xi32> to vector<1x1x16xi32>
      tpu.vector_store %arg8[%swap3A_1779, %swap3A_1780, %swap3A_1781], %swap3A_1784 {strides = array<i32>} : memref<2x4x128xi32, #tpu.memory_space<vmem>>, vector<1x1x16xi32>,
      %get3A_1785 = arith.constant 0 : i32
      %get3A_1786 = arith.index_cast %get3A_1785 : i32 to index
      %get3A_1787 = arith.constant 80 : index
      %get3A_1788 = tpu.vector_load %arg7[%get3A_1786, %get3A_1787] {strides = array<i32>} : memref<4x128xi32, #tpu.memory_space<vmem>>, vector<1x16xi32>,
      %get3A_1789 = vector.shape_cast %get3A_1788 : vector<1x16xi32> to vector<16xi32>
      %add3A_1790 = vector.broadcast %mul3A_1709 : i32 to vector<16xi32>
      %add3A_1791 = arith.addi %get3A_1789, %add3A_1790 : vector<16xi32>
      %swap3A_1792 = arith.constant 0 : i32
      %swap3A_1793 = arith.constant 0 : i32
      %swap3A_1794 = arith.index_cast %swap3A_1792 : i32 to index
      %swap3A_1795 = arith.index_cast %swap3A_1793 : i32 to index
      %swap3A_1796 = arith.constant 80 : index
      %swap3A_1797 = tpu.vector_load %arg8[%swap3A_1794, %swap3A_1795, %swap3A_1796] {strides = array<i32>} : memref<2x4x128xi32, #tpu.memory_space<vmem>>, vector<1x1x16xi32>,
      %swap3A_1798 = vector.shape_cast %swap3A_1797 : vector<1x1x16xi32> to vector<16xi32>
      %swap3A_1799 = vector.shape_cast %add3A_1791 : vector<16xi32> to vector<1x1x16xi32>
      tpu.vector_store %arg8[%swap3A_1794, %swap3A_1795, %swap3A_1796], %swap3A_1799 {strides = array<i32>} : memref<2x4x128xi32, #tpu.memory_space<vmem>>, vector<1x1x16xi32>,
      %get3A_1800 = arith.constant 0 : i32
      %get3A_1801 = arith.index_cast %get3A_1800 : i32 to index
      %get3A_1802 = arith.constant 96 : index
      %get3A_1803 = tpu.vector_load %arg7[%get3A_1801, %get3A_1802] {strides = array<i32>} : memref<4x128xi32, #tpu.memory_space<vmem>>, vector<1x16xi32>,
      %get3A_1804 = vector.shape_cast %get3A_1803 : vector<1x16xi32> to vector<16xi32>
      %add3A_1805 = vector.broadcast %mul3A_1709 : i32 to vector<16xi32>
      %add3A_1806 = arith.addi %get3A_1804, %add3A_1805 : vector<16xi32>
      %swap3A_1807 = arith.constant 0 : i32
      %swap3A_1808 = arith.constant 0 : i32
      %swap3A_1809 = arith.index_cast %swap3A_1807 : i32 to index
      %swap3A_1810 = arith.index_cast %swap3A_1808 : i32 to index
      %swap3A_1811 = arith.constant 96 : index
      %swap3A_1812 = tpu.vector_load %arg8[%swap3A_1809, %swap3A_1810, %swap3A_1811] {strides = array<i32>} : memref<2x4x128xi32, #tpu.memory_space<vmem>>, vector<1x1x16xi32>,
      %swap3A_1813 = vector.shape_cast %swap3A_1812 : vector<1x1x16xi32> to vector<16xi32>
      %swap3A_1814 = vector.shape_cast %add3A_1806 : vector<16xi32> to vector<1x1x16xi32>
      tpu.vector_store %arg8[%swap3A_1809, %swap3A_1810, %swap3A_1811], %swap3A_1814 {strides = array<i32>} : memref<2x4x128xi32, #tpu.memory_space<vmem>>, vector<1x1x16xi32>,
      %get3A_1815 = arith.constant 0 : i32
      %get3A_1816 = arith.index_cast %get3A_1815 : i32 to index
      %get3A_1817 = arith.constant 112 : index
      %get3A_1818 = tpu.vector_load %arg7[%get3A_1816, %get3A_1817] {strides = array<i32>} : memref<4x128xi32, #tpu.memory_space<vmem>>, vector<1x16xi32>,
      %get3A_1819 = vector.shape_cast %get3A_1818 : vector<1x16xi32> to vector<16xi32>
      %add3A_1820 = vector.broadcast %mul3A_1709 : i32 to vector<16xi32>
      %add3A_1821 = arith.addi %get3A_1819, %add3A_1820 : vector<16xi32>
      %swap3A_1822 = arith.constant 0 : i32
      %swap3A_1823 = arith.constant 0 : i32
      %swap3A_1824 = arith.index_cast %swap3A_1822 : i32 to index
      %swap3A_1825 = arith.index_cast %swap3A_1823 : i32 to index
      %swap3A_1826 = arith.constant 112 : index
      %swap3A_1827 = tpu.vector_load %arg8[%swap3A_1824, %swap3A_1825, %swap3A_1826] {strides = array<i32>} : memref<2x4x128xi32, #tpu.memory_space<vmem>>, vector<1x1x16xi32>,
      %swap3A_1828 = vector.shape_cast %swap3A_1827 : vector<1x1x16xi32> to vector<16xi32>
      %swap3A_1829 = vector.shape_cast %add3A_1821 : vector<16xi32> to vector<1x1x16xi32>
      tpu.vector_store %arg8[%swap3A_1824, %swap3A_1825, %swap3A_1826], %swap3A_1829 {strides = array<i32>} : memref<2x4x128xi32, #tpu.memory_space<vmem>>, vector<1x1x16xi32>,
      %get3A_1830 = arith.constant 1 : i32
      %get3A_1831 = arith.index_cast %get3A_1830 : i32 to index
      %get3A_1832 = arith.constant 0 : index
      %get3A_1833 = tpu.vector_load %arg7[%get3A_1831, %get3A_1832] {strides = array<i32>} : memref<4x128xi32, #tpu.memory_space<vmem>>, vector<1x16xi32>,
      %get3A_1834 = vector.shape_cast %get3A_1833 : vector<1x16xi32> to vector<16xi32>
      %add3A_1835 = vector.broadcast %mul3A_1709 : i32 to vector<16xi32>
      %add3A_1836 = arith.addi %get3A_1834, %add3A_1835 : vector<16xi32>
      %swap3A_1837 = arith.constant 0 : i32
      %swap3A_1838 = arith.constant 1 : i32
      %swap3A_1839 = arith.index_cast %swap3A_1837 : i32 to index
      %swap3A_1840 = arith.index_cast %swap3A_1838 : i32 to index
      %swap3A_1841 = arith.constant 0 : index
      %swap3A_1842 = tpu.vector_load %arg8[%swap3A_1839, %swap3A_1840, %swap3A_1841] {strides = array<i32>} : memref<2x4x128xi32, #tpu.memory_space<vmem>>, vector<1x1x16xi32>,
      %swap3A_1843 = vector.shape_cast %swap3A_1842 : vector<1x1x16xi32> to vector<16xi32>
      %swap3A_1844 = vector.shape_cast %add3A_1836 : vector<16xi32> to vector<1x1x16xi32>
      tpu.vector_store %arg8[%swap3A_1839, %swap3A_1840, %swap3A_1841], %swap3A_1844 {strides = array<i32>} : memref<2x4x128xi32, #tpu.memory_space<vmem>>, vector<1x1x16xi32>,
      %get3A_1845 = arith.constant 1 : i32
      %get3A_1846 = arith.index_cast %get3A_1845 : i32 to index
      %get3A_1847 = arith.constant 16 : index
      %get3A_1848 = tpu.vector_load %arg7[%get3A_1846, %get3A_1847] {strides = array<i32>} : memref<4x128xi32, #tpu.memory_space<vmem>>, vector<1x16xi32>,
      %get3A_1849 = vector.shape_cast %get3A_1848 : vector<1x16xi32> to vector<16xi32>
      %add3A_1850 = vector.broadcast %mul3A_1709 : i32 to vector<16xi32>
      %add3A_1851 = arith.addi %get3A_1849, %add3A_1850 : vector<16xi32>
      %swap3A_1852 = arith.constant 0 : i32
      %swap3A_1853 = arith.constant 1 : i32
      %swap3A_1854 = arith.index_cast %swap3A_1852 : i32 to index
      %swap3A_1855 = arith.index_cast %swap3A_1853 : i32 to index
      %swap3A_1856 = arith.constant 16 : index
      %swap3A_1857 = tpu.vector_load %arg8[%swap3A_1854, %swap3A_1855, %swap3A_1856] {strides = array<i32>} : memref<2x4x128xi32, #tpu.memory_space<vmem>>, vector<1x1x16xi32>,
      %swap3A_1858 = vector.shape_cast %swap3A_1857 : vector<1x1x16xi32> to vector<16xi32>
      %swap3A_1859 = vector.shape_cast %add3A_1851 : vector<16xi32> to vector<1x1x16xi32>
      tpu.vector_store %arg8[%swap3A_1854, %swap3A_1855, %swap3A_1856], %swap3A_1859 {strides = array<i32>} : memref<2x4x128xi32, #tpu.memory_space<vmem>>, vector<1x1x16xi32>,
      %get3A_1860 = arith.constant 1 : i32
      %get3A_1861 = arith.index_cast %get3A_1860 : i32 to index
      %get3A_1862 = arith.constant 32 : index
      %get3A_1863 = tpu.vector_load %arg7[%get3A_1861, %get3A_1862] {strides = array<i32>} : memref<4x128xi32, #tpu.memory_space<vmem>>, vector<1x16xi32>,
      %get3A_1864 = vector.shape_cast %get3A_1863 : vector<1x16xi32> to vector<16xi32>
      %add3A_1865 = vector.broadcast %mul3A_1709 : i32 to vector<16xi32>
      %add3A_1866 = arith.addi %get3A_1864, %add3A_1865 : vector<16xi32>
      %swap3A_1867 = arith.constant 0 : i32
      %swap3A_1868 = arith.constant 1 : i32
      %swap3A_1869 = arith.index_cast %swap3A_1867 : i32 to index
      %swap3A_1870 = arith.index_cast %swap3A_1868 : i32 to index
      %swap3A_1871 = arith.constant 32 : index
      %swap3A_1872 = tpu.vector_load %arg8[%swap3A_1869, %swap3A_1870, %swap3A_1871] {strides = array<i32>} : memref<2x4x128xi32, #tpu.memory_space<vmem>>, vector<1x1x16xi32>,
      %swap3A_1873 = vector.shape_cast %swap3A_1872 : vector<1x1x16xi32> to vector<16xi32>
      %swap3A_1874 = vector.shape_cast %add3A_1866 : vector<16xi32> to vector<1x1x16xi32>
      tpu.vector_store %arg8[%swap3A_1869, %swap3A_1870, %swap3A_1871], %swap3A_1874 {strides = array<i32>} : memref<2x4x128xi32, #tpu.memory_space<vmem>>, vector<1x1x16xi32>,
      %get3A_1875 = arith.constant 1 : i32
      %get3A_1876 = arith.index_cast %get3A_1875 : i32 to index
      %get3A_1877 = arith.constant 48 : index
      %get3A_1878 = tpu.vector_load %arg7[%get3A_1876, %get3A_1877] {strides = array<i32>} : memref<4x128xi32, #tpu.memory_space<vmem>>, vector<1x16xi32>,
      %get3A_1879 = vector.shape_cast %get3A_1878 : vector<1x16xi32> to vector<16xi32>
      %add3A_1880 = vector.broadcast %mul3A_1709 : i32 to vector<16xi32>
      %add3A_1881 = arith.addi %get3A_1879, %add3A_1880 : vector<16xi32>
      %swap3A_1882 = arith.constant 0 : i32
      %swap3A_1883 = arith.constant 1 : i32
      %swap3A_1884 = arith.index_cast %swap3A_1882 : i32 to index
      %swap3A_1885 = arith.index_cast %swap3A_1883 : i32 to index
      %swap3A_1886 = arith.constant 48 : index
      %swap3A_1887 = tpu.vector_load %arg8[%swap3A_1884, %swap3A_1885, %swap3A_1886] {strides = array<i32>} : memref<2x4x128xi32, #tpu.memory_space<vmem>>, vector<1x1x16xi32>,
      %swap3A_1888 = vector.shape_cast %swap3A_1887 : vector<1x1x16xi32> to vector<16xi32>
      %swap3A_1889 = vector.shape_cast %add3A_1881 : vector<16xi32> to vector<1x1x16xi32>
      tpu.vector_store %arg8[%swap3A_1884, %swap3A_1885, %swap3A_1886], %swap3A_1889 {strides = array<i32>} : memref<2x4x128xi32, #tpu.memory_space<vmem>>, vector<1x1x16xi32>,
      %get3A_1890 = arith.constant 1 : i32
      %get3A_1891 = arith.index_cast %get3A_1890 : i32 to index
      %get3A_1892 = arith.constant 64 : index
      %get3A_1893 = tpu.vector_load %arg7[%get3A_1891, %get3A_1892] {strides = array<i32>} : memref<4x128xi32, #tpu.memory_space<vmem>>, vector<1x16xi32>,
      %get3A_1894 = vector.shape_cast %get3A_1893 : vector<1x16xi32> to vector<16xi32>
      %add3A_1895 = vector.broadcast %mul3A_1709 : i32 to vector<16xi32>
      %add3A_1896 = arith.addi %get3A_1894, %add3A_1895 : vector<16xi32>
      %swap3A_1897 = arith.constant 0 : i32
      %swap3A_1898 = arith.constant 1 : i32
      %swap3A_1899 = arith.index_cast %swap3A_1897 : i32 to index
      %swap3A_1900 = arith.index_cast %swap3A_1898 : i32 to index
      %swap3A_1901 = arith.constant 64 : index
      %swap3A_1902 = tpu.vector_load %arg8[%swap3A_1899, %swap3A_1900, %swap3A_1901] {strides = array<i32>} : memref<2x4x128xi32, #tpu.memory_space<vmem>>, vector<1x1x16xi32>,
      %swap3A_1903 = vector.shape_cast %swap3A_1902 : vector<1x1x16xi32> to vector<16xi32>
      %swap3A_1904 = vector.shape_cast %add3A_1896 : vector<16xi32> to vector<1x1x16xi32>
      tpu.vector_store %arg8[%swap3A_1899, %swap3A_1900, %swap3A_1901], %swap3A_1904 {strides = array<i32>} : memref<2x4x128xi32, #tpu.memory_space<vmem>>, vector<1x1x16xi32>,
      %get3A_1905 = arith.constant 1 : i32
      %get3A_1906 = arith.index_cast %get3A_1905 : i32 to index
      %get3A_1907 = arith.constant 80 : index
      %get3A_1908 = tpu.vector_load %arg7[%get3A_1906, %get3A_1907] {strides = array<i32>} : memref<4x128xi32, #tpu.memory_space<vmem>>, vector<1x16xi32>,
      %get3A_1909 = vector.shape_cast %get3A_1908 : vector<1x16xi32> to vector<16xi32>
      %add3A_1910 = vector.broadcast %mul3A_1709 : i32 to vector<16xi32>
      %add3A_1911 = arith.addi %get3A_1909, %add3A_1910 : vector<16xi32>
      %swap3A_1912 = arith.constant 0 : i32
      %swap3A_1913 = arith.constant 1 : i32
      %swap3A_1914 = arith.index_cast %swap3A_1912 : i32 to index
      %swap3A_1915 = arith.index_cast %swap3A_1913 : i32 to index
      %swap3A_1916 = arith.constant 80 : index
      %swap3A_1917 = tpu.vector_load %arg8[%swap3A_1914, %swap3A_1915, %swap3A_1916] {strides = array<i32>} : memref<2x4x128xi32, #tpu.memory_space<vmem>>, vector<1x1x16xi32>,
      %swap3A_1918 = vector.shape_cast %swap3A_1917 : vector<1x1x16xi32> to vector<16xi32>
      %swap3A_1919 = vector.shape_cast %add3A_1911 : vector<16xi32> to vector<1x1x16xi32>
      tpu.vector_store %arg8[%swap3A_1914, %swap3A_1915, %swap3A_1916], %swap3A_1919 {strides = array<i32>} : memref<2x4x128xi32, #tpu.memory_space<vmem>>, vector<1x1x16xi32>,
      %get3A_1920 = arith.constant 1 : i32
      %get3A_1921 = arith.index_cast %get3A_1920 : i32 to index
      %get3A_1922 = arith.constant 96 : index
      %get3A_1923 = tpu.vector_load %arg7[%get3A_1921, %get3A_1922] {strides = array<i32>} : memref<4x128xi32, #tpu.memory_space<vmem>>, vector<1x16xi32>,
      %get3A_1924 = vector.shape_cast %get3A_1923 : vector<1x16xi32> to vector<16xi32>
      %add3A_1925 = vector.broadcast %mul3A_1709 : i32 to vector<16xi32>
      %add3A_1926 = arith.addi %get3A_1924, %add3A_1925 : vector<16xi32>
      %swap3A_1927 = arith.constant 0 : i32
      %swap3A_1928 = arith.constant 1 : i32
      %swap3A_1929 = arith.index_cast %swap3A_1927 : i32 to index
      %swap3A_1930 = arith.index_cast %swap3A_1928 : i32 to index
      %swap3A_1931 = arith.constant 96 : index
      %swap3A_1932 = tpu.vector_load %arg8[%swap3A_1929, %swap3A_1930, %swap3A_1931] {strides = array<i32>} : memref<2x4x128xi32, #tpu.memory_space<vmem>>, vector<1x1x16xi32>,
      %swap3A_1933 = vector.shape_cast %swap3A_1932 : vector<1x1x16xi32> to vector<16xi32>
      %swap3A_1934 = vector.shape_cast %add3A_1926 : vector<16xi32> to vector<1x1x16xi32>
      tpu.vector_store %arg8[%swap3A_1929, %swap3A_1930, %swap3A_1931], %swap3A_1934 {strides = array<i32>} : memref<2x4x128xi32, #tpu.memory_space<vmem>>, vector<1x1x16xi32>,
      %get3A_1935 = arith.constant 1 : i32
      %get3A_1936 = arith.index_cast %get3A_1935 : i32 to index
      %get3A_1937 = arith.constant 112 : index
      %get3A_1938 = tpu.vector_load %arg7[%get3A_1936, %get3A_1937] {strides = array<i32>} : memref<4x128xi32, #tpu.memory_space<vmem>>, vector<1x16xi32>,
      %get3A_1939 = vector.shape_cast %get3A_1938 : vector<1x16xi32> to vector<16xi32>
      %add3A_1940 = vector.broadcast %mul3A_1709 : i32 to vector<16xi32>
      %add3A_1941 = arith.addi %get3A_1939, %add3A_1940 : vector<16xi32>
      %swap3A_1942 = arith.constant 0 : i32
      %swap3A_1943 = arith.constant 1 : i32
      %swap3A_1944 = arith.index_cast %swap3A_1942 : i32 to index
      %swap3A_1945 = arith.index_cast %swap3A_1943 : i32 to index
      %swap3A_1946 = arith.constant 112 : index
      %swap3A_1947 = tpu.vector_load %arg8[%swap3A_1944, %swap3A_1945, %swap3A_1946] {strides = array<i32>} : memref<2x4x128xi32, #tpu.memory_space<vmem>>, vector<1x1x16xi32>,
      %swap3A_1948 = vector.shape_cast %swap3A_1947 : vector<1x1x16xi32> to vector<16xi32>
      %swap3A_1949 = vector.shape_cast %add3A_1941 : vector<16xi32> to vector<1x1x16xi32>
      tpu.vector_store %arg8[%swap3A_1944, %swap3A_1945, %swap3A_1946], %swap3A_1949 {strides = array<i32>} : memref<2x4x128xi32, #tpu.memory_space<vmem>>, vector<1x1x16xi32>,
      %get3A_1950 = arith.constant 2 : i32
      %get3A_1951 = arith.index_cast %get3A_1950 : i32 to index
      %get3A_1952 = arith.constant 0 : index
      %get3A_1953 = tpu.vector_load %arg7[%get3A_1951, %get3A_1952] {strides = array<i32>} : memref<4x128xi32, #tpu.memory_space<vmem>>, vector<1x16xi32>,
      %get3A_1954 = vector.shape_cast %get3A_1953 : vector<1x16xi32> to vector<16xi32>
      %add3A_1955 = vector.broadcast %mul3A_1709 : i32 to vector<16xi32>
      %add3A_1956 = arith.addi %get3A_1954, %add3A_1955 : vector<16xi32>
      %swap3A_1957 = arith.constant 0 : i32
      %swap3A_1958 = arith.constant 2 : i32
      %swap3A_1959 = arith.index_cast %swap3A_1957 : i32 to index
      %swap3A_1960 = arith.index_cast %swap3A_1958 : i32 to index
      %swap3A_1961 = arith.constant 0 : index
      %swap3A_1962 = tpu.vector_load %arg8[%swap3A_1959, %swap3A_1960, %swap3A_1961] {strides = array<i32>} : memref<2x4x128xi32, #tpu.memory_space<vmem>>, vector<1x1x16xi32>,
      %swap3A_1963 = vector.shape_cast %swap3A_1962 : vector<1x1x16xi32> to vector<16xi32>
      %swap3A_1964 = vector.shape_cast %add3A_1956 : vector<16xi32> to vector<1x1x16xi32>
      tpu.vector_store %arg8[%swap3A_1959, %swap3A_1960, %swap3A_1961], %swap3A_1964 {strides = array<i32>} : memref<2x4x128xi32, #tpu.memory_space<vmem>>, vector<1x1x16xi32>,
      %get3A_1965 = arith.constant 2 : i32
      %get3A_1966 = arith.index_cast %get3A_1965 : i32 to index
      %get3A_1967 = arith.constant 16 : index
      %get3A_1968 = tpu.vector_load %arg7[%get3A_1966, %get3A_1967] {strides = array<i32>} : memref<4x128xi32, #tpu.memory_space<vmem>>, vector<1x16xi32>,
      %get3A_1969 = vector.shape_cast %get3A_1968 : vector<1x16xi32> to vector<16xi32>
      %add3A_1970 = vector.broadcast %mul3A_1709 : i32 to vector<16xi32>
      %add3A_1971 = arith.addi %get3A_1969, %add3A_1970 : vector<16xi32>
      %swap3A_1972 = arith.constant 0 : i32
      %swap3A_1973 = arith.constant 2 : i32
      %swap3A_1974 = arith.index_cast %swap3A_1972 : i32 to index
      %swap3A_1975 = arith.index_cast %swap3A_1973 : i32 to index
      %swap3A_1976 = arith.constant 16 : index
      %swap3A_1977 = tpu.vector_load %arg8[%swap3A_1974, %swap3A_1975, %swap3A_1976] {strides = array<i32>} : memref<2x4x128xi32, #tpu.memory_space<vmem>>, vector<1x1x16xi32>,
      %swap3A_1978 = vector.shape_cast %swap3A_1977 : vector<1x1x16xi32> to vector<16xi32>
      %swap3A_1979 = vector.shape_cast %add3A_1971 : vector<16xi32> to vector<1x1x16xi32>
      tpu.vector_store %arg8[%swap3A_1974, %swap3A_1975, %swap3A_1976], %swap3A_1979 {strides = array<i32>} : memref<2x4x128xi32, #tpu.memory_space<vmem>>, vector<1x1x16xi32>,
      %get3A_1980 = arith.constant 2 : i32
      %get3A_1981 = arith.index_cast %get3A_1980 : i32 to index
      %get3A_1982 = arith.constant 32 : index
      %get3A_1983 = tpu.vector_load %arg7[%get3A_1981, %get3A_1982] {strides = array<i32>} : memref<4x128xi32, #tpu.memory_space<vmem>>, vector<1x16xi32>,
      %get3A_1984 = vector.shape_cast %get3A_1983 : vector<1x16xi32> to vector<16xi32>
      %add3A_1985 = vector.broadcast %mul3A_1709 : i32 to vector<16xi32>
      %add3A_1986 = arith.addi %get3A_1984, %add3A_1985 : vector<16xi32>
      %swap3A_1987 = arith.constant 0 : i32
      %swap3A_1988 = arith.constant 2 : i32
      %swap3A_1989 = arith.index_cast %swap3A_1987 : i32 to index
      %swap3A_1990 = arith.index_cast %swap3A_1988 : i32 to index
      %swap3A_1991 = arith.constant 32 : index
      %swap3A_1992 = tpu.vector_load %arg8[%swap3A_1989, %swap3A_1990, %swap3A_1991] {strides = array<i32>} : memref<2x4x128xi32, #tpu.memory_space<vmem>>, vector<1x1x16xi32>,
      %swap3A_1993 = vector.shape_cast %swap3A_1992 : vector<1x1x16xi32> to vector<16xi32>
      %swap3A_1994 = vector.shape_cast %add3A_1986 : vector<16xi32> to vector<1x1x16xi32>
      tpu.vector_store %arg8[%swap3A_1989, %swap3A_1990, %swap3A_1991], %swap3A_1994 {strides = array<i32>} : memref<2x4x128xi32, #tpu.memory_space<vmem>>, vector<1x1x16xi32>,
      %get3A_1995 = arith.constant 2 : i32
      %get3A_1996 = arith.index_cast %get3A_1995 : i32 to index
      %get3A_1997 = arith.constant 48 : index
      %get3A_1998 = tpu.vector_load %arg7[%get3A_1996, %get3A_1997] {strides = array<i32>} : memref<4x128xi32, #tpu.memory_space<vmem>>, vector<1x16xi32>,
      %get3A_1999 = vector.shape_cast %get3A_1998 : vector<1x16xi32> to vector<16xi32>
      %add3A_2000 = vector.broadcast %mul3A_1709 : i32 to vector<16xi32>
      %add3A_2001 = arith.addi %get3A_1999, %add3A_2000 : vector<16xi32>
      %swap3A_2002 = arith.constant 0 : i32
      %swap3A_2003 = arith.constant 2 : i32
      %swap3A_2004 = arith.index_cast %swap3A_2002 : i32 to index
      %swap3A_2005 = arith.index_cast %swap3A_2003 : i32 to index
      %swap3A_2006 = arith.constant 48 : index
      %swap3A_2007 = tpu.vector_load %arg8[%swap3A_2004, %swap3A_2005, %swap3A_2006] {strides = array<i32>} : memref<2x4x128xi32, #tpu.memory_space<vmem>>, vector<1x1x16xi32>,
      %swap3A_2008 = vector.shape_cast %swap3A_2007 : vector<1x1x16xi32> to vector<16xi32>
      %swap3A_2009 = vector.shape_cast %add3A_2001 : vector<16xi32> to vector<1x1x16xi32>
      tpu.vector_store %arg8[%swap3A_2004, %swap3A_2005, %swap3A_2006], %swap3A_2009 {strides = array<i32>} : memref<2x4x128xi32, #tpu.memory_space<vmem>>, vector<1x1x16xi32>,
      %get3A_2010 = arith.constant 2 : i32
      %get3A_2011 = arith.index_cast %get3A_2010 : i32 to index
      %get3A_2012 = arith.constant 64 : index
      %get3A_2013 = tpu.vector_load %arg7[%get3A_2011, %get3A_2012] {strides = array<i32>} : memref<4x128xi32, #tpu.memory_space<vmem>>, vector<1x16xi32>,
      %get3A_2014 = vector.shape_cast %get3A_2013 : vector<1x16xi32> to vector<16xi32>
      %add3A_2015 = vector.broadcast %mul3A_1709 : i32 to vector<16xi32>
      %add3A_2016 = arith.addi %get3A_2014, %add3A_2015 : vector<16xi32>
      %swap3A_2017 = arith.constant 0 : i32
      %swap3A_2018 = arith.constant 2 : i32
      %swap3A_2019 = arith.index_cast %swap3A_2017 : i32 to index
      %swap3A_2020 = arith.index_cast %swap3A_2018 : i32 to index
      %swap3A_2021 = arith.constant 64 : index
      %swap3A_2022 = tpu.vector_load %arg8[%swap3A_2019, %swap3A_2020, %swap3A_2021] {strides = array<i32>} : memref<2x4x128xi32, #tpu.memory_space<vmem>>, vector<1x1x16xi32>,
      %swap3A_2023 = vector.shape_cast %swap3A_2022 : vector<1x1x16xi32> to vector<16xi32>
      %swap3A_2024 = vector.shape_cast %add3A_2016 : vector<16xi32> to vector<1x1x16xi32>
      tpu.vector_store %arg8[%swap3A_2019, %swap3A_2020, %swap3A_2021], %swap3A_2024 {strides = array<i32>} : memref<2x4x128xi32, #tpu.memory_space<vmem>>, vector<1x1x16xi32>,
      %get3A_2025 = arith.constant 2 : i32
      %get3A_2026 = arith.index_cast %get3A_2025 : i32 to index
      %get3A_2027 = arith.constant 80 : index
      %get3A_2028 = tpu.vector_load %arg7[%get3A_2026, %get3A_2027] {strides = array<i32>} : memref<4x128xi32, #tpu.memory_space<vmem>>, vector<1x16xi32>,
      %get3A_2029 = vector.shape_cast %get3A_2028 : vector<1x16xi32> to vector<16xi32>
      %add3A_2030 = vector.broadcast %mul3A_1709 : i32 to vector<16xi32>
      %add3A_2031 = arith.addi %get3A_2029, %add3A_2030 : vector<16xi32>
      %swap3A_2032 = arith.constant 0 : i32
      %swap3A_2033 = arith.constant 2 : i32
      %swap3A_2034 = arith.index_cast %swap3A_2032 : i32 to index
      %swap3A_2035 = arith.index_cast %swap3A_2033 : i32 to index
      %swap3A_2036 = arith.constant 80 : index
      %swap3A_2037 = tpu.vector_load %arg8[%swap3A_2034, %swap3A_2035, %swap3A_2036] {strides = array<i32>} : memref<2x4x128xi32, #tpu.memory_space<vmem>>, vector<1x1x16xi32>,
      %swap3A_2038 = vector.shape_cast %swap3A_2037 : vector<1x1x16xi32> to vector<16xi32>
      %swap3A_2039 = vector.shape_cast %add3A_2031 : vector<16xi32> to vector<1x1x16xi32>
      tpu.vector_store %arg8[%swap3A_2034, %swap3A_2035, %swap3A_2036], %swap3A_2039 {strides = array<i32>} : memref<2x4x128xi32, #tpu.memory_space<vmem>>, vector<1x1x16xi32>,
      %get3A_2040 = arith.constant 2 : i32
      %get3A_2041 = arith.index_cast %get3A_2040 : i32 to index
      %get3A_2042 = arith.constant 96 : index
      %get3A_2043 = tpu.vector_load %arg7[%get3A_2041, %get3A_2042] {strides = array<i32>} : memref<4x128xi32, #tpu.memory_space<vmem>>, vector<1x16xi32>,
      %get3A_2044 = vector.shape_cast %get3A_2043 : vector<1x16xi32> to vector<16xi32>
      %add3A_2045 = vector.broadcast %mul3A_1709 : i32 to vector<16xi32>
      %add3A_2046 = arith.addi %get3A_2044, %add3A_2045 : vector<16xi32>
      %swap3A_2047 = arith.constant 0 : i32
      %swap3A_2048 = arith.constant 2 : i32
      %swap3A_2049 = arith.index_cast %swap3A_2047 : i32 to index
      %swap3A_2050 = arith.index_cast %swap3A_2048 : i32 to index
      %swap3A_2051 = arith.constant 96 : index
      %swap3A_2052 = tpu.vector_load %arg8[%swap3A_2049, %swap3A_2050, %swap3A_2051] {strides = array<i32>} : memref<2x4x128xi32, #tpu.memory_space<vmem>>, vector<1x1x16xi32>,
      %swap3A_2053 = vector.shape_cast %swap3A_2052 : vector<1x1x16xi32> to vector<16xi32>
      %swap3A_2054 = vector.shape_cast %add3A_2046 : vector<16xi32> to vector<1x1x16xi32>
      tpu.vector_store %arg8[%swap3A_2049, %swap3A_2050, %swap3A_2051], %swap3A_2054 {strides = array<i32>} : memref<2x4x128xi32, #tpu.memory_space<vmem>>, vector<1x1x16xi32>,
      %get3A_2055 = arith.constant 2 : i32
      %get3A_2056 = arith.index_cast %get3A_2055 : i32 to index
      %get3A_2057 = arith.constant 112 : index
      %get3A_2058 = tpu.vector_load %arg7[%get3A_2056, %get3A_2057] {strides = array<i32>} : memref<4x128xi32, #tpu.memory_space<vmem>>, vector<1x16xi32>,
      %get3A_2059 = vector.shape_cast %get3A_2058 : vector<1x16xi32> to vector<16xi32>
      %add3A_2060 = vector.broadcast %mul3A_1709 : i32 to vector<16xi32>
      %add3A_2061 = arith.addi %get3A_2059, %add3A_2060 : vector<16xi32>
      %swap3A_2062 = arith.constant 0 : i32
      %swap3A_2063 = arith.constant 2 : i32
      %swap3A_2064 = arith.index_cast %swap3A_2062 : i32 to index
      %swap3A_2065 = arith.index_cast %swap3A_2063 : i32 to index
      %swap3A_2066 = arith.constant 112 : index
      %swap3A_2067 = tpu.vector_load %arg8[%swap3A_2064, %swap3A_2065, %swap3A_2066] {strides = array<i32>} : memref<2x4x128xi32, #tpu.memory_space<vmem>>, vector<1x1x16xi32>,
      %swap3A_2068 = vector.shape_cast %swap3A_2067 : vector<1x1x16xi32> to vector<16xi32>
      %swap3A_2069 = vector.shape_cast %add3A_2061 : vector<16xi32> to vector<1x1x16xi32>
      tpu.vector_store %arg8[%swap3A_2064, %swap3A_2065, %swap3A_2066], %swap3A_2069 {strides = array<i32>} : memref<2x4x128xi32, #tpu.memory_space<vmem>>, vector<1x1x16xi32>,
      %get3A_2070 = arith.constant 3 : i32
      %get3A_2071 = arith.index_cast %get3A_2070 : i32 to index
      %get3A_2072 = arith.constant 0 : index
      %get3A_2073 = tpu.vector_load %arg7[%get3A_2071, %get3A_2072] {strides = array<i32>} : memref<4x128xi32, #tpu.memory_space<vmem>>, vector<1x16xi32>,
      %get3A_2074 = vector.shape_cast %get3A_2073 : vector<1x16xi32> to vector<16xi32>
      %add3A_2075 = vector.broadcast %mul3A_1709 : i32 to vector<16xi32>
      %add3A_2076 = arith.addi %get3A_2074, %add3A_2075 : vector<16xi32>
      %swap3A_2077 = arith.constant 0 : i32
      %swap3A_2078 = arith.constant 3 : i32
      %swap3A_2079 = arith.index_cast %swap3A_2077 : i32 to index
      %swap3A_2080 = arith.index_cast %swap3A_2078 : i32 to index
      %swap3A_2081 = arith.constant 0 : index
      %swap3A_2082 = tpu.vector_load %arg8[%swap3A_2079, %swap3A_2080, %swap3A_2081] {strides = array<i32>} : memref<2x4x128xi32, #tpu.memory_space<vmem>>, vector<1x1x16xi32>,
      %swap3A_2083 = vector.shape_cast %swap3A_2082 : vector<1x1x16xi32> to vector<16xi32>
      %swap3A_2084 = vector.shape_cast %add3A_2076 : vector<16xi32> to vector<1x1x16xi32>
      tpu.vector_store %arg8[%swap3A_2079, %swap3A_2080, %swap3A_2081], %swap3A_2084 {strides = array<i32>} : memref<2x4x128xi32, #tpu.memory_space<vmem>>, vector<1x1x16xi32>,
      %get3A_2085 = arith.constant 3 : i32
      %get3A_2086 = arith.index_cast %get3A_2085 : i32 to index
      %get3A_2087 = arith.constant 16 : index
      %get3A_2088 = tpu.vector_load %arg7[%get3A_2086, %get3A_2087] {strides = array<i32>} : memref<4x128xi32, #tpu.memory_space<vmem>>, vector<1x16xi32>,
      %get3A_2089 = vector.shape_cast %get3A_2088 : vector<1x16xi32> to vector<16xi32>
      %add3A_2090 = vector.broadcast %mul3A_1709 : i32 to vector<16xi32>
      %add3A_2091 = arith.addi %get3A_2089, %add3A_2090 : vector<16xi32>
      %swap3A_2092 = arith.constant 0 : i32
      %swap3A_2093 = arith.constant 3 : i32
      %swap3A_2094 = arith.index_cast %swap3A_2092 : i32 to index
      %swap3A_2095 = arith.index_cast %swap3A_2093 : i32 to index
      %swap3A_2096 = arith.constant 16 : index
      %swap3A_2097 = tpu.vector_load %arg8[%swap3A_2094, %swap3A_2095, %swap3A_2096] {strides = array<i32>} : memref<2x4x128xi32, #tpu.memory_space<vmem>>, vector<1x1x16xi32>,
      %swap3A_2098 = vector.shape_cast %swap3A_2097 : vector<1x1x16xi32> to vector<16xi32>
      %swap3A_2099 = vector.shape_cast %add3A_2091 : vector<16xi32> to vector<1x1x16xi32>
      tpu.vector_store %arg8[%swap3A_2094, %swap3A_2095, %swap3A_2096], %swap3A_2099 {strides = array<i32>} : memref<2x4x128xi32, #tpu.memory_space<vmem>>, vector<1x1x16xi32>,
      %get3A_2100 = arith.constant 3 : i32
      %get3A_2101 = arith.index_cast %get3A_2100 : i32 to index
      %get3A_2102 = arith.constant 32 : index
      %get3A_2103 = tpu.vector_load %arg7[%get3A_2101, %get3A_2102] {strides = array<i32>} : memref<4x128xi32, #tpu.memory_space<vmem>>, vector<1x16xi32>,
      %get3A_2104 = vector.shape_cast %get3A_2103 : vector<1x16xi32> to vector<16xi32>
      %add3A_2105 = vector.broadcast %mul3A_1709 : i32 to vector<16xi32>
      %add3A_2106 = arith.addi %get3A_2104, %add3A_2105 : vector<16xi32>
      %swap3A_2107 = arith.constant 0 : i32
      %swap3A_2108 = arith.constant 3 : i32
      %swap3A_2109 = arith.index_cast %swap3A_2107 : i32 to index
      %swap3A_2110 = arith.index_cast %swap3A_2108 : i32 to index
      %swap3A_2111 = arith.constant 32 : index
      %swap3A_2112 = tpu.vector_load %arg8[%swap3A_2109, %swap3A_2110, %swap3A_2111] {strides = array<i32>} : memref<2x4x128xi32, #tpu.memory_space<vmem>>, vector<1x1x16xi32>,
      %swap3A_2113 = vector.shape_cast %swap3A_2112 : vector<1x1x16xi32> to vector<16xi32>
      %swap3A_2114 = vector.shape_cast %add3A_2106 : vector<16xi32> to vector<1x1x16xi32>
      tpu.vector_store %arg8[%swap3A_2109, %swap3A_2110, %swap3A_2111], %swap3A_2114 {strides = array<i32>} : memref<2x4x128xi32, #tpu.memory_space<vmem>>, vector<1x1x16xi32>,
      %get3A_2115 = arith.constant 3 : i32
      %get3A_2116 = arith.index_cast %get3A_2115 : i32 to index
      %get3A_2117 = arith.constant 48 : index
      %get3A_2118 = tpu.vector_load %arg7[%get3A_2116, %get3A_2117] {strides = array<i32>} : memref<4x128xi32, #tpu.memory_space<vmem>>, vector<1x16xi32>,
      %get3A_2119 = vector.shape_cast %get3A_2118 : vector<1x16xi32> to vector<16xi32>
      %add3A_2120 = vector.broadcast %mul3A_1709 : i32 to vector<16xi32>
      %add3A_2121 = arith.addi %get3A_2119, %add3A_2120 : vector<16xi32>
      %swap3A_2122 = arith.constant 0 : i32
      %swap3A_2123 = arith.constant 3 : i32
      %swap3A_2124 = arith.index_cast %swap3A_2122 : i32 to index
      %swap3A_2125 = arith.index_cast %swap3A_2123 : i32 to index
      %swap3A_2126 = arith.constant 48 : index
      %swap3A_2127 = tpu.vector_load %arg8[%swap3A_2124, %swap3A_2125, %swap3A_2126] {strides = array<i32>} : memref<2x4x128xi32, #tpu.memory_space<vmem>>, vector<1x1x16xi32>,
      %swap3A_2128 = vector.shape_cast %swap3A_2127 : vector<1x1x16xi32> to vector<16xi32>
      %swap3A_2129 = vector.shape_cast %add3A_2121 : vector<16xi32> to vector<1x1x16xi32>
      tpu.vector_store %arg8[%swap3A_2124, %swap3A_2125, %swap3A_2126], %swap3A_2129 {strides = array<i32>} : memref<2x4x128xi32, #tpu.memory_space<vmem>>, vector<1x1x16xi32>,
      %get3A_2130 = arith.constant 3 : i32
      %get3A_2131 = arith.index_cast %get3A_2130 : i32 to index
      %get3A_2132 = arith.constant 64 : index
      %get3A_2133 = tpu.vector_load %arg7[%get3A_2131, %get3A_2132] {strides = array<i32>} : memref<4x128xi32, #tpu.memory_space<vmem>>, vector<1x16xi32>,
      %get3A_2134 = vector.shape_cast %get3A_2133 : vector<1x16xi32> to vector<16xi32>
      %add3A_2135 = vector.broadcast %mul3A_1709 : i32 to vector<16xi32>
      %add3A_2136 = arith.addi %get3A_2134, %add3A_2135 : vector<16xi32>
      %swap3A_2137 = arith.constant 0 : i32
      %swap3A_2138 = arith.constant 3 : i32
      %swap3A_2139 = arith.index_cast %swap3A_2137 : i32 to index
      %swap3A_2140 = arith.index_cast %swap3A_2138 : i32 to index
      %swap3A_2141 = arith.constant 64 : index
      %swap3A_2142 = tpu.vector_load %arg8[%swap3A_2139, %swap3A_2140, %swap3A_2141] {strides = array<i32>} : memref<2x4x128xi32, #tpu.memory_space<vmem>>, vector<1x1x16xi32>,
      %swap3A_2143 = vector.shape_cast %swap3A_2142 : vector<1x1x16xi32> to vector<16xi32>
      %swap3A_2144 = vector.shape_cast %add3A_2136 : vector<16xi32> to vector<1x1x16xi32>
      tpu.vector_store %arg8[%swap3A_2139, %swap3A_2140, %swap3A_2141], %swap3A_2144 {strides = array<i32>} : memref<2x4x128xi32, #tpu.memory_space<vmem>>, vector<1x1x16xi32>,
      %get3A_2145 = arith.constant 3 : i32
      %get3A_2146 = arith.index_cast %get3A_2145 : i32 to index
      %get3A_2147 = arith.constant 80 : index
      %get3A_2148 = tpu.vector_load %arg7[%get3A_2146, %get3A_2147] {strides = array<i32>} : memref<4x128xi32, #tpu.memory_space<vmem>>, vector<1x16xi32>,
      %get3A_2149 = vector.shape_cast %get3A_2148 : vector<1x16xi32> to vector<16xi32>
      %add3A_2150 = vector.broadcast %mul3A_1709 : i32 to vector<16xi32>
      %add3A_2151 = arith.addi %get3A_2149, %add3A_2150 : vector<16xi32>
      %swap3A_2152 = arith.constant 0 : i32
      %swap3A_2153 = arith.constant 3 : i32
      %swap3A_2154 = arith.index_cast %swap3A_2152 : i32 to index
      %swap3A_2155 = arith.index_cast %swap3A_2153 : i32 to index
      %swap3A_2156 = arith.constant 80 : index
      %swap3A_2157 = tpu.vector_load %arg8[%swap3A_2154, %swap3A_2155, %swap3A_2156] {strides = array<i32>} : memref<2x4x128xi32, #tpu.memory_space<vmem>>, vector<1x1x16xi32>,
      %swap3A_2158 = vector.shape_cast %swap3A_2157 : vector<1x1x16xi32> to vector<16xi32>
      %swap3A_2159 = vector.shape_cast %add3A_2151 : vector<16xi32> to vector<1x1x16xi32>
      tpu.vector_store %arg8[%swap3A_2154, %swap3A_2155, %swap3A_2156], %swap3A_2159 {strides = array<i32>} : memref<2x4x128xi32, #tpu.memory_space<vmem>>, vector<1x1x16xi32>,
      %get3A_2160 = arith.constant 3 : i32
      %get3A_2161 = arith.index_cast %get3A_2160 : i32 to index
      %get3A_2162 = arith.constant 96 : index
      %get3A_2163 = tpu.vector_load %arg7[%get3A_2161, %get3A_2162] {strides = array<i32>} : memref<4x128xi32, #tpu.memory_space<vmem>>, vector<1x16xi32>,
      %get3A_2164 = vector.shape_cast %get3A_2163 : vector<1x16xi32> to vector<16xi32>
      %add3A_2165 = vector.broadcast %mul3A_1709 : i32 to vector<16xi32>
      %add3A_2166 = arith.addi %get3A_2164, %add3A_2165 : vector<16xi32>
      %swap3A_2167 = arith.constant 0 : i32
      %swap3A_2168 = arith.constant 3 : i32
      %swap3A_2169 = arith.index_cast %swap3A_2167 : i32 to index
      %swap3A_2170 = arith.index_cast %swap3A_2168 : i32 to index
      %swap3A_2171 = arith.constant 96 : index
      %swap3A_2172 = tpu.vector_load %arg8[%swap3A_2169, %swap3A_2170, %swap3A_2171] {strides = array<i32>} : memref<2x4x128xi32, #tpu.memory_space<vmem>>, vector<1x1x16xi32>,
      %swap3A_2173 = vector.shape_cast %swap3A_2172 : vector<1x1x16xi32> to vector<16xi32>
      %swap3A_2174 = vector.shape_cast %add3A_2166 : vector<16xi32> to vector<1x1x16xi32>
      tpu.vector_store %arg8[%swap3A_2169, %swap3A_2170, %swap3A_2171], %swap3A_2174 {strides = array<i32>} : memref<2x4x128xi32, #tpu.memory_space<vmem>>, vector<1x1x16xi32>,
      %get3A_2175 = arith.constant 3 : i32
      %get3A_2176 = arith.index_cast %get3A_2175 : i32 to index
      %get3A_2177 = arith.constant 112 : index
      %get3A_2178 = tpu.vector_load %arg7[%get3A_2176, %get3A_2177] {strides = array<i32>} : memref<4x128xi32, #tpu.memory_space<vmem>>, vector<1x16xi32>,
      %get3A_2179 = vector.shape_cast %get3A_2178 : vector<1x16xi32> to vector<16xi32>
      %add3A_2180 = vector.broadcast %mul3A_1709 : i32 to vector<16xi32>
      %add3A_2181 = arith.addi %get3A_2179, %add3A_2180 : vector<16xi32>
      %swap3A_2182 = arith.constant 0 : i32
      %swap3A_2183 = arith.constant 3 : i32
      %swap3A_2184 = arith.index_cast %swap3A_2182 : i32 to index
      %swap3A_2185 = arith.index_cast %swap3A_2183 : i32 to index
      %swap3A_2186 = arith.constant 112 : index
      %swap3A_2187 = tpu.vector_load %arg8[%swap3A_2184, %swap3A_2185, %swap3A_2186] {strides = array<i32>} : memref<2x4x128xi32, #tpu.memory_space<vmem>>, vector<1x1x16xi32>,
      %swap3A_2188 = vector.shape_cast %swap3A_2187 : vector<1x1x16xi32> to vector<16xi32>
      %swap3A_2189 = vector.shape_cast %add3A_2181 : vector<16xi32> to vector<1x1x16xi32>
      tpu.vector_store %arg8[%swap3A_2184, %swap3A_2185, %swap3A_2186], %swap3A_2189 {strides = array<i32>} : memref<2x4x128xi32, #tpu.memory_space<vmem>>, vector<1x1x16xi32>,
      %dma_start3A_2190 = arith.constant 0 : i32
      %dma_start3A_2191 = arith.constant 0 : i32
      %dma_start3A_2192 = arith.constant 0 : i32
      %dma_start3A_2193 = arith.constant 0 : i32
      %dma_start3A_2194 = tpu.memref_slice %arg6[%dma_start3A_2191, %dma_start3A_2192, %dma_start3A_2193] : memref<2x512x64xf32, #tpu.memory_space<vmem>> -> memref<1x128x64xf32, #tpu.memory_space<vmem>>
      %dma_start3A_2195 = tpu.memref_squeeze %dma_start3A_2194 : memref<1x128x64xf32, #tpu.memory_space<vmem>> -> memref<128x64xf32, #tpu.memory_space<vmem>>
      %dma_start3A_2196 = arith.constant 0 : i32
      %dma_start3A_2197 = tpu.memref_slice %arg5[%dma_start3A_2190, %dma_start3A_2196] : memref<2x512xi32, #tpu.memory_space<vmem>> -> memref<1x128xi32, #tpu.memory_space<vmem>>
      %dma_start3A_2198 = tpu.memref_squeeze %dma_start3A_2197 : memref<1x128xi32, #tpu.memory_space<vmem>> -> memref<128xi32, #tpu.memory_space<vmem>>
      %dma_start3A_2199 = arith.constant 0 : i32
      %dma_start3A_2200 = arith.constant 0 : i32
      %dma_start3A_2201 = tpu.memref_slice %arg3[%dma_start3A_2199, %dma_start3A_2200] : memref<2000000x64xf32, #tpu.memory_space<hbm>> -> memref<2000000x64xf32, #tpu.memory_space<hbm>>
      tpu.enqueue_indirect_dma source(%dma_start3A_2201 : memref<2000000x64xf32, #tpu.memory_space<hbm>>) target(%dma_start3A_2195 : memref<128x64xf32, #tpu.memory_space<vmem>>) offsets(%dma_start3A_2198 : memref<128xi32, #tpu.memory_space<vmem>>) semaphore(%arg11 : memref<!tpu.dma_semaphore, #tpu.memory_space<semaphore_mem>>)
      %dma_start3A_2202 = arith.constant 0 : i32
      %dma_start3A_2203 = arith.constant 0 : i32
      %dma_start3A_2204 = arith.constant 128 : i32
      %dma_start3A_2205 = arith.constant 0 : i32
      %dma_start3A_2206 = tpu.memref_slice %arg6[%dma_start3A_2203, %dma_start3A_2204, %dma_start3A_2205] : memref<2x512x64xf32, #tpu.memory_space<vmem>> -> memref<1x128x64xf32, #tpu.memory_space<vmem>>
      %dma_start3A_2207 = tpu.memref_squeeze %dma_start3A_2206 : memref<1x128x64xf32, #tpu.memory_space<vmem>> -> memref<128x64xf32, #tpu.memory_space<vmem>>
      %dma_start3A_2208 = arith.constant 128 : i32
      %dma_start3A_2209 = tpu.memref_slice %arg5[%dma_start3A_2202, %dma_start3A_2208] : memref<2x512xi32, #tpu.memory_space<vmem>> -> memref<1x128xi32, #tpu.memory_space<vmem>>
      %dma_start3A_2210 = tpu.memref_squeeze %dma_start3A_2209 : memref<1x128xi32, #tpu.memory_space<vmem>> -> memref<128xi32, #tpu.memory_space<vmem>>
      %dma_start3A_2211 = arith.constant 0 : i32
      %dma_start3A_2212 = arith.constant 0 : i32
      %dma_start3A_2213 = tpu.memref_slice %arg3[%dma_start3A_2211, %dma_start3A_2212] : memref<2000000x64xf32, #tpu.memory_space<hbm>> -> memref<2000000x64xf32, #tpu.memory_space<hbm>>
      tpu.enqueue_indirect_dma source(%dma_start3A_2213 : memref<2000000x64xf32, #tpu.memory_space<hbm>>) target(%dma_start3A_2207 : memref<128x64xf32, #tpu.memory_space<vmem>>) offsets(%dma_start3A_2210 : memref<128xi32, #tpu.memory_space<vmem>>) semaphore(%arg11 : memref<!tpu.dma_semaphore, #tpu.memory_space<semaphore_mem>>)
      %dma_start3A_2214 = arith.constant 0 : i32
      %dma_start3A_2215 = arith.constant 0 : i32
      %dma_start3A_2216 = arith.constant 256 : i32
      %dma_start3A_2217 = arith.constant 0 : i32
      %dma_start3A_2218 = tpu.memref_slice %arg6[%dma_start3A_2215, %dma_start3A_2216, %dma_start3A_2217] : memref<2x512x64xf32, #tpu.memory_space<vmem>> -> memref<1x128x64xf32, #tpu.memory_space<vmem>>
      %dma_start3A_2219 = tpu.memref_squeeze %dma_start3A_2218 : memref<1x128x64xf32, #tpu.memory_space<vmem>> -> memref<128x64xf32, #tpu.memory_space<vmem>>
      %dma_start3A_2220 = arith.constant 256 : i32
      %dma_start3A_2221 = tpu.memref_slice %arg5[%dma_start3A_2214, %dma_start3A_2220] : memref<2x512xi32, #tpu.memory_space<vmem>> -> memref<1x128xi32, #tpu.memory_space<vmem>>
      %dma_start3A_2222 = tpu.memref_squeeze %dma_start3A_2221 : memref<1x128xi32, #tpu.memory_space<vmem>> -> memref<128xi32, #tpu.memory_space<vmem>>
      %dma_start3A_2223 = arith.constant 0 : i32
      %dma_start3A_2224 = arith.constant 0 : i32
      %dma_start3A_2225 = tpu.memref_slice %arg3[%dma_start3A_2223, %dma_start3A_2224] : memref<2000000x64xf32, #tpu.memory_space<hbm>> -> memref<2000000x64xf32, #tpu.memory_space<hbm>>
      tpu.enqueue_indirect_dma source(%dma_start3A_2225 : memref<2000000x64xf32, #tpu.memory_space<hbm>>) target(%dma_start3A_2219 : memref<128x64xf32, #tpu.memory_space<vmem>>) offsets(%dma_start3A_2222 : memref<128xi32, #tpu.memory_space<vmem>>) semaphore(%arg11 : memref<!tpu.dma_semaphore, #tpu.memory_space<semaphore_mem>>)
      %dma_start3A_2226 = arith.constant 0 : i32
      %dma_start3A_2227 = arith.constant 0 : i32
      %dma_start3A_2228 = arith.constant 384 : i32
      %dma_start3A_2229 = arith.constant 0 : i32
      %dma_start3A_2230 = tpu.memref_slice %arg6[%dma_start3A_2227, %dma_start3A_2228, %dma_start3A_2229] : memref<2x512x64xf32, #tpu.memory_space<vmem>> -> memref<1x128x64xf32, #tpu.memory_space<vmem>>
      %dma_start3A_2231 = tpu.memref_squeeze %dma_start3A_2230 : memref<1x128x64xf32, #tpu.memory_space<vmem>> -> memref<128x64xf32, #tpu.memory_space<vmem>>
      %dma_start3A_2232 = arith.constant 384 : i32
      %dma_start3A_2233 = tpu.memref_slice %arg5[%dma_start3A_2226, %dma_start3A_2232] : memref<2x512xi32, #tpu.memory_space<vmem>> -> memref<1x128xi32, #tpu.memory_space<vmem>>
      %dma_start3A_2234 = tpu.memref_squeeze %dma_start3A_2233 : memref<1x128xi32, #tpu.memory_space<vmem>> -> memref<128xi32, #tpu.memory_space<vmem>>
      %dma_start3A_2235 = arith.constant 0 : i32
      %dma_start3A_2236 = arith.constant 0 : i32
      %dma_start3A_2237 = tpu.memref_slice %arg3[%dma_start3A_2235, %dma_start3A_2236] : memref<2000000x64xf32, #tpu.memory_space<hbm>> -> memref<2000000x64xf32, #tpu.memory_space<hbm>>
      tpu.enqueue_indirect_dma source(%dma_start3A_2237 : memref<2000000x64xf32, #tpu.memory_space<hbm>>) target(%dma_start3A_2231 : memref<128x64xf32, #tpu.memory_space<vmem>>) offsets(%dma_start3A_2234 : memref<128xi32, #tpu.memory_space<vmem>>) semaphore(%arg11 : memref<!tpu.dma_semaphore, #tpu.memory_space<semaphore_mem>>)
      %sub3A = arith.constant 512 : i32
      %sub3A_2238 = arith.subi %add3A_1681, %sub3A : i32
      %mul3A_2239 = arith.constant 2 : i32
      %mul3A_2240 = arith.muli %mul3A_2239, %sub3A_2238 : i32
      %dma_wait3A_2241 = arith.constant 1 : i32
      %dma_wait3A_2242 = arith.constant 0 : i32
      %dma_wait3A_2243 = arith.constant 0 : i32
      %dma_wait3A_2244 = tpu.memref_slice %arg6[%dma_wait3A_2241, %dma_wait3A_2242, %dma_wait3A_2243] : memref<2x512x64xf32, #tpu.memory_space<vmem>> -> memref<1x512x64xf32, #tpu.memory_space<vmem>>
      %dma_wait3A_2245 = tpu.memref_squeeze %dma_wait3A_2244 : memref<1x512x64xf32, #tpu.memory_space<vmem>> -> memref<512x64xf32, #tpu.memory_space<vmem>>
      %dma_wait3A_2246 = arith.constant 0 : i32
      %dma_wait3A_2247 = tpu.memref_slice %arg4[%mul3A_2240, %dma_wait3A_2246] : memref<1638400x64xf32, #tpu.memory_space<hbm>> -> memref<512x64xf32, #tpu.memory_space<hbm>>
      %dma_wait3A_2248 = arith.constant 0 : i32
      %dma_wait3A_2249 = tpu.memref_slice %arg4[%mul3A_2240, %dma_wait3A_2248] : memref<1638400x64xf32, #tpu.memory_space<hbm>> -> memref<512x64xf32, #tpu.memory_space<hbm>>
      %dma_wait3A_2250 = arith.constant 0 : i32
      %dma_wait3A_2251 = arith.constant 0 : i32
      %dma_wait3A_2252 = tpu.memref_slice %arg6[%dma_wait3A_2241, %dma_wait3A_2250, %dma_wait3A_2251] : memref<2x512x64xf32, #tpu.memory_space<vmem>> -> memref<1x512x64xf32, #tpu.memory_space<vmem>>
      %dma_wait3A_2253 = tpu.memref_squeeze %dma_wait3A_2252 : memref<1x512x64xf32, #tpu.memory_space<vmem>> -> memref<512x64xf32, #tpu.memory_space<vmem>>
      tpu.wait_dma2 semaphore(%arg12 : memref<!tpu.dma_semaphore, #tpu.memory_space<semaphore_mem>>) src(%dma_wait3A_2253 : memref<512x64xf32, #tpu.memory_space<vmem>>) dst(%dma_wait3A_2249 : memref<512x64xf32, #tpu.memory_space<hbm>>)
      %dma_start3A_2254 = arith.constant 1 : i32
      %dma_start3A_2255 = arith.constant 0 : i32
      %dma_start3A_2256 = tpu.memref_slice %arg5[%dma_start3A_2254, %dma_start3A_2255] : memref<2x512xi32, #tpu.memory_space<vmem>> -> memref<1x512xi32, #tpu.memory_space<vmem>>
      %dma_start3A_2257 = tpu.memref_squeeze %dma_start3A_2256 : memref<1x512xi32, #tpu.memory_space<vmem>> -> memref<512xi32, #tpu.memory_space<vmem>>
      %dma_start3A_2258 = tpu.memref_slice %arg2[%add3A_1683] : memref<819200xi32, #tpu.memory_space<hbm>> -> memref<512xi32, #tpu.memory_space<hbm>>
      %dma_start3A_2259 = arith.constant 0 : i32
      %dma_start3A_2260 = tpu.memref_slice %arg5[%dma_start3A_2254, %dma_start3A_2259] : memref<2x512xi32, #tpu.memory_space<vmem>> -> memref<1x512xi32, #tpu.memory_space<vmem>>
      %dma_start3A_2261 = tpu.memref_squeeze %dma_start3A_2260 : memref<1x512xi32, #tpu.memory_space<vmem>> -> memref<512xi32, #tpu.memory_space<vmem>>
      %dma_start3A_2262 = tpu.memref_slice %arg2[%add3A_1683] : memref<819200xi32, #tpu.memory_space<hbm>> -> memref<512xi32, #tpu.memory_space<hbm>>
      tpu.enqueue_dma source(%dma_start3A_2262 : memref<512xi32, #tpu.memory_space<hbm>>) target(%dma_start3A_2261 : memref<512xi32, #tpu.memory_space<vmem>>) target_semaphore(%arg10 : memref<!tpu.dma_semaphore, #tpu.memory_space<semaphore_mem>>)
      %dma_start3A_2263 = arith.constant 1 : i32
      %dma_start3A_2264 = arith.constant 1 : i32
      %dma_start3A_2265 = arith.constant 0 : i32
      %dma_start3A_2266 = arith.constant 0 : i32
      %dma_start3A_2267 = arith.constant 0 : i32
      %dma_start3A_2268 = tpu.memref_slice %arg6[%dma_start3A_2263, %dma_start3A_2266, %dma_start3A_2267] : memref<2x512x64xf32, #tpu.memory_space<vmem>> -> memref<1x128x64xf32, #tpu.memory_space<vmem>>
      %dma_start3A_2269 = tpu.memref_squeeze %dma_start3A_2268 : memref<1x128x64xf32, #tpu.memory_space<vmem>> -> memref<128x64xf32, #tpu.memory_space<vmem>>
      %dma_start3A_2270 = arith.constant 0 : i32
      %dma_start3A_2271 = tpu.memref_slice %arg8[%dma_start3A_2264, %dma_start3A_2265, %dma_start3A_2270] : memref<2x4x128xi32, #tpu.memory_space<vmem>> -> memref<1x1x128xi32, #tpu.memory_space<vmem>>
      %dma_start3A_2272 = tpu.memref_squeeze %dma_start3A_2271 : memref<1x1x128xi32, #tpu.memory_space<vmem>> -> memref<128xi32, #tpu.memory_space<vmem>>
      %dma_start3A_2273 = arith.constant 0 : i32
      %dma_start3A_2274 = arith.constant 0 : i32
      %dma_start3A_2275 = tpu.memref_slice %arg4[%dma_start3A_2273, %dma_start3A_2274] : memref<1638400x64xf32, #tpu.memory_space<hbm>> -> memref<1638400x64xf32, #tpu.memory_space<hbm>>
      tpu.enqueue_indirect_dma source(%dma_start3A_2269 : memref<128x64xf32, #tpu.memory_space<vmem>>) target(%dma_start3A_2275 : memref<1638400x64xf32, #tpu.memory_space<hbm>>) offsets(%dma_start3A_2272 : memref<128xi32, #tpu.memory_space<vmem>>) semaphore(%arg14 : memref<!tpu.dma_semaphore, #tpu.memory_space<semaphore_mem>>)
      %dma_start3A_2276 = arith.constant 1 : i32
      %dma_start3A_2277 = arith.constant 1 : i32
      %dma_start3A_2278 = arith.constant 1 : i32
      %dma_start3A_2279 = arith.constant 128 : i32
      %dma_start3A_2280 = arith.constant 0 : i32
      %dma_start3A_2281 = tpu.memref_slice %arg6[%dma_start3A_2276, %dma_start3A_2279, %dma_start3A_2280] : memref<2x512x64xf32, #tpu.memory_space<vmem>> -> memref<1x128x64xf32, #tpu.memory_space<vmem>>
      %dma_start3A_2282 = tpu.memref_squeeze %dma_start3A_2281 : memref<1x128x64xf32, #tpu.memory_space<vmem>> -> memref<128x64xf32, #tpu.memory_space<vmem>>
      %dma_start3A_2283 = arith.constant 0 : i32
      %dma_start3A_2284 = tpu.memref_slice %arg8[%dma_start3A_2277, %dma_start3A_2278, %dma_start3A_2283] : memref<2x4x128xi32, #tpu.memory_space<vmem>> -> memref<1x1x128xi32, #tpu.memory_space<vmem>>
      %dma_start3A_2285 = tpu.memref_squeeze %dma_start3A_2284 : memref<1x1x128xi32, #tpu.memory_space<vmem>> -> memref<128xi32, #tpu.memory_space<vmem>>
      %dma_start3A_2286 = arith.constant 0 : i32
      %dma_start3A_2287 = arith.constant 0 : i32
      %dma_start3A_2288 = tpu.memref_slice %arg4[%dma_start3A_2286, %dma_start3A_2287] : memref<1638400x64xf32, #tpu.memory_space<hbm>> -> memref<1638400x64xf32, #tpu.memory_space<hbm>>
      tpu.enqueue_indirect_dma source(%dma_start3A_2282 : memref<128x64xf32, #tpu.memory_space<vmem>>) target(%dma_start3A_2288 : memref<1638400x64xf32, #tpu.memory_space<hbm>>) offsets(%dma_start3A_2285 : memref<128xi32, #tpu.memory_space<vmem>>) semaphore(%arg14 : memref<!tpu.dma_semaphore, #tpu.memory_space<semaphore_mem>>)
      %dma_start3A_2289 = arith.constant 1 : i32
      %dma_start3A_2290 = arith.constant 1 : i32
      %dma_start3A_2291 = arith.constant 2 : i32
      %dma_start3A_2292 = arith.constant 256 : i32
      %dma_start3A_2293 = arith.constant 0 : i32
      %dma_start3A_2294 = tpu.memref_slice %arg6[%dma_start3A_2289, %dma_start3A_2292, %dma_start3A_2293] : memref<2x512x64xf32, #tpu.memory_space<vmem>> -> memref<1x128x64xf32, #tpu.memory_space<vmem>>
      %dma_start3A_2295 = tpu.memref_squeeze %dma_start3A_2294 : memref<1x128x64xf32, #tpu.memory_space<vmem>> -> memref<128x64xf32, #tpu.memory_space<vmem>>
      %dma_start3A_2296 = arith.constant 0 : i32
      %dma_start3A_2297 = tpu.memref_slice %arg8[%dma_start3A_2290, %dma_start3A_2291, %dma_start3A_2296] : memref<2x4x128xi32, #tpu.memory_space<vmem>> -> memref<1x1x128xi32, #tpu.memory_space<vmem>>
      %dma_start3A_2298 = tpu.memref_squeeze %dma_start3A_2297 : memref<1x1x128xi32, #tpu.memory_space<vmem>> -> memref<128xi32, #tpu.memory_space<vmem>>
      %dma_start3A_2299 = arith.constant 0 : i32
      %dma_start3A_2300 = arith.constant 0 : i32
      %dma_start3A_2301 = tpu.memref_slice %arg4[%dma_start3A_2299, %dma_start3A_2300] : memref<1638400x64xf32, #tpu.memory_space<hbm>> -> memref<1638400x64xf32, #tpu.memory_space<hbm>>
      tpu.enqueue_indirect_dma source(%dma_start3A_2295 : memref<128x64xf32, #tpu.memory_space<vmem>>) target(%dma_start3A_2301 : memref<1638400x64xf32, #tpu.memory_space<hbm>>) offsets(%dma_start3A_2298 : memref<128xi32, #tpu.memory_space<vmem>>) semaphore(%arg14 : memref<!tpu.dma_semaphore, #tpu.memory_space<semaphore_mem>>)
      %dma_start3A_2302 = arith.constant 1 : i32
      %dma_start3A_2303 = arith.constant 1 : i32
      %dma_start3A_2304 = arith.constant 3 : i32
      %dma_start3A_2305 = arith.constant 384 : i32
      %dma_start3A_2306 = arith.constant 0 : i32
      %dma_start3A_2307 = tpu.memref_slice %arg6[%dma_start3A_2302, %dma_start3A_2305, %dma_start3A_2306] : memref<2x512x64xf32, #tpu.memory_space<vmem>> -> memref<1x128x64xf32, #tpu.memory_space<vmem>>
      %dma_start3A_2308 = tpu.memref_squeeze %dma_start3A_2307 : memref<1x128x64xf32, #tpu.memory_space<vmem>> -> memref<128x64xf32, #tpu.memory_space<vmem>>
      %dma_start3A_2309 = arith.constant 0 : i32
      %dma_start3A_2310 = tpu.memref_slice %arg8[%dma_start3A_2303, %dma_start3A_2304, %dma_start3A_2309] : memref<2x4x128xi32, #tpu.memory_space<vmem>> -> memref<1x1x128xi32, #tpu.memory_space<vmem>>
      %dma_start3A_2311 = tpu.memref_squeeze %dma_start3A_2310 : memref<1x1x128xi32, #tpu.memory_space<vmem>> -> memref<128xi32, #tpu.memory_space<vmem>>
      %dma_start3A_2312 = arith.constant 0 : i32
      %dma_start3A_2313 = arith.constant 0 : i32
      %dma_start3A_2314 = tpu.memref_slice %arg4[%dma_start3A_2312, %dma_start3A_2313] : memref<1638400x64xf32, #tpu.memory_space<hbm>> -> memref<1638400x64xf32, #tpu.memory_space<hbm>>
      tpu.enqueue_indirect_dma source(%dma_start3A_2308 : memref<128x64xf32, #tpu.memory_space<vmem>>) target(%dma_start3A_2314 : memref<1638400x64xf32, #tpu.memory_space<hbm>>) offsets(%dma_start3A_2311 : memref<128xi32, #tpu.memory_space<vmem>>) semaphore(%arg14 : memref<!tpu.dma_semaphore, #tpu.memory_space<semaphore_mem>>)
      %dma_wait3A_2315 = arith.constant 1 : i32
      %dma_wait3A_2316 = arith.constant 0 : i32
      %dma_wait3A_2317 = tpu.memref_slice %arg5[%dma_wait3A_2315, %dma_wait3A_2316] : memref<2x512xi32, #tpu.memory_space<vmem>> -> memref<1x512xi32, #tpu.memory_space<vmem>>
      %dma_wait3A_2318 = tpu.memref_squeeze %dma_wait3A_2317 : memref<1x512xi32, #tpu.memory_space<vmem>> -> memref<512xi32, #tpu.memory_space<vmem>>
      %dma_wait3A_2319 = tpu.memref_slice %arg2[%add3A_1683] : memref<819200xi32, #tpu.memory_space<hbm>> -> memref<512xi32, #tpu.memory_space<hbm>>
      %dma_wait3A_2320 = arith.constant 0 : i32
      %dma_wait3A_2321 = tpu.memref_slice %arg5[%dma_wait3A_2315, %dma_wait3A_2320] : memref<2x512xi32, #tpu.memory_space<vmem>> -> memref<1x512xi32, #tpu.memory_space<vmem>>
      %dma_wait3A_2322 = tpu.memref_squeeze %dma_wait3A_2321 : memref<1x512xi32, #tpu.memory_space<vmem>> -> memref<512xi32, #tpu.memory_space<vmem>>
      %dma_wait3A_2323 = tpu.memref_slice %arg2[%add3A_1683] : memref<819200xi32, #tpu.memory_space<hbm>> -> memref<512xi32, #tpu.memory_space<hbm>>
      tpu.wait_dma2 semaphore(%arg10 : memref<!tpu.dma_semaphore, #tpu.memory_space<semaphore_mem>>) src(%dma_wait3A_2323 : memref<512xi32, #tpu.memory_space<hbm>>) dst(%dma_wait3A_2322 : memref<512xi32, #tpu.memory_space<vmem>>)
      %mul3A_2324 = arith.constant 2 : i32
      %mul3A_2325 = arith.muli %mul3A_2324, %add3A_1683 : i32
      %dma_wait3A_2326 = arith.constant 1 : i32
      %dma_wait3A_2327 = arith.constant 0 : i32
      %dma_wait3A_2328 = arith.constant 0 : i32
      %dma_wait3A_2329 = tpu.memref_slice %arg6[%dma_wait3A_2326, %dma_wait3A_2327, %dma_wait3A_2328] : memref<2x512x64xf32, #tpu.memory_space<vmem>> -> memref<1x512x64xf32, #tpu.memory_space<vmem>>
      %dma_wait3A_2330 = tpu.memref_squeeze %dma_wait3A_2329 : memref<1x512x64xf32, #tpu.memory_space<vmem>> -> memref<512x64xf32, #tpu.memory_space<vmem>>
      %dma_wait3A_2331 = arith.constant 0 : i32
      %dma_wait3A_2332 = tpu.memref_slice %arg4[%mul3A_2325, %dma_wait3A_2331] : memref<1638400x64xf32, #tpu.memory_space<hbm>> -> memref<512x64xf32, #tpu.memory_space<hbm>>
      %dma_wait3A_2333 = arith.constant 0 : i32
      %dma_wait3A_2334 = tpu.memref_slice %arg4[%mul3A_2325, %dma_wait3A_2333] : memref<1638400x64xf32, #tpu.memory_space<hbm>> -> memref<512x64xf32, #tpu.memory_space<hbm>>
      %dma_wait3A_2335 = arith.constant 0 : i32
      %dma_wait3A_2336 = arith.constant 0 : i32
      %dma_wait3A_2337 = tpu.memref_slice %arg6[%dma_wait3A_2326, %dma_wait3A_2335, %dma_wait3A_2336] : memref<2x512x64xf32, #tpu.memory_space<vmem>> -> memref<1x512x64xf32, #tpu.memory_space<vmem>>
      %dma_wait3A_2338 = tpu.memref_squeeze %dma_wait3A_2337 : memref<1x512x64xf32, #tpu.memory_space<vmem>> -> memref<512x64xf32, #tpu.memory_space<vmem>>
      tpu.wait_dma2 semaphore(%arg14 : memref<!tpu.dma_semaphore, #tpu.memory_space<semaphore_mem>>) src(%dma_wait3A_2338 : memref<512x64xf32, #tpu.memory_space<vmem>>) dst(%dma_wait3A_2334 : memref<512x64xf32, #tpu.memory_space<hbm>>)
      %mul3A_2339 = arith.constant 2 : i32
      %mul3A_2340 = arith.muli %mul3A_2339, %add3A_1683 : i32
      %get3A_2341 = arith.constant 0 : i32
      %get3A_2342 = arith.index_cast %get3A_2341 : i32 to index
      %get3A_2343 = arith.constant 0 : index
      %get3A_2344 = tpu.vector_load %arg7[%get3A_2342, %get3A_2343] {strides = array<i32>} : memref<4x128xi32, #tpu.memory_space<vmem>>, vector<1x16xi32>,
      %get3A_2345 = vector.shape_cast %get3A_2344 : vector<1x16xi32> to vector<16xi32>
      %add3A_2346 = vector.broadcast %mul3A_2340 : i32 to vector<16xi32>
      %add3A_2347 = arith.addi %get3A_2345, %add3A_2346 : vector<16xi32>
      %swap3A_2348 = arith.constant 1 : i32
      %swap3A_2349 = arith.constant 0 : i32
      %swap3A_2350 = arith.index_cast %swap3A_2348 : i32 to index
      %swap3A_2351 = arith.index_cast %swap3A_2349 : i32 to index
      %swap3A_2352 = arith.constant 0 : index
      %swap3A_2353 = tpu.vector_load %arg8[%swap3A_2350, %swap3A_2351, %swap3A_2352] {strides = array<i32>} : memref<2x4x128xi32, #tpu.memory_space<vmem>>, vector<1x1x16xi32>,
      %swap3A_2354 = vector.shape_cast %swap3A_2353 : vector<1x1x16xi32> to vector<16xi32>
      %swap3A_2355 = vector.shape_cast %add3A_2347 : vector<16xi32> to vector<1x1x16xi32>
      tpu.vector_store %arg8[%swap3A_2350, %swap3A_2351, %swap3A_2352], %swap3A_2355 {strides = array<i32>} : memref<2x4x128xi32, #tpu.memory_space<vmem>>, vector<1x1x16xi32>,
      %get3A_2356 = arith.constant 0 : i32
      %get3A_2357 = arith.index_cast %get3A_2356 : i32 to index
      %get3A_2358 = arith.constant 16 : index
      %get3A_2359 = tpu.vector_load %arg7[%get3A_2357, %get3A_2358] {strides = array<i32>} : memref<4x128xi32, #tpu.memory_space<vmem>>, vector<1x16xi32>,
      %get3A_2360 = vector.shape_cast %get3A_2359 : vector<1x16xi32> to vector<16xi32>
      %add3A_2361 = vector.broadcast %mul3A_2340 : i32 to vector<16xi32>
      %add3A_2362 = arith.addi %get3A_2360, %add3A_2361 : vector<16xi32>
      %swap3A_2363 = arith.constant 1 : i32
      %swap3A_2364 = arith.constant 0 : i32
      %swap3A_2365 = arith.index_cast %swap3A_2363 : i32 to index
      %swap3A_2366 = arith.index_cast %swap3A_2364 : i32 to index
      %swap3A_2367 = arith.constant 16 : index
      %swap3A_2368 = tpu.vector_load %arg8[%swap3A_2365, %swap3A_2366, %swap3A_2367] {strides = array<i32>} : memref<2x4x128xi32, #tpu.memory_space<vmem>>, vector<1x1x16xi32>,
      %swap3A_2369 = vector.shape_cast %swap3A_2368 : vector<1x1x16xi32> to vector<16xi32>
      %swap3A_2370 = vector.shape_cast %add3A_2362 : vector<16xi32> to vector<1x1x16xi32>
      tpu.vector_store %arg8[%swap3A_2365, %swap3A_2366, %swap3A_2367], %swap3A_2370 {strides = array<i32>} : memref<2x4x128xi32, #tpu.memory_space<vmem>>, vector<1x1x16xi32>,
      %get3A_2371 = arith.constant 0 : i32
      %get3A_2372 = arith.index_cast %get3A_2371 : i32 to index
      %get3A_2373 = arith.constant 32 : index
      %get3A_2374 = tpu.vector_load %arg7[%get3A_2372, %get3A_2373] {strides = array<i32>} : memref<4x128xi32, #tpu.memory_space<vmem>>, vector<1x16xi32>,
      %get3A_2375 = vector.shape_cast %get3A_2374 : vector<1x16xi32> to vector<16xi32>
      %add3A_2376 = vector.broadcast %mul3A_2340 : i32 to vector<16xi32>
      %add3A_2377 = arith.addi %get3A_2375, %add3A_2376 : vector<16xi32>
      %swap3A_2378 = arith.constant 1 : i32
      %swap3A_2379 = arith.constant 0 : i32
      %swap3A_2380 = arith.index_cast %swap3A_2378 : i32 to index
      %swap3A_2381 = arith.index_cast %swap3A_2379 : i32 to index
      %swap3A_2382 = arith.constant 32 : index
      %swap3A_2383 = tpu.vector_load %arg8[%swap3A_2380, %swap3A_2381, %swap3A_2382] {strides = array<i32>} : memref<2x4x128xi32, #tpu.memory_space<vmem>>, vector<1x1x16xi32>,
      %swap3A_2384 = vector.shape_cast %swap3A_2383 : vector<1x1x16xi32> to vector<16xi32>
      %swap3A_2385 = vector.shape_cast %add3A_2377 : vector<16xi32> to vector<1x1x16xi32>
      tpu.vector_store %arg8[%swap3A_2380, %swap3A_2381, %swap3A_2382], %swap3A_2385 {strides = array<i32>} : memref<2x4x128xi32, #tpu.memory_space<vmem>>, vector<1x1x16xi32>,
      %get3A_2386 = arith.constant 0 : i32
      %get3A_2387 = arith.index_cast %get3A_2386 : i32 to index
      %get3A_2388 = arith.constant 48 : index
      %get3A_2389 = tpu.vector_load %arg7[%get3A_2387, %get3A_2388] {strides = array<i32>} : memref<4x128xi32, #tpu.memory_space<vmem>>, vector<1x16xi32>,
      %get3A_2390 = vector.shape_cast %get3A_2389 : vector<1x16xi32> to vector<16xi32>
      %add3A_2391 = vector.broadcast %mul3A_2340 : i32 to vector<16xi32>
      %add3A_2392 = arith.addi %get3A_2390, %add3A_2391 : vector<16xi32>
      %swap3A_2393 = arith.constant 1 : i32
      %swap3A_2394 = arith.constant 0 : i32
      %swap3A_2395 = arith.index_cast %swap3A_2393 : i32 to index
      %swap3A_2396 = arith.index_cast %swap3A_2394 : i32 to index
      %swap3A_2397 = arith.constant 48 : index
      %swap3A_2398 = tpu.vector_load %arg8[%swap3A_2395, %swap3A_2396, %swap3A_2397] {strides = array<i32>} : memref<2x4x128xi32, #tpu.memory_space<vmem>>, vector<1x1x16xi32>,
      %swap3A_2399 = vector.shape_cast %swap3A_2398 : vector<1x1x16xi32> to vector<16xi32>
      %swap3A_2400 = vector.shape_cast %add3A_2392 : vector<16xi32> to vector<1x1x16xi32>
      tpu.vector_store %arg8[%swap3A_2395, %swap3A_2396, %swap3A_2397], %swap3A_2400 {strides = array<i32>} : memref<2x4x128xi32, #tpu.memory_space<vmem>>, vector<1x1x16xi32>,
      %get3A_2401 = arith.constant 0 : i32
      %get3A_2402 = arith.index_cast %get3A_2401 : i32 to index
      %get3A_2403 = arith.constant 64 : index
      %get3A_2404 = tpu.vector_load %arg7[%get3A_2402, %get3A_2403] {strides = array<i32>} : memref<4x128xi32, #tpu.memory_space<vmem>>, vector<1x16xi32>,
      %get3A_2405 = vector.shape_cast %get3A_2404 : vector<1x16xi32> to vector<16xi32>
      %add3A_2406 = vector.broadcast %mul3A_2340 : i32 to vector<16xi32>
      %add3A_2407 = arith.addi %get3A_2405, %add3A_2406 : vector<16xi32>
      %swap3A_2408 = arith.constant 1 : i32
      %swap3A_2409 = arith.constant 0 : i32
      %swap3A_2410 = arith.index_cast %swap3A_2408 : i32 to index
      %swap3A_2411 = arith.index_cast %swap3A_2409 : i32 to index
      %swap3A_2412 = arith.constant 64 : index
      %swap3A_2413 = tpu.vector_load %arg8[%swap3A_2410, %swap3A_2411, %swap3A_2412] {strides = array<i32>} : memref<2x4x128xi32, #tpu.memory_space<vmem>>, vector<1x1x16xi32>,
      %swap3A_2414 = vector.shape_cast %swap3A_2413 : vector<1x1x16xi32> to vector<16xi32>
      %swap3A_2415 = vector.shape_cast %add3A_2407 : vector<16xi32> to vector<1x1x16xi32>
      tpu.vector_store %arg8[%swap3A_2410, %swap3A_2411, %swap3A_2412], %swap3A_2415 {strides = array<i32>} : memref<2x4x128xi32, #tpu.memory_space<vmem>>, vector<1x1x16xi32>,
      %get3A_2416 = arith.constant 0 : i32
      %get3A_2417 = arith.index_cast %get3A_2416 : i32 to index
      %get3A_2418 = arith.constant 80 : index
      %get3A_2419 = tpu.vector_load %arg7[%get3A_2417, %get3A_2418] {strides = array<i32>} : memref<4x128xi32, #tpu.memory_space<vmem>>, vector<1x16xi32>,
      %get3A_2420 = vector.shape_cast %get3A_2419 : vector<1x16xi32> to vector<16xi32>
      %add3A_2421 = vector.broadcast %mul3A_2340 : i32 to vector<16xi32>
      %add3A_2422 = arith.addi %get3A_2420, %add3A_2421 : vector<16xi32>
      %swap3A_2423 = arith.constant 1 : i32
      %swap3A_2424 = arith.constant 0 : i32
      %swap3A_2425 = arith.index_cast %swap3A_2423 : i32 to index
      %swap3A_2426 = arith.index_cast %swap3A_2424 : i32 to index
      %swap3A_2427 = arith.constant 80 : index
      %swap3A_2428 = tpu.vector_load %arg8[%swap3A_2425, %swap3A_2426, %swap3A_2427] {strides = array<i32>} : memref<2x4x128xi32, #tpu.memory_space<vmem>>, vector<1x1x16xi32>,
      %swap3A_2429 = vector.shape_cast %swap3A_2428 : vector<1x1x16xi32> to vector<16xi32>
      %swap3A_2430 = vector.shape_cast %add3A_2422 : vector<16xi32> to vector<1x1x16xi32>
      tpu.vector_store %arg8[%swap3A_2425, %swap3A_2426, %swap3A_2427], %swap3A_2430 {strides = array<i32>} : memref<2x4x128xi32, #tpu.memory_space<vmem>>, vector<1x1x16xi32>,
      %get3A_2431 = arith.constant 0 : i32
      %get3A_2432 = arith.index_cast %get3A_2431 : i32 to index
      %get3A_2433 = arith.constant 96 : index
      %get3A_2434 = tpu.vector_load %arg7[%get3A_2432, %get3A_2433] {strides = array<i32>} : memref<4x128xi32, #tpu.memory_space<vmem>>, vector<1x16xi32>,
      %get3A_2435 = vector.shape_cast %get3A_2434 : vector<1x16xi32> to vector<16xi32>
      %add3A_2436 = vector.broadcast %mul3A_2340 : i32 to vector<16xi32>
      %add3A_2437 = arith.addi %get3A_2435, %add3A_2436 : vector<16xi32>
      %swap3A_2438 = arith.constant 1 : i32
      %swap3A_2439 = arith.constant 0 : i32
      %swap3A_2440 = arith.index_cast %swap3A_2438 : i32 to index
      %swap3A_2441 = arith.index_cast %swap3A_2439 : i32 to index
      %swap3A_2442 = arith.constant 96 : index
      %swap3A_2443 = tpu.vector_load %arg8[%swap3A_2440, %swap3A_2441, %swap3A_2442] {strides = array<i32>} : memref<2x4x128xi32, #tpu.memory_space<vmem>>, vector<1x1x16xi32>,
      %swap3A_2444 = vector.shape_cast %swap3A_2443 : vector<1x1x16xi32> to vector<16xi32>
      %swap3A_2445 = vector.shape_cast %add3A_2437 : vector<16xi32> to vector<1x1x16xi32>
      tpu.vector_store %arg8[%swap3A_2440, %swap3A_2441, %swap3A_2442], %swap3A_2445 {strides = array<i32>} : memref<2x4x128xi32, #tpu.memory_space<vmem>>, vector<1x1x16xi32>,
      %get3A_2446 = arith.constant 0 : i32
      %get3A_2447 = arith.index_cast %get3A_2446 : i32 to index
      %get3A_2448 = arith.constant 112 : index
      %get3A_2449 = tpu.vector_load %arg7[%get3A_2447, %get3A_2448] {strides = array<i32>} : memref<4x128xi32, #tpu.memory_space<vmem>>, vector<1x16xi32>,
      %get3A_2450 = vector.shape_cast %get3A_2449 : vector<1x16xi32> to vector<16xi32>
      %add3A_2451 = vector.broadcast %mul3A_2340 : i32 to vector<16xi32>
      %add3A_2452 = arith.addi %get3A_2450, %add3A_2451 : vector<16xi32>
      %swap3A_2453 = arith.constant 1 : i32
      %swap3A_2454 = arith.constant 0 : i32
      %swap3A_2455 = arith.index_cast %swap3A_2453 : i32 to index
      %swap3A_2456 = arith.index_cast %swap3A_2454 : i32 to index
      %swap3A_2457 = arith.constant 112 : index
      %swap3A_2458 = tpu.vector_load %arg8[%swap3A_2455, %swap3A_2456, %swap3A_2457] {strides = array<i32>} : memref<2x4x128xi32, #tpu.memory_space<vmem>>, vector<1x1x16xi32>,
      %swap3A_2459 = vector.shape_cast %swap3A_2458 : vector<1x1x16xi32> to vector<16xi32>
      %swap3A_2460 = vector.shape_cast %add3A_2452 : vector<16xi32> to vector<1x1x16xi32>
      tpu.vector_store %arg8[%swap3A_2455, %swap3A_2456, %swap3A_2457], %swap3A_2460 {strides = array<i32>} : memref<2x4x128xi32, #tpu.memory_space<vmem>>, vector<1x1x16xi32>,
      %get3A_2461 = arith.constant 1 : i32
      %get3A_2462 = arith.index_cast %get3A_2461 : i32 to index
      %get3A_2463 = arith.constant 0 : index
      %get3A_2464 = tpu.vector_load %arg7[%get3A_2462, %get3A_2463] {strides = array<i32>} : memref<4x128xi32, #tpu.memory_space<vmem>>, vector<1x16xi32>,
      %get3A_2465 = vector.shape_cast %get3A_2464 : vector<1x16xi32> to vector<16xi32>
      %add3A_2466 = vector.broadcast %mul3A_2340 : i32 to vector<16xi32>
      %add3A_2467 = arith.addi %get3A_2465, %add3A_2466 : vector<16xi32>
      %swap3A_2468 = arith.constant 1 : i32
      %swap3A_2469 = arith.constant 1 : i32
      %swap3A_2470 = arith.index_cast %swap3A_2468 : i32 to index
      %swap3A_2471 = arith.index_cast %swap3A_2469 : i32 to index
      %swap3A_2472 = arith.constant 0 : index
      %swap3A_2473 = tpu.vector_load %arg8[%swap3A_2470, %swap3A_2471, %swap3A_2472] {strides = array<i32>} : memref<2x4x128xi32, #tpu.memory_space<vmem>>, vector<1x1x16xi32>,
      %swap3A_2474 = vector.shape_cast %swap3A_2473 : vector<1x1x16xi32> to vector<16xi32>
      %swap3A_2475 = vector.shape_cast %add3A_2467 : vector<16xi32> to vector<1x1x16xi32>
      tpu.vector_store %arg8[%swap3A_2470, %swap3A_2471, %swap3A_2472], %swap3A_2475 {strides = array<i32>} : memref<2x4x128xi32, #tpu.memory_space<vmem>>, vector<1x1x16xi32>,
      %get3A_2476 = arith.constant 1 : i32
      %get3A_2477 = arith.index_cast %get3A_2476 : i32 to index
      %get3A_2478 = arith.constant 16 : index
      %get3A_2479 = tpu.vector_load %arg7[%get3A_2477, %get3A_2478] {strides = array<i32>} : memref<4x128xi32, #tpu.memory_space<vmem>>, vector<1x16xi32>,
      %get3A_2480 = vector.shape_cast %get3A_2479 : vector<1x16xi32> to vector<16xi32>
      %add3A_2481 = vector.broadcast %mul3A_2340 : i32 to vector<16xi32>
      %add3A_2482 = arith.addi %get3A_2480, %add3A_2481 : vector<16xi32>
      %swap3A_2483 = arith.constant 1 : i32
      %swap3A_2484 = arith.constant 1 : i32
      %swap3A_2485 = arith.index_cast %swap3A_2483 : i32 to index
      %swap3A_2486 = arith.index_cast %swap3A_2484 : i32 to index
      %swap3A_2487 = arith.constant 16 : index
      %swap3A_2488 = tpu.vector_load %arg8[%swap3A_2485, %swap3A_2486, %swap3A_2487] {strides = array<i32>} : memref<2x4x128xi32, #tpu.memory_space<vmem>>, vector<1x1x16xi32>,
      %swap3A_2489 = vector.shape_cast %swap3A_2488 : vector<1x1x16xi32> to vector<16xi32>
      %swap3A_2490 = vector.shape_cast %add3A_2482 : vector<16xi32> to vector<1x1x16xi32>
      tpu.vector_store %arg8[%swap3A_2485, %swap3A_2486, %swap3A_2487], %swap3A_2490 {strides = array<i32>} : memref<2x4x128xi32, #tpu.memory_space<vmem>>, vector<1x1x16xi32>,
      %get3A_2491 = arith.constant 1 : i32
      %get3A_2492 = arith.index_cast %get3A_2491 : i32 to index
      %get3A_2493 = arith.constant 32 : index
      %get3A_2494 = tpu.vector_load %arg7[%get3A_2492, %get3A_2493] {strides = array<i32>} : memref<4x128xi32, #tpu.memory_space<vmem>>, vector<1x16xi32>,
      %get3A_2495 = vector.shape_cast %get3A_2494 : vector<1x16xi32> to vector<16xi32>
      %add3A_2496 = vector.broadcast %mul3A_2340 : i32 to vector<16xi32>
      %add3A_2497 = arith.addi %get3A_2495, %add3A_2496 : vector<16xi32>
      %swap3A_2498 = arith.constant 1 : i32
      %swap3A_2499 = arith.constant 1 : i32
      %swap3A_2500 = arith.index_cast %swap3A_2498 : i32 to index
      %swap3A_2501 = arith.index_cast %swap3A_2499 : i32 to index
      %swap3A_2502 = arith.constant 32 : index
      %swap3A_2503 = tpu.vector_load %arg8[%swap3A_2500, %swap3A_2501, %swap3A_2502] {strides = array<i32>} : memref<2x4x128xi32, #tpu.memory_space<vmem>>, vector<1x1x16xi32>,
      %swap3A_2504 = vector.shape_cast %swap3A_2503 : vector<1x1x16xi32> to vector<16xi32>
      %swap3A_2505 = vector.shape_cast %add3A_2497 : vector<16xi32> to vector<1x1x16xi32>
      tpu.vector_store %arg8[%swap3A_2500, %swap3A_2501, %swap3A_2502], %swap3A_2505 {strides = array<i32>} : memref<2x4x128xi32, #tpu.memory_space<vmem>>, vector<1x1x16xi32>,
      %get3A_2506 = arith.constant 1 : i32
      %get3A_2507 = arith.index_cast %get3A_2506 : i32 to index
      %get3A_2508 = arith.constant 48 : index
      %get3A_2509 = tpu.vector_load %arg7[%get3A_2507, %get3A_2508] {strides = array<i32>} : memref<4x128xi32, #tpu.memory_space<vmem>>, vector<1x16xi32>,
      %get3A_2510 = vector.shape_cast %get3A_2509 : vector<1x16xi32> to vector<16xi32>
      %add3A_2511 = vector.broadcast %mul3A_2340 : i32 to vector<16xi32>
      %add3A_2512 = arith.addi %get3A_2510, %add3A_2511 : vector<16xi32>
      %swap3A_2513 = arith.constant 1 : i32
      %swap3A_2514 = arith.constant 1 : i32
      %swap3A_2515 = arith.index_cast %swap3A_2513 : i32 to index
      %swap3A_2516 = arith.index_cast %swap3A_2514 : i32 to index
      %swap3A_2517 = arith.constant 48 : index
      %swap3A_2518 = tpu.vector_load %arg8[%swap3A_2515, %swap3A_2516, %swap3A_2517] {strides = array<i32>} : memref<2x4x128xi32, #tpu.memory_space<vmem>>, vector<1x1x16xi32>,
      %swap3A_2519 = vector.shape_cast %swap3A_2518 : vector<1x1x16xi32> to vector<16xi32>
      %swap3A_2520 = vector.shape_cast %add3A_2512 : vector<16xi32> to vector<1x1x16xi32>
      tpu.vector_store %arg8[%swap3A_2515, %swap3A_2516, %swap3A_2517], %swap3A_2520 {strides = array<i32>} : memref<2x4x128xi32, #tpu.memory_space<vmem>>, vector<1x1x16xi32>,
      %get3A_2521 = arith.constant 1 : i32
      %get3A_2522 = arith.index_cast %get3A_2521 : i32 to index
      %get3A_2523 = arith.constant 64 : index
      %get3A_2524 = tpu.vector_load %arg7[%get3A_2522, %get3A_2523] {strides = array<i32>} : memref<4x128xi32, #tpu.memory_space<vmem>>, vector<1x16xi32>,
      %get3A_2525 = vector.shape_cast %get3A_2524 : vector<1x16xi32> to vector<16xi32>
      %add3A_2526 = vector.broadcast %mul3A_2340 : i32 to vector<16xi32>
      %add3A_2527 = arith.addi %get3A_2525, %add3A_2526 : vector<16xi32>
      %swap3A_2528 = arith.constant 1 : i32
      %swap3A_2529 = arith.constant 1 : i32
      %swap3A_2530 = arith.index_cast %swap3A_2528 : i32 to index
      %swap3A_2531 = arith.index_cast %swap3A_2529 : i32 to index
      %swap3A_2532 = arith.constant 64 : index
      %swap3A_2533 = tpu.vector_load %arg8[%swap3A_2530, %swap3A_2531, %swap3A_2532] {strides = array<i32>} : memref<2x4x128xi32, #tpu.memory_space<vmem>>, vector<1x1x16xi32>,
      %swap3A_2534 = vector.shape_cast %swap3A_2533 : vector<1x1x16xi32> to vector<16xi32>
      %swap3A_2535 = vector.shape_cast %add3A_2527 : vector<16xi32> to vector<1x1x16xi32>
      tpu.vector_store %arg8[%swap3A_2530, %swap3A_2531, %swap3A_2532], %swap3A_2535 {strides = array<i32>} : memref<2x4x128xi32, #tpu.memory_space<vmem>>, vector<1x1x16xi32>,
      %get3A_2536 = arith.constant 1 : i32
      %get3A_2537 = arith.index_cast %get3A_2536 : i32 to index
      %get3A_2538 = arith.constant 80 : index
      %get3A_2539 = tpu.vector_load %arg7[%get3A_2537, %get3A_2538] {strides = array<i32>} : memref<4x128xi32, #tpu.memory_space<vmem>>, vector<1x16xi32>,
      %get3A_2540 = vector.shape_cast %get3A_2539 : vector<1x16xi32> to vector<16xi32>
      %add3A_2541 = vector.broadcast %mul3A_2340 : i32 to vector<16xi32>
      %add3A_2542 = arith.addi %get3A_2540, %add3A_2541 : vector<16xi32>
      %swap3A_2543 = arith.constant 1 : i32
      %swap3A_2544 = arith.constant 1 : i32
      %swap3A_2545 = arith.index_cast %swap3A_2543 : i32 to index
      %swap3A_2546 = arith.index_cast %swap3A_2544 : i32 to index
      %swap3A_2547 = arith.constant 80 : index
      %swap3A_2548 = tpu.vector_load %arg8[%swap3A_2545, %swap3A_2546, %swap3A_2547] {strides = array<i32>} : memref<2x4x128xi32, #tpu.memory_space<vmem>>, vector<1x1x16xi32>,
      %swap3A_2549 = vector.shape_cast %swap3A_2548 : vector<1x1x16xi32> to vector<16xi32>
      %swap3A_2550 = vector.shape_cast %add3A_2542 : vector<16xi32> to vector<1x1x16xi32>
      tpu.vector_store %arg8[%swap3A_2545, %swap3A_2546, %swap3A_2547], %swap3A_2550 {strides = array<i32>} : memref<2x4x128xi32, #tpu.memory_space<vmem>>, vector<1x1x16xi32>,
      %get3A_2551 = arith.constant 1 : i32
      %get3A_2552 = arith.index_cast %get3A_2551 : i32 to index
      %get3A_2553 = arith.constant 96 : index
      %get3A_2554 = tpu.vector_load %arg7[%get3A_2552, %get3A_2553] {strides = array<i32>} : memref<4x128xi32, #tpu.memory_space<vmem>>, vector<1x16xi32>,
      %get3A_2555 = vector.shape_cast %get3A_2554 : vector<1x16xi32> to vector<16xi32>
      %add3A_2556 = vector.broadcast %mul3A_2340 : i32 to vector<16xi32>
      %add3A_2557 = arith.addi %get3A_2555, %add3A_2556 : vector<16xi32>
      %swap3A_2558 = arith.constant 1 : i32
      %swap3A_2559 = arith.constant 1 : i32
      %swap3A_2560 = arith.index_cast %swap3A_2558 : i32 to index
      %swap3A_2561 = arith.index_cast %swap3A_2559 : i32 to index
      %swap3A_2562 = arith.constant 96 : index
      %swap3A_2563 = tpu.vector_load %arg8[%swap3A_2560, %swap3A_2561, %swap3A_2562] {strides = array<i32>} : memref<2x4x128xi32, #tpu.memory_space<vmem>>, vector<1x1x16xi32>,
      %swap3A_2564 = vector.shape_cast %swap3A_2563 : vector<1x1x16xi32> to vector<16xi32>
      %swap3A_2565 = vector.shape_cast %add3A_2557 : vector<16xi32> to vector<1x1x16xi32>
      tpu.vector_store %arg8[%swap3A_2560, %swap3A_2561, %swap3A_2562], %swap3A_2565 {strides = array<i32>} : memref<2x4x128xi32, #tpu.memory_space<vmem>>, vector<1x1x16xi32>,
      %get3A_2566 = arith.constant 1 : i32
      %get3A_2567 = arith.index_cast %get3A_2566 : i32 to index
      %get3A_2568 = arith.constant 112 : index
      %get3A_2569 = tpu.vector_load %arg7[%get3A_2567, %get3A_2568] {strides = array<i32>} : memref<4x128xi32, #tpu.memory_space<vmem>>, vector<1x16xi32>,
      %get3A_2570 = vector.shape_cast %get3A_2569 : vector<1x16xi32> to vector<16xi32>
      %add3A_2571 = vector.broadcast %mul3A_2340 : i32 to vector<16xi32>
      %add3A_2572 = arith.addi %get3A_2570, %add3A_2571 : vector<16xi32>
      %swap3A_2573 = arith.constant 1 : i32
      %swap3A_2574 = arith.constant 1 : i32
      %swap3A_2575 = arith.index_cast %swap3A_2573 : i32 to index
      %swap3A_2576 = arith.index_cast %swap3A_2574 : i32 to index
      %swap3A_2577 = arith.constant 112 : index
      %swap3A_2578 = tpu.vector_load %arg8[%swap3A_2575, %swap3A_2576, %swap3A_2577] {strides = array<i32>} : memref<2x4x128xi32, #tpu.memory_space<vmem>>, vector<1x1x16xi32>,
      %swap3A_2579 = vector.shape_cast %swap3A_2578 : vector<1x1x16xi32> to vector<16xi32>
      %swap3A_2580 = vector.shape_cast %add3A_2572 : vector<16xi32> to vector<1x1x16xi32>
      tpu.vector_store %arg8[%swap3A_2575, %swap3A_2576, %swap3A_2577], %swap3A_2580 {strides = array<i32>} : memref<2x4x128xi32, #tpu.memory_space<vmem>>, vector<1x1x16xi32>,
      %get3A_2581 = arith.constant 2 : i32
      %get3A_2582 = arith.index_cast %get3A_2581 : i32 to index
      %get3A_2583 = arith.constant 0 : index
      %get3A_2584 = tpu.vector_load %arg7[%get3A_2582, %get3A_2583] {strides = array<i32>} : memref<4x128xi32, #tpu.memory_space<vmem>>, vector<1x16xi32>,
      %get3A_2585 = vector.shape_cast %get3A_2584 : vector<1x16xi32> to vector<16xi32>
      %add3A_2586 = vector.broadcast %mul3A_2340 : i32 to vector<16xi32>
      %add3A_2587 = arith.addi %get3A_2585, %add3A_2586 : vector<16xi32>
      %swap3A_2588 = arith.constant 1 : i32
      %swap3A_2589 = arith.constant 2 : i32
      %swap3A_2590 = arith.index_cast %swap3A_2588 : i32 to index
      %swap3A_2591 = arith.index_cast %swap3A_2589 : i32 to index
      %swap3A_2592 = arith.constant 0 : index
      %swap3A_2593 = tpu.vector_load %arg8[%swap3A_2590, %swap3A_2591, %swap3A_2592] {strides = array<i32>} : memref<2x4x128xi32, #tpu.memory_space<vmem>>, vector<1x1x16xi32>,
      %swap3A_2594 = vector.shape_cast %swap3A_2593 : vector<1x1x16xi32> to vector<16xi32>
      %swap3A_2595 = vector.shape_cast %add3A_2587 : vector<16xi32> to vector<1x1x16xi32>
      tpu.vector_store %arg8[%swap3A_2590, %swap3A_2591, %swap3A_2592], %swap3A_2595 {strides = array<i32>} : memref<2x4x128xi32, #tpu.memory_space<vmem>>, vector<1x1x16xi32>,
      %get3A_2596 = arith.constant 2 : i32
      %get3A_2597 = arith.index_cast %get3A_2596 : i32 to index
      %get3A_2598 = arith.constant 16 : index
      %get3A_2599 = tpu.vector_load %arg7[%get3A_2597, %get3A_2598] {strides = array<i32>} : memref<4x128xi32, #tpu.memory_space<vmem>>, vector<1x16xi32>,
      %get3A_2600 = vector.shape_cast %get3A_2599 : vector<1x16xi32> to vector<16xi32>
      %add3A_2601 = vector.broadcast %mul3A_2340 : i32 to vector<16xi32>
      %add3A_2602 = arith.addi %get3A_2600, %add3A_2601 : vector<16xi32>
      %swap3A_2603 = arith.constant 1 : i32
      %swap3A_2604 = arith.constant 2 : i32
      %swap3A_2605 = arith.index_cast %swap3A_2603 : i32 to index
      %swap3A_2606 = arith.index_cast %swap3A_2604 : i32 to index
      %swap3A_2607 = arith.constant 16 : index
      %swap3A_2608 = tpu.vector_load %arg8[%swap3A_2605, %swap3A_2606, %swap3A_2607] {strides = array<i32>} : memref<2x4x128xi32, #tpu.memory_space<vmem>>, vector<1x1x16xi32>,
      %swap3A_2609 = vector.shape_cast %swap3A_2608 : vector<1x1x16xi32> to vector<16xi32>
      %swap3A_2610 = vector.shape_cast %add3A_2602 : vector<16xi32> to vector<1x1x16xi32>
      tpu.vector_store %arg8[%swap3A_2605, %swap3A_2606, %swap3A_2607], %swap3A_2610 {strides = array<i32>} : memref<2x4x128xi32, #tpu.memory_space<vmem>>, vector<1x1x16xi32>,
      %get3A_2611 = arith.constant 2 : i32
      %get3A_2612 = arith.index_cast %get3A_2611 : i32 to index
      %get3A_2613 = arith.constant 32 : index
      %get3A_2614 = tpu.vector_load %arg7[%get3A_2612, %get3A_2613] {strides = array<i32>} : memref<4x128xi32, #tpu.memory_space<vmem>>, vector<1x16xi32>,
      %get3A_2615 = vector.shape_cast %get3A_2614 : vector<1x16xi32> to vector<16xi32>
      %add3A_2616 = vector.broadcast %mul3A_2340 : i32 to vector<16xi32>
      %add3A_2617 = arith.addi %get3A_2615, %add3A_2616 : vector<16xi32>
      %swap3A_2618 = arith.constant 1 : i32
      %swap3A_2619 = arith.constant 2 : i32
      %swap3A_2620 = arith.index_cast %swap3A_2618 : i32 to index
      %swap3A_2621 = arith.index_cast %swap3A_2619 : i32 to index
      %swap3A_2622 = arith.constant 32 : index
      %swap3A_2623 = tpu.vector_load %arg8[%swap3A_2620, %swap3A_2621, %swap3A_2622] {strides = array<i32>} : memref<2x4x128xi32, #tpu.memory_space<vmem>>, vector<1x1x16xi32>,
      %swap3A_2624 = vector.shape_cast %swap3A_2623 : vector<1x1x16xi32> to vector<16xi32>
      %swap3A_2625 = vector.shape_cast %add3A_2617 : vector<16xi32> to vector<1x1x16xi32>
      tpu.vector_store %arg8[%swap3A_2620, %swap3A_2621, %swap3A_2622], %swap3A_2625 {strides = array<i32>} : memref<2x4x128xi32, #tpu.memory_space<vmem>>, vector<1x1x16xi32>,
      %get3A_2626 = arith.constant 2 : i32
      %get3A_2627 = arith.index_cast %get3A_2626 : i32 to index
      %get3A_2628 = arith.constant 48 : index
      %get3A_2629 = tpu.vector_load %arg7[%get3A_2627, %get3A_2628] {strides = array<i32>} : memref<4x128xi32, #tpu.memory_space<vmem>>, vector<1x16xi32>,
      %get3A_2630 = vector.shape_cast %get3A_2629 : vector<1x16xi32> to vector<16xi32>
      %add3A_2631 = vector.broadcast %mul3A_2340 : i32 to vector<16xi32>
      %add3A_2632 = arith.addi %get3A_2630, %add3A_2631 : vector<16xi32>
      %swap3A_2633 = arith.constant 1 : i32
      %swap3A_2634 = arith.constant 2 : i32
      %swap3A_2635 = arith.index_cast %swap3A_2633 : i32 to index
      %swap3A_2636 = arith.index_cast %swap3A_2634 : i32 to index
      %swap3A_2637 = arith.constant 48 : index
      %swap3A_2638 = tpu.vector_load %arg8[%swap3A_2635, %swap3A_2636, %swap3A_2637] {strides = array<i32>} : memref<2x4x128xi32, #tpu.memory_space<vmem>>, vector<1x1x16xi32>,
      %swap3A_2639 = vector.shape_cast %swap3A_2638 : vector<1x1x16xi32> to vector<16xi32>
      %swap3A_2640 = vector.shape_cast %add3A_2632 : vector<16xi32> to vector<1x1x16xi32>
      tpu.vector_store %arg8[%swap3A_2635, %swap3A_2636, %swap3A_2637], %swap3A_2640 {strides = array<i32>} : memref<2x4x128xi32, #tpu.memory_space<vmem>>, vector<1x1x16xi32>,
      %get3A_2641 = arith.constant 2 : i32
      %get3A_2642 = arith.index_cast %get3A_2641 : i32 to index
      %get3A_2643 = arith.constant 64 : index
      %get3A_2644 = tpu.vector_load %arg7[%get3A_2642, %get3A_2643] {strides = array<i32>} : memref<4x128xi32, #tpu.memory_space<vmem>>, vector<1x16xi32>,
      %get3A_2645 = vector.shape_cast %get3A_2644 : vector<1x16xi32> to vector<16xi32>
      %add3A_2646 = vector.broadcast %mul3A_2340 : i32 to vector<16xi32>
      %add3A_2647 = arith.addi %get3A_2645, %add3A_2646 : vector<16xi32>
      %swap3A_2648 = arith.constant 1 : i32
      %swap3A_2649 = arith.constant 2 : i32
      %swap3A_2650 = arith.index_cast %swap3A_2648 : i32 to index
      %swap3A_2651 = arith.index_cast %swap3A_2649 : i32 to index
      %swap3A_2652 = arith.constant 64 : index
      %swap3A_2653 = tpu.vector_load %arg8[%swap3A_2650, %swap3A_2651, %swap3A_2652] {strides = array<i32>} : memref<2x4x128xi32, #tpu.memory_space<vmem>>, vector<1x1x16xi32>,
      %swap3A_2654 = vector.shape_cast %swap3A_2653 : vector<1x1x16xi32> to vector<16xi32>
      %swap3A_2655 = vector.shape_cast %add3A_2647 : vector<16xi32> to vector<1x1x16xi32>
      tpu.vector_store %arg8[%swap3A_2650, %swap3A_2651, %swap3A_2652], %swap3A_2655 {strides = array<i32>} : memref<2x4x128xi32, #tpu.memory_space<vmem>>, vector<1x1x16xi32>,
      %get3A_2656 = arith.constant 2 : i32
      %get3A_2657 = arith.index_cast %get3A_2656 : i32 to index
      %get3A_2658 = arith.constant 80 : index
      %get3A_2659 = tpu.vector_load %arg7[%get3A_2657, %get3A_2658] {strides = array<i32>} : memref<4x128xi32, #tpu.memory_space<vmem>>, vector<1x16xi32>,
      %get3A_2660 = vector.shape_cast %get3A_2659 : vector<1x16xi32> to vector<16xi32>
      %add3A_2661 = vector.broadcast %mul3A_2340 : i32 to vector<16xi32>
      %add3A_2662 = arith.addi %get3A_2660, %add3A_2661 : vector<16xi32>
      %swap3A_2663 = arith.constant 1 : i32
      %swap3A_2664 = arith.constant 2 : i32
      %swap3A_2665 = arith.index_cast %swap3A_2663 : i32 to index
      %swap3A_2666 = arith.index_cast %swap3A_2664 : i32 to index
      %swap3A_2667 = arith.constant 80 : index
      %swap3A_2668 = tpu.vector_load %arg8[%swap3A_2665, %swap3A_2666, %swap3A_2667] {strides = array<i32>} : memref<2x4x128xi32, #tpu.memory_space<vmem>>, vector<1x1x16xi32>,
      %swap3A_2669 = vector.shape_cast %swap3A_2668 : vector<1x1x16xi32> to vector<16xi32>
      %swap3A_2670 = vector.shape_cast %add3A_2662 : vector<16xi32> to vector<1x1x16xi32>
      tpu.vector_store %arg8[%swap3A_2665, %swap3A_2666, %swap3A_2667], %swap3A_2670 {strides = array<i32>} : memref<2x4x128xi32, #tpu.memory_space<vmem>>, vector<1x1x16xi32>,
      %get3A_2671 = arith.constant 2 : i32
      %get3A_2672 = arith.index_cast %get3A_2671 : i32 to index
      %get3A_2673 = arith.constant 96 : index
      %get3A_2674 = tpu.vector_load %arg7[%get3A_2672, %get3A_2673] {strides = array<i32>} : memref<4x128xi32, #tpu.memory_space<vmem>>, vector<1x16xi32>,
      %get3A_2675 = vector.shape_cast %get3A_2674 : vector<1x16xi32> to vector<16xi32>
      %add3A_2676 = vector.broadcast %mul3A_2340 : i32 to vector<16xi32>
      %add3A_2677 = arith.addi %get3A_2675, %add3A_2676 : vector<16xi32>
      %swap3A_2678 = arith.constant 1 : i32
      %swap3A_2679 = arith.constant 2 : i32
      %swap3A_2680 = arith.index_cast %swap3A_2678 : i32 to index
      %swap3A_2681 = arith.index_cast %swap3A_2679 : i32 to index
      %swap3A_2682 = arith.constant 96 : index
      %swap3A_2683 = tpu.vector_load %arg8[%swap3A_2680, %swap3A_2681, %swap3A_2682] {strides = array<i32>} : memref<2x4x128xi32, #tpu.memory_space<vmem>>, vector<1x1x16xi32>,
      %swap3A_2684 = vector.shape_cast %swap3A_2683 : vector<1x1x16xi32> to vector<16xi32>
      %swap3A_2685 = vector.shape_cast %add3A_2677 : vector<16xi32> to vector<1x1x16xi32>
      tpu.vector_store %arg8[%swap3A_2680, %swap3A_2681, %swap3A_2682], %swap3A_2685 {strides = array<i32>} : memref<2x4x128xi32, #tpu.memory_space<vmem>>, vector<1x1x16xi32>,
      %get3A_2686 = arith.constant 2 : i32
      %get3A_2687 = arith.index_cast %get3A_2686 : i32 to index
      %get3A_2688 = arith.constant 112 : index
      %get3A_2689 = tpu.vector_load %arg7[%get3A_2687, %get3A_2688] {strides = array<i32>} : memref<4x128xi32, #tpu.memory_space<vmem>>, vector<1x16xi32>,
      %get3A_2690 = vector.shape_cast %get3A_2689 : vector<1x16xi32> to vector<16xi32>
      %add3A_2691 = vector.broadcast %mul3A_2340 : i32 to vector<16xi32>
      %add3A_2692 = arith.addi %get3A_2690, %add3A_2691 : vector<16xi32>
      %swap3A_2693 = arith.constant 1 : i32
      %swap3A_2694 = arith.constant 2 : i32
      %swap3A_2695 = arith.index_cast %swap3A_2693 : i32 to index
      %swap3A_2696 = arith.index_cast %swap3A_2694 : i32 to index
      %swap3A_2697 = arith.constant 112 : index
      %swap3A_2698 = tpu.vector_load %arg8[%swap3A_2695, %swap3A_2696, %swap3A_2697] {strides = array<i32>} : memref<2x4x128xi32, #tpu.memory_space<vmem>>, vector<1x1x16xi32>,
      %swap3A_2699 = vector.shape_cast %swap3A_2698 : vector<1x1x16xi32> to vector<16xi32>
      %swap3A_2700 = vector.shape_cast %add3A_2692 : vector<16xi32> to vector<1x1x16xi32>
      tpu.vector_store %arg8[%swap3A_2695, %swap3A_2696, %swap3A_2697], %swap3A_2700 {strides = array<i32>} : memref<2x4x128xi32, #tpu.memory_space<vmem>>, vector<1x1x16xi32>,
      %get3A_2701 = arith.constant 3 : i32
      %get3A_2702 = arith.index_cast %get3A_2701 : i32 to index
      %get3A_2703 = arith.constant 0 : index
      %get3A_2704 = tpu.vector_load %arg7[%get3A_2702, %get3A_2703] {strides = array<i32>} : memref<4x128xi32, #tpu.memory_space<vmem>>, vector<1x16xi32>,
      %get3A_2705 = vector.shape_cast %get3A_2704 : vector<1x16xi32> to vector<16xi32>
      %add3A_2706 = vector.broadcast %mul3A_2340 : i32 to vector<16xi32>
      %add3A_2707 = arith.addi %get3A_2705, %add3A_2706 : vector<16xi32>
      %swap3A_2708 = arith.constant 1 : i32
      %swap3A_2709 = arith.constant 3 : i32
      %swap3A_2710 = arith.index_cast %swap3A_2708 : i32 to index
      %swap3A_2711 = arith.index_cast %swap3A_2709 : i32 to index
      %swap3A_2712 = arith.constant 0 : index
      %swap3A_2713 = tpu.vector_load %arg8[%swap3A_2710, %swap3A_2711, %swap3A_2712] {strides = array<i32>} : memref<2x4x128xi32, #tpu.memory_space<vmem>>, vector<1x1x16xi32>,
      %swap3A_2714 = vector.shape_cast %swap3A_2713 : vector<1x1x16xi32> to vector<16xi32>
      %swap3A_2715 = vector.shape_cast %add3A_2707 : vector<16xi32> to vector<1x1x16xi32>
      tpu.vector_store %arg8[%swap3A_2710, %swap3A_2711, %swap3A_2712], %swap3A_2715 {strides = array<i32>} : memref<2x4x128xi32, #tpu.memory_space<vmem>>, vector<1x1x16xi32>,
      %get3A_2716 = arith.constant 3 : i32
      %get3A_2717 = arith.index_cast %get3A_2716 : i32 to index
      %get3A_2718 = arith.constant 16 : index
      %get3A_2719 = tpu.vector_load %arg7[%get3A_2717, %get3A_2718] {strides = array<i32>} : memref<4x128xi32, #tpu.memory_space<vmem>>, vector<1x16xi32>,
      %get3A_2720 = vector.shape_cast %get3A_2719 : vector<1x16xi32> to vector<16xi32>
      %add3A_2721 = vector.broadcast %mul3A_2340 : i32 to vector<16xi32>
      %add3A_2722 = arith.addi %get3A_2720, %add3A_2721 : vector<16xi32>
      %swap3A_2723 = arith.constant 1 : i32
      %swap3A_2724 = arith.constant 3 : i32
      %swap3A_2725 = arith.index_cast %swap3A_2723 : i32 to index
      %swap3A_2726 = arith.index_cast %swap3A_2724 : i32 to index
      %swap3A_2727 = arith.constant 16 : index
      %swap3A_2728 = tpu.vector_load %arg8[%swap3A_2725, %swap3A_2726, %swap3A_2727] {strides = array<i32>} : memref<2x4x128xi32, #tpu.memory_space<vmem>>, vector<1x1x16xi32>,
      %swap3A_2729 = vector.shape_cast %swap3A_2728 : vector<1x1x16xi32> to vector<16xi32>
      %swap3A_2730 = vector.shape_cast %add3A_2722 : vector<16xi32> to vector<1x1x16xi32>
      tpu.vector_store %arg8[%swap3A_2725, %swap3A_2726, %swap3A_2727], %swap3A_2730 {strides = array<i32>} : memref<2x4x128xi32, #tpu.memory_space<vmem>>, vector<1x1x16xi32>,
      %get3A_2731 = arith.constant 3 : i32
      %get3A_2732 = arith.index_cast %get3A_2731 : i32 to index
      %get3A_2733 = arith.constant 32 : index
      %get3A_2734 = tpu.vector_load %arg7[%get3A_2732, %get3A_2733] {strides = array<i32>} : memref<4x128xi32, #tpu.memory_space<vmem>>, vector<1x16xi32>,
      %get3A_2735 = vector.shape_cast %get3A_2734 : vector<1x16xi32> to vector<16xi32>
      %add3A_2736 = vector.broadcast %mul3A_2340 : i32 to vector<16xi32>
      %add3A_2737 = arith.addi %get3A_2735, %add3A_2736 : vector<16xi32>
      %swap3A_2738 = arith.constant 1 : i32
      %swap3A_2739 = arith.constant 3 : i32
      %swap3A_2740 = arith.index_cast %swap3A_2738 : i32 to index
      %swap3A_2741 = arith.index_cast %swap3A_2739 : i32 to index
      %swap3A_2742 = arith.constant 32 : index
      %swap3A_2743 = tpu.vector_load %arg8[%swap3A_2740, %swap3A_2741, %swap3A_2742] {strides = array<i32>} : memref<2x4x128xi32, #tpu.memory_space<vmem>>, vector<1x1x16xi32>,
      %swap3A_2744 = vector.shape_cast %swap3A_2743 : vector<1x1x16xi32> to vector<16xi32>
      %swap3A_2745 = vector.shape_cast %add3A_2737 : vector<16xi32> to vector<1x1x16xi32>
      tpu.vector_store %arg8[%swap3A_2740, %swap3A_2741, %swap3A_2742], %swap3A_2745 {strides = array<i32>} : memref<2x4x128xi32, #tpu.memory_space<vmem>>, vector<1x1x16xi32>,
      %get3A_2746 = arith.constant 3 : i32
      %get3A_2747 = arith.index_cast %get3A_2746 : i32 to index
      %get3A_2748 = arith.constant 48 : index
      %get3A_2749 = tpu.vector_load %arg7[%get3A_2747, %get3A_2748] {strides = array<i32>} : memref<4x128xi32, #tpu.memory_space<vmem>>, vector<1x16xi32>,
      %get3A_2750 = vector.shape_cast %get3A_2749 : vector<1x16xi32> to vector<16xi32>
      %add3A_2751 = vector.broadcast %mul3A_2340 : i32 to vector<16xi32>
      %add3A_2752 = arith.addi %get3A_2750, %add3A_2751 : vector<16xi32>
      %swap3A_2753 = arith.constant 1 : i32
      %swap3A_2754 = arith.constant 3 : i32
      %swap3A_2755 = arith.index_cast %swap3A_2753 : i32 to index
      %swap3A_2756 = arith.index_cast %swap3A_2754 : i32 to index
      %swap3A_2757 = arith.constant 48 : index
      %swap3A_2758 = tpu.vector_load %arg8[%swap3A_2755, %swap3A_2756, %swap3A_2757] {strides = array<i32>} : memref<2x4x128xi32, #tpu.memory_space<vmem>>, vector<1x1x16xi32>,
      %swap3A_2759 = vector.shape_cast %swap3A_2758 : vector<1x1x16xi32> to vector<16xi32>
      %swap3A_2760 = vector.shape_cast %add3A_2752 : vector<16xi32> to vector<1x1x16xi32>
      tpu.vector_store %arg8[%swap3A_2755, %swap3A_2756, %swap3A_2757], %swap3A_2760 {strides = array<i32>} : memref<2x4x128xi32, #tpu.memory_space<vmem>>, vector<1x1x16xi32>,
      %get3A_2761 = arith.constant 3 : i32
      %get3A_2762 = arith.index_cast %get3A_2761 : i32 to index
      %get3A_2763 = arith.constant 64 : index
      %get3A_2764 = tpu.vector_load %arg7[%get3A_2762, %get3A_2763] {strides = array<i32>} : memref<4x128xi32, #tpu.memory_space<vmem>>, vector<1x16xi32>,
      %get3A_2765 = vector.shape_cast %get3A_2764 : vector<1x16xi32> to vector<16xi32>
      %add3A_2766 = vector.broadcast %mul3A_2340 : i32 to vector<16xi32>
      %add3A_2767 = arith.addi %get3A_2765, %add3A_2766 : vector<16xi32>
      %swap3A_2768 = arith.constant 1 : i32
      %swap3A_2769 = arith.constant 3 : i32
      %swap3A_2770 = arith.index_cast %swap3A_2768 : i32 to index
      %swap3A_2771 = arith.index_cast %swap3A_2769 : i32 to index
      %swap3A_2772 = arith.constant 64 : index
      %swap3A_2773 = tpu.vector_load %arg8[%swap3A_2770, %swap3A_2771, %swap3A_2772] {strides = array<i32>} : memref<2x4x128xi32, #tpu.memory_space<vmem>>, vector<1x1x16xi32>,
      %swap3A_2774 = vector.shape_cast %swap3A_2773 : vector<1x1x16xi32> to vector<16xi32>
      %swap3A_2775 = vector.shape_cast %add3A_2767 : vector<16xi32> to vector<1x1x16xi32>
      tpu.vector_store %arg8[%swap3A_2770, %swap3A_2771, %swap3A_2772], %swap3A_2775 {strides = array<i32>} : memref<2x4x128xi32, #tpu.memory_space<vmem>>, vector<1x1x16xi32>,
      %get3A_2776 = arith.constant 3 : i32
      %get3A_2777 = arith.index_cast %get3A_2776 : i32 to index
      %get3A_2778 = arith.constant 80 : index
      %get3A_2779 = tpu.vector_load %arg7[%get3A_2777, %get3A_2778] {strides = array<i32>} : memref<4x128xi32, #tpu.memory_space<vmem>>, vector<1x16xi32>,
      %get3A_2780 = vector.shape_cast %get3A_2779 : vector<1x16xi32> to vector<16xi32>
      %add3A_2781 = vector.broadcast %mul3A_2340 : i32 to vector<16xi32>
      %add3A_2782 = arith.addi %get3A_2780, %add3A_2781 : vector<16xi32>
      %swap3A_2783 = arith.constant 1 : i32
      %swap3A_2784 = arith.constant 3 : i32
      %swap3A_2785 = arith.index_cast %swap3A_2783 : i32 to index
      %swap3A_2786 = arith.index_cast %swap3A_2784 : i32 to index
      %swap3A_2787 = arith.constant 80 : index
      %swap3A_2788 = tpu.vector_load %arg8[%swap3A_2785, %swap3A_2786, %swap3A_2787] {strides = array<i32>} : memref<2x4x128xi32, #tpu.memory_space<vmem>>, vector<1x1x16xi32>,
      %swap3A_2789 = vector.shape_cast %swap3A_2788 : vector<1x1x16xi32> to vector<16xi32>
      %swap3A_2790 = vector.shape_cast %add3A_2782 : vector<16xi32> to vector<1x1x16xi32>
      tpu.vector_store %arg8[%swap3A_2785, %swap3A_2786, %swap3A_2787], %swap3A_2790 {strides = array<i32>} : memref<2x4x128xi32, #tpu.memory_space<vmem>>, vector<1x1x16xi32>,
      %get3A_2791 = arith.constant 3 : i32
      %get3A_2792 = arith.index_cast %get3A_2791 : i32 to index
      %get3A_2793 = arith.constant 96 : index
      %get3A_2794 = tpu.vector_load %arg7[%get3A_2792, %get3A_2793] {strides = array<i32>} : memref<4x128xi32, #tpu.memory_space<vmem>>, vector<1x16xi32>,
      %get3A_2795 = vector.shape_cast %get3A_2794 : vector<1x16xi32> to vector<16xi32>
      %add3A_2796 = vector.broadcast %mul3A_2340 : i32 to vector<16xi32>
      %add3A_2797 = arith.addi %get3A_2795, %add3A_2796 : vector<16xi32>
      %swap3A_2798 = arith.constant 1 : i32
      %swap3A_2799 = arith.constant 3 : i32
      %swap3A_2800 = arith.index_cast %swap3A_2798 : i32 to index
      %swap3A_2801 = arith.index_cast %swap3A_2799 : i32 to index
      %swap3A_2802 = arith.constant 96 : index
      %swap3A_2803 = tpu.vector_load %arg8[%swap3A_2800, %swap3A_2801, %swap3A_2802] {strides = array<i32>} : memref<2x4x128xi32, #tpu.memory_space<vmem>>, vector<1x1x16xi32>,
      %swap3A_2804 = vector.shape_cast %swap3A_2803 : vector<1x1x16xi32> to vector<16xi32>
      %swap3A_2805 = vector.shape_cast %add3A_2797 : vector<16xi32> to vector<1x1x16xi32>
      tpu.vector_store %arg8[%swap3A_2800, %swap3A_2801, %swap3A_2802], %swap3A_2805 {strides = array<i32>} : memref<2x4x128xi32, #tpu.memory_space<vmem>>, vector<1x1x16xi32>,
      %get3A_2806 = arith.constant 3 : i32
      %get3A_2807 = arith.index_cast %get3A_2806 : i32 to index
      %get3A_2808 = arith.constant 112 : index
      %get3A_2809 = tpu.vector_load %arg7[%get3A_2807, %get3A_2808] {strides = array<i32>} : memref<4x128xi32, #tpu.memory_space<vmem>>, vector<1x16xi32>,
      %get3A_2810 = vector.shape_cast %get3A_2809 : vector<1x16xi32> to vector<16xi32>
      %add3A_2811 = vector.broadcast %mul3A_2340 : i32 to vector<16xi32>
      %add3A_2812 = arith.addi %get3A_2810, %add3A_2811 : vector<16xi32>
      %swap3A_2813 = arith.constant 1 : i32
      %swap3A_2814 = arith.constant 3 : i32
      %swap3A_2815 = arith.index_cast %swap3A_2813 : i32 to index
      %swap3A_2816 = arith.index_cast %swap3A_2814 : i32 to index
      %swap3A_2817 = arith.constant 112 : index
      %swap3A_2818 = tpu.vector_load %arg8[%swap3A_2815, %swap3A_2816, %swap3A_2817] {strides = array<i32>} : memref<2x4x128xi32, #tpu.memory_space<vmem>>, vector<1x1x16xi32>,
      %swap3A_2819 = vector.shape_cast %swap3A_2818 : vector<1x1x16xi32> to vector<16xi32>
      %swap3A_2820 = vector.shape_cast %add3A_2812 : vector<16xi32> to vector<1x1x16xi32>
      tpu.vector_store %arg8[%swap3A_2815, %swap3A_2816, %swap3A_2817], %swap3A_2820 {strides = array<i32>} : memref<2x4x128xi32, #tpu.memory_space<vmem>>, vector<1x1x16xi32>,
      %dma_start3A_2821 = arith.constant 1 : i32
      %dma_start3A_2822 = arith.constant 1 : i32
      %dma_start3A_2823 = arith.constant 0 : i32
      %dma_start3A_2824 = arith.constant 0 : i32
      %dma_start3A_2825 = tpu.memref_slice %arg6[%dma_start3A_2822, %dma_start3A_2823, %dma_start3A_2824] : memref<2x512x64xf32, #tpu.memory_space<vmem>> -> memref<1x128x64xf32, #tpu.memory_space<vmem>>
      %dma_start3A_2826 = tpu.memref_squeeze %dma_start3A_2825 : memref<1x128x64xf32, #tpu.memory_space<vmem>> -> memref<128x64xf32, #tpu.memory_space<vmem>>
      %dma_start3A_2827 = arith.constant 0 : i32
      %dma_start3A_2828 = tpu.memref_slice %arg5[%dma_start3A_2821, %dma_start3A_2827] : memref<2x512xi32, #tpu.memory_space<vmem>> -> memref<1x128xi32, #tpu.memory_space<vmem>>
      %dma_start3A_2829 = tpu.memref_squeeze %dma_start3A_2828 : memref<1x128xi32, #tpu.memory_space<vmem>> -> memref<128xi32, #tpu.memory_space<vmem>>
      %dma_start3A_2830 = arith.constant 0 : i32
      %dma_start3A_2831 = arith.constant 0 : i32
      %dma_start3A_2832 = tpu.memref_slice %arg3[%dma_start3A_2830, %dma_start3A_2831] : memref<2000000x64xf32, #tpu.memory_space<hbm>> -> memref<2000000x64xf32, #tpu.memory_space<hbm>>
      tpu.enqueue_indirect_dma source(%dma_start3A_2832 : memref<2000000x64xf32, #tpu.memory_space<hbm>>) target(%dma_start3A_2826 : memref<128x64xf32, #tpu.memory_space<vmem>>) offsets(%dma_start3A_2829 : memref<128xi32, #tpu.memory_space<vmem>>) semaphore(%arg12 : memref<!tpu.dma_semaphore, #tpu.memory_space<semaphore_mem>>)
      %dma_start3A_2833 = arith.constant 1 : i32
      %dma_start3A_2834 = arith.constant 1 : i32
      %dma_start3A_2835 = arith.constant 128 : i32
      %dma_start3A_2836 = arith.constant 0 : i32
      %dma_start3A_2837 = tpu.memref_slice %arg6[%dma_start3A_2834, %dma_start3A_2835, %dma_start3A_2836] : memref<2x512x64xf32, #tpu.memory_space<vmem>> -> memref<1x128x64xf32, #tpu.memory_space<vmem>>
      %dma_start3A_2838 = tpu.memref_squeeze %dma_start3A_2837 : memref<1x128x64xf32, #tpu.memory_space<vmem>> -> memref<128x64xf32, #tpu.memory_space<vmem>>
      %dma_start3A_2839 = arith.constant 128 : i32
      %dma_start3A_2840 = tpu.memref_slice %arg5[%dma_start3A_2833, %dma_start3A_2839] : memref<2x512xi32, #tpu.memory_space<vmem>> -> memref<1x128xi32, #tpu.memory_space<vmem>>
      %dma_start3A_2841 = tpu.memref_squeeze %dma_start3A_2840 : memref<1x128xi32, #tpu.memory_space<vmem>> -> memref<128xi32, #tpu.memory_space<vmem>>
      %dma_start3A_2842 = arith.constant 0 : i32
      %dma_start3A_2843 = arith.constant 0 : i32
      %dma_start3A_2844 = tpu.memref_slice %arg3[%dma_start3A_2842, %dma_start3A_2843] : memref<2000000x64xf32, #tpu.memory_space<hbm>> -> memref<2000000x64xf32, #tpu.memory_space<hbm>>
      tpu.enqueue_indirect_dma source(%dma_start3A_2844 : memref<2000000x64xf32, #tpu.memory_space<hbm>>) target(%dma_start3A_2838 : memref<128x64xf32, #tpu.memory_space<vmem>>) offsets(%dma_start3A_2841 : memref<128xi32, #tpu.memory_space<vmem>>) semaphore(%arg12 : memref<!tpu.dma_semaphore, #tpu.memory_space<semaphore_mem>>)
      %dma_start3A_2845 = arith.constant 1 : i32
      %dma_start3A_2846 = arith.constant 1 : i32
      %dma_start3A_2847 = arith.constant 256 : i32
      %dma_start3A_2848 = arith.constant 0 : i32
      %dma_start3A_2849 = tpu.memref_slice %arg6[%dma_start3A_2846, %dma_start3A_2847, %dma_start3A_2848] : memref<2x512x64xf32, #tpu.memory_space<vmem>> -> memref<1x128x64xf32, #tpu.memory_space<vmem>>
      %dma_start3A_2850 = tpu.memref_squeeze %dma_start3A_2849 : memref<1x128x64xf32, #tpu.memory_space<vmem>> -> memref<128x64xf32, #tpu.memory_space<vmem>>
      %dma_start3A_2851 = arith.constant 256 : i32
      %dma_start3A_2852 = tpu.memref_slice %arg5[%dma_start3A_2845, %dma_start3A_2851] : memref<2x512xi32, #tpu.memory_space<vmem>> -> memref<1x128xi32, #tpu.memory_space<vmem>>
      %dma_start3A_2853 = tpu.memref_squeeze %dma_start3A_2852 : memref<1x128xi32, #tpu.memory_space<vmem>> -> memref<128xi32, #tpu.memory_space<vmem>>
      %dma_start3A_2854 = arith.constant 0 : i32
      %dma_start3A_2855 = arith.constant 0 : i32
      %dma_start3A_2856 = tpu.memref_slice %arg3[%dma_start3A_2854, %dma_start3A_2855] : memref<2000000x64xf32, #tpu.memory_space<hbm>> -> memref<2000000x64xf32, #tpu.memory_space<hbm>>
      tpu.enqueue_indirect_dma source(%dma_start3A_2856 : memref<2000000x64xf32, #tpu.memory_space<hbm>>) target(%dma_start3A_2850 : memref<128x64xf32, #tpu.memory_space<vmem>>) offsets(%dma_start3A_2853 : memref<128xi32, #tpu.memory_space<vmem>>) semaphore(%arg12 : memref<!tpu.dma_semaphore, #tpu.memory_space<semaphore_mem>>)
      %dma_start3A_2857 = arith.constant 1 : i32
      %dma_start3A_2858 = arith.constant 1 : i32
      %dma_start3A_2859 = arith.constant 384 : i32
      %dma_start3A_2860 = arith.constant 0 : i32
      %dma_start3A_2861 = tpu.memref_slice %arg6[%dma_start3A_2858, %dma_start3A_2859, %dma_start3A_2860] : memref<2x512x64xf32, #tpu.memory_space<vmem>> -> memref<1x128x64xf32, #tpu.memory_space<vmem>>
      %dma_start3A_2862 = tpu.memref_squeeze %dma_start3A_2861 : memref<1x128x64xf32, #tpu.memory_space<vmem>> -> memref<128x64xf32, #tpu.memory_space<vmem>>
      %dma_start3A_2863 = arith.constant 384 : i32
      %dma_start3A_2864 = tpu.memref_slice %arg5[%dma_start3A_2857, %dma_start3A_2863] : memref<2x512xi32, #tpu.memory_space<vmem>> -> memref<1x128xi32, #tpu.memory_space<vmem>>
      %dma_start3A_2865 = tpu.memref_squeeze %dma_start3A_2864 : memref<1x128xi32, #tpu.memory_space<vmem>> -> memref<128xi32, #tpu.memory_space<vmem>>
      %dma_start3A_2866 = arith.constant 0 : i32
      %dma_start3A_2867 = arith.constant 0 : i32
      %dma_start3A_2868 = tpu.memref_slice %arg3[%dma_start3A_2866, %dma_start3A_2867] : memref<2000000x64xf32, #tpu.memory_space<hbm>> -> memref<2000000x64xf32, #tpu.memory_space<hbm>>
      tpu.enqueue_indirect_dma source(%dma_start3A_2868 : memref<2000000x64xf32, #tpu.memory_space<hbm>>) target(%dma_start3A_2862 : memref<128x64xf32, #tpu.memory_space<vmem>>) offsets(%dma_start3A_2865 : memref<128xi32, #tpu.memory_space<vmem>>) semaphore(%arg12 : memref<!tpu.dma_semaphore, #tpu.memory_space<semaphore_mem>>)
      %mul3A_2869 = arith.constant 2 : i32
      %mul3A_2870 = arith.muli %mul3A_2869, %add3A_1681 : i32
      %dma_wait3A_2871 = arith.constant 0 : i32
      %dma_wait3A_2872 = arith.constant 0 : i32
      %dma_wait3A_2873 = arith.constant 0 : i32
      %dma_wait3A_2874 = tpu.memref_slice %arg6[%dma_wait3A_2871, %dma_wait3A_2872, %dma_wait3A_2873] : memref<2x512x64xf32, #tpu.memory_space<vmem>> -> memref<1x512x64xf32, #tpu.memory_space<vmem>>
      %dma_wait3A_2875 = tpu.memref_squeeze %dma_wait3A_2874 : memref<1x512x64xf32, #tpu.memory_space<vmem>> -> memref<512x64xf32, #tpu.memory_space<vmem>>
      %dma_wait3A_2876 = arith.constant 0 : i32
      %dma_wait3A_2877 = tpu.memref_slice %arg4[%mul3A_2870, %dma_wait3A_2876] : memref<1638400x64xf32, #tpu.memory_space<hbm>> -> memref<512x64xf32, #tpu.memory_space<hbm>>
      %dma_wait3A_2878 = arith.constant 0 : i32
      %dma_wait3A_2879 = tpu.memref_slice %arg4[%mul3A_2870, %dma_wait3A_2878] : memref<1638400x64xf32, #tpu.memory_space<hbm>> -> memref<512x64xf32, #tpu.memory_space<hbm>>
      %dma_wait3A_2880 = arith.constant 0 : i32
      %dma_wait3A_2881 = arith.constant 0 : i32
      %dma_wait3A_2882 = tpu.memref_slice %arg6[%dma_wait3A_2871, %dma_wait3A_2880, %dma_wait3A_2881] : memref<2x512x64xf32, #tpu.memory_space<vmem>> -> memref<1x512x64xf32, #tpu.memory_space<vmem>>
      %dma_wait3A_2883 = tpu.memref_squeeze %dma_wait3A_2882 : memref<1x512x64xf32, #tpu.memory_space<vmem>> -> memref<512x64xf32, #tpu.memory_space<vmem>>
      tpu.wait_dma2 semaphore(%arg11 : memref<!tpu.dma_semaphore, #tpu.memory_space<semaphore_mem>>) src(%dma_wait3A_2883 : memref<512x64xf32, #tpu.memory_space<vmem>>) dst(%dma_wait3A_2879 : memref<512x64xf32, #tpu.memory_space<hbm>>)
      %add3A_2884 = arith.constant 512 : i32
      %add3A_2885 = arith.addi %add3A_1683, %add3A_2884 : i32
      %rem3A = arith.constant 819200 : i32
      %rem3A_2886 = arith.remsi %add3A_2885, %rem3A : i32
      %dma_start3A_2887 = arith.constant 0 : i32
      %dma_start3A_2888 = arith.constant 0 : i32
      %dma_start3A_2889 = tpu.memref_slice %arg5[%dma_start3A_2887, %dma_start3A_2888] : memref<2x512xi32, #tpu.memory_space<vmem>> -> memref<1x512xi32, #tpu.memory_space<vmem>>
      %dma_start3A_2890 = tpu.memref_squeeze %dma_start3A_2889 : memref<1x512xi32, #tpu.memory_space<vmem>> -> memref<512xi32, #tpu.memory_space<vmem>>
      %dma_start3A_2891 = tpu.memref_slice %arg2[%rem3A_2886] : memref<819200xi32, #tpu.memory_space<hbm>> -> memref<512xi32, #tpu.memory_space<hbm>>
      %dma_start3A_2892 = arith.constant 0 : i32
      %dma_start3A_2893 = tpu.memref_slice %arg5[%dma_start3A_2887, %dma_start3A_2892] : memref<2x512xi32, #tpu.memory_space<vmem>> -> memref<1x512xi32, #tpu.memory_space<vmem>>
      %dma_start3A_2894 = tpu.memref_squeeze %dma_start3A_2893 : memref<1x512xi32, #tpu.memory_space<vmem>> -> memref<512xi32, #tpu.memory_space<vmem>>
      %dma_start3A_2895 = tpu.memref_slice %arg2[%rem3A_2886] : memref<819200xi32, #tpu.memory_space<hbm>> -> memref<512xi32, #tpu.memory_space<hbm>>
      tpu.enqueue_dma source(%dma_start3A_2895 : memref<512xi32, #tpu.memory_space<hbm>>) target(%dma_start3A_2894 : memref<512xi32, #tpu.memory_space<vmem>>) target_semaphore(%arg9 : memref<!tpu.dma_semaphore, #tpu.memory_space<semaphore_mem>>)
      %dma_start3A_2896 = arith.constant 0 : i32
      %dma_start3A_2897 = arith.constant 0 : i32
      %dma_start3A_2898 = arith.constant 0 : i32
      %dma_start3A_2899 = arith.constant 0 : i32
      %dma_start3A_2900 = arith.constant 0 : i32
      %dma_start3A_2901 = tpu.memref_slice %arg6[%dma_start3A_2896, %dma_start3A_2899, %dma_start3A_2900] : memref<2x512x64xf32, #tpu.memory_space<vmem>> -> memref<1x128x64xf32, #tpu.memory_space<vmem>>
      %dma_start3A_2902 = tpu.memref_squeeze %dma_start3A_2901 : memref<1x128x64xf32, #tpu.memory_space<vmem>> -> memref<128x64xf32, #tpu.memory_space<vmem>>
      %dma_start3A_2903 = arith.constant 0 : i32
      %dma_start3A_2904 = tpu.memref_slice %arg8[%dma_start3A_2897, %dma_start3A_2898, %dma_start3A_2903] : memref<2x4x128xi32, #tpu.memory_space<vmem>> -> memref<1x1x128xi32, #tpu.memory_space<vmem>>
      %dma_start3A_2905 = tpu.memref_squeeze %dma_start3A_2904 : memref<1x1x128xi32, #tpu.memory_space<vmem>> -> memref<128xi32, #tpu.memory_space<vmem>>
      %dma_start3A_2906 = arith.constant 0 : i32
      %dma_start3A_2907 = arith.constant 0 : i32
      %dma_start3A_2908 = tpu.memref_slice %arg4[%dma_start3A_2906, %dma_start3A_2907] : memref<1638400x64xf32, #tpu.memory_space<hbm>> -> memref<1638400x64xf32, #tpu.memory_space<hbm>>
      tpu.enqueue_indirect_dma source(%dma_start3A_2902 : memref<128x64xf32, #tpu.memory_space<vmem>>) target(%dma_start3A_2908 : memref<1638400x64xf32, #tpu.memory_space<hbm>>) offsets(%dma_start3A_2905 : memref<128xi32, #tpu.memory_space<vmem>>) semaphore(%arg13 : memref<!tpu.dma_semaphore, #tpu.memory_space<semaphore_mem>>)
      %dma_start3A_2909 = arith.constant 0 : i32
      %dma_start3A_2910 = arith.constant 0 : i32
      %dma_start3A_2911 = arith.constant 1 : i32
      %dma_start3A_2912 = arith.constant 128 : i32
      %dma_start3A_2913 = arith.constant 0 : i32
      %dma_start3A_2914 = tpu.memref_slice %arg6[%dma_start3A_2909, %dma_start3A_2912, %dma_start3A_2913] : memref<2x512x64xf32, #tpu.memory_space<vmem>> -> memref<1x128x64xf32, #tpu.memory_space<vmem>>
      %dma_start3A_2915 = tpu.memref_squeeze %dma_start3A_2914 : memref<1x128x64xf32, #tpu.memory_space<vmem>> -> memref<128x64xf32, #tpu.memory_space<vmem>>
      %dma_start3A_2916 = arith.constant 0 : i32
      %dma_start3A_2917 = tpu.memref_slice %arg8[%dma_start3A_2910, %dma_start3A_2911, %dma_start3A_2916] : memref<2x4x128xi32, #tpu.memory_space<vmem>> -> memref<1x1x128xi32, #tpu.memory_space<vmem>>
      %dma_start3A_2918 = tpu.memref_squeeze %dma_start3A_2917 : memref<1x1x128xi32, #tpu.memory_space<vmem>> -> memref<128xi32, #tpu.memory_space<vmem>>
      %dma_start3A_2919 = arith.constant 0 : i32
      %dma_start3A_2920 = arith.constant 0 : i32
      %dma_start3A_2921 = tpu.memref_slice %arg4[%dma_start3A_2919, %dma_start3A_2920] : memref<1638400x64xf32, #tpu.memory_space<hbm>> -> memref<1638400x64xf32, #tpu.memory_space<hbm>>
      tpu.enqueue_indirect_dma source(%dma_start3A_2915 : memref<128x64xf32, #tpu.memory_space<vmem>>) target(%dma_start3A_2921 : memref<1638400x64xf32, #tpu.memory_space<hbm>>) offsets(%dma_start3A_2918 : memref<128xi32, #tpu.memory_space<vmem>>) semaphore(%arg13 : memref<!tpu.dma_semaphore, #tpu.memory_space<semaphore_mem>>)
      %dma_start3A_2922 = arith.constant 0 : i32
      %dma_start3A_2923 = arith.constant 0 : i32
      %dma_start3A_2924 = arith.constant 2 : i32
      %dma_start3A_2925 = arith.constant 256 : i32
      %dma_start3A_2926 = arith.constant 0 : i32
      %dma_start3A_2927 = tpu.memref_slice %arg6[%dma_start3A_2922, %dma_start3A_2925, %dma_start3A_2926] : memref<2x512x64xf32, #tpu.memory_space<vmem>> -> memref<1x128x64xf32, #tpu.memory_space<vmem>>
      %dma_start3A_2928 = tpu.memref_squeeze %dma_start3A_2927 : memref<1x128x64xf32, #tpu.memory_space<vmem>> -> memref<128x64xf32, #tpu.memory_space<vmem>>
      %dma_start3A_2929 = arith.constant 0 : i32
      %dma_start3A_2930 = tpu.memref_slice %arg8[%dma_start3A_2923, %dma_start3A_2924, %dma_start3A_2929] : memref<2x4x128xi32, #tpu.memory_space<vmem>> -> memref<1x1x128xi32, #tpu.memory_space<vmem>>
      %dma_start3A_2931 = tpu.memref_squeeze %dma_start3A_2930 : memref<1x1x128xi32, #tpu.memory_space<vmem>> -> memref<128xi32, #tpu.memory_space<vmem>>
      %dma_start3A_2932 = arith.constant 0 : i32
      %dma_start3A_2933 = arith.constant 0 : i32
      %dma_start3A_2934 = tpu.memref_slice %arg4[%dma_start3A_2932, %dma_start3A_2933] : memref<1638400x64xf32, #tpu.memory_space<hbm>> -> memref<1638400x64xf32, #tpu.memory_space<hbm>>
      tpu.enqueue_indirect_dma source(%dma_start3A_2928 : memref<128x64xf32, #tpu.memory_space<vmem>>) target(%dma_start3A_2934 : memref<1638400x64xf32, #tpu.memory_space<hbm>>) offsets(%dma_start3A_2931 : memref<128xi32, #tpu.memory_space<vmem>>) semaphore(%arg13 : memref<!tpu.dma_semaphore, #tpu.memory_space<semaphore_mem>>)
      %dma_start3A_2935 = arith.constant 0 : i32
      %dma_start3A_2936 = arith.constant 0 : i32
      %dma_start3A_2937 = arith.constant 3 : i32
      %dma_start3A_2938 = arith.constant 384 : i32
      %dma_start3A_2939 = arith.constant 0 : i32
      %dma_start3A_2940 = tpu.memref_slice %arg6[%dma_start3A_2935, %dma_start3A_2938, %dma_start3A_2939] : memref<2x512x64xf32, #tpu.memory_space<vmem>> -> memref<1x128x64xf32, #tpu.memory_space<vmem>>
      %dma_start3A_2941 = tpu.memref_squeeze %dma_start3A_2940 : memref<1x128x64xf32, #tpu.memory_space<vmem>> -> memref<128x64xf32, #tpu.memory_space<vmem>>
      %dma_start3A_2942 = arith.constant 0 : i32
      %dma_start3A_2943 = tpu.memref_slice %arg8[%dma_start3A_2936, %dma_start3A_2937, %dma_start3A_2942] : memref<2x4x128xi32, #tpu.memory_space<vmem>> -> memref<1x1x128xi32, #tpu.memory_space<vmem>>
      %dma_start3A_2944 = tpu.memref_squeeze %dma_start3A_2943 : memref<1x1x128xi32, #tpu.memory_space<vmem>> -> memref<128xi32, #tpu.memory_space<vmem>>
      %dma_start3A_2945 = arith.constant 0 : i32
      %dma_start3A_2946 = arith.constant 0 : i32
      %dma_start3A_2947 = tpu.memref_slice %arg4[%dma_start3A_2945, %dma_start3A_2946] : memref<1638400x64xf32, #tpu.memory_space<hbm>> -> memref<1638400x64xf32, #tpu.memory_space<hbm>>
      tpu.enqueue_indirect_dma source(%dma_start3A_2941 : memref<128x64xf32, #tpu.memory_space<vmem>>) target(%dma_start3A_2947 : memref<1638400x64xf32, #tpu.memory_space<hbm>>) offsets(%dma_start3A_2944 : memref<128xi32, #tpu.memory_space<vmem>>) semaphore(%arg13 : memref<!tpu.dma_semaphore, #tpu.memory_space<semaphore_mem>>)
    }
    %scan3A_1567 = arith.constant 24 : i32
    %add3A_1568 = arith.constant 25088 : i32
    %add3A_1569 = arith.addi %mul3A_2, %add3A_1568 : i32
    %mul3A_1570 = arith.constant 2 : i32
    %mul3A_1571 = arith.muli %mul3A_1570, %add3A_1569 : i32
    %dma_wait3A_1572 = arith.constant 1 : i32
    %dma_wait3A_1573 = arith.constant 0 : i32
    %dma_wait3A_1574 = arith.constant 0 : i32
    %dma_wait3A_1575 = tpu.memref_slice %arg6[%dma_wait3A_1572, %dma_wait3A_1573, %dma_wait3A_1574] : memref<2x512x64xf32, #tpu.memory_space<vmem>> -> memref<1x512x64xf32, #tpu.memory_space<vmem>>
    %dma_wait3A_1576 = tpu.memref_squeeze %dma_wait3A_1575 : memref<1x512x64xf32, #tpu.memory_space<vmem>> -> memref<512x64xf32, #tpu.memory_space<vmem>>
    %dma_wait3A_1577 = arith.constant 0 : i32
    %dma_wait3A_1578 = tpu.memref_slice %arg4[%mul3A_1571, %dma_wait3A_1577] : memref<1638400x64xf32, #tpu.memory_space<hbm>> -> memref<512x64xf32, #tpu.memory_space<hbm>>
    %dma_wait3A_1579 = arith.constant 0 : i32
    %dma_wait3A_1580 = tpu.memref_slice %arg4[%mul3A_1571, %dma_wait3A_1579] : memref<1638400x64xf32, #tpu.memory_space<hbm>> -> memref<512x64xf32, #tpu.memory_space<hbm>>
    %dma_wait3A_1581 = arith.constant 0 : i32
    %dma_wait3A_1582 = arith.constant 0 : i32
    %dma_wait3A_1583 = tpu.memref_slice %arg6[%dma_wait3A_1572, %dma_wait3A_1581, %dma_wait3A_1582] : memref<2x512x64xf32, #tpu.memory_space<vmem>> -> memref<1x512x64xf32, #tpu.memory_space<vmem>>
    %dma_wait3A_1584 = tpu.memref_squeeze %dma_wait3A_1583 : memref<1x512x64xf32, #tpu.memory_space<vmem>> -> memref<512x64xf32, #tpu.memory_space<vmem>>
    tpu.wait_dma2 semaphore(%arg12 : memref<!tpu.dma_semaphore, #tpu.memory_space<semaphore_mem>>) src(%dma_wait3A_1584 : memref<512x64xf32, #tpu.memory_space<vmem>>) dst(%dma_wait3A_1580 : memref<512x64xf32, #tpu.memory_space<hbm>>)
    %dma_start3A_1585 = arith.constant 1 : i32
    %dma_start3A_1586 = arith.constant 1 : i32
    %dma_start3A_1587 = arith.constant 0 : i32
    %dma_start3A_1588 = arith.constant 0 : i32
    %dma_start3A_1589 = arith.constant 0 : i32
    %dma_start3A_1590 = tpu.memref_slice %arg6[%dma_start3A_1585, %dma_start3A_1588, %dma_start3A_1589] : memref<2x512x64xf32, #tpu.memory_space<vmem>> -> memref<1x128x64xf32, #tpu.memory_space<vmem>>
    %dma_start3A_1591 = tpu.memref_squeeze %dma_start3A_1590 : memref<1x128x64xf32, #tpu.memory_space<vmem>> -> memref<128x64xf32, #tpu.memory_space<vmem>>
    %dma_start3A_1592 = arith.constant 0 : i32
    %dma_start3A_1593 = tpu.memref_slice %arg8[%dma_start3A_1586, %dma_start3A_1587, %dma_start3A_1592] : memref<2x4x128xi32, #tpu.memory_space<vmem>> -> memref<1x1x128xi32, #tpu.memory_space<vmem>>
    %dma_start3A_1594 = tpu.memref_squeeze %dma_start3A_1593 : memref<1x1x128xi32, #tpu.memory_space<vmem>> -> memref<128xi32, #tpu.memory_space<vmem>>
    %dma_start3A_1595 = arith.constant 0 : i32
    %dma_start3A_1596 = arith.constant 0 : i32
    %dma_start3A_1597 = tpu.memref_slice %arg4[%dma_start3A_1595, %dma_start3A_1596] : memref<1638400x64xf32, #tpu.memory_space<hbm>> -> memref<1638400x64xf32, #tpu.memory_space<hbm>>
    tpu.enqueue_indirect_dma source(%dma_start3A_1591 : memref<128x64xf32, #tpu.memory_space<vmem>>) target(%dma_start3A_1597 : memref<1638400x64xf32, #tpu.memory_space<hbm>>) offsets(%dma_start3A_1594 : memref<128xi32, #tpu.memory_space<vmem>>) semaphore(%arg14 : memref<!tpu.dma_semaphore, #tpu.memory_space<semaphore_mem>>)
    %dma_start3A_1598 = arith.constant 1 : i32
    %dma_start3A_1599 = arith.constant 1 : i32
    %dma_start3A_1600 = arith.constant 1 : i32
    %dma_start3A_1601 = arith.constant 128 : i32
    %dma_start3A_1602 = arith.constant 0 : i32
    %dma_start3A_1603 = tpu.memref_slice %arg6[%dma_start3A_1598, %dma_start3A_1601, %dma_start3A_1602] : memref<2x512x64xf32, #tpu.memory_space<vmem>> -> memref<1x128x64xf32, #tpu.memory_space<vmem>>
    %dma_start3A_1604 = tpu.memref_squeeze %dma_start3A_1603 : memref<1x128x64xf32, #tpu.memory_space<vmem>> -> memref<128x64xf32, #tpu.memory_space<vmem>>
    %dma_start3A_1605 = arith.constant 0 : i32
    %dma_start3A_1606 = tpu.memref_slice %arg8[%dma_start3A_1599, %dma_start3A_1600, %dma_start3A_1605] : memref<2x4x128xi32, #tpu.memory_space<vmem>> -> memref<1x1x128xi32, #tpu.memory_space<vmem>>
    %dma_start3A_1607 = tpu.memref_squeeze %dma_start3A_1606 : memref<1x1x128xi32, #tpu.memory_space<vmem>> -> memref<128xi32, #tpu.memory_space<vmem>>
    %dma_start3A_1608 = arith.constant 0 : i32
    %dma_start3A_1609 = arith.constant 0 : i32
    %dma_start3A_1610 = tpu.memref_slice %arg4[%dma_start3A_1608, %dma_start3A_1609] : memref<1638400x64xf32, #tpu.memory_space<hbm>> -> memref<1638400x64xf32, #tpu.memory_space<hbm>>
    tpu.enqueue_indirect_dma source(%dma_start3A_1604 : memref<128x64xf32, #tpu.memory_space<vmem>>) target(%dma_start3A_1610 : memref<1638400x64xf32, #tpu.memory_space<hbm>>) offsets(%dma_start3A_1607 : memref<128xi32, #tpu.memory_space<vmem>>) semaphore(%arg14 : memref<!tpu.dma_semaphore, #tpu.memory_space<semaphore_mem>>)
    %dma_start3A_1611 = arith.constant 1 : i32
    %dma_start3A_1612 = arith.constant 1 : i32
    %dma_start3A_1613 = arith.constant 2 : i32
    %dma_start3A_1614 = arith.constant 256 : i32
    %dma_start3A_1615 = arith.constant 0 : i32
    %dma_start3A_1616 = tpu.memref_slice %arg6[%dma_start3A_1611, %dma_start3A_1614, %dma_start3A_1615] : memref<2x512x64xf32, #tpu.memory_space<vmem>> -> memref<1x128x64xf32, #tpu.memory_space<vmem>>
    %dma_start3A_1617 = tpu.memref_squeeze %dma_start3A_1616 : memref<1x128x64xf32, #tpu.memory_space<vmem>> -> memref<128x64xf32, #tpu.memory_space<vmem>>
    %dma_start3A_1618 = arith.constant 0 : i32
    %dma_start3A_1619 = tpu.memref_slice %arg8[%dma_start3A_1612, %dma_start3A_1613, %dma_start3A_1618] : memref<2x4x128xi32, #tpu.memory_space<vmem>> -> memref<1x1x128xi32, #tpu.memory_space<vmem>>
    %dma_start3A_1620 = tpu.memref_squeeze %dma_start3A_1619 : memref<1x1x128xi32, #tpu.memory_space<vmem>> -> memref<128xi32, #tpu.memory_space<vmem>>
    %dma_start3A_1621 = arith.constant 0 : i32
    %dma_start3A_1622 = arith.constant 0 : i32
    %dma_start3A_1623 = tpu.memref_slice %arg4[%dma_start3A_1621, %dma_start3A_1622] : memref<1638400x64xf32, #tpu.memory_space<hbm>> -> memref<1638400x64xf32, #tpu.memory_space<hbm>>
    tpu.enqueue_indirect_dma source(%dma_start3A_1617 : memref<128x64xf32, #tpu.memory_space<vmem>>) target(%dma_start3A_1623 : memref<1638400x64xf32, #tpu.memory_space<hbm>>) offsets(%dma_start3A_1620 : memref<128xi32, #tpu.memory_space<vmem>>) semaphore(%arg14 : memref<!tpu.dma_semaphore, #tpu.memory_space<semaphore_mem>>)
    %dma_start3A_1624 = arith.constant 1 : i32
    %dma_start3A_1625 = arith.constant 1 : i32
    %dma_start3A_1626 = arith.constant 3 : i32
    %dma_start3A_1627 = arith.constant 384 : i32
    %dma_start3A_1628 = arith.constant 0 : i32
    %dma_start3A_1629 = tpu.memref_slice %arg6[%dma_start3A_1624, %dma_start3A_1627, %dma_start3A_1628] : memref<2x512x64xf32, #tpu.memory_space<vmem>> -> memref<1x128x64xf32, #tpu.memory_space<vmem>>
    %dma_start3A_1630 = tpu.memref_squeeze %dma_start3A_1629 : memref<1x128x64xf32, #tpu.memory_space<vmem>> -> memref<128x64xf32, #tpu.memory_space<vmem>>
    %dma_start3A_1631 = arith.constant 0 : i32
    %dma_start3A_1632 = tpu.memref_slice %arg8[%dma_start3A_1625, %dma_start3A_1626, %dma_start3A_1631] : memref<2x4x128xi32, #tpu.memory_space<vmem>> -> memref<1x1x128xi32, #tpu.memory_space<vmem>>
    %dma_start3A_1633 = tpu.memref_squeeze %dma_start3A_1632 : memref<1x1x128xi32, #tpu.memory_space<vmem>> -> memref<128xi32, #tpu.memory_space<vmem>>
    %dma_start3A_1634 = arith.constant 0 : i32
    %dma_start3A_1635 = arith.constant 0 : i32
    %dma_start3A_1636 = tpu.memref_slice %arg4[%dma_start3A_1634, %dma_start3A_1635] : memref<1638400x64xf32, #tpu.memory_space<hbm>> -> memref<1638400x64xf32, #tpu.memory_space<hbm>>
    tpu.enqueue_indirect_dma source(%dma_start3A_1630 : memref<128x64xf32, #tpu.memory_space<vmem>>) target(%dma_start3A_1636 : memref<1638400x64xf32, #tpu.memory_space<hbm>>) offsets(%dma_start3A_1633 : memref<128xi32, #tpu.memory_space<vmem>>) semaphore(%arg14 : memref<!tpu.dma_semaphore, #tpu.memory_space<semaphore_mem>>)
    %mul3A_1637 = arith.constant 2 : i32
    %mul3A_1638 = arith.muli %mul3A_1637, %mul3A_2 : i32
    %dma_wait3A_1639 = arith.constant 0 : i32
    %dma_wait3A_1640 = arith.constant 0 : i32
    %dma_wait3A_1641 = arith.constant 0 : i32
    %dma_wait3A_1642 = tpu.memref_slice %arg6[%dma_wait3A_1639, %dma_wait3A_1640, %dma_wait3A_1641] : memref<2x512x64xf32, #tpu.memory_space<vmem>> -> memref<1x512x64xf32, #tpu.memory_space<vmem>>
    %dma_wait3A_1643 = tpu.memref_squeeze %dma_wait3A_1642 : memref<1x512x64xf32, #tpu.memory_space<vmem>> -> memref<512x64xf32, #tpu.memory_space<vmem>>
    %dma_wait3A_1644 = arith.constant 0 : i32
    %dma_wait3A_1645 = tpu.memref_slice %arg4[%mul3A_1638, %dma_wait3A_1644] : memref<1638400x64xf32, #tpu.memory_space<hbm>> -> memref<512x64xf32, #tpu.memory_space<hbm>>
    %dma_wait3A_1646 = arith.constant 0 : i32
    %dma_wait3A_1647 = tpu.memref_slice %arg4[%mul3A_1638, %dma_wait3A_1646] : memref<1638400x64xf32, #tpu.memory_space<hbm>> -> memref<512x64xf32, #tpu.memory_space<hbm>>
    %dma_wait3A_1648 = arith.constant 0 : i32
    %dma_wait3A_1649 = arith.constant 0 : i32
    %dma_wait3A_1650 = tpu.memref_slice %arg6[%dma_wait3A_1639, %dma_wait3A_1648, %dma_wait3A_1649] : memref<2x512x64xf32, #tpu.memory_space<vmem>> -> memref<1x512x64xf32, #tpu.memory_space<vmem>>
    %dma_wait3A_1651 = tpu.memref_squeeze %dma_wait3A_1650 : memref<1x512x64xf32, #tpu.memory_space<vmem>> -> memref<512x64xf32, #tpu.memory_space<vmem>>
    tpu.wait_dma2 semaphore(%arg13 : memref<!tpu.dma_semaphore, #tpu.memory_space<semaphore_mem>>) src(%dma_wait3A_1651 : memref<512x64xf32, #tpu.memory_space<vmem>>) dst(%dma_wait3A_1647 : memref<512x64xf32, #tpu.memory_space<hbm>>)
    %mul3A_1652 = arith.constant 2 : i32
    %mul3A_1653 = arith.muli %mul3A_1652, %mul3A_2 : i32
    %dma_wait3A_1654 = arith.constant 1 : i32
    %dma_wait3A_1655 = arith.constant 0 : i32
    %dma_wait3A_1656 = arith.constant 0 : i32
    %dma_wait3A_1657 = tpu.memref_slice %arg6[%dma_wait3A_1654, %dma_wait3A_1655, %dma_wait3A_1656] : memref<2x512x64xf32, #tpu.memory_space<vmem>> -> memref<1x512x64xf32, #tpu.memory_space<vmem>>
    %dma_wait3A_1658 = tpu.memref_squeeze %dma_wait3A_1657 : memref<1x512x64xf32, #tpu.memory_space<vmem>> -> memref<512x64xf32, #tpu.memory_space<vmem>>
    %dma_wait3A_1659 = arith.constant 0 : i32
    %dma_wait3A_1660 = tpu.memref_slice %arg4[%mul3A_1653, %dma_wait3A_1659] : memref<1638400x64xf32, #tpu.memory_space<hbm>> -> memref<512x64xf32, #tpu.memory_space<hbm>>
    %dma_wait3A_1661 = arith.constant 0 : i32
    %dma_wait3A_1662 = tpu.memref_slice %arg4[%mul3A_1653, %dma_wait3A_1661] : memref<1638400x64xf32, #tpu.memory_space<hbm>> -> memref<512x64xf32, #tpu.memory_space<hbm>>
    %dma_wait3A_1663 = arith.constant 0 : i32
    %dma_wait3A_1664 = arith.constant 0 : i32
    %dma_wait3A_1665 = tpu.memref_slice %arg6[%dma_wait3A_1654, %dma_wait3A_1663, %dma_wait3A_1664] : memref<2x512x64xf32, #tpu.memory_space<vmem>> -> memref<1x512x64xf32, #tpu.memory_space<vmem>>
    %dma_wait3A_1666 = tpu.memref_squeeze %dma_wait3A_1665 : memref<1x512x64xf32, #tpu.memory_space<vmem>> -> memref<512x64xf32, #tpu.memory_space<vmem>>
    tpu.wait_dma2 semaphore(%arg14 : memref<!tpu.dma_semaphore, #tpu.memory_space<semaphore_mem>>) src(%dma_wait3A_1666 : memref<512x64xf32, #tpu.memory_space<vmem>>) dst(%dma_wait3A_1662 : memref<512x64xf32, #tpu.memory_space<hbm>>)
    %dma_wait3A_1667 = arith.constant 0 : i32
    %dma_wait3A_1668 = arith.constant 0 : i32
    %dma_wait3A_1669 = tpu.memref_slice %arg5[%dma_wait3A_1667, %dma_wait3A_1668] : memref<2x512xi32, #tpu.memory_space<vmem>> -> memref<1x512xi32, #tpu.memory_space<vmem>>
    %dma_wait3A_1670 = tpu.memref_squeeze %dma_wait3A_1669 : memref<1x512xi32, #tpu.memory_space<vmem>> -> memref<512xi32, #tpu.memory_space<vmem>>
    %dma_wait3A_1671 = tpu.memref_slice %arg2[%mul3A_2] : memref<819200xi32, #tpu.memory_space<hbm>> -> memref<512xi32, #tpu.memory_space<hbm>>
    %dma_wait3A_1672 = arith.constant 0 : i32
    %dma_wait3A_1673 = tpu.memref_slice %arg5[%dma_wait3A_1667, %dma_wait3A_1672] : memref<2x512xi32, #tpu.memory_space<vmem>> -> memref<1x512xi32, #tpu.memory_space<vmem>>
    %dma_wait3A_1674 = tpu.memref_squeeze %dma_wait3A_1673 : memref<1x512xi32, #tpu.memory_space<vmem>> -> memref<512xi32, #tpu.memory_space<vmem>>
    %dma_wait3A_1675 = tpu.memref_slice %arg2[%mul3A_2] : memref<819200xi32, #tpu.memory_space<hbm>> -> memref<512xi32, #tpu.memory_space<hbm>>
    tpu.wait_dma2 semaphore(%arg9 : memref<!tpu.dma_semaphore, #tpu.memory_space<semaphore_mem>>) src(%dma_wait3A_1675 : memref<512xi32, #tpu.memory_space<hbm>>) dst(%dma_wait3A_1674 : memref<512xi32, #tpu.memory_space<vmem>>)
    return
  }
}

</mosaic_0001>

<sc_bundles>
// kernel: kernel.3.cloned.1.call-start
scs
__scs_entry_jumppad:
0x0: {  	(pc) =	sbr.rel $0x88, $3  }
0x1: {  	(tag) =	ssettag $0x0;
	lr =	simm.s32 $0x1  }
0x2: {  	[smem:$0x3F9F] =	sst lr;
	_ =	strace $0xD0000000  }
0x3: {  	_ = 	snop  }
0x4: {  	_ = 	snop  }
0x5: {  	_ = 	snop  }
0x6: {  	_ = 	snop  }
0x7: {  	_ = 	snop  }
__scs_overlays_trampoline_lowered:
0x8: {  	[smem:$0x3FAE] =	sst s0  }
0x9: {  	[smem:$0x3FAF] =	sst s1  }
0xa: {  	[smem:$0x3FB0] =	sst s2  }
0xb: {  	[smem:$0x3FB1] =	sst s3  }
0xc: {  	[smem:$0x3FB2] =	sst s4  }
0xd: {  	[smem:$0x3FB3] =	sst s5  }
0xe: {  	[smem:$0x3FB4] =	sst s6  }
0xf: {  	[smem:$0x3FB5] =	sst s7  }
0x10: {  	[smem:$0x3FB6] =	sst s8  }
0x11: {  	[smem:$0x3FB7] =	sst s9;
	s0 =	simm.s32 @!p0 $0x0  }
0x12: {  	s1 =	sld [smem:$0x3F9D];
	s0 =	simm.s32 @p0 $0x1  }
0x13: {  	[smem:$0x3FB8] =	sst s0;
	s0 =	simm.s32 @!p1 $0x0  }
0x14: {  	s2 =	sld [smem:$0x3F9C];
	s0 =	simm.s32 @p1 $0x1  }
0x15: {  	[smem:$0x3FB9] =	sst s0;
	s0 =	simm.s32 @!p2 $0x0  }
0x16: {  	s3 =	sld [smem:$0x3FDB];
	s0 =	simm.s32 @p2 $0x1  }
0x17: {  	s4 =	simm.s32 $0x1BF5;
	[smem:$0x3FBB] =	sst s0  }
0x18: {  	s0 =	sld [smem:$0x3F9E];
	_ =	swait.ge [sflag:s4], $0x0  }
0x19: {  	s7 =	sld [smem:$0x3F9F]  }
0x1a: {  	s8 =	sadd.s32 $0xFFFFE003, lr  }
0x1b: {  	s9 =	sadd.s32 $0xFFFFFEF7, lr;
	s5 =	simm.s32 $0xFFFFFFFF;
	p2 =	slt.u32 s8, $0xFFFFF086  }
0x1c: {  	p1 =	slt.u32 s9, $0xF7A;
	s5 =	simm.s32 @!p2 $0x0  }
0x1d: {  	s5 =	simm.s32 @p1 $0x1;
	p0 =	seq.s32 s7, s2  }
0x1e: {  	s7 =	smul.u32 @!p0 $0xF7A, s2;
	p2 =	seq.s32 @!p0 s5, $0x0  }
0x1f: {  	s9 =	smul.u32 $0xF7A, s1;
	s8 =	simm.s32 @!p0 $0x1BF5;
	p2 =	por !p2, p0  }
0x20: {  	[sflag:s8] =	ssyncset.s32 @!p0 $0xFFFFF086;
	s6 =	sadd.s32 @!p0 s3, s7;
	s7 =	simm.s32 @!p0 $0x108  }
0x21: {  	s3 =	sadd.s32 s3, s9;
	s6 =	sadd.s32 @!p0 $0x88, s6;
	s7 =	simm.s32 @p2 $0x1082  }
0x22: {  	[simem:s7], [sflag:s8] =	dma.local @!p0 [hbm:s6], $0xF7A  }
0x23: {  	s9 =	sor.u32 $0xD0000000, s2;
	s6 =	simm.s32 $0x108;
	_ =	swait.ge @!p0 [sflag:s8], $0x0  }
0x24: {  	s3 =	sadd.s32 $0x88, s3;
	s6 =	simm.s32 @!p1 $0x1082;
	[sflag:s4] =	ssyncset.s32 $0xFFFFF086  }
0x25: {  	[simem:s6], [sflag:s4] =	dma.local [hbm:s3], $0xF7A  }
0x26: {  	[smem:$0x3F9F] =	sst s1;
	(tag) =	ssettag s2;
	_ =	strace s9  }
0x27: {  	s1 =	sld [smem:$0x3FAF]  }
0x28: {  	s2 =	sld [smem:$0x3FB0]  }
0x29: {  	s4 =	sld [smem:$0x3FB2]  }
0x2a: {  	p0 =	seq.s32 s5, $0x0;
	s5 =	sld [smem:$0x3FB3]  }
0x2b: {  	s6 =	sld [smem:$0x3FB4]  }
0x2c: {  	s7 =	sld [smem:$0x3FB5]  }
0x2d: {  	s3 =	simm.s32 $0x108;
	s8 =	sld [smem:$0x3FB6]  }
0x2e: {  	s3 =	simm.s32 @!p0 $0x1082;
	s9 =	sld [smem:$0x3FB7]  }
0x2f: {  	lr =	sadd.s32 s0, s3;
	s0 =	sld [smem:$0x3FAE]  }
0x30: {  	s3 =	sld [smem:$0x3FB1]  }
0x31: {  	[smem:$0x3FBA] =	sst s10  }
0x32: {  	s10 =	sld [smem:$0x3FB8];
	_ =	sdelay $0x3  }
0x33: {  	p0 =	seq.s32 s10, $0x1;
	s10 =	sld [smem:$0x3FBA];
	_ =	sdelay $0x3  }
0x34: {  	[smem:$0x3FBA] =	sst s10  }
0x35: {  	s10 =	sld [smem:$0x3FB9];
	_ =	sdelay $0x3  }
0x36: {  	p1 =	seq.s32 s10, $0x1;
	s10 =	sld [smem:$0x3FBA];
	_ =	sdelay $0x3  }
0x37: {  	[smem:$0x3FBA] =	sst s10  }
0x38: {  	s10 =	sld [smem:$0x3FBB]  }
0x39: {  	_ = 	snop;
	(pc) =	sbr.ind lr, $3  }
0x3a: {  	_ = 	snop  }
0x3b: {  	_ = 	snop  }
0x3c: {  	p2 =	seq.s32 s10, $0x1;
	s10 =	sld [smem:$0x3FBA]  }
0x3d: {  	_ =	shalt  }
0x3e: {  	_ =	shalt  }
0x3f: {  	_ =	shalt  }
0x40: {  	_ =	shalt  }
0x41: {  	_ =	shalt  }
0x42: {  	_ =	shalt  }
0x43: {  	_ =	shalt  }
0x44: {  	_ =	shalt  }
0x45: {  	_ =	shalt  }
0x46: {  	_ =	shalt  }
0x47: {  	_ =	shalt  }
0x48: {  	_ =	shalt  }
0x49: {  	_ =	shalt  }
0x4a: {  	_ =	shalt  }
0x4b: {  	_ =	shalt  }
0x4c: {  	_ =	shalt  }
0x4d: {  	_ =	shalt  }
0x4e: {  	_ =	shalt  }
0x4f: {  	_ =	shalt  }
0x50: {  	_ =	shalt  }
0x51: {  	_ =	shalt  }
0x52: {  	_ =	shalt  }
0x53: {  	_ =	shalt  }
0x54: {  	_ =	shalt  }
0x55: {  	_ =	shalt  }
0x56: {  	_ =	shalt  }
0x57: {  	_ =	shalt  }
0x58: {  	_ =	shalt  }
0x59: {  	_ =	shalt  }
0x5a: {  	_ =	shalt  }
0x5b: {  	_ =	shalt  }
0x5c: {  	_ =	shalt  }
0x5d: {  	_ =	shalt  }
0x5e: {  	_ =	shalt  }
0x5f: {  	_ =	shalt  }
0x60: {  	_ =	shalt  }
0x61: {  	_ =	shalt  }
0x62: {  	_ =	shalt  }
0x63: {  	_ =	shalt  }
0x64: {  	_ =	shalt  }
0x65: {  	_ =	shalt  }
0x66: {  	_ =	shalt  }
0x67: {  	_ =	shalt  }
0x68: {  	_ =	shalt  }
0x69: {  	_ =	shalt  }
0x6a: {  	_ =	shalt  }
0x6b: {  	_ =	shalt  }
0x6c: {  	_ =	shalt  }
0x6d: {  	_ =	shalt  }
0x6e: {  	_ =	shalt  }
0x6f: {  	_ =	shalt  }
0x70: {  	_ =	shalt  }
0x71: {  	_ =	shalt  }
0x72: {  	_ =	shalt  }
0x73: {  	_ =	shalt  }
0x74: {  	_ =	shalt  }
0x75: {  	_ =	shalt  }
0x76: {  	_ =	shalt  }
0x77: {  	_ =	shalt  }
0x78: {  	_ =	shalt  }
0x79: {  	_ =	shalt  }
0x7a: {  	_ =	shalt  }
0x7b: {  	_ =	shalt  }
0x7c: {  	_ =	shalt  }
0x7d: {  	_ =	shalt  }
0x7e: {  	_ =	shalt  }
0x7f: {  	_ =	shalt  }
0x80: {  	_ =	shalt  }
0x81: {  	_ =	shalt  }
0x82: {  	_ =	shalt  }
0x83: {  	_ =	shalt  }
0x84: {  	_ =	shalt  }
0x85: {  	_ =	shalt  }
0x86: {  	_ =	shalt  }
0x87: {  	_ =	shalt  }
.Lfunc_end0:
.L_simem_size_0:
called_computation.2_lowered:
.L_overlay_start_0:
0x88: {  	s2 =	sld [smem:$0x3FD9]  }
0x89: {  	s3 =	sld [smem:$0x3FFE];
	_ =	sdelay $0x1  }
0x8a: {  	s1 =	srdreg.scid  }
0x8b: {  	s0 =	sand.u32 $0x1, s1  }
0x8c: {  	s17 =	sshll.u32 s0, $0xA;
	s2 =	sadd.s32 s3, s2  }
0x8d: {  	s2 =	sadd.s32 s2, s17  }
0x8e: {  	[smem:$0x3FC6] =	sst s2  }
0x8f: {  	_ = 	snop  }
0x90: {  	s2 =	sld [smem:$0x3FD0];
	(tm) =	ssettm $0x1  }
0x91: {  	s18 =	sld [smem:$0x3FFB];
	_ =	sdelay $0x3  }
0x92: {  	_ =	strace s18  }
0x93: {  	s3 =	sld [smem:$0x3FFC];
	_ =	sdelay $0x3  }
0x94: {  	_ =	strace s3  }
0x95: {  	s3 =	sld [smem:$0x3FFD];
	_ =	sdelay $0x3  }
0x96: {  	_ =	strace s3  }
0x97: {  	_ =	strace $0x8FFFFFFF  }
0x98: {  	s19 =	sld [smem:$0x3FDB];
	_ =	sdelay $0x1  }
0x99: {  	s4 =	simm.s32 $_scs_section_size  }
0x9a: {  	s5 =	simm.s32 $_size__tile_overlayer_lowered;
	s6 =	simm.s32 $_tile_overlayer_lowered  }
0x9b: {  	s22 =	simm.s32 $0x1BFF;
	s21 =	sshll.u32 s6, $0x1;
	s3 =	sadd.s32 s4, s19  }
0x9c: {  	s7 =	simm.s32 $0x0;
	s20 =	sshll.u32 s5, $0x1;
	s5 =	sadd.s32 s21, s3  }
0x9d: {  	[timem:s7], [sflag:s22] =	dma.local [hbm:s5], s20  }
0x9e: {  	_ =	swait.ge [sflag:s22], s20  }
0x9f: {  	s4 =	ssub.s32 $0x0, s20;
	[sflag:s22] =	ssyncset.done $0x0  }
0xa0: {  	[sflag:s22] =	ssyncadd.s32 s4;
	_ =	sdelay $0x1  }
0xa1: {  	s23 =	simm.s32 $0x1B8B  }
0xa2: {  	_ =	swait.ge [sflag:s23], $0x1  }
0xa3: {  	[sflag:s23] =	ssyncset.done $0x0  }
0xa4: {  	s25 =	simm.s32 $0x1B8E;
	s24 =	sld [smem:$0x3FFE];
	[sflag:s23] =	ssyncadd.s32 $0xFFFFFFFF  }
0xa5: {  	s26 =	simm.s32 $execute0_lowered;
	[smem:$0x3FD2] =	sst s25  }
0xa6: {  	s5 =	sshll.u32 s26, $0x1;
	_ =	strace $0x80000049;
	[dreg:$0x1] =	wrdreg $0xFFFFFFFF  }
0xa7: {  	s28 =	simm.s32 $_size_execute0_lowered;
	s3 =	sadd.s32 s3, s5;
	[dreg:$0x0] =	wrdreg $0x0  }
0xa8: {  	s5 =	sshll.u32 s28, $0x1;
	[dreg:$0x2] =	wrdreg s3  }
0xa9: {  	[dreg:$0x3] =	wrdreg s5  }
0xaa: {  	[dreg:$0x4] =	wrdreg $0xC0  }
0xab: {  	_ =	task [dreg:s7], $0x5FFFF  }
0xac: {  	[dreg:$0x1] =	wrdreg $0xFFFFFFFF  }
0xad: {  	[dreg:$0x0] =	wrdreg $0x60  }
0xae: {  	[dreg:$0x2] =	wrdreg s2  }
0xaf: {  	[dreg:$0x3] =	wrdreg s24  }
0xb0: {  	[dreg:$0x4] =	wrdreg $0x9  }
0xb1: {  	_ =	task.clear_ibuf [dreg:s7], $0x5FFFF;
	_ =	strace $0x90000049  }
0xb2: {  	s29 =	simm.s32 $0x9;
	_ =	strace $0x8000004B  }
0xb3: {  	_ =	swait.ge [sflag:s29], $0x1  }
0xb4: {  	[sflag:s29] =	ssyncadd.s32 $0xFFFFFFFF  }
0xb5: {  	_ =	strace $0x9000004B  }
0xb6: {  	_ =	sfence  }
0xb7: {  	s30 =	sld [smem:$0x0];
	_ =	sdelay $0x2  }
0xb8: {  	s31 =	sshll.u32 s1, $0xD;
	s1 =	sshrl.u32 s1, $0x2  }
0xb9: {  	s3 =	sand.u32 $0x4000, s31;
	s1 =	sadd.s32 s1, s30  }
0xba: {  	s0 =	sor.u32 s3, s0;
	s1 =	sshll.u32 s1, $0x11  }
0xbb: {  	s0 =	sor.u32 s1, s0  }
0xbc: {  	s0 =	sadd.s32 $0x8F2B, s0  }
0xbd: {  	[sflag:s0] =	ssyncadd.remote.s32 $0x1  }
0xbe: {  	_ =	sfence.sel $0xFFFF  }
0xbf: {  	[dreg:$0x0] =	wrdreg $0xFFFFFFFF;
	(pc) =	sbr.abs _section_cstart, $3  }
0xc0: {  	[dreg:$0x1] =	wrdreg $0xFFFFFFFF  }
0xc1: {  	_ =	task.clear_ibuf [dreg:s7], $0x2FFFF;
	_ =	strace $0x9FFFFFFF  }
0xc2: {  	(tm) =	ssettm $0x7FFFFFFF  }
0xc3: {  	_ =	shalt  }
tec
execute0_lowered:
.L_overlay_start_1:
0x0: {  	(tag) =	ssettag $0x1  }
0x1: {  	s12 =	rddreg [dreg:$0x0]  }
0x2: {  	s0 =	rddreg [dreg:$0x1]  }
0x3: {  	s1 =	srdreg.scid;
	s9 =	stileid.u32;
	s3 =	simm.s32 $0x0  }
0x4: {  	s14 =	simm.s32 $0x1;
	s15 =	simm.s32 $0x80;
	s16 =	simm.s32 $0x2400  }
0x5: {  	s17 =	simm.s32 $0x4400;
	s19 =	simm.s32 $0x6400;
	s28 =	simm.s32 $0xA400  }
0x6: {  	s30 =	simm.s32 $0xC400;
	s31 =	simm.s32 $0x3;
	s8 =	smul.u32 $0x19000, s9  }
0x7: {  	s1 =	sand.u32 $0x1, s1;
	s2 =	sshll.u32 s9, $0x1;
	s9 =	smul.u32 $0xC800, s9  }
0x8: {  	s18 =	simm.s32 $0x10680;
	[smem:$0x7FF] =	sst s3;
	s11 =	smul.u32 $0x6400, s1  }
0x9: {  	s2 =	sor.u32 s1, s2;
	s7 =	ssub.s32 $0x2, s1;
	s1 =	smul.u32 $0xC800, s1  }
0xa: {  	s4 =	sadd.s32 $0xF43200, s0;
	s5 =	sadd.s32 $0xE00, s0;
	s6 =	smul.u32 $0x6400, s2  }
0xb: {  	_ =	strace $0x8000004A;
	s2 =	smul.u32 $0xC800, s2;
	s20 =	sshrl.u32 s7, $0x1  }
0xc: {  	v0 =	vlaneseq.u32;
	s0 =	ssub.s32 s7, s20;
	s25 =	sadd.s32 s11, s9;
	s1 =	sadd.s32 s1, s8  }
0xd: {  	v0 =	vmul.u32 $0x2, v0;
	s8 =	simm.s32 $0x280;
	s11 =	simm.s32 $0x300;
	s9 =	simm.s32 $0x5  }
0xe: {  	s20 =	simm.s32 $0x6;
	s21 =	sor.u32 $0x200, s6;
	s6 =	sshrl.u32 s6, $0x3  }
0xf: {  	v3 =	vor.u32 $0x20, v0;
	v4 =	vor.u32 $0x40, v0;
	v5 =	vor.u32 $0x60, v0;
	s0 =	smax.u32 s0, $0x1;
	s26 =	sadd.s32 $0x600, s25;
	[dreg:$0xa] =	wrdreg s1  }
0x10: {  	v6 =	vor.u32 $0x80, v0;
	v7 =	vor.u32 $0xA0, v0;
	v8 =	vor.u32 $0xC0, v0;
	s1 =	sadd.s32 $0x800, s1;
	s7 =	sadd.s32 $0x800, s25;
	s25 =	simm.s32 $0x8400  }
0x11: {  	v9 =	vor.u32 $0xE0, v0;
	v10 =	vor.u32 $0x100, v0;
	v1 =	vmov s2;
	s2 =	simm.s32 $0xE400;
	s10 =	sshrl.u32 s21, $0x3;
	s13 =	sadd.s32 s12, s6  }
0x12: {  	v11 =	vor.u32 $0x120, v0;
	v12 =	vor.u32 $0x140, v0;
	v13 =	vor.u32 $0x160, v0;
	s23 =	sshll.u32 s21, $0x1;
	[dreg:$0x7] =	wrdreg s0;
	s0 =	sshrl.u32 s26, $0x3  }
0x13: {  	v14 =	vor.u32 $0x180, v0;
	v15 =	vor.u32 $0x1A0, v0;
	v16 =	vor.u32 $0x1C0, v0;
	[dreg:$0x3] =	wrdreg s1;
	s29 =	sshrl.u32 s7, $0x3;
	s1 =	simm.s32 $0x100  }
0x14: {  	v17 =	vor.u32 $0x1E0, v0;
	v18 =	vor.u32 $0x200, v0;
	v19 =	vor.u32 $0x220, v0;
	s7 =	simm.s32 $0x180;
	s21 =	simm.s32 $0x10600;
	s6 =	simm.s32 $0x4  }
0x15: {  	v20 =	vor.u32 $0x240, v0;
	v21 =	vor.u32 $0x260, v0;
	v22 =	vor.u32 $0x280, v0;
	s26 =	simm.s32 $0x0;
	s22 =	sadd.s32 s12, s10;
	[dreg:$0x4] =	wrdreg s13  }
0x16: {  	v23 =	vor.u32 $0x2A0, v0;
	v24 =	vor.u32 $0x2C0, v0;
	v25 =	vor.u32 $0x2E0, v0;
	s24 =	sadd.s32 $0x80, s13;
	s0 =	sadd.s32 s0, s12;
	[dreg:$0x9] =	wrdreg s29  }
0x17: {  	v26 =	vor.u32 $0x300, v0;
	v27 =	vor.u32 $0x320, v0;
	v28 =	vor.u32 $0x340, v0;
	s10 =	simm.s32 $0x200;
	s13 =	simm.s32 $0x400;
	[dreg:$0x5] =	wrdreg s22  }
0x18: {  	v29 =	vor.u32 $0x360, v0;
	v30 =	vor.u32 $0x380, v0;
	v2 =	vmov s23;
	s12 =	simm.s32 $0x380;
	s23 =	simm.s32 $0x10700;
	[dreg:$0x6] =	wrdreg s24  }
0x19: {  	v31 =	vor.u32 $0x3A0, v0;
	v32 =	vor.u32 $0x3C0, v0;
	v33 =	vor.u32 $0x3E0, v0;
	[dreg:$0x8] =	wrdreg s0;
	s22 =	simm.s32 $0x2;
	s24 =	simm.s32 $0x10780  }
.LBB2_1:
0x1a: {  	[tilespmem:$0x10400] =	vst v0  }
0x1b: {  	[tilespmem:$0x10410] =	vst v3  }
0x1c: {  	[tilespmem:$0x10420] =	vst v4  }
0x1d: {  	[tilespmem:$0x10430] =	vst v5  }
0x1e: {  	[tilespmem:$0x10440] =	vst v6  }
0x1f: {  	[tilespmem:$0x10450] =	vst v7  }
0x20: {  	[tilespmem:$0x10460] =	vst v8  }
0x21: {  	[tilespmem:$0x10470] =	vst v9  }
0x22: {  	[tilespmem:$0x10480] =	vst v10  }
0x23: {  	[tilespmem:$0x10490] =	vst v11  }
0x24: {  	[tilespmem:$0x104A0] =	vst v12  }
0x25: {  	[tilespmem:$0x104B0] =	vst v13  }
0x26: {  	[tilespmem:$0x104C0] =	vst v14  }
0x27: {  	[tilespmem:$0x104D0] =	vst v15  }
0x28: {  	[tilespmem:$0x104E0] =	vst v16  }
0x29: {  	[tilespmem:$0x104F0] =	vst v17  }
0x2a: {  	[tilespmem:$0x10500] =	vst v18  }
0x2b: {  	[tilespmem:$0x10510] =	vst v19  }
0x2c: {  	[tilespmem:$0x10520] =	vst v20  }
0x2d: {  	[tilespmem:$0x10530] =	vst v21  }
0x2e: {  	[tilespmem:$0x10540] =	vst v22  }
0x2f: {  	[tilespmem:$0x10550] =	vst v23  }
0x30: {  	[tilespmem:$0x10560] =	vst v24  }
0x31: {  	[tilespmem:$0x10570] =	vst v25  }
0x32: {  	[tilespmem:$0x10580] =	vst v26  }
0x33: {  	[tilespmem:$0x10590] =	vst v27  }
0x34: {  	[tilespmem:$0x105A0] =	vst v28  }
0x35: {  	[tilespmem:$0x105B0] =	vst v29  }
0x36: {  	[tilespmem:$0x105C0] =	vst v30  }
0x37: {  	[tilespmem:$0x105D0] =	vst v31  }
0x38: {  	[dreg:$0xb] =	wrdreg s26;
	[tilespmem:$0x105E0] =	vst v32  }
0x39: {  	[tilespmem:$0x105F0] =	vst v33;
	s0 =	rddreg [dreg:$0x4]  }
0x3a: {  	[tilespmem:s3], [sflag:$0x1] =	stream.linear.gather [hbm4b:s0+s3], $0x200, $0x38;
	[tilespmem:$0x10A00] =	vst v63  }
0x3b: {  	s26 =	rddreg [dreg:$0x5]  }
0x3c: {  	[tilespmem:s10], [sflag:$0x2] =	stream.linear.gather [hbm4b:s26+s3], $0x200, $0x38;
	[tilespmem:$0x10A00] =	vst v63  }
0x3d: {  	v34 =	vld [tilespmem:$0x10400]  }
0x3e: {  	v35 =	vld [tilespmem:$0x10410]  }
0x3f: {  	v36 =	vld [tilespmem:$0x10420]  }
0x40: {  	v37 =	vld [tilespmem:$0x10430]  }
0x41: {  	v38 =	vld [tilespmem:$0x10440]  }
0x42: {  	v39 =	vld [tilespmem:$0x10450];
	v34 =	vadd.s32 v1, v34  }
0x43: {  	v55 =	vld [tilespmem:$0x10460];
	v54 =	vadd.s32 v1, v35;
	[tilespmem:$0x10600] =	vst v34  }
0x44: {  	v57 =	vld [tilespmem:$0x10470];
	v56 =	vadd.s32 v1, v36;
	[tilespmem:$0x10610] =	vst v54  }
0x45: {  	v59 =	vld [tilespmem:$0x10480];
	v58 =	vadd.s32 v1, v37;
	[tilespmem:$0x10620] =	vst v56  }
0x46: {  	v61 =	vld [tilespmem:$0x10490];
	v60 =	vadd.s32 v1, v38;
	[tilespmem:$0x10630] =	vst v58  }
0x47: {  	v63 =	vld [tilespmem:$0x104A0];
	v62 =	vadd.s32 v1, v39;
	[tilespmem:$0x10640] =	vst v60  }
0x48: {  	v43 =	vld [tilespmem:$0x104B0];
	v42 =	vadd.s32 v1, v55;
	[tilespmem:$0x10650] =	vst v62  }
0x49: {  	v45 =	vld [tilespmem:$0x104C0];
	v44 =	vadd.s32 v1, v57;
	[tilespmem:$0x10660] =	vst v42  }
0x4a: {  	v47 =	vld [tilespmem:$0x104D0];
	v46 =	vadd.s32 v1, v59;
	[tilespmem:$0x10670] =	vst v44  }
0x4b: {  	v49 =	vld [tilespmem:$0x104E0];
	v48 =	vadd.s32 v1, v61;
	[tilespmem:$0x10680] =	vst v46  }
0x4c: {  	v51 =	vld [tilespmem:$0x104F0];
	v50 =	vadd.s32 v1, v63;
	[tilespmem:$0x10690] =	vst v48  }
0x4d: {  	v53 =	vld [tilespmem:$0x10500];
	v52 =	vadd.s32 v1, v43;
	[tilespmem:$0x106A0] =	vst v50  }
0x4e: {  	v55 =	vld [tilespmem:$0x10510];
	[tilespmem:$0x106B0] =	vst v52;
	v54 =	vadd.s32 v1, v45  }
0x4f: {  	v57 =	vld [tilespmem:$0x10520];
	v56 =	vadd.s32 v1, v47;
	[tilespmem:$0x106C0] =	vst v54  }
0x50: {  	v59 =	vld [tilespmem:$0x10530];
	v58 =	vadd.s32 v1, v49;
	[tilespmem:$0x106D0] =	vst v56  }
0x51: {  	v61 =	vld [tilespmem:$0x10540];
	v60 =	vadd.s32 v1, v51;
	[tilespmem:$0x106E0] =	vst v58  }
0x52: {  	v63 =	vld [tilespmem:$0x10550];
	v62 =	vadd.s32 v1, v53;
	[tilespmem:$0x106F0] =	vst v60  }
0x53: {  	v43 =	vld [tilespmem:$0x10560];
	[tilespmem:$0x10700] =	vst v62;
	v42 =	vadd.s32 v1, v55  }
0x54: {  	v45 =	vld [tilespmem:$0x10570];
	v44 =	vadd.s32 v1, v57;
	[tilespmem:$0x10710] =	vst v42  }
0x55: {  	v47 =	vld [tilespmem:$0x10580];
	v46 =	vadd.s32 v1, v59;
	[tilespmem:$0x10720] =	vst v44  }
0x56: {  	v49 =	vld [tilespmem:$0x10590];
	v48 =	vadd.s32 v1, v61;
	[tilespmem:$0x10730] =	vst v46  }
0x57: {  	v51 =	vld [tilespmem:$0x105A0];
	v50 =	vadd.s32 v1, v63;
	[tilespmem:$0x10740] =	vst v48  }
0x58: {  	v53 =	vld [tilespmem:$0x105B0];
	v52 =	vadd.s32 v1, v43;
	[tilespmem:$0x10750] =	vst v50  }
0x59: {  	v55 =	vld [tilespmem:$0x105C0];
	[tilespmem:$0x10760] =	vst v52;
	v54 =	vadd.s32 v1, v45  }
0x5a: {  	v57 =	vld [tilespmem:$0x105D0];
	v56 =	vadd.s32 v1, v47;
	[tilespmem:$0x10770] =	vst v54  }
0x5b: {  	v59 =	vld [tilespmem:$0x105E0];
	v58 =	vadd.s32 v1, v49;
	[tilespmem:$0x10780] =	vst v56  }
0x5c: {  	v61 =	vld [tilespmem:$0x105F0];
	v60 =	vadd.s32 v1, v51;
	[tilespmem:$0x10790] =	vst v58  }
0x5d: {  	v63 =	vld [tilespmem:$0x10400];
	v62 =	vadd.s32 v1, v53;
	[tilespmem:$0x107A0] =	vst v60  }
0x5e: {  	v43 =	vld [tilespmem:$0x10410];
	[tilespmem:$0x107B0] =	vst v62;
	v42 =	vadd.s32 v1, v55  }
0x5f: {  	v45 =	vld [tilespmem:$0x10420];
	v44 =	vadd.s32 v1, v57;
	[tilespmem:$0x107C0] =	vst v42  }
0x60: {  	v47 =	vld [tilespmem:$0x10430];
	v46 =	vadd.s32 v1, v59;
	[tilespmem:$0x107D0] =	vst v44  }
0x61: {  	v49 =	vld [tilespmem:$0x10440];
	v48 =	vadd.s32 v1, v61;
	[tilespmem:$0x107E0] =	vst v46  }
0x62: {  	v51 =	vld [tilespmem:$0x10450];
	v50 =	vadd.s32 v2, v63;
	[tilespmem:$0x107F0] =	vst v48  }
0x63: {  	v53 =	vld [tilespmem:$0x10460];
	v52 =	vadd.s32 v2, v43;
	[tilespmem:$0x10800] =	vst v50  }
0x64: {  	v55 =	vld [tilespmem:$0x10470];
	[tilespmem:$0x10810] =	vst v52;
	v54 =	vadd.s32 v2, v45  }
0x65: {  	v57 =	vld [tilespmem:$0x10480];
	v56 =	vadd.s32 v2, v47;
	[tilespmem:$0x10820] =	vst v54  }
0x66: {  	v59 =	vld [tilespmem:$0x10490];
	v58 =	vadd.s32 v2, v49;
	[tilespmem:$0x10830] =	vst v56  }
0x67: {  	v61 =	vld [tilespmem:$0x104A0];
	v60 =	vadd.s32 v2, v51;
	[tilespmem:$0x10840] =	vst v58  }
0x68: {  	v63 =	vld [tilespmem:$0x104B0];
	v62 =	vadd.s32 v2, v53;
	[tilespmem:$0x10850] =	vst v60  }
0x69: {  	v42 =	vld [tilespmem:$0x104C0];
	[tilespmem:$0x10860] =	vst v62;
	v41 =	vadd.s32 v2, v55  }
0x6a: {  	v44 =	vld [tilespmem:$0x104D0];
	v43 =	vadd.s32 v2, v57;
	[tilespmem:$0x10870] =	vst v41  }
0x6b: {  	v46 =	vld [tilespmem:$0x104E0];
	v45 =	vadd.s32 v2, v59;
	[tilespmem:$0x10880] =	vst v43  }
0x6c: {  	v48 =	vld [tilespmem:$0x104F0];
	v47 =	vadd.s32 v2, v61;
	[tilespmem:$0x10890] =	vst v45  }
0x6d: {  	v50 =	vld [tilespmem:$0x10500];
	v49 =	vadd.s32 v2, v63;
	[tilespmem:$0x108A0] =	vst v47  }
0x6e: {  	v52 =	vld [tilespmem:$0x10510];
	[tilespmem:$0x108B0] =	vst v49;
	v51 =	vadd.s32 v2, v42  }
0x6f: {  	v54 =	vld [tilespmem:$0x10520];
	v53 =	vadd.s32 v2, v44;
	[tilespmem:$0x108C0] =	vst v51  }
0x70: {  	v56 =	vld [tilespmem:$0x10530];
	v55 =	vadd.s32 v2, v46;
	[tilespmem:$0x108D0] =	vst v53  }
0x71: {  	v58 =	vld [tilespmem:$0x10540];
	v57 =	vadd.s32 v2, v48;
	[tilespmem:$0x108E0] =	vst v55  }
0x72: {  	v60 =	vld [tilespmem:$0x10550];
	v59 =	vadd.s32 v2, v50;
	[tilespmem:$0x108F0] =	vst v57  }
0x73: {  	v62 =	vld [tilespmem:$0x10560];
	v61 =	vadd.s32 v2, v52;
	[tilespmem:$0x10900] =	vst v59  }
0x74: {  	v42 =	vld [tilespmem:$0x10570];
	[tilespmem:$0x10910] =	vst v61;
	v63 =	vadd.s32 v2, v54  }
0x75: {  	v44 =	vld [tilespmem:$0x10580];
	v43 =	vadd.s32 v2, v56;
	[tilespmem:$0x10920] =	vst v63  }
0x76: {  	v46 =	vld [tilespmem:$0x10590];
	v45 =	vadd.s32 v2, v58;
	[tilespmem:$0x10930] =	vst v43  }
0x77: {  	v48 =	vld [tilespmem:$0x105A0];
	v47 =	vadd.s32 v2, v60;
	[tilespmem:$0x10940] =	vst v45  }
0x78: {  	v50 =	vld [tilespmem:$0x105B0];
	v49 =	vadd.s32 v2, v62;
	[tilespmem:$0x10950] =	vst v47  }
0x79: {  	v52 =	vld [tilespmem:$0x105C0];
	[tilespmem:$0x10960] =	vst v49;
	v51 =	vadd.s32 v2, v42  }
0x7a: {  	v54 =	vld [tilespmem:$0x105D0];
	v53 =	vadd.s32 v2, v44;
	[tilespmem:$0x10970] =	vst v51  }
0x7b: {  	v56 =	vld [tilespmem:$0x105E0];
	v55 =	vadd.s32 v2, v46;
	[tilespmem:$0x10980] =	vst v53  }
0x7c: {  	v58 =	vld [tilespmem:$0x105F0];
	v57 =	vadd.s32 v2, v48;
	[tilespmem:$0x10990] =	vst v55  }
0x7d: {  	v59 =	vadd.s32 v2, v50;
	[tilespmem:$0x109A0] =	vst v57  }
0x7e: {  	v60 =	vadd.s32 v2, v52;
	[tilespmem:$0x109B0] =	vst v59  }
0x7f: {  	[tilespmem:$0x109C0] =	vst v60;
	v61 =	vadd.s32 v2, v54  }
0x80: {  	v62 =	vadd.s32 v2, v56;
	[tilespmem:$0x109D0] =	vst v61  }
0x81: {  	v63 =	vadd.s32 v2, v58;
	[tilespmem:$0x109E0] =	vst v62  }
0x82: {  	[tilespmem:$0x109F0] =	vst v63  }
0x83: {  	_ =	swait.ge [sflag:s14], $0x200  }
0x84: {  	[sflag:s14] =	ssyncset.done $0x0  }
0x85: {  	[sflag:s14] =	ssyncadd.s32 $0xFFFFFE00  }
0x86: {  	[tilespmem:s13], [sflag:$0x3] =	stream.indirect.gather [hbm4b:s4+s15], $0x40, s3, s15, $0xb8;
	[tilespmem:$0x10A00] =	vst v63  }
0x87: {  	_ = 	snop  }
0x88: {  	[tilespmem:s16], [sflag:$0x3] =	stream.indirect.gather [hbm4b:s4+s15], $0x40, s15, s15, $0xb8;
	[tilespmem:$0x10A00] =	vst v63  }
0x89: {  	_ = 	snop  }
0x8a: {  	[tilespmem:s17], [sflag:$0x3] =	stream.indirect.gather [hbm4b:s4+s15], $0x40, s1, s15, $0xb8;
	[tilespmem:$0x10A00] =	vst v63  }
0x8b: {  	_ = 	snop  }
0x8c: {  	[tilespmem:s19], [sflag:$0x3] =	stream.indirect.gather [hbm4b:s4+s15], $0x40, s7, s15, $0xb8;
	[tilespmem:$0x10A00] =	vst v63  }
0x8d: {  	_ =	swait.ge [sflag:s22], $0x200  }
0x8e: {  	[sflag:s22] =	ssyncset.done $0x0  }
0x8f: {  	[sflag:s22] =	ssyncadd.s32 $0xFFFFFE00  }
0x90: {  	[tilespmem:s25], [sflag:$0x4] =	stream.indirect.gather [hbm4b:s4+s15], $0x40, s10, s15, $0xb8;
	[tilespmem:$0x10A00] =	vst v63  }
0x91: {  	_ = 	snop  }
0x92: {  	[tilespmem:s28], [sflag:$0x4] =	stream.indirect.gather [hbm4b:s4+s15], $0x40, s8, s15, $0xb8;
	[tilespmem:$0x10A00] =	vst v63  }
0x93: {  	_ = 	snop  }
0x94: {  	[tilespmem:s30], [sflag:$0x4] =	stream.indirect.gather [hbm4b:s4+s15], $0x40, s11, s15, $0xb8;
	[tilespmem:$0x10A00] =	vst v63  }
0x95: {  	_ = 	snop  }
0x96: {  	[tilespmem:s2], [sflag:$0x4] =	stream.indirect.gather [hbm4b:s4+s15], $0x40, s12, s15, $0xb8;
	[tilespmem:$0x10A00] =	vst v63  }
0x97: {  	_ =	swait.ge [sflag:s31], $0x8000  }
0x98: {  	[sflag:s31] =	ssyncset.done $0x0  }
0x99: {  	s30 =	rddreg [dreg:$0x6];
	[sflag:s31] =	ssyncadd.s32 $0xFFFF8000  }
0x9a: {  	[tilespmem:s3], [sflag:$0x1] =	stream.linear.gather [hbm4b:s30+s3], $0x200, $0x38;
	[tilespmem:$0x10A00] =	vst v63  }
0x9b: {  	s26 =	simm.s32 $0x0;
	s29 =	rddreg [dreg:$0x9]  }
0x9c: {  	[hbm4b:s5+s15] =	stream.indirect.scatter [tilespmem:s13], [sflag:$0x5], $0x40, s21, s15, $0xb8;
	[tilespmem:$0x10A00] =	vst v63  }
0x9d: {  	s8 =	simm.s32 $0x10880;
	s11 =	simm.s32 $0x10800;
	s7 =	rddreg [dreg:$0x0]  }
0x9e: {  	[hbm4b:s5+s15] =	stream.indirect.scatter [tilespmem:s16], [sflag:$0x5], $0x40, s18, s15, $0xb8;
	[tilespmem:$0x10A00] =	vst v63  }
0x9f: {  	s12 =	simm.s32 $0x10900;
	s21 =	simm.s32 $0x4400;
	s13 =	rddreg [dreg:$0xa]  }
0xa0: {  	[hbm4b:s5+s15] =	stream.indirect.scatter [tilespmem:s17], [sflag:$0x5], $0x40, s23, s15, $0xb8;
	[tilespmem:$0x10A00] =	vst v63  }
0xa1: {  	s18 =	simm.s32 $0x10980;
	s16 =	simm.s32 $0x200;
	s23 =	simm.s32 $0x6400  }
0xa2: {  	[hbm4b:s5+s15] =	stream.indirect.scatter [tilespmem:s19], [sflag:$0x5], $0x40, s24, s15, $0xb8;
	[tilespmem:$0x10A00] =	vst v63  }
0xa3: {  	s17 =	simm.s32 $0x400;
	s24 =	rddreg [dreg:$0x8];
	s19 =	simm.s32 $0x2400  }
.LBB2_2:
0xa4: {  	_ =	swait.ge [sflag:s14], $0x200  }
0xa5: {  	[sflag:s14] =	ssyncset.done $0x0  }
0xa6: {  	[sflag:s14] =	ssyncadd.s32 $0xFFFFFE00  }
0xa7: {  	s0 =	rddreg [dreg:$0x3];
	_ =	swait.ge [sflag:s9], $0x8000  }
0xa8: {  	[sflag:s9] =	ssyncset.done $0x0  }
0xa9: {  	[sflag:s9] =	ssyncadd.s32 $0xFFFF8000  }
0xaa: {  	v34 =	vld [tilespmem:$0x10400]  }
0xab: {  	v35 =	vld [tilespmem:$0x10410]  }
0xac: {  	v36 =	vld [tilespmem:$0x10420]  }
0xad: {  	v37 =	vld [tilespmem:$0x10430]  }
0xae: {  	s0 =	sadd.s32 s26, s0;
	v38 =	vld [tilespmem:$0x10440]  }
0xaf: {  	v39 =	vld [tilespmem:$0x10450];
	v34 =	vadd.s32 s0, v34  }
0xb0: {  	v59 =	vld [tilespmem:$0x10460];
	v58 =	vadd.s32 s0, v35;
	[tilespmem:$0x10600] =	vst v34  }
0xb1: {  	v61 =	vld [tilespmem:$0x10470];
	v60 =	vadd.s32 s0, v36;
	[tilespmem:$0x10610] =	vst v58  }
0xb2: {  	v63 =	vld [tilespmem:$0x10480];
	v62 =	vadd.s32 s0, v37;
	[tilespmem:$0x10620] =	vst v60  }
0xb3: {  	v42 =	vld [tilespmem:$0x10490];
	v41 =	vadd.s32 s0, v38;
	[tilespmem:$0x10630] =	vst v62  }
0xb4: {  	v44 =	vld [tilespmem:$0x104A0];
	v43 =	vadd.s32 s0, v39;
	[tilespmem:$0x10640] =	vst v41  }
0xb5: {  	v46 =	vld [tilespmem:$0x104B0];
	v45 =	vadd.s32 s0, v59;
	[tilespmem:$0x10650] =	vst v43  }
0xb6: {  	v48 =	vld [tilespmem:$0x104C0];
	v47 =	vadd.s32 s0, v61;
	[tilespmem:$0x10660] =	vst v45  }
0xb7: {  	v50 =	vld [tilespmem:$0x104D0];
	v49 =	vadd.s32 s0, v63;
	[tilespmem:$0x10670] =	vst v47  }
0xb8: {  	v52 =	vld [tilespmem:$0x104E0];
	v51 =	vadd.s32 s0, v42;
	[tilespmem:$0x10680] =	vst v49  }
0xb9: {  	v54 =	vld [tilespmem:$0x104F0];
	v53 =	vadd.s32 s0, v44;
	[tilespmem:$0x10690] =	vst v51  }
0xba: {  	v56 =	vld [tilespmem:$0x10500];
	v55 =	vadd.s32 s0, v46;
	[tilespmem:$0x106A0] =	vst v53  }
0xbb: {  	v57 =	vadd.s32 s0, v48;
	v42 =	vld [tilespmem:$0x10540];
	[tilespmem:$0x106B0] =	vst v55  }
0xbc: {  	v59 =	vadd.s32 s0, v50;
	v44 =	vld [tilespmem:$0x10550];
	[tilespmem:$0x106C0] =	vst v57  }
0xbd: {  	v61 =	vadd.s32 s0, v52;
	v46 =	vld [tilespmem:$0x10560];
	[tilespmem:$0x106D0] =	vst v59  }
0xbe: {  	v63 =	vadd.s32 s0, v54;
	v48 =	vld [tilespmem:$0x10570];
	[tilespmem:$0x106E0] =	vst v61  }
0xbf: {  	v50 =	vld [tilespmem:$0x10580];
	[tilespmem:$0x106F0] =	vst v63;
	v43 =	vadd.s32 s0, v56  }
0xc0: {  	v52 =	vld [tilespmem:$0x10590];
	[tilespmem:$0x10700] =	vst v43;
	v51 =	vadd.s32 s0, v42  }
0xc1: {  	v54 =	vld [tilespmem:$0x105A0];
	v53 =	vadd.s32 s0, v44;
	[tilespmem:$0x10740] =	vst v51  }
0xc2: {  	v58 =	vld [tilespmem:$0x10510];
	v55 =	vadd.s32 s0, v46;
	[tilespmem:$0x10750] =	vst v53  }
0xc3: {  	v60 =	vld [tilespmem:$0x10520];
	v57 =	vadd.s32 s0, v48;
	[tilespmem:$0x10760] =	vst v55  }
0xc4: {  	v62 =	vld [tilespmem:$0x10530];
	v59 =	vadd.s32 s0, v50;
	[tilespmem:$0x10770] =	vst v57  }
0xc5: {  	v56 =	vld [tilespmem:$0x105B0];
	v61 =	vadd.s32 s0, v52;
	[tilespmem:$0x10780] =	vst v59  }
0xc6: {  	v40 =	vld [tilespmem:$0x105F0];
	v63 =	vadd.s32 s0, v54;
	[tilespmem:$0x10790] =	vst v61  }
0xc7: {  	v45 =	vadd.s32 s0, v58;
	v58 =	vld [tilespmem:$0x105C0];
	[tilespmem:$0x107A0] =	vst v63  }
0xc8: {  	v47 =	vadd.s32 s0, v60;
	v60 =	vld [tilespmem:$0x105D0];
	[tilespmem:$0x10710] =	vst v45  }
0xc9: {  	v49 =	vadd.s32 s0, v62;
	v62 =	vld [tilespmem:$0x105E0];
	[tilespmem:$0x10720] =	vst v47  }
0xca: {  	v41 =	vadd.s32 s0, v56;
	[tilespmem:$0x10730] =	vst v49  }
0xcb: {  	[tilespmem:$0x107B0] =	vst v41;
	v45 =	vadd.s32 s0, v40  }
0xcc: {  	[tilespmem:$0x107F0] =	vst v45;
	v42 =	vadd.s32 s0, v58  }
0xcd: {  	v43 =	vadd.s32 s0, v60;
	[tilespmem:$0x107C0] =	vst v42  }
0xce: {  	v44 =	vadd.s32 s0, v62;
	[tilespmem:$0x107D0] =	vst v43  }
0xcf: {  	[tilespmem:$0x107E0] =	vst v44  }
0xd0: {  	[tilespmem:s17], [sflag:$0x3] =	stream.indirect.gather [hbm4b:s4+s15], $0x40, s3, s15, $0xb8;
	[tilespmem:$0x10A00] =	vst v63  }
0xd1: {  	_ = 	snop  }
0xd2: {  	[tilespmem:s19], [sflag:$0x3] =	stream.indirect.gather [hbm4b:s4+s15], $0x40, s15, s15, $0xb8;
	[tilespmem:$0x10A00] =	vst v63  }
0xd3: {  	_ = 	snop  }
0xd4: {  	[tilespmem:s21], [sflag:$0x3] =	stream.indirect.gather [hbm4b:s4+s15], $0x40, s1, s15, $0xb8;
	[tilespmem:$0x10A00] =	vst v63  }
0xd5: {  	s10 =	simm.s32 $0x180  }
0xd6: {  	[tilespmem:s23], [sflag:$0x3] =	stream.indirect.gather [hbm4b:s4+s15], $0x40, s10, s15, $0xb8;
	[tilespmem:$0x10A00] =	vst v63  }
0xd7: {  	_ =	swait.ge [sflag:s6], $0x8000  }
0xd8: {  	[sflag:s6] =	ssyncset.done $0x0  }
0xd9: {  	[sflag:s6] =	ssyncadd.s32 $0xFFFF8000  }
0xda: {  	[tilespmem:s16], [sflag:$0x2] =	stream.linear.gather [hbm4b:s24+s3], $0x200, $0x38;
	[tilespmem:$0x10A00] =	vst v63  }
0xdb: {  	s28 =	simm.s32 $0x8400  }
0xdc: {  	[hbm4b:s5+s15] =	stream.indirect.scatter [tilespmem:s28], [sflag:$0x6], $0x40, s11, s15, $0xb8;
	[tilespmem:$0x10A00] =	vst v63  }
0xdd: {  	s30 =	simm.s32 $0xA400  }
0xde: {  	[hbm4b:s5+s15] =	stream.indirect.scatter [tilespmem:s30], [sflag:$0x6], $0x40, s8, s15, $0xb8;
	[tilespmem:$0x10A00] =	vst v63  }
0xdf: {  	s2 =	simm.s32 $0xC400  }
0xe0: {  	[hbm4b:s5+s15] =	stream.indirect.scatter [tilespmem:s2], [sflag:$0x6], $0x40, s12, s15, $0xb8;
	[tilespmem:$0x10A00] =	vst v63  }
0xe1: {  	s10 =	simm.s32 $0xE400  }
0xe2: {  	[hbm4b:s5+s15] =	stream.indirect.scatter [tilespmem:s10], [sflag:$0x6], $0x40, s18, s15, $0xb8;
	[tilespmem:$0x10A00] =	vst v63  }
0xe3: {  	_ =	swait.ge [sflag:s22], $0x200  }
0xe4: {  	[sflag:s22] =	ssyncset.done $0x0  }
0xe5: {  	[sflag:s22] =	ssyncadd.s32 $0xFFFFFE00  }
0xe6: {  	_ =	swait.ge [sflag:s20], $0x8000  }
0xe7: {  	[sflag:s20] =	ssyncset.done $0x0  }
0xe8: {  	[sflag:s20] =	ssyncadd.s32 $0xFFFF8000  }
0xe9: {  	v46 =	vld [tilespmem:$0x10400]  }
0xea: {  	v47 =	vld [tilespmem:$0x10410]  }
0xeb: {  	v48 =	vld [tilespmem:$0x10420]  }
0xec: {  	s0 =	sadd.s32 s26, s13;
	v49 =	vld [tilespmem:$0x10430]  }
0xed: {  	s25 =	sadd.s32 $0xC00, s0;
	v50 =	vld [tilespmem:$0x10440]  }
0xee: {  	v51 =	vld [tilespmem:$0x10450];
	v34 =	vadd.s32 s25, v46  }
0xef: {  	v53 =	vld [tilespmem:$0x10460];
	v52 =	vadd.s32 s25, v47;
	[tilespmem:$0x10800] =	vst v34  }
0xf0: {  	v55 =	vld [tilespmem:$0x10470];
	v54 =	vadd.s32 s25, v48;
	[tilespmem:$0x10810] =	vst v52  }
0xf1: {  	v57 =	vld [tilespmem:$0x10480];
	v56 =	vadd.s32 s25, v49;
	[tilespmem:$0x10820] =	vst v54  }
0xf2: {  	v59 =	vld [tilespmem:$0x10490];
	v58 =	vadd.s32 s25, v50;
	[tilespmem:$0x10830] =	vst v56  }
0xf3: {  	v61 =	vld [tilespmem:$0x104A0];
	v60 =	vadd.s32 s25, v51;
	[tilespmem:$0x10840] =	vst v58  }
0xf4: {  	v63 =	vld [tilespmem:$0x104B0];
	v62 =	vadd.s32 s25, v53;
	[tilespmem:$0x10850] =	vst v60  }
0xf5: {  	v43 =	vld [tilespmem:$0x104C0];
	v42 =	vadd.s32 s25, v55;
	[tilespmem:$0x10860] =	vst v62  }
0xf6: {  	v45 =	vld [tilespmem:$0x104D0];
	v44 =	vadd.s32 s25, v57;
	[tilespmem:$0x10870] =	vst v42  }
0xf7: {  	v46 =	vadd.s32 s25, v59;
	v47 =	vld [tilespmem:$0x104E0];
	[tilespmem:$0x10880] =	vst v44  }
0xf8: {  	v48 =	vadd.s32 s25, v61;
	v49 =	vld [tilespmem:$0x104F0];
	[tilespmem:$0x10890] =	vst v46  }
0xf9: {  	v50 =	vadd.s32 s25, v63;
	v51 =	vld [tilespmem:$0x10500];
	[tilespmem:$0x108A0] =	vst v48  }
0xfa: {  	v53 =	vld [tilespmem:$0x10510];
	[tilespmem:$0x108B0] =	vst v50;
	v52 =	vadd.s32 s25, v43  }
0xfb: {  	v55 =	vld [tilespmem:$0x10520];
	v54 =	vadd.s32 s25, v45;
	[tilespmem:$0x108C0] =	vst v52  }
0xfc: {  	v57 =	vld [tilespmem:$0x10530];
	[tilespmem:$0x108D0] =	vst v54;
	v56 =	vadd.s32 s25, v47  }
0xfd: {  	v59 =	vld [tilespmem:$0x10540];
	v58 =	vadd.s32 s25, v49;
	[tilespmem:$0x108E0] =	vst v56  }
0xfe: {  	v61 =	vld [tilespmem:$0x10550];
	v60 =	vadd.s32 s25, v51;
	[tilespmem:$0x108F0] =	vst v58  }
0xff: {  	v63 =	vld [tilespmem:$0x10560];
	v62 =	vadd.s32 s25, v53;
	[tilespmem:$0x10900] =	vst v60  }
0x100: {  	v43 =	vld [tilespmem:$0x10570];
	v42 =	vadd.s32 s25, v55;
	[tilespmem:$0x10910] =	vst v62  }
0x101: {  	v45 =	vld [tilespmem:$0x10580];
	v44 =	vadd.s32 s25, v57;
	[tilespmem:$0x10920] =	vst v42  }
0x102: {  	v46 =	vadd.s32 s25, v59;
	v47 =	vld [tilespmem:$0x10590];
	[tilespmem:$0x10930] =	vst v44  }
0x103: {  	v48 =	vadd.s32 s25, v61;
	v49 =	vld [tilespmem:$0x105A0];
	[tilespmem:$0x10940] =	vst v46  }
0x104: {  	v50 =	vadd.s32 s25, v63;
	v51 =	vld [tilespmem:$0x105B0];
	[tilespmem:$0x10950] =	vst v48  }
0x105: {  	v53 =	vld [tilespmem:$0x105C0];
	[tilespmem:$0x10960] =	vst v50;
	v52 =	vadd.s32 s25, v43  }
0x106: {  	v55 =	vld [tilespmem:$0x105D0];
	v54 =	vadd.s32 s25, v45;
	[tilespmem:$0x10970] =	vst v52  }
0x107: {  	v57 =	vld [tilespmem:$0x105E0];
	[tilespmem:$0x10980] =	vst v54;
	v56 =	vadd.s32 s25, v47  }
0x108: {  	v59 =	vld [tilespmem:$0x105F0];
	v58 =	vadd.s32 s25, v49;
	[tilespmem:$0x10990] =	vst v56  }
0x109: {  	v60 =	vadd.s32 s25, v51;
	[tilespmem:$0x109A0] =	vst v58  }
0x10a: {  	v61 =	vadd.s32 s25, v53;
	[tilespmem:$0x109B0] =	vst v60  }
0x10b: {  	v62 =	vadd.s32 s25, v55;
	[tilespmem:$0x109C0] =	vst v61  }
0x10c: {  	v63 =	vadd.s32 s25, v57;
	[tilespmem:$0x109D0] =	vst v62  }
0x10d: {  	v35 =	vadd.s32 s25, v59;
	[tilespmem:$0x109E0] =	vst v63  }
0x10e: {  	[tilespmem:$0x109F0] =	vst v35  }
0x10f: {  	[tilespmem:s28], [sflag:$0x4] =	stream.indirect.gather [hbm4b:s4+s15], $0x40, s16, s15, $0xb8;
	[tilespmem:$0x10A00] =	vst v63  }
0x110: {  	s1 =	simm.s32 $0x280  }
0x111: {  	[tilespmem:s30], [sflag:$0x4] =	stream.indirect.gather [hbm4b:s4+s15], $0x40, s1, s15, $0xb8;
	[tilespmem:$0x10A00] =	vst v63  }
0x112: {  	s1 =	simm.s32 $0x300  }
0x113: {  	[tilespmem:s2], [sflag:$0x4] =	stream.indirect.gather [hbm4b:s4+s15], $0x40, s1, s15, $0xb8;
	[tilespmem:$0x10A00] =	vst v63  }
0x114: {  	s1 =	simm.s32 $0x380  }
0x115: {  	[tilespmem:s10], [sflag:$0x4] =	stream.indirect.gather [hbm4b:s4+s15], $0x40, s1, s15, $0xb8;
	[tilespmem:$0x10A00] =	vst v63  }
0x116: {  	p0 =	seq.s32 s0, $0x18F000;
	_ =	swait.ge [sflag:s31], $0x8000  }
0x117: {  	s0 =	sadd.s32 $0x80, s29;
	s29 =	simm.s32 @p0 $0x0;
	[sflag:s31] =	ssyncset.done $0x0  }
0x118: {  	s10 =	sadd.s32 s7, s29;
	[sflag:s31] =	ssyncadd.s32 $0xFFFF8000  }
0x119: {  	[tilespmem:s3], [sflag:$0x1] =	stream.linear.gather [hbm4b:s10+s3], $0x200, $0x38;
	[tilespmem:$0x10A00] =	vst v63  }
0x11a: {  	p0 =	sne.s32 s26, $0xB800;
	s10 =	simm.s32 $0x10600  }
0x11b: {  	[hbm4b:s5+s15] =	stream.indirect.scatter [tilespmem:s17], [sflag:$0x5], $0x40, s10, s15, $0xb8;
	[tilespmem:$0x10A00] =	vst v63  }
0x11c: {  	s26 =	sadd.s32 $0x800, s26;
	s24 =	sadd.s32 $0x80, s24;
	s10 =	simm.s32 $0x10680  }
0x11d: {  	[hbm4b:s5+s15] =	stream.indirect.scatter [tilespmem:s19], [sflag:$0x5], $0x40, s10, s15, $0xb8;
	[tilespmem:$0x10A00] =	vst v63  }
.Ltmp0:
0x11e: {  	s25 =	simm.s32 $0x8400;
	s28 =	simm.s32 $0xA400;
	(pc) =	sbr.rel @p0 .LBB2_2-.Ltmp0, $4  }
0x11f: {  	s30 =	simm.s32 $0xC400;
	s2 =	simm.s32 $0xE400;
	s10 =	simm.s32 $0x10700  }
0x120: {  	[hbm4b:s5+s15] =	stream.indirect.scatter [tilespmem:s21], [sflag:$0x5], $0x40, s10, s15, $0xb8;
	[tilespmem:$0x10A00] =	vst v63  }
0x121: {  	s1 =	simm.s32 $0x100;
	s29 =	smov.u32 s0;
	s10 =	simm.s32 $0x10780  }
0x122: {  	[hbm4b:s5+s15] =	stream.indirect.scatter [tilespmem:s23], [sflag:$0x5], $0x40, s10, s15, $0xb8;
	[tilespmem:$0x10A00] =	vst v63  }
0x123: {  	_ =	swait.ge [sflag:s6], $0x8000  }
0x124: {  	[sflag:s6] =	ssyncset.done $0x0  }
0x125: {  	[sflag:s6] =	ssyncadd.s32 $0xFFFF8000  }
0x126: {  	[hbm4b:s5+s15] =	stream.indirect.scatter [tilespmem:s25], [sflag:$0x6], $0x40, s11, s15, $0xb8;
	[tilespmem:$0x10A00] =	vst v63  }
0x127: {  	_ = 	snop  }
0x128: {  	[hbm4b:s5+s15] =	stream.indirect.scatter [tilespmem:s28], [sflag:$0x6], $0x40, s8, s15, $0xb8;
	[tilespmem:$0x10A00] =	vst v63  }
0x129: {  	_ = 	snop  }
0x12a: {  	[hbm4b:s5+s15] =	stream.indirect.scatter [tilespmem:s30], [sflag:$0x6], $0x40, s12, s15, $0xb8;
	[tilespmem:$0x10A00] =	vst v63  }
0x12b: {  	_ = 	snop  }
0x12c: {  	[hbm4b:s5+s15] =	stream.indirect.scatter [tilespmem:s2], [sflag:$0x6], $0x40, s18, s15, $0xb8;
	[tilespmem:$0x10A00] =	vst v63  }
0x12d: {  	_ =	swait.ge [sflag:s9], $0x8000  }
0x12e: {  	[sflag:s9] =	ssyncset.done $0x0  }
0x12f: {  	[sflag:s9] =	ssyncadd.s32 $0xFFFF8000  }
0x130: {  	_ =	swait.ge [sflag:s20], $0x8000  }
0x131: {  	[sflag:s20] =	ssyncset.done $0x0  }
0x132: {  	[sflag:s20] =	ssyncadd.s32 $0xFFFF8000  }
0x133: {  	_ =	swait.ge [sflag:s14], $0x200  }
0x134: {  	s26 =	rddreg [dreg:$0xb]  }
0x135: {  	s0 =	rddreg [dreg:$0x7];
	s26 =	sadd.s32 $0x1, s26  }
0x136: {  	s7 =	simm.s32 $0x180;
	p0 =	sne.s32 s26, s0  }
.Ltmp1:
0x137: {  	s21 =	simm.s32 $0x10600;
	s10 =	simm.s32 $0x200;
	(pc) =	sbr.rel @p0 .LBB2_1-.Ltmp1, $4  }
0x138: {  	s13 =	simm.s32 $0x400;
	s16 =	simm.s32 $0x2400;
	s17 =	simm.s32 $0x4400  }
0x139: {  	s19 =	simm.s32 $0x6400;
	s23 =	simm.s32 $0x10700;
	s24 =	simm.s32 $0x10780  }
0x13a: {  	s11 =	simm.s32 $0x300;
	s8 =	simm.s32 $0x280;
	[sflag:s14] =	ssyncset.done $0x0  }
0x13b: {  	s12 =	simm.s32 $0x380;
	s18 =	simm.s32 $0x10680;
	[sflag:s14] =	ssyncadd.s32 $0xFFFFFE00  }
0x13c: {  	_ =	sfence.sel $0x180000  }
0x13d: {  	[bflag:$0x0] =	sbarrier.arrive $0xFFFF  }
0x13e: {  	_ =	strace $0x9000004A  }
0x13f: {  	s0 =	stileid.u32;
	[bflag:$0x2] =	sbarrier.arrive $0xFFFF  }
0x140: {  	p0 =	sne.s32 s0, $0x0;
	s0 =	rddreg [dreg:$0x2]  }
0x141: {  	s0 =	sadd.s32 @!p0 $0x100000, s0  }
0x142: {  	[sflag:s0] =	ssyncadd.tile.s32 @!p0 $0x1;
	_ =	shalt  }
.Lfunc_end2:
_tile_overlayer_lowered:
.L_overlay_start_2:
0x143: {  	(tag) =	ssettag $0x2  }
0x144: {  	s0 =	rddreg [dreg:$0x0];
	s2 =	stileid.u32  }
0x145: {  	s1 =	rddreg [dreg:$0x1];
	p0 =	sne.s32 s2, $0x0  }
0x146: {  	s3 =	rddreg [dreg:$0x2];
	[bflag:$0x3] =	sbarrier.arrive $0xFFFF;
	s2 =	simm.s32 @!p0 $0x1C07  }
0x147: {  	[timem:s3], [sflag:s2] =	dma.local @!p0 [hbm:s0], s1  }
0x148: {  	s0 =	simm.s32 @!p0 $0x7  }
0x149: {  	_ =	swait.ge @!p0 [sflag:s0], s1  }
0x14a: {  	s1 =	ssub.s32 @!p0 $0x0, s1;
	[sflag:s0] =	ssyncset.done @!p0 $0x0  }
0x14b: {  	[sflag:s0] =	ssyncadd.s32 @!p0 s1  }
0x14c: {  	[bflag:$0x3] =	sbarrier.arrive $0xFFFF  }
0x14d: {  	_ =	shalt  }

// kernel: sparse-core-data-format-call.1.cloned.1.call-start
scs
called_computation.1_lowered:
.L_overlay_start_0:
0x0: {  	s2 =	sld [smem:$0x3FD9]  }
0x1: {  	s3 =	sld [smem:$0x3FFE];
	_ =	sdelay $0x1  }
0x2: {  	s1 =	srdreg.scid  }
0x3: {  	s0 =	sand.u32 $0x1, s1  }
0x4: {  	s18 =	sshll.u32 s0, $0xA;
	s2 =	sadd.s32 s3, s2  }
0x5: {  	s2 =	sadd.s32 s2, s18  }
0x6: {  	[smem:$0x3FC6] =	sst s2  }
0x7: {  	_ = 	snop  }
0x8: {  	s2 =	sld [smem:$0x3FC8];
	(tm) =	ssettm $0x1  }
0x9: {  	s19 =	sld [smem:$0x3FFB];
	_ =	sdelay $0x3  }
0xa: {  	_ =	strace s19  }
0xb: {  	s3 =	sld [smem:$0x3FFC];
	_ =	sdelay $0x3  }
0xc: {  	_ =	strace s3  }
0xd: {  	s3 =	sld [smem:$0x3FFD];
	_ =	sdelay $0x3  }
0xe: {  	_ =	strace s3  }
0xf: {  	_ =	strace $0x8FFFFFFF  }
0x10: {  	s20 =	sld [smem:$0x3FDB];
	_ =	sdelay $0x1  }
0x11: {  	s4 =	simm.s32 $_scs_section_size  }
0x12: {  	s5 =	simm.s32 $_size__tile_overlayer_lowered;
	s6 =	simm.s32 $_tile_overlayer_lowered  }
0x13: {  	s23 =	simm.s32 $0x1BFF;
	s22 =	sshll.u32 s6, $0x1;
	s3 =	sadd.s32 s4, s20  }
0x14: {  	s7 =	simm.s32 $0x0;
	s21 =	sshll.u32 s5, $0x1;
	s5 =	sadd.s32 s22, s3  }
0x15: {  	[timem:s7], [sflag:s23] =	dma.local [hbm:s5], s21  }
0x16: {  	_ =	swait.ge [sflag:s23], s21  }
0x17: {  	s4 =	ssub.s32 $0x0, s21;
	[sflag:s23] =	ssyncset.done $0x0  }
0x18: {  	[sflag:s23] =	ssyncadd.s32 s4;
	_ =	sdelay $0x1  }
0x19: {  	s24 =	simm.s32 $0x1B8B  }
0x1a: {  	_ =	swait.ge [sflag:s24], $0x1  }
0x1b: {  	[sflag:s24] =	ssyncset.done $0x0  }
0x1c: {  	s26 =	simm.s32 $0x1B8E;
	s25 =	sld [smem:$0x3FFE];
	[sflag:s24] =	ssyncadd.s32 $0xFFFFFFFF  }
0x1d: {  	s27 =	simm.s32 $execute0_lowered;
	[smem:$0x3FD2] =	sst s26  }
0x1e: {  	s5 =	sshll.u32 s27, $0x1;
	_ =	strace $0x80000046;
	[dreg:$0x1] =	wrdreg $0xFFFFFFFF  }
0x1f: {  	s28 =	simm.s32 $_size_execute0_lowered;
	s3 =	sadd.s32 s3, s5;
	[dreg:$0x0] =	wrdreg $0x0  }
0x20: {  	s5 =	sshll.u32 s28, $0x1;
	[dreg:$0x2] =	wrdreg s3  }
0x21: {  	[dreg:$0x3] =	wrdreg s5  }
0x22: {  	[dreg:$0x4] =	wrdreg $0xC0  }
0x23: {  	_ =	task [dreg:s7], $0x5FFFF  }
0x24: {  	[dreg:$0x1] =	wrdreg $0xFFFFFFFF  }
0x25: {  	[dreg:$0x0] =	wrdreg $0x60  }
0x26: {  	[dreg:$0x2] =	wrdreg s2  }
0x27: {  	[dreg:$0x3] =	wrdreg s25  }
0x28: {  	[dreg:$0x4] =	wrdreg $0x9  }
0x29: {  	_ =	task.clear_ibuf [dreg:s7], $0x5FFFF;
	_ =	strace $0x90000046  }
0x2a: {  	s29 =	simm.s32 $0x9;
	_ =	strace $0x80000048  }
0x2b: {  	_ =	swait.ge [sflag:s29], $0x1  }
0x2c: {  	[sflag:s29] =	ssyncadd.s32 $0xFFFFFFFF  }
0x2d: {  	_ =	strace $0x90000048  }
0x2e: {  	_ =	sfence  }
0x2f: {  	s30 =	sld [smem:$0x0];
	_ =	sdelay $0x2  }
0x30: {  	s31 =	sshll.u32 s1, $0xD;
	s1 =	sshrl.u32 s1, $0x2  }
0x31: {  	s3 =	sand.u32 $0x4000, s31;
	s1 =	sadd.s32 s1, s30  }
0x32: {  	s0 =	sor.u32 s3, s0;
	s1 =	sshll.u32 s1, $0x11  }
0x33: {  	s0 =	sor.u32 s1, s0  }
0x34: {  	s0 =	sadd.s32 $0x8F2B, s0  }
0x35: {  	[sflag:s0] =	ssyncadd.remote.s32 $0x1  }
0x36: {  	_ =	sfence.sel $0xFFFF  }
0x37: {  	[dreg:$0x0] =	wrdreg $0xFFFFFFFF;
	(pc) =	sbr.abs _section_cstart, $3  }
0x38: {  	[dreg:$0x1] =	wrdreg $0xFFFFFFFF  }
0x39: {  	_ =	task.clear_ibuf [dreg:s7], $0x2FFFF;
	_ =	strace $0x9FFFFFFF  }
0x3a: {  	(tm) =	ssettm $0x7FFFFFFF  }
0x3b: {  	_ =	shalt  }
tec
execute0_lowered:
.L_overlay_start_1:
0x0: {  	(tag) =	ssettag $0x1  }
0x1: {  	s0 =	srdreg.scid;
	s2 =	rddreg [dreg:$0x0]  }
0x2: {  	s5 =	rddreg [dreg:$0x1];
	s1 =	stileid.u32  }
0x3: {  	s4 =	simm.s32 $0x1;
	s6 =	simm.s32 $0x2;
	s15 =	simm.s32 $0x0  }
0x4: {  	p0 =	por $0x0, $0x0;
	s8 =	simm.s32 $0x80;
	s0 =	sshll.u32 s0, $0x4  }
0x5: {  	s14 =	simm.s32 $0x0;
	s9 =	simm.s32 $0x0;
	s3 =	sand.u32 $0x10, s0  }
.Ltmp0:
0x6: {  	s10 =	simm.s32 $0x0;
	s3 =	sor.u32 s1, s3;
	(pc) =	sbr.rel .LBB1_1-.Ltmp0, $4  }
0x7: {  	s0 =	rddreg [dreg:$0x2];
	_ =	strace $0x80000047;
	s3 =	sshll.u32 s3, $0x7  }
0x8: {  	s12 =	simm.s32 $0x0;
	[sflag:s4] =	ssyncpa.u1 $0x0;
	s7 =	ssub.s32 $0xF4200, s3  }
0x9: {  	s13 =	simm.s32 $0x0;
	[sflag:s6] =	ssyncpa.u1 $0x0;
	s6 =	sshrl.u32 s7, $0xC  }
0xa: {  	s5 =	sadd.s32 $0xE00, s5;
	s11 =	smov.u32 s3;
	s7 =	sadd.s32 $0x2, s6  }
.LBB1_5:
0xb: {  	p1 =	slt.u32 s13, $0x2  }
0xc: {  	s17 =	smov.u32 s15;
	p2 =	sgt.s32 @!p1 s15, $0xF41C0;
	s16 =	sshra.s32 @!p1 s15, $0x1F  }
0xd: {  	p3 =	sgt.s32 @!p1 s14, $0x40;
	s18 =	sshra.s32 @!p1 s14, $0x1F;
	p2 =	por !p2, p1  }
0xe: {  	s15 =	sand.u32 @!p1 s16, s15;
	p3 =	por !p3, p1;
	s16 =	smov.u32 s14  }
0xf: {  	s14 =	sand.u32 @!p1 s18, s14;
	s17 =	simm.s32 @p2 $0xF41C0;
	s16 =	simm.s32 @p3 $0x40  }
0x10: {  	s15 =	ssub.s32 @!p1 s17, s15;
	s14 =	ssub.s32 @!p1 s16, s14  }
0x11: {  	s18 =	smov.u32 s12;
	s16 =	sadd.s32 @!p1 $0xFFF0BE40, s15;
	s17 =	sadd.s32 @!p1 $0xFFFFFFC0, s14  }
0x12: {  	s15 =	ssub.s32 @!p1 $0xF4240, s15;
	p2 =	sgt.s32 @!p1 s16, $0x7F;
	p3 =	sgt.s32 @!p1 s17, $0x3F  }
0x13: {  	s14 =	ssub.s32 @!p1 $0x80, s14;
	p2 =	por !p2, p1;
	p3 =	por !p3, p1  }
0x14: {  	s16 =	sadd.s32 $0x1000, s11;
	s15 =	simm.s32 @!p2 $0x0;
	s14 =	simm.s32 @!p3 $0x0  }
0x15: {  	p2 =	sgt.s32 s16, $0xF423F;
	s14 =	smul.u32 @!p1 s14, s15;
	s15 =	sadd.s32 $0x40, s12  }
0x16: {  	s18 =	smov.u32 @p2 s15  }
0x17: {  	s16 =	smov.u32 @p2 s3;
	p2 =	sgt.s32 s18, $0x3F  }
0x18: {  	s18 =	simm.s32 @p2 $0x0;
	p2 =	sne.s32 s13, s7  }
.Ltmp1:
0x19: {  	p0 =	por !p0, !p0;
	s17 =	simm.s32 @!p1 $0x2;
	(pc) =	sbr.rel @!p2 .LBB1_6-.Ltmp1, $4  }
0x1a: {  	s15 =	smov.u32 s9;
	s9 =	smov.u32 s11;
	s14 =	sand.u32 @!p1 $0x3FFFFFFF, s14  }
0x1b: {  	s11 =	smov.u32 s16;
	_ =	swait.ge @!p1 [sflag:s17], s14;
	s19 =	ssub.s32 @!p1 $0x0, s14  }
0x1c: {  	s14 =	smov.u32 s10;
	s13 =	sadd.s32 $0x1, s13;
	[sflag:s17] =	ssyncset.done @!p1 $0x0  }
0x1d: {  	s10 =	smov.u32 s12;
	s12 =	smov.u32 s18;
	[sflag:s17] =	ssyncadd.s32 @!p1 s19  }
.LBB1_1:
0x1e: {  	p1 =	sgt.u32 s13, s6  }
0x1f: {  	s16 =	sshrl.u32 @!p1 s12, $0x3  }
0x20: {  	s17 =	sshll.u32 @!p1 s11, $0x3;
	s16 =	smul.u32 @!p1 $0x7A1400, s16  }
0x21: {  	s18 =	sshll.u32 @!p1 s12, $0x7;
	s17 =	sand.u32 @!p1 $0xFFFFFC00, s17  }
0x22: {  	s16 =	sadd.s32 @!p1 s16, s17;
	s17 =	sand.u32 @!p1 $0x380, s18  }
0x23: {  	s18 =	sand.u32 @!p1 $0x7F, s11;
	s16 =	sor.u32 @!p1 s17, s16  }
0x24: {  	s17 =	sor.u32 @!p1 s18, s16  }
0x25: {  	s18 =	smulhi.u32 @!p1 $0x218D6287, s17;
	_ =	sdelay $0x1  }
0x26: {  	s16 =	smulhi.u32 @!p1 $0x218D6287, s16;
	s18 =	sshrl.u32 @!p1 s18, $0x11  }
0x27: {  	s18 =	smul.u32 @!p1 $0xF4280, s18  }
0x28: {  	s19 =	sxor.u32 @!p1 $0xFFFFFFFF, s13;
	s16 =	sshrl.u32 @!p1 s16, $0x11  }
0x29: {  	s19 =	sshll.u32 @!p1 s19, $0xD;
	s16 =	sand.u32 @!p1 $0x3F, s16;
	s17 =	ssub.s32 @!p1 s17, s18  }
0x2a: {  	s16 =	smul.u32 @!p1 $0x1E850, s16;
	s18 =	sshrl.u32 @!p1 s17, $0x3;
	s17 =	sand.u32 @!p1 $0x7, s17  }
0x2b: {  	s19 =	sand.u32 @!p1 $0x2000, s19;
	s18 =	sadd.s32 @!p1 s2, s18;
	s17 =	sshll.u32 @!p1 s17, $0x12  }
0x2c: {  	s16 =	sadd.s32 @!p1 s16, s18;
	s17 =	sor.u32 @!p1 $0x400, s17;
	s18 =	simm.s32 @!p1 $0x7A1400  }
0x2d: {  	[tilespmem:s19], [sflag:$0x1] =	stream.strided.gather @!p1 [hbm4b:s16+s17], $0x2000, s18, s17, $0x38;
	[tilespmem:$0x8100] =	vst v63  }
0x2e: {  	p1 =	seq.s32 s13, $0x0  }
0x2f: {  	p2 =	sge.u32 @!p1 s13, s7  }
0x30: {  	p1 =	por p1, p2  }
.Ltmp2:
0x31: {  	_ = 	snop;
	(pc) =	sbr.rel @p1 .LBB1_5-.Ltmp2, $1  }
0x32: {  	_ =	sdelay $0x3  }
0x33: {  	s16 =	simm.s32 $0x1  }
0x34: {  	_ =	swait.ge [sflag:s4], $0x2000;
	s16 =	simm.s32 @!p0 $0x0  }
0x35: {  	[sflag:s4] =	ssyncset.done $0x0;
	s17 =	sshll.u32 s16, $0xD  }
0x36: {  	[sflag:s4] =	ssyncadd.s32 $0xFFFFE000;
	s17 =	sor.u32 $0x40, s17  }
0x37: {  	s16 =	smul.u32 $0x8200, s16;
	v0 =	vld [tilespmem:s17+$0x30]  }
0x38: {  	v1 =	vld [tilespmem:s17+$0xFFFFFFD0]  }
0x39: {  	s16 =	sshrl.u32 s16, $0x2;
	v5 =	vld [tilespmem:s17+$0xFFFFFFE0]  }
0x3a: {  	v6 =	vld [tilespmem:s17+$0xFFFFFFF0];
	s19 =	sor.u32 $0x4000, s16  }
0x3b: {  	s31 =	sand.u32 $0x1, s13;
	v4 =	vld [tilespmem:s17+$0x0];
	s18 =	sadd.s32 $0x0, s19  }
0x3c: {  	v3 =	vld [tilespmem:s17+$0x10];
	s16 =	smul.u32 $0x8200, s31;
	[tilespmem:s18+$0x1C70 ss:$0x41] =	vst.msk $0xffff, v0  }
0x3d: {  	v2 =	vld [tilespmem:s17+$0x20];
	[tilespmem:s18+$0x410 ss:$0x41] =	vst.msk $0xffff, v1  }
0x3e: {  	s16 =	sshrl.u32 s16, $0x2;
	v1 =	vld [tilespmem:s17+$0xFFFFFFC0];
	[tilespmem:s18+$0x820 ss:$0x41] =	vst.msk $0xffff, v5;
	s17 =	sadd.s32 $0x80, s17  }
0x3f: {  	s20 =	simm.s32 $0x4;
	s21 =	simm.s32 $0x8;
	s16 =	sor.u32 $0x4000, s16;
	[tilespmem:s18+$0xC30 ss:$0x41] =	vst.msk $0xffff, v6;
	v0 =	vld [tilespmem:s17+$0x30]  }
.LBB1_3:
0x40: {  	p1 =	sne.s32 s21, $0xFC;
	v5 =	vld [tilespmem:s17+$0xFFFFFFD0];
	[tilespmem:s18+$0x1040 ss:$0x41] =	vst.msk $0xffff, v4  }
0x41: {  	v6 =	vld [tilespmem:s17+$0xFFFFFFE0];
	[tilespmem:s18+$0x1450 ss:$0x41] =	vst.msk $0xffff, v3  }
0x42: {  	s22 =	sshra.s32 s20, $0x2;
	s20 =	smov.u32 s21;
	v7 =	vld [tilespmem:s17+$0xFFFFFFF0];
	[tilespmem:s18+$0x1860 ss:$0x41] =	vst.msk $0xffff, v2  }
.Ltmp3:
0x43: {  	v4 =	vld [tilespmem:s17+$0x0];
	[tilespmem:s18+$0x0 ss:$0x41] =	vst.msk $0xffff, v1;
	s18 =	sadd.s32 s22, s19;
	(pc) =	sbr.rel @p1 .LBB1_3-.Ltmp3, $4  }
0x44: {  	v3 =	vld [tilespmem:s17+$0x10];
	[tilespmem:s18+$0x1C70 ss:$0x41] =	vst.msk $0xffff, v0  }
0x45: {  	[tilespmem:s18+$0x410 ss:$0x41] =	vst.msk $0xffff, v5;
	v2 =	vld [tilespmem:s17+$0x20]  }
0x46: {  	v1 =	vld [tilespmem:s17+$0xFFFFFFC0];
	[tilespmem:s18+$0x820 ss:$0x41] =	vst.msk $0xffff, v6;
	s17 =	sadd.s32 $0x80, s17  }
0x47: {  	s21 =	sadd.s32 $0x4, s21;
	v0 =	vld [tilespmem:s17+$0x30];
	[tilespmem:s18+$0xC30 ss:$0x41] =	vst.msk $0xffff, v7  }
0x48: {  	s21 =	sshll.u32 s9, $0x7;
	s22 =	sshll.u32 s10, $0x3;
	s20 =	sshra.s32 s20, $0x2  }
0x49: {  	p1 =	sgt.s32 s9, $0xF41C0;
	s30 =	sshra.s32 s9, $0x1F;
	s25 =	sshra.s32 s10, $0x1F  }
0x4a: {  	v5 =	vld [tilespmem:s17+$0xFFFFFFD0];
	s28 =	sshrl.u32 s10, $0x3;
	s23 =	sand.u32 $0xFFFFFC00, s21;
	s22 =	sand.u32 $0xFFFFFC00, s22  }
0x4b: {  	[tilespmem:s18+$0x1040 ss:$0x41] =	vst.msk $0xffff, v4;
	v58 =	vld [tilespmem:s17+$0xFFFFFFE0];
	s21 =	sand.u32 $0x380, s21;
	s19 =	sadd.s32 s20, s19;
	s22 =	sadd.s32 s22, s23  }
0x4c: {  	v59 =	vld [tilespmem:s17+$0xFFFFFFF0];
	[tilespmem:s18+$0x1450 ss:$0x41] =	vst.msk $0xffff, v3;
	s29 =	sor.u32 s21, s22;
	s21 =	smov.u32 s9;
	s22 =	sand.u32 s30, s9  }
0x4d: {  	v60 =	vld [tilespmem:s17+$0x0];
	[tilespmem:s18+$0x1860 ss:$0x41] =	vst.msk $0xffff, v2;
	s30 =	sand.u32 $0x7, s10;
	s20 =	sshrl.u32 s29, $0x7;
	s21 =	simm.s32 @!p1 $0xF41C0  }
0x4e: {  	v61 =	vld [tilespmem:s17+$0x10];
	[tilespmem:s18+$0x0 ss:$0x41] =	vst.msk $0xffff, v1;
	p1 =	sgt.s32 s10, $0x40;
	s24 =	ssub.s32 s21, s22;
	s21 =	smov.u32 s10  }
0x4f: {  	v62 =	vld [tilespmem:s17+$0x20];
	[tilespmem:s19+$0x1C70 ss:$0x41] =	vst.msk $0xffff, v0;
	s31 =	smulhi.u32 $0x218DEF5, s20;
	s22 =	sand.u32 s25, s10;
	s21 =	simm.s32 @!p1 $0x40  }
0x50: {  	v63 =	vld [tilespmem:s17+$0xFFFFFFC0];
	[tilespmem:s19+$0x410 ss:$0x41] =	vst.msk $0xffff, v5;
	s26 =	sadd.s32 $0xFFF0BE40, s24;
	s17 =	ssub.s32 $0xF4240, s24;
	s21 =	ssub.s32 s21, s22  }
0x51: {  	[tilespmem:s19+$0x820 ss:$0x41] =	vst.msk $0xffff, v58;
	s23 =	sshrl.u32 s31, $0xD;
	p1 =	sgt.s32 s26, $0x7F;
	s27 =	sadd.s32 $0xFFFFFFC0, s21  }
0x52: {  	[tilespmem:s19+$0xC30 ss:$0x41] =	vst.msk $0xffff, v59;
	s23 =	smul.u32 $0xF4240, s23;
	s18 =	ssub.s32 $0x80, s21;
	p2 =	sgt.s32 s27, $0x3F  }
.Ltmp4:
0x53: {  	[tilespmem:s19+$0x1040 ss:$0x41] =	vst.msk $0xffff, v60;
	s17 =	simm.s32 @p1 $0x0;
	s18 =	simm.s32 @p2 $0x0;
	(pc) =	sbr.rel .LBB1_5-.Ltmp4, $4  }
0x54: {  	s29 =	sand.u32 $0xF, s28;
	[tilespmem:s19+$0x1450 ss:$0x41] =	vst.msk $0xffff, v61;
	s20 =	ssub.s32 s20, s23;
	s17 =	smul.u32 s18, s17  }
0x55: {  	[tilespmem:s19+$0x1860 ss:$0x41] =	vst.msk $0xffff, v62;
	s21 =	sshll.u32 s30, $0x12;
	s20 =	sshll.u32 s20, $0x4;
	s18 =	sadd.s32 s5, s29  }
0x56: {  	[tilespmem:s19+$0x0 ss:$0x41] =	vst.msk $0xffff, v63;
	s31 =	sor.u32 $0x40, s21;
	s18 =	sadd.s32 s20, s18;
	s17 =	sand.u32 $0x3FFFFFFF, s17  }
0x57: {  	[hbm4b:s18+s31] =	stream.strided.scatter [tilespmem:s16], [sflag:$0x2], s17, s8, s31, $0x18;
	[tilespmem:$0x8100] =	vst v63  }
.LBB1_6:
0x58: {  	_ =	sfence.sel $0x180000  }
0x59: {  	s2 =	simm.s32 $0x1;
	[bflag:$0x0] =	sbarrier.arrive $0xFFFF  }
0x5a: {  	s31 =	simm.s32 $0x2;
	[sflag:s2] =	ssyncpa.u1 $0x1  }
0x5b: {  	[sflag:s31] =	ssyncpa.u1 $0x1  }
0x5c: {  	p0 =	sne.s32 s1, $0x0;
	_ =	strace $0x90000047  }
0x5d: {  	s0 =	sadd.s32 @!p0 $0x100000, s0;
	[bflag:$0x2] =	sbarrier.arrive $0xFFFF  }
0x5e: {  	[sflag:s0] =	ssyncadd.tile.s32 @!p0 $0x1;
	_ =	shalt  }
.Lfunc_end1:
_tile_overlayer_lowered:
.L_overlay_start_2:
0x5f: {  	(tag) =	ssettag $0x2  }
0x60: {  	s0 =	rddreg [dreg:$0x0];
	s2 =	stileid.u32  }
0x61: {  	s1 =	rddreg [dreg:$0x1];
	p0 =	sne.s32 s2, $0x0  }
0x62: {  	s3 =	rddreg [dreg:$0x2];
	[bflag:$0x3] =	sbarrier.arrive $0xFFFF;
	s2 =	simm.s32 @!p0 $0x1C01  }
0x63: {  	[timem:s3], [sflag:s2] =	dma.local @!p0 [hbm:s0], s1  }
0x64: {  	s0 =	simm.s32 @!p0 $0x1  }
0x65: {  	_ =	swait.ge @!p0 [sflag:s0], s1  }
0x66: {  	s1 =	ssub.s32 @!p0 $0x0, s1;
	[sflag:s0] =	ssyncset.done @!p0 $0x0  }
0x67: {  	[sflag:s0] =	ssyncadd.s32 @!p0 s1  }
0x68: {  	[bflag:$0x3] =	sbarrier.arrive $0xFFFF  }
0x69: {  	_ =	shalt  }

// kernel: sparse-core-data-format-call.cloned.1.call-start
scs
called_computation_lowered:
.L_overlay_start_0:
0x0: {  	s2 =	sld [smem:$0x3FD9]  }
0x1: {  	s3 =	sld [smem:$0x3FFE];
	_ =	sdelay $0x1  }
0x2: {  	s1 =	srdreg.scid  }
0x3: {  	s0 =	sand.u32 $0x1, s1  }
0x4: {  	s18 =	sshll.u32 s0, $0xA;
	s2 =	sadd.s32 s3, s2  }
0x5: {  	s2 =	sadd.s32 s2, s18  }
0x6: {  	[smem:$0x3FC6] =	sst s2  }
0x7: {  	_ = 	snop  }
0x8: {  	s2 =	sld [smem:$0x3FD0];
	(tm) =	ssettm $0x1  }
0x9: {  	s19 =	sld [smem:$0x3FFB];
	_ =	sdelay $0x3  }
0xa: {  	_ =	strace s19  }
0xb: {  	s3 =	sld [smem:$0x3FFC];
	_ =	sdelay $0x3  }
0xc: {  	_ =	strace s3  }
0xd: {  	s3 =	sld [smem:$0x3FFD];
	_ =	sdelay $0x3  }
0xe: {  	_ =	strace s3  }
0xf: {  	_ =	strace $0x8FFFFFFF  }
0x10: {  	s20 =	sld [smem:$0x3FDB];
	_ =	sdelay $0x1  }
0x11: {  	s4 =	simm.s32 $_scs_section_size  }
0x12: {  	s5 =	simm.s32 $_size__tile_overlayer_lowered;
	s6 =	simm.s32 $_tile_overlayer_lowered  }
0x13: {  	s23 =	simm.s32 $0x1BFF;
	s22 =	sshll.u32 s6, $0x1;
	s3 =	sadd.s32 s4, s20  }
0x14: {  	s7 =	simm.s32 $0x0;
	s21 =	sshll.u32 s5, $0x1;
	s5 =	sadd.s32 s22, s3  }
0x15: {  	[timem:s7], [sflag:s23] =	dma.local [hbm:s5], s21  }
0x16: {  	_ =	swait.ge [sflag:s23], s21  }
0x17: {  	s4 =	ssub.s32 $0x0, s21;
	[sflag:s23] =	ssyncset.done $0x0  }
0x18: {  	[sflag:s23] =	ssyncadd.s32 s4;
	_ =	sdelay $0x1  }
0x19: {  	s24 =	simm.s32 $0x1B8B  }
0x1a: {  	_ =	swait.ge [sflag:s24], $0x1  }
0x1b: {  	[sflag:s24] =	ssyncset.done $0x0  }
0x1c: {  	s26 =	simm.s32 $0x1B8E;
	s25 =	sld [smem:$0x3FFE];
	[sflag:s24] =	ssyncadd.s32 $0xFFFFFFFF  }
0x1d: {  	s27 =	simm.s32 $execute0_lowered;
	[smem:$0x3FD2] =	sst s26  }
0x1e: {  	s5 =	sshll.u32 s27, $0x1;
	_ =	strace $0x8000004C;
	[dreg:$0x1] =	wrdreg $0xFFFFFFFF  }
0x1f: {  	s28 =	simm.s32 $_size_execute0_lowered;
	s3 =	sadd.s32 s3, s5;
	[dreg:$0x0] =	wrdreg $0x0  }
0x20: {  	s5 =	sshll.u32 s28, $0x1;
	[dreg:$0x2] =	wrdreg s3  }
0x21: {  	[dreg:$0x3] =	wrdreg s5  }
0x22: {  	[dreg:$0x4] =	wrdreg $0xC0  }
0x23: {  	_ =	task [dreg:s7], $0x5FFFF  }
0x24: {  	[dreg:$0x1] =	wrdreg $0xFFFFFFFF  }
0x25: {  	[dreg:$0x0] =	wrdreg $0x60  }
0x26: {  	[dreg:$0x2] =	wrdreg s25  }
0x27: {  	[dreg:$0x3] =	wrdreg s2  }
0x28: {  	[dreg:$0x4] =	wrdreg $0x9  }
0x29: {  	_ =	task.clear_ibuf [dreg:s7], $0x5FFFF;
	_ =	strace $0x9000004C  }
0x2a: {  	s29 =	simm.s32 $0x9;
	_ =	strace $0x8000004E  }
0x2b: {  	_ =	swait.ge [sflag:s29], $0x1  }
0x2c: {  	[sflag:s29] =	ssyncadd.s32 $0xFFFFFFFF  }
0x2d: {  	_ =	strace $0x9000004E  }
0x2e: {  	_ =	sfence  }
0x2f: {  	s30 =	sld [smem:$0x0];
	_ =	sdelay $0x2  }
0x30: {  	s31 =	sshll.u32 s1, $0xD;
	s1 =	sshrl.u32 s1, $0x2  }
0x31: {  	s3 =	sand.u32 $0x4000, s31;
	s1 =	sadd.s32 s1, s30  }
0x32: {  	s0 =	sor.u32 s3, s0;
	s1 =	sshll.u32 s1, $0x11  }
0x33: {  	s0 =	sor.u32 s1, s0  }
0x34: {  	s0 =	sadd.s32 $0x8F2B, s0  }
0x35: {  	[sflag:s0] =	ssyncadd.remote.s32 $0x1  }
0x36: {  	_ =	sfence.sel $0xFFFF  }
0x37: {  	[dreg:$0x0] =	wrdreg $0xFFFFFFFF;
	(pc) =	sbr.abs _section_cstart, $3  }
0x38: {  	[dreg:$0x1] =	wrdreg $0xFFFFFFFF  }
0x39: {  	_ =	task.clear_ibuf [dreg:s7], $0x2FFFF;
	_ =	strace $0x9FFFFFFF  }
0x3a: {  	(tm) =	ssettm $0x7FFFFFFF  }
0x3b: {  	_ =	shalt  }
tec
execute0_lowered:
.L_overlay_start_1:
0x0: {  	(tag) =	ssettag $0x1  }
0x1: {  	s0 =	srdreg.scid  }
0x2: {  	s1 =	sshll.u32 s0, $0x4  }
0x3: {  	s0 =	stileid.u32;
	s1 =	sand.u32 $0x10, s1  }
0x4: {  	s1 =	sor.u32 s0, s1  }
0x5: {  	s6 =	rddreg [dreg:$0x0];
	s4 =	simm.s32 $0x1;
	s2 =	sshll.u32 s1, $0x7  }
0x6: {  	s7 =	simm.s32 $0x2;
	s12 =	simm.s32 $0x0;
	s1 =	ssub.s32 $0x1000, s2  }
0x7: {  	s8 =	simm.s32 $0x8000;
	s13 =	simm.s32 $0x0;
	s3 =	sand.u32 $0xF80, s1  }
0x8: {  	s9 =	simm.s32 $0x0;
	s5 =	sshrl.u32 s1, $0xC;
	p0 =	sne.s32 s3, $0x0  }
.Ltmp0:
0x9: {  	s1 =	rddreg [dreg:$0x2];
	s4 =	simm.s32 @!p0 $0x0;
	(pc) =	sbr.rel .LBB1_1-.Ltmp0, $4  }
0xa: {  	s11 =	simm.s32 $0x0;
	s3 =	rddreg [dreg:$0x1];
	s5 =	sadd.s32 s4, s5  }
0xb: {  	_ =	strace $0x8000004D;
	s4 =	simm.s32 $0x1;
	s5 =	smul.u32 $0xC8, s5  }
0xc: {  	s6 =	sadd.s32 $0xE00, s6;
	s10 =	smov.u32 s2;
	[sflag:s4] =	ssyncpa.u1 $0x0  }
0xd: {  	p0 =	por $0x0, $0x0;
	[sflag:s7] =	ssyncpa.u1 $0x0;
	s7 =	sor.u32 $0x1, s5  }
.LBB1_4:
0xe: {  	s16 =	sshll.u32 s13, $0x3;
	s17 =	sand.u32 $0x78, s13  }
0xf: {  	s30 =	sand.u32 $0x7E00, s13;
	s12 =	sshll.u32 s12, $0xF;
	s16 =	sand.u32 $0xC00, s16  }
0x10: {  	[tilespmem:s15+$0x810 ss:$0x81] =	vst.msk $0xffff, v2;
	s31 =	sand.u32 $0x7, s13;
	s16 =	sor.u32 s17, s16;
	s17 =	sadd.s32 s3, s30  }
0x11: {  	[tilespmem:s15+$0x1020 ss:$0x81] =	vst.msk $0xffff, v0;
	s13 =	sshll.u32 s31, $0x12;
	s12 =	sadd.s32 s12, s17;
	s16 =	sshrl.u32 s16, $0x3  }
0x12: {  	[tilespmem:s15+$0x0 ss:$0x81] =	vst.msk $0xffff, v1;
	s13 =	sor.u32 $0x400, s13;
	s12 =	sadd.s32 s16, s12  }
0x13: {  	[hbm4b:s12+s13] =	stream.strided.scatter [tilespmem:s14], [sflag:$0x2], $0x2000, s8, s13, $0x20;
	[tilespmem:$0x8080] =	vst v63  }
.LBB1_5:
0x14: {  	s14 =	sadd.s32 $0x1, s9  }
0x15: {  	s12 =	sadd.s32 $0x1000, s10;
	s16 =	smov.u32 s10;
	p2 =	sgt.s32 s14, $0xC7  }
0x16: {  	s16 =	smov.u32 @p2 s12  }
0x17: {  	s14 =	simm.s32 @p2 $0x0;
	p2 =	sgt.s32 s16, $0xFFF  }
0x18: {  	s16 =	smov.u32 @p2 s2;
	p2 =	sne.s32 s11, s7  }
.Ltmp1:
0x19: {  	p1 =	slt.u32 s11, $0x2;
	(pc) =	sbr.rel @!p2 .LBB1_6-.Ltmp1, $4  }
0x1a: {  	s15 =	simm.s32 @!p1 $0x2  }
0x1b: {  	s13 =	smov.u32 s10;
	p0 =	por !p0, !p0;
	_ =	swait.ge @!p1 [sflag:s15], $0x2000  }
0x1c: {  	s12 =	smov.u32 s9;
	[sflag:s15] =	ssyncset.done @!p1 $0x0;
	s9 =	smov.u32 s14  }
0x1d: {  	s11 =	sadd.s32 $0x1, s11;
	[sflag:s15] =	ssyncadd.s32 @!p1 $0xFFFFE000;
	s10 =	smov.u32 s16  }
.LBB1_1:
0x1e: {  	p1 =	sge.u32 s11, s5  }
0x1f: {  	s14 =	sand.u32 @!p1 $0x1FFFFFF, s9  }
0x20: {  	s15 =	smulhi.u32 @!p1 $0x147AE15, s14;
	_ =	sdelay $0x1  }
0x21: {  	s15 =	smul.u32 @!p1 $0xC8, s15  }
0x22: {  	s16 =	sxor.u32 @!p1 $0xFFFFFFFF, s11;
	s17 =	smul.u32 @!p1 $0xC80, s10  }
0x23: {  	s31 =	sadd.s32 $0xFFFFFFFF, s11;
	s16 =	sshll.u32 @!p1 s16, $0xD;
	s14 =	ssub.s32 @!p1 s14, s15  }
0x24: {  	s15 =	sand.u32 @!p1 $0x2000, s16;
	s16 =	sadd.s32 @!p1 s6, s17;
	s14 =	sshll.u32 @!p1 s14, $0x4  }
0x25: {  	s17 =	simm.s32 @!p1 $0x6400;
	s14 =	sadd.s32 @!p1 s14, s16;
	s16 =	simm.s32 @!p1 $0x40  }
0x26: {  	[tilespmem:s15], [sflag:$0x1] =	stream.strided.gather @!p1 [hbm4b:s14+s16], $0x2000, s17, s16, $0x38;
	[tilespmem:$0x8080] =	vst v63  }
0x27: {  	p1 =	sge.u32 s31, s5  }
.Ltmp2:
0x28: {  	_ = 	snop;
	(pc) =	sbr.rel @p1 .LBB1_5-.Ltmp2, $1  }
0x29: {  	_ =	sdelay $0x3  }
0x2a: {  	s14 =	simm.s32 $0x1  }
0x2b: {  	_ =	swait.ge [sflag:s4], $0x2000;
	s14 =	simm.s32 @!p0 $0x0  }
0x2c: {  	[sflag:s4] =	ssyncset.done $0x0;
	s15 =	sshll.u32 s14, $0xD  }
0x2d: {  	[sflag:s4] =	ssyncadd.s32 $0xFFFFE000;
	s18 =	sor.u32 $0x20, s15  }
0x2e: {  	s14 =	smul.u32 $0x8100, s14;
	v3 =	vld [tilespmem:s18+$0x10]  }
0x2f: {  	s30 =	sand.u32 $0x1, s11;
	v2 =	vld [tilespmem:s18+$0xFFFFFFF0]  }
0x30: {  	s15 =	smul.u32 $0x8100, s30;
	s14 =	sshrl.u32 s14, $0x2;
	v0 =	vld [tilespmem:s18+$0x0]  }
0x31: {  	v1 =	vld [tilespmem:s18+$0xFFFFFFE0];
	s16 =	sor.u32 $0x4000, s14  }
0x32: {  	s31 =	sshrl.u32 s15, $0x2;
	s15 =	sadd.s32 $0x0, s16  }
0x33: {  	s17 =	simm.s32 $0x4;
	s18 =	sadd.s32 $0x40, s18;
	s14 =	sor.u32 $0x4000, s31;
	[tilespmem:s15+$0x1830 ss:$0x81] =	vst.msk $0xffff, v3  }
.LBB1_3:
0x34: {  	v3 =	vld [tilespmem:s18+$0x10];
	p1 =	sne.s32 s17, $0x1FC;
	[tilespmem:s15+$0x810 ss:$0x81] =	vst.msk $0xffff, v2;
	s19 =	smov.u32 s17;
	s17 =	sadd.s32 $0x4, s17  }
.Ltmp3:
0x35: {  	v2 =	vld [tilespmem:s18+$0xFFFFFFF0];
	[tilespmem:s15+$0x1020 ss:$0x81] =	vst.msk $0xffff, v0;
	(pc) =	sbr.rel @p1 .LBB1_3-.Ltmp3, $4  }
0x36: {  	v0 =	vld [tilespmem:s18+$0x0];
	[tilespmem:s15+$0x0 ss:$0x81] =	vst.msk $0xffff, v1  }
0x37: {  	s15 =	sshra.s32 s19, $0x2;
	v1 =	vld [tilespmem:s18+$0xFFFFFFE0]  }
0x38: {  	s15 =	sadd.s32 s15, s16  }
0x39: {  	s18 =	sadd.s32 $0x40, s18;
	[tilespmem:s15+$0x1830 ss:$0x81] =	vst.msk $0xffff, v3  }
.Ltmp4:
0x3a: {  	_ = 	snop;
	(pc) =	sbr.rel .LBB1_4-.Ltmp4, $1  }
0x3b: {  	_ =	sdelay $0x3  }
.LBB1_6:
0x3c: {  	_ =	sfence.sel $0x180000  }
0x3d: {  	s2 =	simm.s32 $0x1;
	[bflag:$0x0] =	sbarrier.arrive $0xFFFF  }
0x3e: {  	s31 =	simm.s32 $0x2;
	[sflag:s2] =	ssyncpa.u1 $0x1  }
0x3f: {  	[sflag:s31] =	ssyncpa.u1 $0x1  }
0x40: {  	p0 =	sne.s32 s0, $0x0;
	_ =	strace $0x9000004D  }
0x41: {  	s0 =	sadd.s32 @!p0 $0x100000, s1;
	[bflag:$0x2] =	sbarrier.arrive $0xFFFF  }
0x42: {  	[sflag:s0] =	ssyncadd.tile.s32 @!p0 $0x1;
	_ =	shalt  }
.Lfunc_end1:
_tile_overlayer_lowered:
.L_overlay_start_2:
0x43: {  	(tag) =	ssettag $0x2  }
0x44: {  	s0 =	rddreg [dreg:$0x0];
	s2 =	stileid.u32  }
0x45: {  	s1 =	rddreg [dreg:$0x1];
	p0 =	sne.s32 s2, $0x0  }
0x46: {  	s3 =	rddreg [dreg:$0x2];
	[bflag:$0x3] =	sbarrier.arrive $0xFFFF;
	s2 =	simm.s32 @!p0 $0x1C01  }
0x47: {  	[timem:s3], [sflag:s2] =	dma.local @!p0 [hbm:s0], s1  }
0x48: {  	s0 =	simm.s32 @!p0 $0x1  }
0x49: {  	_ =	swait.ge @!p0 [sflag:s0], s1  }
0x4a: {  	s1 =	ssub.s32 @!p0 $0x0, s1;
	[sflag:s0] =	ssyncset.done @!p0 $0x0  }
0x4b: {  	[sflag:s0] =	ssyncadd.s32 @!p0 s1  }
0x4c: {  	[bflag:$0x3] =	sbarrier.arrive $0xFFFF  }
0x4d: {  	_ =	shalt  }

</sc_bundles>
